<compile_context>
chip_gen: v7x
topology: tpu7x:2x2x1
jax: 0.10.2.dev20260603
libtpu: 0.0.44.dev20260713+nightly
codegen_flags: <defaults>
</compile_context>

<pallas_src>
import functools

import jax
import jax.numpy as jnp
from jax import lax
from jax.experimental import pallas as pl
from jax.experimental.pallas import tpu as pltpu
from jax.experimental.pallas import tpu_sc as plsc

_N = 10000
_T = 4
_H = 128
_E = 320000

_NS = 16
_EPT = _E // _NS
_CHUNK = 80
_NCHUNK = _EPT // _CHUNK
_LANES = 16
_RQ = 624
_RTAIL = _N - _RQ * _NS
_CEPT = _E // (2 * _NS)
_CNCHUNK = _CEPT // _CHUNK


def _sc_agg_body(with_counts, x_hbm, src_hbm, dst_hbm, *refs):
  if with_counts:
    agg_hbm, cnt_hbm = refs[0], refs[1]
    refs = refs[2:]
  else:
    agg_hbm = refs[0]
    cnt_hbm = None
    refs = refs[1:]
  (sidx0, sidx1, didx0, didx1, sdidx0, sdidx1, rows0, rows1, zrow_v, acc_s,
   issem0, issem1, idsem0, idsem1, gsem0, gsem1, ssem0, ssem1) = refs
  sidx = (sidx0, sidx1)
  didx = (didx0, didx1)
  sdidx = (sdidx0, sdidx1)
  rows = (rows0, rows1)
  issem = (issem0, issem1)
  idsem = (idsem0, idsem1)
  gsem = (gsem0, gsem1)
  ssem = (ssem0, ssem1)

  c = lax.axis_index("c")
  s = lax.axis_index("s")
  ebase = s * _EPT

  zf = jnp.zeros((_LANES,), jnp.float32)

  def zrow_init(i, carry):
    for j in range(_H // _LANES):
      zrow_v[i, pl.ds(_LANES * j, _LANES)] = zf
    return carry
  lax.fori_loop(0, 24, zrow_init, 0)

  rbase = s * _RQ
  tail = _RQ * _NS

  def zero_acc():
    def zacc(k, carry):
      pltpu.sync_copy(zrow_v, acc_s.at[pl.ds(rbase + 24 * k, 24)])
      return carry
    lax.fori_loop(0, _RQ // 24, zacc, 0)

    @pl.when(s == _NS - 1)
    def _():
      pltpu.sync_copy(zrow_v.at[pl.ds(0, _RTAIL)],
                      acc_s.at[pl.ds(tail, _RTAIL)])

  if with_counts:
    one = jnp.ones((_LANES,), jnp.float32)
    def ones_init(i, carry):
      for j in range(_H // _LANES):
        rows0[i, pl.ds(_LANES * j, _LANES)] = one
      return carry
    lax.fori_loop(0, _CHUNK, ones_init, 0)

    zero_acc()
    plsc.subcore_barrier()

    cbase = c * (_E // 2) + s * _CEPT

    def cidx_start(k, b):
      o = cbase + _CHUNK * lax.rem(k, _CNCHUNK)
      pltpu.async_copy(dst_hbm.at[pl.ds(o, _CHUNK)], didx[b], idsem[b])

    def cidx_wait(b):
      pltpu.make_async_copy(dst_hbm.at[pl.ds(0, _CHUNK)], didx[b],
                            idsem[b]).wait()

    cidx_start(0, 0)
    cidx_start(1, 1)

    def cnt_body(m, carry):
      for b in range(2):
        k = 2 * m + b
        cidx_wait(b)
        pltpu.sync_copy(rows0, acc_s.at[didx[b]], add=True)
        cidx_start(k + 2, b)
      return carry
    lax.fori_loop(0, (_CNCHUNK - 1) // 2, cnt_body, 0)

    cidx_wait(0)
    pltpu.sync_copy(rows0, acc_s.at[didx0], add=True)
    cidx_wait(1)

    plsc.subcore_barrier()

    coff = c * _N
    pltpu.sync_copy(acc_s.at[pl.ds(rbase, _RQ)],
                    cnt_hbm.at[pl.ds(coff + rbase, _RQ)])

    @pl.when(s == _NS - 1)
    def _():
      pltpu.sync_copy(acc_s.at[pl.ds(tail, _RTAIL)],
                      cnt_hbm.at[pl.ds(coff + tail, _RTAIL)])

    plsc.subcore_barrier()

  for ti in range(2):
    t = c + 2 * ti
    toff = t * _N

    zero_acc()
    plsc.subcore_barrier()

    def idx_start(k, b):
      o = ebase + _CHUNK * lax.rem(k, _NCHUNK)
      pltpu.async_copy(src_hbm.at[pl.ds(o, _CHUNK)], sidx[b], issem[b])
      pltpu.async_copy(dst_hbm.at[pl.ds(o, _CHUNK)], didx[b], idsem[b])

    def idx_wait(b):
      pltpu.make_async_copy(src_hbm.at[pl.ds(0, _CHUNK)], sidx[b],
                            issem[b]).wait()
      pltpu.make_async_copy(dst_hbm.at[pl.ds(0, _CHUNK)], didx[b],
                            idsem[b]).wait()

    def add_toff(b):
      for j in range(_CHUNK // _LANES):
        sidx[b][pl.ds(_LANES * j, _LANES)] = (
            sidx[b][pl.ds(_LANES * j, _LANES)] + toff)

    def gather_start(b):
      pltpu.async_copy(x_hbm.at[sidx[b]], rows[b], gsem[b])

    def gather_wait(b):
      pltpu.make_async_copy(x_hbm.at[sidx[b]], rows[b], gsem[b]).wait()

    def copy_didx(b):
      for j in range(_CHUNK // _LANES):
        sdidx[b][pl.ds(_LANES * j, _LANES)] = didx[b][pl.ds(_LANES * j, _LANES)]

    def scatter_start(b):
      pltpu.async_copy(rows[b], acc_s.at[sdidx[b]], ssem[b], add=True)

    def scatter_wait(b):
      pltpu.make_async_copy(rows[b], acc_s.at[sdidx[b]], ssem[b]).wait()

    idx_start(0, 0)
    idx_start(1, 1)
    idx_wait(0)
    add_toff(0)
    gather_start(0)
    idx_wait(1)
    add_toff(1)
    gather_wait(0)
    gather_start(1)
    copy_didx(0)
    scatter_start(0)
    idx_start(2, 0)

    def chunk_body(m, carry):
      for b in (1, 0):
        k = 2 * m + 2 - b
        nb = 1 - b
        idx_wait(nb)
        add_toff(nb)
        gather_wait(b)
        scatter_wait(nb)
        gather_start(nb)
        copy_didx(b)
        scatter_start(b)
        idx_start(k + 2, b)
      return carry
    lax.fori_loop(0, _NCHUNK // 2 - 1, chunk_body, 0)

    idx_wait(0)
    gather_wait(1)
    scatter_wait(0)
    copy_didx(1)
    scatter_start(1)
    scatter_wait(1)

    plsc.subcore_barrier()

    pltpu.sync_copy(acc_s.at[pl.ds(rbase, _RQ)],
                    agg_hbm.at[pl.ds(toff + rbase, _RQ)])

    @pl.when(s == _NS - 1)
    def _():
      pltpu.sync_copy(acc_s.at[pl.ds(tail, _RTAIL)],
                      agg_hbm.at[pl.ds(toff + tail, _RTAIL)])

    if ti == 0:
      plsc.subcore_barrier()


@functools.lru_cache(maxsize=None)
def _make_sc_agg(with_counts):
  outs = [jax.ShapeDtypeStruct((_T * _N, _H), jnp.float32)]
  if with_counts:
    outs.append(jax.ShapeDtypeStruct((2 * _N, _H), jnp.float32))
  scratch = [
      pltpu.VMEM((_CHUNK,), jnp.int32),
      pltpu.VMEM((_CHUNK,), jnp.int32),
      pltpu.VMEM((_CHUNK,), jnp.int32),
      pltpu.VMEM((_CHUNK,), jnp.int32),
      pltpu.VMEM((_CHUNK,), jnp.int32),
      pltpu.VMEM((_CHUNK,), jnp.int32),
      pltpu.VMEM((_CHUNK, _H), jnp.float32),
      pltpu.VMEM((_CHUNK, _H), jnp.float32),
      pltpu.VMEM((24, _H), jnp.float32),
      pltpu.VMEM_SHARED((_N, _H), jnp.float32),
      pltpu.SemaphoreType.DMA,
      pltpu.SemaphoreType.DMA,
      pltpu.SemaphoreType.DMA,
      pltpu.SemaphoreType.DMA,
      pltpu.SemaphoreType.DMA,
      pltpu.SemaphoreType.DMA,
      pltpu.SemaphoreType.DMA,
      pltpu.SemaphoreType.DMA,
  ]
  return pl.kernel(
      functools.partial(_sc_agg_body, with_counts),
      out_type=tuple(outs) if with_counts else outs[0],
      mesh=plsc.VectorSubcoreMesh(core_axis_name="c", subcore_axis_name="s",
                                  num_cores=2, num_subcores=_NS),
      scratch_types=scratch,
  )


_BN = 1000


def _tc1_body(aggx_ref, x_ref, cnt_ref, wl_ref, wr_ref, b_ref, g_ref, be_ref,
              out_ref):
  cnt = jnp.maximum(cnt_ref[0, :, 0:1] + cnt_ref[1, :, 0:1], 1.0)
  for t in range(_T):
    mean = aggx_ref[t] / cnt
    lin = (jnp.dot(mean, wl_ref[...], preferred_element_type=jnp.float32, precision=lax.Precision.HIGHEST)
           + jnp.dot(x_ref[t], wr_ref[...], preferred_element_type=jnp.float32, precision=lax.Precision.HIGHEST)
           + b_ref[...])
    mu = jnp.mean(lin, axis=-1, keepdims=True)
    var = jnp.mean((lin - mu) * (lin - mu), axis=-1, keepdims=True)
    h = (lin - mu) * lax.rsqrt(var + 1e-5) * g_ref[...] + be_ref[...]
    out_ref[t] = jnp.maximum(h, 0.0)


def _tc1(aggx, x_seq, cnt2, wlT, wrT, b, g, be):
  grid = (_N // _BN,)
  tnh = pl.BlockSpec((_T, _BN, _H), lambda i: (0, i, 0))
  cnh = pl.BlockSpec((2, _BN, _H), lambda i: (0, i, 0))
  w2d = pl.BlockSpec((_H, _H), lambda i: (0, 0))
  v1d = pl.BlockSpec((1, _H), lambda i: (0, 0))
  return pl.pallas_call(
      _tc1_body,
      grid=grid,
      in_specs=[tnh, tnh, cnh, w2d, w2d, v1d, v1d, v1d],
      out_specs=tnh,
      out_shape=jax.ShapeDtypeStruct((_T, _N, _H), jnp.float32),
  )(aggx, x_seq, cnt2, wlT, wrT, b, g, be)


def _tc2_body(aggh_ref, h1_ref, cnt_ref, wl_ref, wr_ref, b2_ref, g2_ref,
              be2_ref, wih_ref, whh_ref, bih_ref, bhh_ref, wa_ref, ba_ref,
              wc1_ref, bc1_ref, wc2_ref, bc2_ref, out_ref):
  cnt = jnp.maximum(cnt_ref[0, :, 0:1] + cnt_ref[1, :, 0:1], 1.0)
  hs2 = []
  for t in range(_T):
    mean = aggh_ref[t] / cnt
    res = h1_ref[t]
    lin = (jnp.dot(mean, wl_ref[...], preferred_element_type=jnp.float32, precision=lax.Precision.HIGHEST)
           + jnp.dot(res, wr_ref[...], preferred_element_type=jnp.float32, precision=lax.Precision.HIGHEST)
           + b2_ref[...])
    mu = jnp.mean(lin, axis=-1, keepdims=True)
    var = jnp.mean((lin - mu) * (lin - mu), axis=-1, keepdims=True)
    h = (lin - mu) * lax.rsqrt(var + 1e-5) * g2_ref[...] + be2_ref[...]
    hs2.append(jnp.maximum(h, 0.0) + res)

  h = jnp.zeros((_BN, _H), jnp.float32)
  outs = []
  for t in range(_T):
    xt = hs2[t]
    gi = (jnp.dot(xt, wih_ref[...], preferred_element_type=jnp.float32, precision=lax.Precision.HIGHEST)
          + bih_ref[...])
    gh = (jnp.dot(h, whh_ref[...], preferred_element_type=jnp.float32, precision=lax.Precision.HIGHEST)
          + bhh_ref[...])
    r = jax.nn.sigmoid(gi[:, 0:_H] + gh[:, 0:_H])
    zg = jax.nn.sigmoid(gi[:, _H:2 * _H] + gh[:, _H:2 * _H])
    n = jnp.tanh(gi[:, 2 * _H:3 * _H] + r * gh[:, 2 * _H:3 * _H])
    h = (1.0 - zg) * n + zg * h
    outs.append(h)

  wa = wa_ref[...]
  ba = ba_ref[0, 0]
  logit = [jnp.sum(outs[t] * wa, axis=-1, keepdims=True) + ba
           for t in range(_T)]
  m = logit[0]
  for t in range(1, _T):
    m = jnp.maximum(m, logit[t])
  e = [jnp.exp(logit[t] - m) for t in range(_T)]
  ssum = e[0]
  for t in range(1, _T):
    ssum = ssum + e[t]
  z = outs[0] * (e[0] / ssum)
  for t in range(1, _T):
    z = z + outs[t] * (e[t] / ssum)

  z1 = jnp.maximum(
      jnp.dot(z, wc1_ref[...], preferred_element_type=jnp.float32, precision=lax.Precision.HIGHEST)
      + bc1_ref[...], 0.0)
  out_ref[...] = (jnp.dot(z1, wc2_ref[...], preferred_element_type=jnp.float32, precision=lax.Precision.HIGHEST)
                  + bc2_ref[...])


def _tc2(aggh, h1, cnt2, wlT, wrT, b2, g2, be2, wihT, whhT, bih, bhh, wa, ba,
         wc1T, bc1, wc2T, bc2):
  grid = (_N // _BN,)
  tnh = pl.BlockSpec((_T, _BN, _H), lambda i: (0, i, 0))
  cnh = pl.BlockSpec((2, _BN, _H), lambda i: (0, i, 0))
  w2d = pl.BlockSpec((_H, _H), lambda i: (0, 0))
  v1d = pl.BlockSpec((1, _H), lambda i: (0, 0))
  w3h = pl.BlockSpec((_H, 3 * _H), lambda i: (0, 0))
  v3h = pl.BlockSpec((1, 3 * _H), lambda i: (0, 0))
  return pl.pallas_call(
      _tc2_body,
      grid=grid,
      in_specs=[tnh, tnh, cnh,
                w2d, w2d, v1d, v1d, v1d,
                w3h, w3h, v3h, v3h,
                v1d, pl.BlockSpec((1, 1), lambda i: (0, 0)),
                w2d, v1d, w2d, v1d],
      out_specs=pl.BlockSpec((_BN, _H), lambda i: (i, 0)),
      out_shape=jax.ShapeDtypeStruct((_N, _H), jnp.float32),
  )(aggh, h1, cnt2, wlT, wrT, b2, g2, be2, wihT, whhT, bih, bhh, wa, ba,
    wc1T, bc1, wc2T, bc2)


def kernel(x_seq, edge_index, Wl1, Wr1, b1, g1, be1, Wl2, Wr2, b2, g2, be2,
           w_ih, w_hh, b_ih, b_hh, Wa, ba, Wc1, bc1, Wc2, bc2):
  src = edge_index[0]
  dst = edge_index[1]
  x_flat = x_seq.reshape(_T * _N, _H)

  aggx, cnt2 = _make_sc_agg(True)(x_flat, src, dst)
  cnt2 = cnt2.reshape(2, _N, _H)
  h1 = _tc1(aggx.reshape(_T, _N, _H), x_seq, cnt2,
            Wl1.T, Wr1.T, b1[None], g1[None], be1[None])

  aggh = _make_sc_agg(False)(h1.reshape(_T * _N, _H), src, dst)

  wc1T = jnp.zeros((_H, _H), jnp.float32).at[:, :_H // 2].set(Wc1.T)
  bc1p = jnp.zeros((1, _H), jnp.float32).at[0, :_H // 2].set(bc1)
  wc2T = jnp.zeros((_H, _H), jnp.float32).at[:_H // 2, :2].set(Wc2.T)
  bc2p = jnp.zeros((1, _H), jnp.float32).at[0, :2].set(bc2)

  out128 = _tc2(aggh.reshape(_T, _N, _H), h1, cnt2,
                Wl2.T, Wr2.T, b2[None], g2[None], be2[None],
                w_ih.T, w_hh.T, b_ih[None], b_hh[None],
                Wa, ba.reshape(1, 1), wc1T, bc1p, wc2T, bc2p)
  return out128[:, :2]

# --- scband reference (transcript-rebuilt; emitter-appended) ---
"""Pipeline reference for scband-spatio-temporal-gnn-20744692040525 (READ-ONLY COPY).

The authoritative reference and input builder live on the scoring server;
editing this copy changes nothing except your own understanding.
"""

import jax, jax.numpy as jnp
import numpy as np

N = 10000
T = 4
F_IN = 128
H = 128
E = 320000


def setup_inputs(seed: int = 0):
    key = jax.random.key(seed)
    ks = jax.random.split(key, 24)
    inp = {}
    inp["x_seq"] = jax.random.normal(ks[0], (T, N, F_IN), dtype=jnp.float32)
    inp["edge_index"] = jax.random.randint(ks[1], (2, E), 0, N, dtype=jnp.int32)
    def lin(k, o, i):
        return jax.random.normal(k, (o, i), dtype=jnp.float32) / np.sqrt(i)
    inp["Wl1"] = lin(ks[2], H, F_IN)
    inp["Wr1"] = lin(ks[3], H, F_IN)
    inp["b1"] = jnp.zeros((H,), jnp.float32)
    inp["g1"] = jnp.ones((H,), jnp.float32)
    inp["be1"] = jnp.zeros((H,), jnp.float32)
    inp["Wl2"] = lin(ks[4], H, H)
    inp["Wr2"] = lin(ks[5], H, H)
    inp["b2"] = jnp.zeros((H,), jnp.float32)
    inp["g2"] = jnp.ones((H,), jnp.float32)
    inp["be2"] = jnp.zeros((H,), jnp.float32)
    inp["w_ih"] = lin(ks[6], 3 * H, H)
    inp["w_hh"] = lin(ks[7], 3 * H, H)
    inp["b_ih"] = jnp.zeros((3 * H,), jnp.float32)
    inp["b_hh"] = jnp.zeros((3 * H,), jnp.float32)
    inp["Wa"] = lin(ks[8], 1, H)
    inp["ba"] = jnp.zeros((1,), jnp.float32)
    inp["Wc1"] = lin(ks[9], H // 2, H)
    inp["bc1"] = jnp.zeros((H // 2,), jnp.float32)
    inp["Wc2"] = lin(ks[10], 2, H // 2)
    inp["bc2"] = jnp.zeros((2,), jnp.float32)
    return inp


def _layernorm(x, g, b):
    mu = jnp.mean(x, axis=-1, keepdims=True)
    var = jnp.var(x, axis=-1, keepdims=True)
    return (x - mu) / jnp.sqrt(var + 1e-5) * g + b


def _sage(x, src, dst, Wl, Wr, b):
    msgs = x[src]
    agg = jax.ops.segment_sum(msgs, dst, num_segments=N)
    cnt = jax.ops.segment_sum(jnp.ones((src.shape[0],), x.dtype), dst, num_segments=N)
    mean = agg / jnp.clip(cnt, 1.0)[:, None]
    return mean @ Wl.T + x @ Wr.T + b


def _forward(x_seq, edge_index, Wl1, Wr1, b1, g1, be1, Wl2, Wr2, b2, g2, be2, w_ih, w_hh, b_ih, b_hh, Wa, ba, Wc1, bc1, Wc2, bc2):
    src = edge_index[0]
    dst = edge_index[1]
    hs = []
    for t in range(T):
        x = x_seq[t]
        h = jax.nn.relu(_layernorm(_sage(x, src, dst, Wl1, Wr1, b1), g1, be1))
        res = h
        h = jax.nn.relu(_layernorm(_sage(h, src, dst, Wl2, Wr2, b2), g2, be2)) + res
        hs.append(h)
    Hs = jnp.stack(hs, axis=1)
    h = jnp.zeros((N, H), jnp.float32)
    outs = []
    for t in range(T):
        xt = Hs[:, t, :]
        gi = xt @ w_ih.T + b_ih
        gh = h @ w_hh.T + b_hh
        i_r, i_z, i_n = jnp.split(gi, 3, axis=-1)
        h_r, h_z, h_n = jnp.split(gh, 3, axis=-1)
        r = jax.nn.sigmoid(i_r + h_r)
        zg = jax.nn.sigmoid(i_z + h_z)
        n = jnp.tanh(i_n + r * h_n)
        h = (1.0 - zg) * n + zg * h
        outs.append(h)
    gru_out = jnp.stack(outs, axis=1)
    attn_w = jax.nn.softmax(gru_out @ Wa.T + ba, axis=1)
    zvec = jnp.sum(gru_out * attn_w, axis=1)
    logits = jax.nn.relu(zvec @ Wc1.T + bc1) @ Wc2.T + bc2
    return logits


def reference(x_seq, edge_index, Wl1, Wr1, b1, g1, be1, Wl2, Wr2, b2, g2, be2, w_ih, w_hh, b_ih, b_hh, Wa, ba, Wc1, bc1, Wc2, bc2):
    return _forward(x_seq, edge_index, Wl1, Wr1, b1, g1, be1, Wl2, Wr2, b2, g2, be2, w_ih, w_hh, b_ih, b_hh, Wa, ba, Wc1, bc1, Wc2, bc2)

if __name__ == "__main__":
    import jax
    _d = setup_inputs()
    print(jax.jit(kernel)(*tuple(_d.values())))

</pallas_src>

<mosaic_0001>
#map = affine_map<(d0, d1) -> (0, 0)>
#map1 = affine_map<(d0, d1) -> (0)>
module attributes {stable_mosaic.version = 14 : i64} {
  func.func @_sc_agg_body(%arg0: i32, %arg1: i32, %arg2: memref<40000x128xf32, #tpu.memory_space<hbm>>, %arg3: memref<320000xi32, #tpu.memory_space<hbm>>, %arg4: memref<320000xi32, #tpu.memory_space<hbm>>, %arg5: memref<40000x128xf32, #tpu.memory_space<hbm>>, %arg6: memref<20000x128xf32, #tpu.memory_space<hbm>>, %arg7: memref<80xi32, #tpu.memory_space<vmem>>, %arg8: memref<80xi32, #tpu.memory_space<vmem>>, %arg9: memref<80xi32, #tpu.memory_space<vmem>>, %arg10: memref<80xi32, #tpu.memory_space<vmem>>, %arg11: memref<80xi32, #tpu.memory_space<vmem>>, %arg12: memref<80xi32, #tpu.memory_space<vmem>>, %arg13: memref<80x128xf32, #tpu.memory_space<vmem>>, %arg14: memref<80x128xf32, #tpu.memory_space<vmem>>, %arg15: memref<24x128xf32, #tpu.memory_space<vmem>>, %arg16: memref<10000x128xf32, #tpu.memory_space<vmem_shared>>, %arg17: memref<!tpu.dma_semaphore, #tpu.memory_space<semaphore_mem>>, %arg18: memref<!tpu.dma_semaphore, #tpu.memory_space<semaphore_mem>>, %arg19: memref<!tpu.dma_semaphore, #tpu.memory_space<semaphore_mem>>, %arg20: memref<!tpu.dma_semaphore, #tpu.memory_space<semaphore_mem>>, %arg21: memref<!tpu.dma_semaphore, #tpu.memory_space<semaphore_mem>>, %arg22: memref<!tpu.dma_semaphore, #tpu.memory_space<semaphore_mem>>, %arg23: memref<!tpu.dma_semaphore, #tpu.memory_space<semaphore_mem>>, %arg24: memref<!tpu.dma_semaphore, #tpu.memory_space<semaphore_mem>>) attributes {dimension_semantics = [#tpu.dimension_semantics<core_parallel>, #tpu.dimension_semantics<subcore_parallel>], iteration_bounds = array<i64: 2, 16>, scalar_prefetch = 0 : i64, scratch_operands = 18 : i64, tpu.core_type = #tpu.core_type<sc_vector_subcore>, window_params = [{transform_indices = #map}, {transform_indices = #map1}, {transform_indices = #map1}, {transform_indices = #map}, {transform_indices = #map}]} {
    %mul3A = arith.constant 20000 : i32
    %mul3A_0 = arith.muli %arg1, %mul3A : i32
    %broadcast_in_dim3A = arith.constant 0.000000e+00 : f32
    %broadcast_in_dim3A_1 = vector.broadcast %broadcast_in_dim3A : f32 to vector<16xf32>
    %scan3A = arith.constant 0 : i32
    %scan3A_2 = arith.constant 0 : i32
    %scan3A_3 = arith.constant 24 : i32
    %scan3A_4 = arith.addi %scan3A_2, %scan3A_3 : i32
    %scan3A_5 = arith.constant 1 : i32
    scf.for %scan3A_599 = %scan3A_2 to %scan3A_4 step %scan3A_5  : i32 {
      %swap3A_600 = arith.index_cast %scan3A_599 : i32 to index
      %swap3A_601 = arith.constant 0 : index
      %swap3A_602 = tpu.vector_load %arg15[%swap3A_600, %swap3A_601] {strides = array<i32>} : memref<24x128xf32, #tpu.memory_space<vmem>>, vector<1x16xf32>,
      %swap3A_603 = vector.shape_cast %swap3A_602 : vector<1x16xf32> to vector<16xf32>
      %swap3A_604 = vector.shape_cast %broadcast_in_dim3A_1 : vector<16xf32> to vector<1x16xf32>
      tpu.vector_store %arg15[%swap3A_600, %swap3A_601], %swap3A_604 {strides = array<i32>} : memref<24x128xf32, #tpu.memory_space<vmem>>, vector<1x16xf32>,
      %swap3A_605 = arith.index_cast %scan3A_599 : i32 to index
      %swap3A_606 = arith.constant 16 : index
      %swap3A_607 = tpu.vector_load %arg15[%swap3A_605, %swap3A_606] {strides = array<i32>} : memref<24x128xf32, #tpu.memory_space<vmem>>, vector<1x16xf32>,
      %swap3A_608 = vector.shape_cast %swap3A_607 : vector<1x16xf32> to vector<16xf32>
      %swap3A_609 = vector.shape_cast %broadcast_in_dim3A_1 : vector<16xf32> to vector<1x16xf32>
      tpu.vector_store %arg15[%swap3A_605, %swap3A_606], %swap3A_609 {strides = array<i32>} : memref<24x128xf32, #tpu.memory_space<vmem>>, vector<1x16xf32>,
      %swap3A_610 = arith.index_cast %scan3A_599 : i32 to index
      %swap3A_611 = arith.constant 32 : index
      %swap3A_612 = tpu.vector_load %arg15[%swap3A_610, %swap3A_611] {strides = array<i32>} : memref<24x128xf32, #tpu.memory_space<vmem>>, vector<1x16xf32>,
      %swap3A_613 = vector.shape_cast %swap3A_612 : vector<1x16xf32> to vector<16xf32>
      %swap3A_614 = vector.shape_cast %broadcast_in_dim3A_1 : vector<16xf32> to vector<1x16xf32>
      tpu.vector_store %arg15[%swap3A_610, %swap3A_611], %swap3A_614 {strides = array<i32>} : memref<24x128xf32, #tpu.memory_space<vmem>>, vector<1x16xf32>,
      %swap3A_615 = arith.index_cast %scan3A_599 : i32 to index
      %swap3A_616 = arith.constant 48 : index
      %swap3A_617 = tpu.vector_load %arg15[%swap3A_615, %swap3A_616] {strides = array<i32>} : memref<24x128xf32, #tpu.memory_space<vmem>>, vector<1x16xf32>,
      %swap3A_618 = vector.shape_cast %swap3A_617 : vector<1x16xf32> to vector<16xf32>
      %swap3A_619 = vector.shape_cast %broadcast_in_dim3A_1 : vector<16xf32> to vector<1x16xf32>
      tpu.vector_store %arg15[%swap3A_615, %swap3A_616], %swap3A_619 {strides = array<i32>} : memref<24x128xf32, #tpu.memory_space<vmem>>, vector<1x16xf32>,
      %swap3A_620 = arith.index_cast %scan3A_599 : i32 to index
      %swap3A_621 = arith.constant 64 : index
      %swap3A_622 = tpu.vector_load %arg15[%swap3A_620, %swap3A_621] {strides = array<i32>} : memref<24x128xf32, #tpu.memory_space<vmem>>, vector<1x16xf32>,
      %swap3A_623 = vector.shape_cast %swap3A_622 : vector<1x16xf32> to vector<16xf32>
      %swap3A_624 = vector.shape_cast %broadcast_in_dim3A_1 : vector<16xf32> to vector<1x16xf32>
      tpu.vector_store %arg15[%swap3A_620, %swap3A_621], %swap3A_624 {strides = array<i32>} : memref<24x128xf32, #tpu.memory_space<vmem>>, vector<1x16xf32>,
      %swap3A_625 = arith.index_cast %scan3A_599 : i32 to index
      %swap3A_626 = arith.constant 80 : index
      %swap3A_627 = tpu.vector_load %arg15[%swap3A_625, %swap3A_626] {strides = array<i32>} : memref<24x128xf32, #tpu.memory_space<vmem>>, vector<1x16xf32>,
      %swap3A_628 = vector.shape_cast %swap3A_627 : vector<1x16xf32> to vector<16xf32>
      %swap3A_629 = vector.shape_cast %broadcast_in_dim3A_1 : vector<16xf32> to vector<1x16xf32>
      tpu.vector_store %arg15[%swap3A_625, %swap3A_626], %swap3A_629 {strides = array<i32>} : memref<24x128xf32, #tpu.memory_space<vmem>>, vector<1x16xf32>,
      %swap3A_630 = arith.index_cast %scan3A_599 : i32 to index
      %swap3A_631 = arith.constant 96 : index
      %swap3A_632 = tpu.vector_load %arg15[%swap3A_630, %swap3A_631] {strides = array<i32>} : memref<24x128xf32, #tpu.memory_space<vmem>>, vector<1x16xf32>,
      %swap3A_633 = vector.shape_cast %swap3A_632 : vector<1x16xf32> to vector<16xf32>
      %swap3A_634 = vector.shape_cast %broadcast_in_dim3A_1 : vector<16xf32> to vector<1x16xf32>
      tpu.vector_store %arg15[%swap3A_630, %swap3A_631], %swap3A_634 {strides = array<i32>} : memref<24x128xf32, #tpu.memory_space<vmem>>, vector<1x16xf32>,
      %swap3A_635 = arith.index_cast %scan3A_599 : i32 to index
      %swap3A_636 = arith.constant 112 : index
      %swap3A_637 = tpu.vector_load %arg15[%swap3A_635, %swap3A_636] {strides = array<i32>} : memref<24x128xf32, #tpu.memory_space<vmem>>, vector<1x16xf32>,
      %swap3A_638 = vector.shape_cast %swap3A_637 : vector<1x16xf32> to vector<16xf32>
      %swap3A_639 = vector.shape_cast %broadcast_in_dim3A_1 : vector<16xf32> to vector<1x16xf32>
      tpu.vector_store %arg15[%swap3A_635, %swap3A_636], %swap3A_639 {strides = array<i32>} : memref<24x128xf32, #tpu.memory_space<vmem>>, vector<1x16xf32>,
    }
    %scan3A_6 = arith.constant 24 : i32
    %mul3A_7 = arith.constant 624 : i32
    %mul3A_8 = arith.muli %arg1, %mul3A_7 : i32
    %broadcast_in_dim3A_9 = arith.constant 1.000000e+00 : f32
    %broadcast_in_dim3A_10 = vector.broadcast %broadcast_in_dim3A_9 : f32 to vector<16xf32>
    %scan3A_11 = arith.constant 0 : i32
    %scan3A_12 = arith.constant 0 : i32
    %scan3A_13 = arith.constant 80 : i32
    %scan3A_14 = arith.addi %scan3A_12, %scan3A_13 : i32
    %scan3A_15 = arith.constant 1 : i32
    scf.for %scan3A_599 = %scan3A_12 to %scan3A_14 step %scan3A_15  : i32 {
      %swap3A_600 = arith.index_cast %scan3A_599 : i32 to index
      %swap3A_601 = arith.constant 0 : index
      %swap3A_602 = tpu.vector_load %arg13[%swap3A_600, %swap3A_601] {strides = array<i32>} : memref<80x128xf32, #tpu.memory_space<vmem>>, vector<1x16xf32>,
      %swap3A_603 = vector.shape_cast %swap3A_602 : vector<1x16xf32> to vector<16xf32>
      %swap3A_604 = vector.shape_cast %broadcast_in_dim3A_10 : vector<16xf32> to vector<1x16xf32>
      tpu.vector_store %arg13[%swap3A_600, %swap3A_601], %swap3A_604 {strides = array<i32>} : memref<80x128xf32, #tpu.memory_space<vmem>>, vector<1x16xf32>,
      %swap3A_605 = arith.index_cast %scan3A_599 : i32 to index
      %swap3A_606 = arith.constant 16 : index
      %swap3A_607 = tpu.vector_load %arg13[%swap3A_605, %swap3A_606] {strides = array<i32>} : memref<80x128xf32, #tpu.memory_space<vmem>>, vector<1x16xf32>,
      %swap3A_608 = vector.shape_cast %swap3A_607 : vector<1x16xf32> to vector<16xf32>
      %swap3A_609 = vector.shape_cast %broadcast_in_dim3A_10 : vector<16xf32> to vector<1x16xf32>
      tpu.vector_store %arg13[%swap3A_605, %swap3A_606], %swap3A_609 {strides = array<i32>} : memref<80x128xf32, #tpu.memory_space<vmem>>, vector<1x16xf32>,
      %swap3A_610 = arith.index_cast %scan3A_599 : i32 to index
      %swap3A_611 = arith.constant 32 : index
      %swap3A_612 = tpu.vector_load %arg13[%swap3A_610, %swap3A_611] {strides = array<i32>} : memref<80x128xf32, #tpu.memory_space<vmem>>, vector<1x16xf32>,
      %swap3A_613 = vector.shape_cast %swap3A_612 : vector<1x16xf32> to vector<16xf32>
      %swap3A_614 = vector.shape_cast %broadcast_in_dim3A_10 : vector<16xf32> to vector<1x16xf32>
      tpu.vector_store %arg13[%swap3A_610, %swap3A_611], %swap3A_614 {strides = array<i32>} : memref<80x128xf32, #tpu.memory_space<vmem>>, vector<1x16xf32>,
      %swap3A_615 = arith.index_cast %scan3A_599 : i32 to index
      %swap3A_616 = arith.constant 48 : index
      %swap3A_617 = tpu.vector_load %arg13[%swap3A_615, %swap3A_616] {strides = array<i32>} : memref<80x128xf32, #tpu.memory_space<vmem>>, vector<1x16xf32>,
      %swap3A_618 = vector.shape_cast %swap3A_617 : vector<1x16xf32> to vector<16xf32>
      %swap3A_619 = vector.shape_cast %broadcast_in_dim3A_10 : vector<16xf32> to vector<1x16xf32>
      tpu.vector_store %arg13[%swap3A_615, %swap3A_616], %swap3A_619 {strides = array<i32>} : memref<80x128xf32, #tpu.memory_space<vmem>>, vector<1x16xf32>,
      %swap3A_620 = arith.index_cast %scan3A_599 : i32 to index
      %swap3A_621 = arith.constant 64 : index
      %swap3A_622 = tpu.vector_load %arg13[%swap3A_620, %swap3A_621] {strides = array<i32>} : memref<80x128xf32, #tpu.memory_space<vmem>>, vector<1x16xf32>,
      %swap3A_623 = vector.shape_cast %swap3A_622 : vector<1x16xf32> to vector<16xf32>
      %swap3A_624 = vector.shape_cast %broadcast_in_dim3A_10 : vector<16xf32> to vector<1x16xf32>
      tpu.vector_store %arg13[%swap3A_620, %swap3A_621], %swap3A_624 {strides = array<i32>} : memref<80x128xf32, #tpu.memory_space<vmem>>, vector<1x16xf32>,
      %swap3A_625 = arith.index_cast %scan3A_599 : i32 to index
      %swap3A_626 = arith.constant 80 : index
      %swap3A_627 = tpu.vector_load %arg13[%swap3A_625, %swap3A_626] {strides = array<i32>} : memref<80x128xf32, #tpu.memory_space<vmem>>, vector<1x16xf32>,
      %swap3A_628 = vector.shape_cast %swap3A_627 : vector<1x16xf32> to vector<16xf32>
      %swap3A_629 = vector.shape_cast %broadcast_in_dim3A_10 : vector<16xf32> to vector<1x16xf32>
      tpu.vector_store %arg13[%swap3A_625, %swap3A_626], %swap3A_629 {strides = array<i32>} : memref<80x128xf32, #tpu.memory_space<vmem>>, vector<1x16xf32>,
      %swap3A_630 = arith.index_cast %scan3A_599 : i32 to index
      %swap3A_631 = arith.constant 96 : index
      %swap3A_632 = tpu.vector_load %arg13[%swap3A_630, %swap3A_631] {strides = array<i32>} : memref<80x128xf32, #tpu.memory_space<vmem>>, vector<1x16xf32>,
      %swap3A_633 = vector.shape_cast %swap3A_632 : vector<1x16xf32> to vector<16xf32>
      %swap3A_634 = vector.shape_cast %broadcast_in_dim3A_10 : vector<16xf32> to vector<1x16xf32>
      tpu.vector_store %arg13[%swap3A_630, %swap3A_631], %swap3A_634 {strides = array<i32>} : memref<80x128xf32, #tpu.memory_space<vmem>>, vector<1x16xf32>,
      %swap3A_635 = arith.index_cast %scan3A_599 : i32 to index
      %swap3A_636 = arith.constant 112 : index
      %swap3A_637 = tpu.vector_load %arg13[%swap3A_635, %swap3A_636] {strides = array<i32>} : memref<80x128xf32, #tpu.memory_space<vmem>>, vector<1x16xf32>,
      %swap3A_638 = vector.shape_cast %swap3A_637 : vector<1x16xf32> to vector<16xf32>
      %swap3A_639 = vector.shape_cast %broadcast_in_dim3A_10 : vector<16xf32> to vector<1x16xf32>
      tpu.vector_store %arg13[%swap3A_635, %swap3A_636], %swap3A_639 {strides = array<i32>} : memref<80x128xf32, #tpu.memory_space<vmem>>, vector<1x16xf32>,
    }
    %scan3A_16 = arith.constant 80 : i32
    %scan3A_17 = arith.constant 0 : i32
    %scan3A_18 = arith.constant 0 : i32
    %scan3A_19 = arith.constant 26 : i32
    %scan3A_20 = arith.addi %scan3A_18, %scan3A_19 : i32
    %scan3A_21 = arith.constant 1 : i32
    scf.for %scan3A_599 = %scan3A_18 to %scan3A_20 step %scan3A_21  : i32 {
      %mul3A_600 = arith.constant 24 : i32
      %mul3A_601 = arith.muli %mul3A_600, %scan3A_599 : i32
      %add3A_602 = arith.addi %mul3A_8, %mul3A_601 : i32
      "tpu.region"() ({
        %run_scoped3A = tpu.sem_alloc : memref<!tpu.dma_semaphore, #tpu.memory_space<semaphore_mem>>
        %dma_start3A_603 = arith.constant 0 : i32
        %dma_start3A_604 = tpu.memref_slice %arg16[%add3A_602, %dma_start3A_603] : memref<10000x128xf32, #tpu.memory_space<vmem_shared>> -> memref<24x128xf32, #tpu.memory_space<vmem_shared>>
        %dma_start3A_605 = arith.constant 0 : i32
        %dma_start3A_606 = tpu.memref_slice %arg16[%add3A_602, %dma_start3A_605] : memref<10000x128xf32, #tpu.memory_space<vmem_shared>> -> memref<24x128xf32, #tpu.memory_space<vmem_shared>>
        tpu.enqueue_dma source(%arg15 : memref<24x128xf32, #tpu.memory_space<vmem>>) target(%dma_start3A_606 : memref<24x128xf32, #tpu.memory_space<vmem_shared>>) target_semaphore(%run_scoped3A : memref<!tpu.dma_semaphore, #tpu.memory_space<semaphore_mem>>)
        %dma_wait3A_607 = arith.constant 0 : i32
        %dma_wait3A_608 = tpu.memref_slice %arg16[%add3A_602, %dma_wait3A_607] : memref<10000x128xf32, #tpu.memory_space<vmem_shared>> -> memref<24x128xf32, #tpu.memory_space<vmem_shared>>
        %dma_wait3A_609 = arith.constant 0 : i32
        %dma_wait3A_610 = tpu.memref_slice %arg16[%add3A_602, %dma_wait3A_609] : memref<10000x128xf32, #tpu.memory_space<vmem_shared>> -> memref<24x128xf32, #tpu.memory_space<vmem_shared>>
        tpu.wait_dma2 semaphore(%run_scoped3A : memref<!tpu.dma_semaphore, #tpu.memory_space<semaphore_mem>>) src(%arg15 : memref<24x128xf32, #tpu.memory_space<vmem>>) dst(%dma_wait3A_610 : memref<24x128xf32, #tpu.memory_space<vmem_shared>>)
        tpu.yield
      }) : () -> ()
    }
    %scan3A_22 = arith.constant 26 : i32
    %eq3A = arith.constant 15 : i32
    %eq3A_23 = arith.cmpi eq, %arg1, %eq3A : i32
    %convert_element_type3A = arith.extui %eq3A_23 : i1 to i32
    %cond3A = arith.constant 0 : i32
    %cond3A_24 = arith.cmpi ne, %convert_element_type3A, %cond3A : i32
    scf.if %cond3A_24 {
      "tpu.region"() ({
        %run_scoped3A = tpu.sem_alloc : memref<!tpu.dma_semaphore, #tpu.memory_space<semaphore_mem>>
        %dma_start3A_599 = arith.constant 0 : i32
        %dma_start3A_600 = arith.constant 0 : i32
        %dma_start3A_601 = tpu.memref_slice %arg15[%dma_start3A_599, %dma_start3A_600] : memref<24x128xf32, #tpu.memory_space<vmem>> -> memref<16x128xf32, #tpu.memory_space<vmem>>
        %dma_start3A_602 = arith.constant 9984 : i32
        %dma_start3A_603 = arith.constant 0 : i32
        %dma_start3A_604 = tpu.memref_slice %arg16[%dma_start3A_602, %dma_start3A_603] : memref<10000x128xf32, #tpu.memory_space<vmem_shared>> -> memref<16x128xf32, #tpu.memory_space<vmem_shared>>
        %dma_start3A_605 = arith.constant 9984 : i32
        %dma_start3A_606 = arith.constant 0 : i32
        %dma_start3A_607 = tpu.memref_slice %arg16[%dma_start3A_605, %dma_start3A_606] : memref<10000x128xf32, #tpu.memory_space<vmem_shared>> -> memref<16x128xf32, #tpu.memory_space<vmem_shared>>
        %dma_start3A_608 = arith.constant 0 : i32
        %dma_start3A_609 = arith.constant 0 : i32
        %dma_start3A_610 = tpu.memref_slice %arg15[%dma_start3A_608, %dma_start3A_609] : memref<24x128xf32, #tpu.memory_space<vmem>> -> memref<16x128xf32, #tpu.memory_space<vmem>>
        tpu.enqueue_dma source(%dma_start3A_610 : memref<16x128xf32, #tpu.memory_space<vmem>>) target(%dma_start3A_607 : memref<16x128xf32, #tpu.memory_space<vmem_shared>>) target_semaphore(%run_scoped3A : memref<!tpu.dma_semaphore, #tpu.memory_space<semaphore_mem>>)
        %dma_wait3A_611 = arith.constant 0 : i32
        %dma_wait3A_612 = arith.constant 0 : i32
        %dma_wait3A_613 = tpu.memref_slice %arg15[%dma_wait3A_611, %dma_wait3A_612] : memref<24x128xf32, #tpu.memory_space<vmem>> -> memref<16x128xf32, #tpu.memory_space<vmem>>
        %dma_wait3A_614 = arith.constant 9984 : i32
        %dma_wait3A_615 = arith.constant 0 : i32
        %dma_wait3A_616 = tpu.memref_slice %arg16[%dma_wait3A_614, %dma_wait3A_615] : memref<10000x128xf32, #tpu.memory_space<vmem_shared>> -> memref<16x128xf32, #tpu.memory_space<vmem_shared>>
        %dma_wait3A_617 = arith.constant 9984 : i32
        %dma_wait3A_618 = arith.constant 0 : i32
        %dma_wait3A_619 = tpu.memref_slice %arg16[%dma_wait3A_617, %dma_wait3A_618] : memref<10000x128xf32, #tpu.memory_space<vmem_shared>> -> memref<16x128xf32, #tpu.memory_space<vmem_shared>>
        %dma_wait3A_620 = arith.constant 0 : i32
        %dma_wait3A_621 = arith.constant 0 : i32
        %dma_wait3A_622 = tpu.memref_slice %arg15[%dma_wait3A_620, %dma_wait3A_621] : memref<24x128xf32, #tpu.memory_space<vmem>> -> memref<16x128xf32, #tpu.memory_space<vmem>>
        tpu.wait_dma2 semaphore(%run_scoped3A : memref<!tpu.dma_semaphore, #tpu.memory_space<semaphore_mem>>) src(%dma_wait3A_622 : memref<16x128xf32, #tpu.memory_space<vmem>>) dst(%dma_wait3A_619 : memref<16x128xf32, #tpu.memory_space<vmem_shared>>)
        tpu.yield
      }) : () -> ()
    } else {
    }
    %barrier3A = arith.constant 0 : index
    tpu.barrier barrier_id(%barrier3A)
    %mul3A_25 = arith.constant 160000 : i32
    %mul3A_26 = arith.muli %arg0, %mul3A_25 : i32
    %mul3A_27 = arith.constant 10000 : i32
    %mul3A_28 = arith.muli %arg1, %mul3A_27 : i32
    %add3A = arith.addi %mul3A_26, %mul3A_28 : i32
    %rem3A = arith.constant 0 : i32
    %rem3A_29 = arith.constant 125 : i32
    %rem3A_30 = arith.remsi %rem3A, %rem3A_29 : i32
    %mul3A_31 = arith.constant 80 : i32
    %mul3A_32 = arith.muli %mul3A_31, %rem3A_30 : i32
    %add3A_33 = arith.addi %add3A, %mul3A_32 : i32
    %dma_start3A = tpu.memref_slice %arg4[%add3A_33] : memref<320000xi32, #tpu.memory_space<hbm>> -> memref<80xi32, #tpu.memory_space<hbm>>
    %dma_start3A_34 = tpu.memref_slice %arg4[%add3A_33] : memref<320000xi32, #tpu.memory_space<hbm>> -> memref<80xi32, #tpu.memory_space<hbm>>
    tpu.enqueue_dma source(%dma_start3A_34 : memref<80xi32, #tpu.memory_space<hbm>>) target(%arg9 : memref<80xi32, #tpu.memory_space<vmem>>) target_semaphore(%arg19 : memref<!tpu.dma_semaphore, #tpu.memory_space<semaphore_mem>>)
    %rem3A_35 = arith.constant 1 : i32
    %rem3A_36 = arith.constant 125 : i32
    %rem3A_37 = arith.remsi %rem3A_35, %rem3A_36 : i32
    %mul3A_38 = arith.constant 80 : i32
    %mul3A_39 = arith.muli %mul3A_38, %rem3A_37 : i32
    %add3A_40 = arith.addi %add3A, %mul3A_39 : i32
    %dma_start3A_41 = tpu.memref_slice %arg4[%add3A_40] : memref<320000xi32, #tpu.memory_space<hbm>> -> memref<80xi32, #tpu.memory_space<hbm>>
    %dma_start3A_42 = tpu.memref_slice %arg4[%add3A_40] : memref<320000xi32, #tpu.memory_space<hbm>> -> memref<80xi32, #tpu.memory_space<hbm>>
    tpu.enqueue_dma source(%dma_start3A_42 : memref<80xi32, #tpu.memory_space<hbm>>) target(%arg10 : memref<80xi32, #tpu.memory_space<vmem>>) target_semaphore(%arg20 : memref<!tpu.dma_semaphore, #tpu.memory_space<semaphore_mem>>)
    %scan3A_43 = arith.constant 0 : i32
    %scan3A_44 = arith.constant 0 : i32
    %scan3A_45 = arith.constant 62 : i32
    %scan3A_46 = arith.addi %scan3A_44, %scan3A_45 : i32
    %scan3A_47 = arith.constant 1 : i32
    scf.for %scan3A_599 = %scan3A_44 to %scan3A_46 step %scan3A_47  : i32 {
      %mul3A_600 = arith.constant 2 : i32
      %mul3A_601 = arith.muli %mul3A_600, %scan3A_599 : i32
      %add3A_602 = arith.constant 0 : i32
      %add3A_603 = arith.addi %mul3A_601, %add3A_602 : i32
      %dma_wait3A_604 = arith.constant 0 : i32
      %dma_wait3A_605 = tpu.memref_slice %arg4[%dma_wait3A_604] : memref<320000xi32, #tpu.memory_space<hbm>> -> memref<80xi32, #tpu.memory_space<hbm>>
      %dma_wait3A_606 = arith.constant 0 : i32
      %dma_wait3A_607 = tpu.memref_slice %arg4[%dma_wait3A_606] : memref<320000xi32, #tpu.memory_space<hbm>> -> memref<80xi32, #tpu.memory_space<hbm>>
      tpu.wait_dma2 semaphore(%arg19 : memref<!tpu.dma_semaphore, #tpu.memory_space<semaphore_mem>>) src(%dma_wait3A_607 : memref<80xi32, #tpu.memory_space<hbm>>) dst(%arg9 : memref<80xi32, #tpu.memory_space<vmem>>)
      "tpu.region"() ({
        %run_scoped3A = tpu.sem_alloc : memref<!tpu.dma_semaphore, #tpu.memory_space<semaphore_mem>>
        %dma_start3A_634 = arith.constant 0 : i32
        %dma_start3A_635 = arith.constant 0 : i32
        %dma_start3A_636 = tpu.memref_slice %arg16[%dma_start3A_634, %dma_start3A_635] : memref<10000x128xf32, #tpu.memory_space<vmem_shared>> -> memref<10000x128xf32, #tpu.memory_space<vmem_shared>>
        tpu.enqueue_indirect_dma source(%arg13 : memref<80x128xf32, #tpu.memory_space<vmem>>) target(%dma_start3A_636 : memref<10000x128xf32, #tpu.memory_space<vmem_shared>>) offsets(%arg9 : memref<80xi32, #tpu.memory_space<vmem>>) semaphore(%run_scoped3A : memref<!tpu.dma_semaphore, #tpu.memory_space<semaphore_mem>>) {add = true}
        %dma_wait3A_637 = arith.constant 0 : i32
        %dma_wait3A_638 = arith.constant 0 : i32
        %dma_wait3A_639 = tpu.memref_slice %arg16[%dma_wait3A_637, %dma_wait3A_638] : memref<10000x128xf32, #tpu.memory_space<vmem_shared>> -> memref<10000x128xf32, #tpu.memory_space<vmem_shared>>
        tpu.wait_indirect_dma semaphore(%run_scoped3A : memref<!tpu.dma_semaphore, #tpu.memory_space<semaphore_mem>>) src(%arg13 : memref<80x128xf32, #tpu.memory_space<vmem>>) dst(%dma_wait3A_639 : memref<10000x128xf32, #tpu.memory_space<vmem_shared>>)
        tpu.yield
      }) : () -> ()
      %add3A_608 = arith.constant 2 : i32
      %add3A_609 = arith.addi %add3A_603, %add3A_608 : i32
      %rem3A_610 = arith.constant 125 : i32
      %rem3A_611 = arith.remsi %add3A_609, %rem3A_610 : i32
      %mul3A_612 = arith.constant 80 : i32
      %mul3A_613 = arith.muli %mul3A_612, %rem3A_611 : i32
      %add3A_614 = arith.addi %add3A, %mul3A_613 : i32
      %dma_start3A_615 = tpu.memref_slice %arg4[%add3A_614] : memref<320000xi32, #tpu.memory_space<hbm>> -> memref<80xi32, #tpu.memory_space<hbm>>
      %dma_start3A_616 = tpu.memref_slice %arg4[%add3A_614] : memref<320000xi32, #tpu.memory_space<hbm>> -> memref<80xi32, #tpu.memory_space<hbm>>
      tpu.enqueue_dma source(%dma_start3A_616 : memref<80xi32, #tpu.memory_space<hbm>>) target(%arg9 : memref<80xi32, #tpu.memory_space<vmem>>) target_semaphore(%arg19 : memref<!tpu.dma_semaphore, #tpu.memory_space<semaphore_mem>>)
      %mul3A_617 = arith.constant 2 : i32
      %mul3A_618 = arith.muli %mul3A_617, %scan3A_599 : i32
      %add3A_619 = arith.constant 1 : i32
      %add3A_620 = arith.addi %mul3A_618, %add3A_619 : i32
      %dma_wait3A_621 = arith.constant 0 : i32
      %dma_wait3A_622 = tpu.memref_slice %arg4[%dma_wait3A_621] : memref<320000xi32, #tpu.memory_space<hbm>> -> memref<80xi32, #tpu.memory_space<hbm>>
      %dma_wait3A_623 = arith.constant 0 : i32
      %dma_wait3A_624 = tpu.memref_slice %arg4[%dma_wait3A_623] : memref<320000xi32, #tpu.memory_space<hbm>> -> memref<80xi32, #tpu.memory_space<hbm>>
      tpu.wait_dma2 semaphore(%arg20 : memref<!tpu.dma_semaphore, #tpu.memory_space<semaphore_mem>>) src(%dma_wait3A_624 : memref<80xi32, #tpu.memory_space<hbm>>) dst(%arg10 : memref<80xi32, #tpu.memory_space<vmem>>)
      "tpu.region"() ({
        %run_scoped3A = tpu.sem_alloc : memref<!tpu.dma_semaphore, #tpu.memory_space<semaphore_mem>>
        %dma_start3A_634 = arith.constant 0 : i32
        %dma_start3A_635 = arith.constant 0 : i32
        %dma_start3A_636 = tpu.memref_slice %arg16[%dma_start3A_634, %dma_start3A_635] : memref<10000x128xf32, #tpu.memory_space<vmem_shared>> -> memref<10000x128xf32, #tpu.memory_space<vmem_shared>>
        tpu.enqueue_indirect_dma source(%arg13 : memref<80x128xf32, #tpu.memory_space<vmem>>) target(%dma_start3A_636 : memref<10000x128xf32, #tpu.memory_space<vmem_shared>>) offsets(%arg10 : memref<80xi32, #tpu.memory_space<vmem>>) semaphore(%run_scoped3A : memref<!tpu.dma_semaphore, #tpu.memory_space<semaphore_mem>>) {add = true}
        %dma_wait3A_637 = arith.constant 0 : i32
        %dma_wait3A_638 = arith.constant 0 : i32
        %dma_wait3A_639 = tpu.memref_slice %arg16[%dma_wait3A_637, %dma_wait3A_638] : memref<10000x128xf32, #tpu.memory_space<vmem_shared>> -> memref<10000x128xf32, #tpu.memory_space<vmem_shared>>
        tpu.wait_indirect_dma semaphore(%run_scoped3A : memref<!tpu.dma_semaphore, #tpu.memory_space<semaphore_mem>>) src(%arg13 : memref<80x128xf32, #tpu.memory_space<vmem>>) dst(%dma_wait3A_639 : memref<10000x128xf32, #tpu.memory_space<vmem_shared>>)
        tpu.yield
      }) : () -> ()
      %add3A_625 = arith.constant 2 : i32
      %add3A_626 = arith.addi %add3A_620, %add3A_625 : i32
      %rem3A_627 = arith.constant 125 : i32
      %rem3A_628 = arith.remsi %add3A_626, %rem3A_627 : i32
      %mul3A_629 = arith.constant 80 : i32
      %mul3A_630 = arith.muli %mul3A_629, %rem3A_628 : i32
      %add3A_631 = arith.addi %add3A, %mul3A_630 : i32
      %dma_start3A_632 = tpu.memref_slice %arg4[%add3A_631] : memref<320000xi32, #tpu.memory_space<hbm>> -> memref<80xi32, #tpu.memory_space<hbm>>
      %dma_start3A_633 = tpu.memref_slice %arg4[%add3A_631] : memref<320000xi32, #tpu.memory_space<hbm>> -> memref<80xi32, #tpu.memory_space<hbm>>
      tpu.enqueue_dma source(%dma_start3A_633 : memref<80xi32, #tpu.memory_space<hbm>>) target(%arg10 : memref<80xi32, #tpu.memory_space<vmem>>) target_semaphore(%arg20 : memref<!tpu.dma_semaphore, #tpu.memory_space<semaphore_mem>>)
    }
    %scan3A_48 = arith.constant 62 : i32
    %dma_wait3A = arith.constant 0 : i32
    %dma_wait3A_49 = tpu.memref_slice %arg4[%dma_wait3A] : memref<320000xi32, #tpu.memory_space<hbm>> -> memref<80xi32, #tpu.memory_space<hbm>>
    %dma_wait3A_50 = arith.constant 0 : i32
    %dma_wait3A_51 = tpu.memref_slice %arg4[%dma_wait3A_50] : memref<320000xi32, #tpu.memory_space<hbm>> -> memref<80xi32, #tpu.memory_space<hbm>>
    tpu.wait_dma2 semaphore(%arg19 : memref<!tpu.dma_semaphore, #tpu.memory_space<semaphore_mem>>) src(%dma_wait3A_51 : memref<80xi32, #tpu.memory_space<hbm>>) dst(%arg9 : memref<80xi32, #tpu.memory_space<vmem>>)
    "tpu.region"() ({
      %run_scoped3A = tpu.sem_alloc : memref<!tpu.dma_semaphore, #tpu.memory_space<semaphore_mem>>
      %dma_start3A_599 = arith.constant 0 : i32
      %dma_start3A_600 = arith.constant 0 : i32
      %dma_start3A_601 = tpu.memref_slice %arg16[%dma_start3A_599, %dma_start3A_600] : memref<10000x128xf32, #tpu.memory_space<vmem_shared>> -> memref<10000x128xf32, #tpu.memory_space<vmem_shared>>
      tpu.enqueue_indirect_dma source(%arg13 : memref<80x128xf32, #tpu.memory_space<vmem>>) target(%dma_start3A_601 : memref<10000x128xf32, #tpu.memory_space<vmem_shared>>) offsets(%arg9 : memref<80xi32, #tpu.memory_space<vmem>>) semaphore(%run_scoped3A : memref<!tpu.dma_semaphore, #tpu.memory_space<semaphore_mem>>) {add = true}
      %dma_wait3A_602 = arith.constant 0 : i32
      %dma_wait3A_603 = arith.constant 0 : i32
      %dma_wait3A_604 = tpu.memref_slice %arg16[%dma_wait3A_602, %dma_wait3A_603] : memref<10000x128xf32, #tpu.memory_space<vmem_shared>> -> memref<10000x128xf32, #tpu.memory_space<vmem_shared>>
      tpu.wait_indirect_dma semaphore(%run_scoped3A : memref<!tpu.dma_semaphore, #tpu.memory_space<semaphore_mem>>) src(%arg13 : memref<80x128xf32, #tpu.memory_space<vmem>>) dst(%dma_wait3A_604 : memref<10000x128xf32, #tpu.memory_space<vmem_shared>>)
      tpu.yield
    }) : () -> ()
    %dma_wait3A_52 = arith.constant 0 : i32
    %dma_wait3A_53 = tpu.memref_slice %arg4[%dma_wait3A_52] : memref<320000xi32, #tpu.memory_space<hbm>> -> memref<80xi32, #tpu.memory_space<hbm>>
    %dma_wait3A_54 = arith.constant 0 : i32
    %dma_wait3A_55 = tpu.memref_slice %arg4[%dma_wait3A_54] : memref<320000xi32, #tpu.memory_space<hbm>> -> memref<80xi32, #tpu.memory_space<hbm>>
    tpu.wait_dma2 semaphore(%arg20 : memref<!tpu.dma_semaphore, #tpu.memory_space<semaphore_mem>>) src(%dma_wait3A_55 : memref<80xi32, #tpu.memory_space<hbm>>) dst(%arg10 : memref<80xi32, #tpu.memory_space<vmem>>)
    %barrier3A_56 = arith.constant 0 : index
    tpu.barrier barrier_id(%barrier3A_56)
    %mul3A_57 = arith.constant 10000 : i32
    %mul3A_58 = arith.muli %arg0, %mul3A_57 : i32
    %add3A_59 = arith.addi %mul3A_58, %mul3A_8 : i32
    "tpu.region"() ({
      %run_scoped3A = tpu.sem_alloc : memref<!tpu.dma_semaphore, #tpu.memory_space<semaphore_mem>>
      %dma_start3A_599 = arith.constant 0 : i32
      %dma_start3A_600 = tpu.memref_slice %arg6[%add3A_59, %dma_start3A_599] : memref<20000x128xf32, #tpu.memory_space<hbm>> -> memref<624x128xf32, #tpu.memory_space<hbm>>
      %dma_start3A_601 = arith.constant 0 : i32
      %dma_start3A_602 = tpu.memref_slice %arg16[%mul3A_8, %dma_start3A_601] : memref<10000x128xf32, #tpu.memory_space<vmem_shared>> -> memref<624x128xf32, #tpu.memory_space<vmem_shared>>
      tpu.enqueue_dma source(%dma_start3A_602 : memref<624x128xf32, #tpu.memory_space<vmem_shared>>) target(%dma_start3A_600 : memref<624x128xf32, #tpu.memory_space<hbm>>) target_semaphore(%run_scoped3A : memref<!tpu.dma_semaphore, #tpu.memory_space<semaphore_mem>>)
      %dma_wait3A_603 = arith.constant 0 : i32
      %dma_wait3A_604 = tpu.memref_slice %arg6[%add3A_59, %dma_wait3A_603] : memref<20000x128xf32, #tpu.memory_space<hbm>> -> memref<624x128xf32, #tpu.memory_space<hbm>>
      %dma_wait3A_605 = arith.constant 0 : i32
      %dma_wait3A_606 = tpu.memref_slice %arg16[%mul3A_8, %dma_wait3A_605] : memref<10000x128xf32, #tpu.memory_space<vmem_shared>> -> memref<624x128xf32, #tpu.memory_space<vmem_shared>>
      tpu.wait_dma2 semaphore(%run_scoped3A : memref<!tpu.dma_semaphore, #tpu.memory_space<semaphore_mem>>) src(%dma_wait3A_606 : memref<624x128xf32, #tpu.memory_space<vmem_shared>>) dst(%dma_wait3A_604 : memref<624x128xf32, #tpu.memory_space<hbm>>)
      tpu.yield
    }) : () -> ()
    %eq3A_60 = arith.constant 15 : i32
    %eq3A_61 = arith.cmpi eq, %arg1, %eq3A_60 : i32
    %convert_element_type3A_62 = arith.extui %eq3A_61 : i1 to i32
    %cond3A_63 = arith.constant 0 : i32
    %cond3A_64 = arith.cmpi ne, %convert_element_type3A_62, %cond3A_63 : i32
    scf.if %cond3A_64 {
      %add3A_599 = arith.constant 9984 : i32
      %add3A_600 = arith.addi %mul3A_58, %add3A_599 : i32
      "tpu.region"() ({
        %run_scoped3A = tpu.sem_alloc : memref<!tpu.dma_semaphore, #tpu.memory_space<semaphore_mem>>
        %dma_start3A_601 = arith.constant 0 : i32
        %dma_start3A_602 = tpu.memref_slice %arg6[%add3A_600, %dma_start3A_601] : memref<20000x128xf32, #tpu.memory_space<hbm>> -> memref<16x128xf32, #tpu.memory_space<hbm>>
        %dma_start3A_603 = arith.constant 9984 : i32
        %dma_start3A_604 = arith.constant 0 : i32
        %dma_start3A_605 = tpu.memref_slice %arg16[%dma_start3A_603, %dma_start3A_604] : memref<10000x128xf32, #tpu.memory_space<vmem_shared>> -> memref<16x128xf32, #tpu.memory_space<vmem_shared>>
        tpu.enqueue_dma source(%dma_start3A_605 : memref<16x128xf32, #tpu.memory_space<vmem_shared>>) target(%dma_start3A_602 : memref<16x128xf32, #tpu.memory_space<hbm>>) target_semaphore(%run_scoped3A : memref<!tpu.dma_semaphore, #tpu.memory_space<semaphore_mem>>)
        %dma_wait3A_606 = arith.constant 0 : i32
        %dma_wait3A_607 = tpu.memref_slice %arg6[%add3A_600, %dma_wait3A_606] : memref<20000x128xf32, #tpu.memory_space<hbm>> -> memref<16x128xf32, #tpu.memory_space<hbm>>
        %dma_wait3A_608 = arith.constant 9984 : i32
        %dma_wait3A_609 = arith.constant 0 : i32
        %dma_wait3A_610 = tpu.memref_slice %arg16[%dma_wait3A_608, %dma_wait3A_609] : memref<10000x128xf32, #tpu.memory_space<vmem_shared>> -> memref<16x128xf32, #tpu.memory_space<vmem_shared>>
        tpu.wait_dma2 semaphore(%run_scoped3A : memref<!tpu.dma_semaphore, #tpu.memory_space<semaphore_mem>>) src(%dma_wait3A_610 : memref<16x128xf32, #tpu.memory_space<vmem_shared>>) dst(%dma_wait3A_607 : memref<16x128xf32, #tpu.memory_space<hbm>>)
        tpu.yield
      }) : () -> ()
    } else {
    }
    %barrier3A_65 = arith.constant 0 : index
    tpu.barrier barrier_id(%barrier3A_65)
    %add3A_66 = arith.constant 0 : i32
    %add3A_67 = arith.addi %arg0, %add3A_66 : i32
    %mul3A_68 = arith.constant 10000 : i32
    %mul3A_69 = arith.muli %add3A_67, %mul3A_68 : i32
    %scan3A_70 = arith.constant 0 : i32
    %scan3A_71 = arith.constant 0 : i32
    %scan3A_72 = arith.constant 26 : i32
    %scan3A_73 = arith.addi %scan3A_71, %scan3A_72 : i32
    %scan3A_74 = arith.constant 1 : i32
    scf.for %scan3A_599 = %scan3A_71 to %scan3A_73 step %scan3A_74  : i32 {
      %mul3A_600 = arith.constant 24 : i32
      %mul3A_601 = arith.muli %mul3A_600, %scan3A_599 : i32
      %add3A_602 = arith.addi %mul3A_8, %mul3A_601 : i32
      "tpu.region"() ({
        %run_scoped3A = tpu.sem_alloc : memref<!tpu.dma_semaphore, #tpu.memory_space<semaphore_mem>>
        %dma_start3A_603 = arith.constant 0 : i32
        %dma_start3A_604 = tpu.memref_slice %arg16[%add3A_602, %dma_start3A_603] : memref<10000x128xf32, #tpu.memory_space<vmem_shared>> -> memref<24x128xf32, #tpu.memory_space<vmem_shared>>
        %dma_start3A_605 = arith.constant 0 : i32
        %dma_start3A_606 = tpu.memref_slice %arg16[%add3A_602, %dma_start3A_605] : memref<10000x128xf32, #tpu.memory_space<vmem_shared>> -> memref<24x128xf32, #tpu.memory_space<vmem_shared>>
        tpu.enqueue_dma source(%arg15 : memref<24x128xf32, #tpu.memory_space<vmem>>) target(%dma_start3A_606 : memref<24x128xf32, #tpu.memory_space<vmem_shared>>) target_semaphore(%run_scoped3A : memref<!tpu.dma_semaphore, #tpu.memory_space<semaphore_mem>>)
        %dma_wait3A_607 = arith.constant 0 : i32
        %dma_wait3A_608 = tpu.memref_slice %arg16[%add3A_602, %dma_wait3A_607] : memref<10000x128xf32, #tpu.memory_space<vmem_shared>> -> memref<24x128xf32, #tpu.memory_space<vmem_shared>>
        %dma_wait3A_609 = arith.constant 0 : i32
        %dma_wait3A_610 = tpu.memref_slice %arg16[%add3A_602, %dma_wait3A_609] : memref<10000x128xf32, #tpu.memory_space<vmem_shared>> -> memref<24x128xf32, #tpu.memory_space<vmem_shared>>
        tpu.wait_dma2 semaphore(%run_scoped3A : memref<!tpu.dma_semaphore, #tpu.memory_space<semaphore_mem>>) src(%arg15 : memref<24x128xf32, #tpu.memory_space<vmem>>) dst(%dma_wait3A_610 : memref<24x128xf32, #tpu.memory_space<vmem_shared>>)
        tpu.yield
      }) : () -> ()
    }
    %scan3A_75 = arith.constant 26 : i32
    %eq3A_76 = arith.constant 15 : i32
    %eq3A_77 = arith.cmpi eq, %arg1, %eq3A_76 : i32
    %convert_element_type3A_78 = arith.extui %eq3A_77 : i1 to i32
    %cond3A_79 = arith.constant 0 : i32
    %cond3A_80 = arith.cmpi ne, %convert_element_type3A_78, %cond3A_79 : i32
    scf.if %cond3A_80 {
      "tpu.region"() ({
        %run_scoped3A = tpu.sem_alloc : memref<!tpu.dma_semaphore, #tpu.memory_space<semaphore_mem>>
        %dma_start3A_599 = arith.constant 0 : i32
        %dma_start3A_600 = arith.constant 0 : i32
        %dma_start3A_601 = tpu.memref_slice %arg15[%dma_start3A_599, %dma_start3A_600] : memref<24x128xf32, #tpu.memory_space<vmem>> -> memref<16x128xf32, #tpu.memory_space<vmem>>
        %dma_start3A_602 = arith.constant 9984 : i32
        %dma_start3A_603 = arith.constant 0 : i32
        %dma_start3A_604 = tpu.memref_slice %arg16[%dma_start3A_602, %dma_start3A_603] : memref<10000x128xf32, #tpu.memory_space<vmem_shared>> -> memref<16x128xf32, #tpu.memory_space<vmem_shared>>
        %dma_start3A_605 = arith.constant 9984 : i32
        %dma_start3A_606 = arith.constant 0 : i32
        %dma_start3A_607 = tpu.memref_slice %arg16[%dma_start3A_605, %dma_start3A_606] : memref<10000x128xf32, #tpu.memory_space<vmem_shared>> -> memref<16x128xf32, #tpu.memory_space<vmem_shared>>
        %dma_start3A_608 = arith.constant 0 : i32
        %dma_start3A_609 = arith.constant 0 : i32
        %dma_start3A_610 = tpu.memref_slice %arg15[%dma_start3A_608, %dma_start3A_609] : memref<24x128xf32, #tpu.memory_space<vmem>> -> memref<16x128xf32, #tpu.memory_space<vmem>>
        tpu.enqueue_dma source(%dma_start3A_610 : memref<16x128xf32, #tpu.memory_space<vmem>>) target(%dma_start3A_607 : memref<16x128xf32, #tpu.memory_space<vmem_shared>>) target_semaphore(%run_scoped3A : memref<!tpu.dma_semaphore, #tpu.memory_space<semaphore_mem>>)
        %dma_wait3A_611 = arith.constant 0 : i32
        %dma_wait3A_612 = arith.constant 0 : i32
        %dma_wait3A_613 = tpu.memref_slice %arg15[%dma_wait3A_611, %dma_wait3A_612] : memref<24x128xf32, #tpu.memory_space<vmem>> -> memref<16x128xf32, #tpu.memory_space<vmem>>
        %dma_wait3A_614 = arith.constant 9984 : i32
        %dma_wait3A_615 = arith.constant 0 : i32
        %dma_wait3A_616 = tpu.memref_slice %arg16[%dma_wait3A_614, %dma_wait3A_615] : memref<10000x128xf32, #tpu.memory_space<vmem_shared>> -> memref<16x128xf32, #tpu.memory_space<vmem_shared>>
        %dma_wait3A_617 = arith.constant 9984 : i32
        %dma_wait3A_618 = arith.constant 0 : i32
        %dma_wait3A_619 = tpu.memref_slice %arg16[%dma_wait3A_617, %dma_wait3A_618] : memref<10000x128xf32, #tpu.memory_space<vmem_shared>> -> memref<16x128xf32, #tpu.memory_space<vmem_shared>>
        %dma_wait3A_620 = arith.constant 0 : i32
        %dma_wait3A_621 = arith.constant 0 : i32
        %dma_wait3A_622 = tpu.memref_slice %arg15[%dma_wait3A_620, %dma_wait3A_621] : memref<24x128xf32, #tpu.memory_space<vmem>> -> memref<16x128xf32, #tpu.memory_space<vmem>>
        tpu.wait_dma2 semaphore(%run_scoped3A : memref<!tpu.dma_semaphore, #tpu.memory_space<semaphore_mem>>) src(%dma_wait3A_622 : memref<16x128xf32, #tpu.memory_space<vmem>>) dst(%dma_wait3A_619 : memref<16x128xf32, #tpu.memory_space<vmem_shared>>)
        tpu.yield
      }) : () -> ()
    } else {
    }
    %barrier3A_81 = arith.constant 0 : index
    tpu.barrier barrier_id(%barrier3A_81)
    %rem3A_82 = arith.constant 0 : i32
    %rem3A_83 = arith.constant 250 : i32
    %rem3A_84 = arith.remsi %rem3A_82, %rem3A_83 : i32
    %mul3A_85 = arith.constant 80 : i32
    %mul3A_86 = arith.muli %mul3A_85, %rem3A_84 : i32
    %add3A_87 = arith.addi %mul3A_0, %mul3A_86 : i32
    %dma_start3A_88 = tpu.memref_slice %arg3[%add3A_87] : memref<320000xi32, #tpu.memory_space<hbm>> -> memref<80xi32, #tpu.memory_space<hbm>>
    %dma_start3A_89 = tpu.memref_slice %arg3[%add3A_87] : memref<320000xi32, #tpu.memory_space<hbm>> -> memref<80xi32, #tpu.memory_space<hbm>>
    tpu.enqueue_dma source(%dma_start3A_89 : memref<80xi32, #tpu.memory_space<hbm>>) target(%arg7 : memref<80xi32, #tpu.memory_space<vmem>>) target_semaphore(%arg17 : memref<!tpu.dma_semaphore, #tpu.memory_space<semaphore_mem>>)
    %dma_start3A_90 = tpu.memref_slice %arg4[%add3A_87] : memref<320000xi32, #tpu.memory_space<hbm>> -> memref<80xi32, #tpu.memory_space<hbm>>
    %dma_start3A_91 = tpu.memref_slice %arg4[%add3A_87] : memref<320000xi32, #tpu.memory_space<hbm>> -> memref<80xi32, #tpu.memory_space<hbm>>
    tpu.enqueue_dma source(%dma_start3A_91 : memref<80xi32, #tpu.memory_space<hbm>>) target(%arg9 : memref<80xi32, #tpu.memory_space<vmem>>) target_semaphore(%arg19 : memref<!tpu.dma_semaphore, #tpu.memory_space<semaphore_mem>>)
    %rem3A_92 = arith.constant 1 : i32
    %rem3A_93 = arith.constant 250 : i32
    %rem3A_94 = arith.remsi %rem3A_92, %rem3A_93 : i32
    %mul3A_95 = arith.constant 80 : i32
    %mul3A_96 = arith.muli %mul3A_95, %rem3A_94 : i32
    %add3A_97 = arith.addi %mul3A_0, %mul3A_96 : i32
    %dma_start3A_98 = tpu.memref_slice %arg3[%add3A_97] : memref<320000xi32, #tpu.memory_space<hbm>> -> memref<80xi32, #tpu.memory_space<hbm>>
    %dma_start3A_99 = tpu.memref_slice %arg3[%add3A_97] : memref<320000xi32, #tpu.memory_space<hbm>> -> memref<80xi32, #tpu.memory_space<hbm>>
    tpu.enqueue_dma source(%dma_start3A_99 : memref<80xi32, #tpu.memory_space<hbm>>) target(%arg8 : memref<80xi32, #tpu.memory_space<vmem>>) target_semaphore(%arg18 : memref<!tpu.dma_semaphore, #tpu.memory_space<semaphore_mem>>)
    %dma_start3A_100 = tpu.memref_slice %arg4[%add3A_97] : memref<320000xi32, #tpu.memory_space<hbm>> -> memref<80xi32, #tpu.memory_space<hbm>>
    %dma_start3A_101 = tpu.memref_slice %arg4[%add3A_97] : memref<320000xi32, #tpu.memory_space<hbm>> -> memref<80xi32, #tpu.memory_space<hbm>>
    tpu.enqueue_dma source(%dma_start3A_101 : memref<80xi32, #tpu.memory_space<hbm>>) target(%arg10 : memref<80xi32, #tpu.memory_space<vmem>>) target_semaphore(%arg20 : memref<!tpu.dma_semaphore, #tpu.memory_space<semaphore_mem>>)
    %dma_wait3A_102 = arith.constant 0 : i32
    %dma_wait3A_103 = tpu.memref_slice %arg3[%dma_wait3A_102] : memref<320000xi32, #tpu.memory_space<hbm>> -> memref<80xi32, #tpu.memory_space<hbm>>
    %dma_wait3A_104 = arith.constant 0 : i32
    %dma_wait3A_105 = tpu.memref_slice %arg3[%dma_wait3A_104] : memref<320000xi32, #tpu.memory_space<hbm>> -> memref<80xi32, #tpu.memory_space<hbm>>
    tpu.wait_dma2 semaphore(%arg17 : memref<!tpu.dma_semaphore, #tpu.memory_space<semaphore_mem>>) src(%dma_wait3A_105 : memref<80xi32, #tpu.memory_space<hbm>>) dst(%arg7 : memref<80xi32, #tpu.memory_space<vmem>>)
    %dma_wait3A_106 = arith.constant 0 : i32
    %dma_wait3A_107 = tpu.memref_slice %arg4[%dma_wait3A_106] : memref<320000xi32, #tpu.memory_space<hbm>> -> memref<80xi32, #tpu.memory_space<hbm>>
    %dma_wait3A_108 = arith.constant 0 : i32
    %dma_wait3A_109 = tpu.memref_slice %arg4[%dma_wait3A_108] : memref<320000xi32, #tpu.memory_space<hbm>> -> memref<80xi32, #tpu.memory_space<hbm>>
    tpu.wait_dma2 semaphore(%arg19 : memref<!tpu.dma_semaphore, #tpu.memory_space<semaphore_mem>>) src(%dma_wait3A_109 : memref<80xi32, #tpu.memory_space<hbm>>) dst(%arg9 : memref<80xi32, #tpu.memory_space<vmem>>)
    %get3A = arith.constant 0 : index
    %get3A_110 = tpu.vector_load %arg7[%get3A] {strides = array<i32>} : memref<80xi32, #tpu.memory_space<vmem>>, vector<16xi32>,
    %get3A_111 = vector.shape_cast %get3A_110 : vector<16xi32> to vector<16xi32>
    %add3A_112 = vector.broadcast %mul3A_69 : i32 to vector<16xi32>
    %add3A_113 = arith.addi %get3A_111, %add3A_112 : vector<16xi32>
    %swap3A = arith.constant 0 : index
    %swap3A_114 = tpu.vector_load %arg7[%swap3A] {strides = array<i32>} : memref<80xi32, #tpu.memory_space<vmem>>, vector<16xi32>,
    %swap3A_115 = vector.shape_cast %swap3A_114 : vector<16xi32> to vector<16xi32>
    %swap3A_116 = vector.shape_cast %add3A_113 : vector<16xi32> to vector<16xi32>
    tpu.vector_store %arg7[%swap3A], %swap3A_116 {strides = array<i32>} : memref<80xi32, #tpu.memory_space<vmem>>, vector<16xi32>,
    %get3A_117 = arith.constant 16 : index
    %get3A_118 = tpu.vector_load %arg7[%get3A_117] {strides = array<i32>} : memref<80xi32, #tpu.memory_space<vmem>>, vector<16xi32>,
    %get3A_119 = vector.shape_cast %get3A_118 : vector<16xi32> to vector<16xi32>
    %add3A_120 = vector.broadcast %mul3A_69 : i32 to vector<16xi32>
    %add3A_121 = arith.addi %get3A_119, %add3A_120 : vector<16xi32>
    %swap3A_122 = arith.constant 16 : index
    %swap3A_123 = tpu.vector_load %arg7[%swap3A_122] {strides = array<i32>} : memref<80xi32, #tpu.memory_space<vmem>>, vector<16xi32>,
    %swap3A_124 = vector.shape_cast %swap3A_123 : vector<16xi32> to vector<16xi32>
    %swap3A_125 = vector.shape_cast %add3A_121 : vector<16xi32> to vector<16xi32>
    tpu.vector_store %arg7[%swap3A_122], %swap3A_125 {strides = array<i32>} : memref<80xi32, #tpu.memory_space<vmem>>, vector<16xi32>,
    %get3A_126 = arith.constant 32 : index
    %get3A_127 = tpu.vector_load %arg7[%get3A_126] {strides = array<i32>} : memref<80xi32, #tpu.memory_space<vmem>>, vector<16xi32>,
    %get3A_128 = vector.shape_cast %get3A_127 : vector<16xi32> to vector<16xi32>
    %add3A_129 = vector.broadcast %mul3A_69 : i32 to vector<16xi32>
    %add3A_130 = arith.addi %get3A_128, %add3A_129 : vector<16xi32>
    %swap3A_131 = arith.constant 32 : index
    %swap3A_132 = tpu.vector_load %arg7[%swap3A_131] {strides = array<i32>} : memref<80xi32, #tpu.memory_space<vmem>>, vector<16xi32>,
    %swap3A_133 = vector.shape_cast %swap3A_132 : vector<16xi32> to vector<16xi32>
    %swap3A_134 = vector.shape_cast %add3A_130 : vector<16xi32> to vector<16xi32>
    tpu.vector_store %arg7[%swap3A_131], %swap3A_134 {strides = array<i32>} : memref<80xi32, #tpu.memory_space<vmem>>, vector<16xi32>,
    %get3A_135 = arith.constant 48 : index
    %get3A_136 = tpu.vector_load %arg7[%get3A_135] {strides = array<i32>} : memref<80xi32, #tpu.memory_space<vmem>>, vector<16xi32>,
    %get3A_137 = vector.shape_cast %get3A_136 : vector<16xi32> to vector<16xi32>
    %add3A_138 = vector.broadcast %mul3A_69 : i32 to vector<16xi32>
    %add3A_139 = arith.addi %get3A_137, %add3A_138 : vector<16xi32>
    %swap3A_140 = arith.constant 48 : index
    %swap3A_141 = tpu.vector_load %arg7[%swap3A_140] {strides = array<i32>} : memref<80xi32, #tpu.memory_space<vmem>>, vector<16xi32>,
    %swap3A_142 = vector.shape_cast %swap3A_141 : vector<16xi32> to vector<16xi32>
    %swap3A_143 = vector.shape_cast %add3A_139 : vector<16xi32> to vector<16xi32>
    tpu.vector_store %arg7[%swap3A_140], %swap3A_143 {strides = array<i32>} : memref<80xi32, #tpu.memory_space<vmem>>, vector<16xi32>,
    %get3A_144 = arith.constant 64 : index
    %get3A_145 = tpu.vector_load %arg7[%get3A_144] {strides = array<i32>} : memref<80xi32, #tpu.memory_space<vmem>>, vector<16xi32>,
    %get3A_146 = vector.shape_cast %get3A_145 : vector<16xi32> to vector<16xi32>
    %add3A_147 = vector.broadcast %mul3A_69 : i32 to vector<16xi32>
    %add3A_148 = arith.addi %get3A_146, %add3A_147 : vector<16xi32>
    %swap3A_149 = arith.constant 64 : index
    %swap3A_150 = tpu.vector_load %arg7[%swap3A_149] {strides = array<i32>} : memref<80xi32, #tpu.memory_space<vmem>>, vector<16xi32>,
    %swap3A_151 = vector.shape_cast %swap3A_150 : vector<16xi32> to vector<16xi32>
    %swap3A_152 = vector.shape_cast %add3A_148 : vector<16xi32> to vector<16xi32>
    tpu.vector_store %arg7[%swap3A_149], %swap3A_152 {strides = array<i32>} : memref<80xi32, #tpu.memory_space<vmem>>, vector<16xi32>,
    %dma_start3A_153 = arith.constant 0 : i32
    %dma_start3A_154 = arith.constant 0 : i32
    %dma_start3A_155 = tpu.memref_slice %arg2[%dma_start3A_153, %dma_start3A_154] : memref<40000x128xf32, #tpu.memory_space<hbm>> -> memref<40000x128xf32, #tpu.memory_space<hbm>>
    tpu.enqueue_indirect_dma source(%dma_start3A_155 : memref<40000x128xf32, #tpu.memory_space<hbm>>) target(%arg13 : memref<80x128xf32, #tpu.memory_space<vmem>>) offsets(%arg7 : memref<80xi32, #tpu.memory_space<vmem>>) semaphore(%arg21 : memref<!tpu.dma_semaphore, #tpu.memory_space<semaphore_mem>>)
    %dma_wait3A_156 = arith.constant 0 : i32
    %dma_wait3A_157 = tpu.memref_slice %arg3[%dma_wait3A_156] : memref<320000xi32, #tpu.memory_space<hbm>> -> memref<80xi32, #tpu.memory_space<hbm>>
    %dma_wait3A_158 = arith.constant 0 : i32
    %dma_wait3A_159 = tpu.memref_slice %arg3[%dma_wait3A_158] : memref<320000xi32, #tpu.memory_space<hbm>> -> memref<80xi32, #tpu.memory_space<hbm>>
    tpu.wait_dma2 semaphore(%arg18 : memref<!tpu.dma_semaphore, #tpu.memory_space<semaphore_mem>>) src(%dma_wait3A_159 : memref<80xi32, #tpu.memory_space<hbm>>) dst(%arg8 : memref<80xi32, #tpu.memory_space<vmem>>)
    %dma_wait3A_160 = arith.constant 0 : i32
    %dma_wait3A_161 = tpu.memref_slice %arg4[%dma_wait3A_160] : memref<320000xi32, #tpu.memory_space<hbm>> -> memref<80xi32, #tpu.memory_space<hbm>>
    %dma_wait3A_162 = arith.constant 0 : i32
    %dma_wait3A_163 = tpu.memref_slice %arg4[%dma_wait3A_162] : memref<320000xi32, #tpu.memory_space<hbm>> -> memref<80xi32, #tpu.memory_space<hbm>>
    tpu.wait_dma2 semaphore(%arg20 : memref<!tpu.dma_semaphore, #tpu.memory_space<semaphore_mem>>) src(%dma_wait3A_163 : memref<80xi32, #tpu.memory_space<hbm>>) dst(%arg10 : memref<80xi32, #tpu.memory_space<vmem>>)
    %get3A_164 = arith.constant 0 : index
    %get3A_165 = tpu.vector_load %arg8[%get3A_164] {strides = array<i32>} : memref<80xi32, #tpu.memory_space<vmem>>, vector<16xi32>,
    %get3A_166 = vector.shape_cast %get3A_165 : vector<16xi32> to vector<16xi32>
    %add3A_167 = vector.broadcast %mul3A_69 : i32 to vector<16xi32>
    %add3A_168 = arith.addi %get3A_166, %add3A_167 : vector<16xi32>
    %swap3A_169 = arith.constant 0 : index
    %swap3A_170 = tpu.vector_load %arg8[%swap3A_169] {strides = array<i32>} : memref<80xi32, #tpu.memory_space<vmem>>, vector<16xi32>,
    %swap3A_171 = vector.shape_cast %swap3A_170 : vector<16xi32> to vector<16xi32>
    %swap3A_172 = vector.shape_cast %add3A_168 : vector<16xi32> to vector<16xi32>
    tpu.vector_store %arg8[%swap3A_169], %swap3A_172 {strides = array<i32>} : memref<80xi32, #tpu.memory_space<vmem>>, vector<16xi32>,
    %get3A_173 = arith.constant 16 : index
    %get3A_174 = tpu.vector_load %arg8[%get3A_173] {strides = array<i32>} : memref<80xi32, #tpu.memory_space<vmem>>, vector<16xi32>,
    %get3A_175 = vector.shape_cast %get3A_174 : vector<16xi32> to vector<16xi32>
    %add3A_176 = vector.broadcast %mul3A_69 : i32 to vector<16xi32>
    %add3A_177 = arith.addi %get3A_175, %add3A_176 : vector<16xi32>
    %swap3A_178 = arith.constant 16 : index
    %swap3A_179 = tpu.vector_load %arg8[%swap3A_178] {strides = array<i32>} : memref<80xi32, #tpu.memory_space<vmem>>, vector<16xi32>,
    %swap3A_180 = vector.shape_cast %swap3A_179 : vector<16xi32> to vector<16xi32>
    %swap3A_181 = vector.shape_cast %add3A_177 : vector<16xi32> to vector<16xi32>
    tpu.vector_store %arg8[%swap3A_178], %swap3A_181 {strides = array<i32>} : memref<80xi32, #tpu.memory_space<vmem>>, vector<16xi32>,
    %get3A_182 = arith.constant 32 : index
    %get3A_183 = tpu.vector_load %arg8[%get3A_182] {strides = array<i32>} : memref<80xi32, #tpu.memory_space<vmem>>, vector<16xi32>,
    %get3A_184 = vector.shape_cast %get3A_183 : vector<16xi32> to vector<16xi32>
    %add3A_185 = vector.broadcast %mul3A_69 : i32 to vector<16xi32>
    %add3A_186 = arith.addi %get3A_184, %add3A_185 : vector<16xi32>
    %swap3A_187 = arith.constant 32 : index
    %swap3A_188 = tpu.vector_load %arg8[%swap3A_187] {strides = array<i32>} : memref<80xi32, #tpu.memory_space<vmem>>, vector<16xi32>,
    %swap3A_189 = vector.shape_cast %swap3A_188 : vector<16xi32> to vector<16xi32>
    %swap3A_190 = vector.shape_cast %add3A_186 : vector<16xi32> to vector<16xi32>
    tpu.vector_store %arg8[%swap3A_187], %swap3A_190 {strides = array<i32>} : memref<80xi32, #tpu.memory_space<vmem>>, vector<16xi32>,
    %get3A_191 = arith.constant 48 : index
    %get3A_192 = tpu.vector_load %arg8[%get3A_191] {strides = array<i32>} : memref<80xi32, #tpu.memory_space<vmem>>, vector<16xi32>,
    %get3A_193 = vector.shape_cast %get3A_192 : vector<16xi32> to vector<16xi32>
    %add3A_194 = vector.broadcast %mul3A_69 : i32 to vector<16xi32>
    %add3A_195 = arith.addi %get3A_193, %add3A_194 : vector<16xi32>
    %swap3A_196 = arith.constant 48 : index
    %swap3A_197 = tpu.vector_load %arg8[%swap3A_196] {strides = array<i32>} : memref<80xi32, #tpu.memory_space<vmem>>, vector<16xi32>,
    %swap3A_198 = vector.shape_cast %swap3A_197 : vector<16xi32> to vector<16xi32>
    %swap3A_199 = vector.shape_cast %add3A_195 : vector<16xi32> to vector<16xi32>
    tpu.vector_store %arg8[%swap3A_196], %swap3A_199 {strides = array<i32>} : memref<80xi32, #tpu.memory_space<vmem>>, vector<16xi32>,
    %get3A_200 = arith.constant 64 : index
    %get3A_201 = tpu.vector_load %arg8[%get3A_200] {strides = array<i32>} : memref<80xi32, #tpu.memory_space<vmem>>, vector<16xi32>,
    %get3A_202 = vector.shape_cast %get3A_201 : vector<16xi32> to vector<16xi32>
    %add3A_203 = vector.broadcast %mul3A_69 : i32 to vector<16xi32>
    %add3A_204 = arith.addi %get3A_202, %add3A_203 : vector<16xi32>
    %swap3A_205 = arith.constant 64 : index
    %swap3A_206 = tpu.vector_load %arg8[%swap3A_205] {strides = array<i32>} : memref<80xi32, #tpu.memory_space<vmem>>, vector<16xi32>,
    %swap3A_207 = vector.shape_cast %swap3A_206 : vector<16xi32> to vector<16xi32>
    %swap3A_208 = vector.shape_cast %add3A_204 : vector<16xi32> to vector<16xi32>
    tpu.vector_store %arg8[%swap3A_205], %swap3A_208 {strides = array<i32>} : memref<80xi32, #tpu.memory_space<vmem>>, vector<16xi32>,
    %dma_wait3A_209 = arith.constant 0 : i32
    %dma_wait3A_210 = arith.constant 0 : i32
    %dma_wait3A_211 = tpu.memref_slice %arg2[%dma_wait3A_209, %dma_wait3A_210] : memref<40000x128xf32, #tpu.memory_space<hbm>> -> memref<40000x128xf32, #tpu.memory_space<hbm>>
    tpu.wait_indirect_dma semaphore(%arg21 : memref<!tpu.dma_semaphore, #tpu.memory_space<semaphore_mem>>) src(%dma_wait3A_211 : memref<40000x128xf32, #tpu.memory_space<hbm>>) dst(%arg13 : memref<80x128xf32, #tpu.memory_space<vmem>>)
    %dma_start3A_212 = arith.constant 0 : i32
    %dma_start3A_213 = arith.constant 0 : i32
    %dma_start3A_214 = tpu.memref_slice %arg2[%dma_start3A_212, %dma_start3A_213] : memref<40000x128xf32, #tpu.memory_space<hbm>> -> memref<40000x128xf32, #tpu.memory_space<hbm>>
    tpu.enqueue_indirect_dma source(%dma_start3A_214 : memref<40000x128xf32, #tpu.memory_space<hbm>>) target(%arg14 : memref<80x128xf32, #tpu.memory_space<vmem>>) offsets(%arg8 : memref<80xi32, #tpu.memory_space<vmem>>) semaphore(%arg22 : memref<!tpu.dma_semaphore, #tpu.memory_space<semaphore_mem>>)
    %get3A_215 = arith.constant 0 : index
    %get3A_216 = tpu.vector_load %arg9[%get3A_215] {strides = array<i32>} : memref<80xi32, #tpu.memory_space<vmem>>, vector<16xi32>,
    %get3A_217 = vector.shape_cast %get3A_216 : vector<16xi32> to vector<16xi32>
    %swap3A_218 = arith.constant 0 : index
    %swap3A_219 = tpu.vector_load %arg11[%swap3A_218] {strides = array<i32>} : memref<80xi32, #tpu.memory_space<vmem>>, vector<16xi32>,
    %swap3A_220 = vector.shape_cast %swap3A_219 : vector<16xi32> to vector<16xi32>
    %swap3A_221 = vector.shape_cast %get3A_217 : vector<16xi32> to vector<16xi32>
    tpu.vector_store %arg11[%swap3A_218], %swap3A_221 {strides = array<i32>} : memref<80xi32, #tpu.memory_space<vmem>>, vector<16xi32>,
    %get3A_222 = arith.constant 16 : index
    %get3A_223 = tpu.vector_load %arg9[%get3A_222] {strides = array<i32>} : memref<80xi32, #tpu.memory_space<vmem>>, vector<16xi32>,
    %get3A_224 = vector.shape_cast %get3A_223 : vector<16xi32> to vector<16xi32>
    %swap3A_225 = arith.constant 16 : index
    %swap3A_226 = tpu.vector_load %arg11[%swap3A_225] {strides = array<i32>} : memref<80xi32, #tpu.memory_space<vmem>>, vector<16xi32>,
    %swap3A_227 = vector.shape_cast %swap3A_226 : vector<16xi32> to vector<16xi32>
    %swap3A_228 = vector.shape_cast %get3A_224 : vector<16xi32> to vector<16xi32>
    tpu.vector_store %arg11[%swap3A_225], %swap3A_228 {strides = array<i32>} : memref<80xi32, #tpu.memory_space<vmem>>, vector<16xi32>,
    %get3A_229 = arith.constant 32 : index
    %get3A_230 = tpu.vector_load %arg9[%get3A_229] {strides = array<i32>} : memref<80xi32, #tpu.memory_space<vmem>>, vector<16xi32>,
    %get3A_231 = vector.shape_cast %get3A_230 : vector<16xi32> to vector<16xi32>
    %swap3A_232 = arith.constant 32 : index
    %swap3A_233 = tpu.vector_load %arg11[%swap3A_232] {strides = array<i32>} : memref<80xi32, #tpu.memory_space<vmem>>, vector<16xi32>,
    %swap3A_234 = vector.shape_cast %swap3A_233 : vector<16xi32> to vector<16xi32>
    %swap3A_235 = vector.shape_cast %get3A_231 : vector<16xi32> to vector<16xi32>
    tpu.vector_store %arg11[%swap3A_232], %swap3A_235 {strides = array<i32>} : memref<80xi32, #tpu.memory_space<vmem>>, vector<16xi32>,
    %get3A_236 = arith.constant 48 : index
    %get3A_237 = tpu.vector_load %arg9[%get3A_236] {strides = array<i32>} : memref<80xi32, #tpu.memory_space<vmem>>, vector<16xi32>,
    %get3A_238 = vector.shape_cast %get3A_237 : vector<16xi32> to vector<16xi32>
    %swap3A_239 = arith.constant 48 : index
    %swap3A_240 = tpu.vector_load %arg11[%swap3A_239] {strides = array<i32>} : memref<80xi32, #tpu.memory_space<vmem>>, vector<16xi32>,
    %swap3A_241 = vector.shape_cast %swap3A_240 : vector<16xi32> to vector<16xi32>
    %swap3A_242 = vector.shape_cast %get3A_238 : vector<16xi32> to vector<16xi32>
    tpu.vector_store %arg11[%swap3A_239], %swap3A_242 {strides = array<i32>} : memref<80xi32, #tpu.memory_space<vmem>>, vector<16xi32>,
    %get3A_243 = arith.constant 64 : index
    %get3A_244 = tpu.vector_load %arg9[%get3A_243] {strides = array<i32>} : memref<80xi32, #tpu.memory_space<vmem>>, vector<16xi32>,
    %get3A_245 = vector.shape_cast %get3A_244 : vector<16xi32> to vector<16xi32>
    %swap3A_246 = arith.constant 64 : index
    %swap3A_247 = tpu.vector_load %arg11[%swap3A_246] {strides = array<i32>} : memref<80xi32, #tpu.memory_space<vmem>>, vector<16xi32>,
    %swap3A_248 = vector.shape_cast %swap3A_247 : vector<16xi32> to vector<16xi32>
    %swap3A_249 = vector.shape_cast %get3A_245 : vector<16xi32> to vector<16xi32>
    tpu.vector_store %arg11[%swap3A_246], %swap3A_249 {strides = array<i32>} : memref<80xi32, #tpu.memory_space<vmem>>, vector<16xi32>,
    %dma_start3A_250 = arith.constant 0 : i32
    %dma_start3A_251 = arith.constant 0 : i32
    %dma_start3A_252 = tpu.memref_slice %arg16[%dma_start3A_250, %dma_start3A_251] : memref<10000x128xf32, #tpu.memory_space<vmem_shared>> -> memref<10000x128xf32, #tpu.memory_space<vmem_shared>>
    tpu.enqueue_indirect_dma source(%arg13 : memref<80x128xf32, #tpu.memory_space<vmem>>) target(%dma_start3A_252 : memref<10000x128xf32, #tpu.memory_space<vmem_shared>>) offsets(%arg11 : memref<80xi32, #tpu.memory_space<vmem>>) semaphore(%arg23 : memref<!tpu.dma_semaphore, #tpu.memory_space<semaphore_mem>>) {add = true}
    %rem3A_253 = arith.constant 2 : i32
    %rem3A_254 = arith.constant 250 : i32
    %rem3A_255 = arith.remsi %rem3A_253, %rem3A_254 : i32
    %mul3A_256 = arith.constant 80 : i32
    %mul3A_257 = arith.muli %mul3A_256, %rem3A_255 : i32
    %add3A_258 = arith.addi %mul3A_0, %mul3A_257 : i32
    %dma_start3A_259 = tpu.memref_slice %arg3[%add3A_258] : memref<320000xi32, #tpu.memory_space<hbm>> -> memref<80xi32, #tpu.memory_space<hbm>>
    %dma_start3A_260 = tpu.memref_slice %arg3[%add3A_258] : memref<320000xi32, #tpu.memory_space<hbm>> -> memref<80xi32, #tpu.memory_space<hbm>>
    tpu.enqueue_dma source(%dma_start3A_260 : memref<80xi32, #tpu.memory_space<hbm>>) target(%arg7 : memref<80xi32, #tpu.memory_space<vmem>>) target_semaphore(%arg17 : memref<!tpu.dma_semaphore, #tpu.memory_space<semaphore_mem>>)
    %dma_start3A_261 = tpu.memref_slice %arg4[%add3A_258] : memref<320000xi32, #tpu.memory_space<hbm>> -> memref<80xi32, #tpu.memory_space<hbm>>
    %dma_start3A_262 = tpu.memref_slice %arg4[%add3A_258] : memref<320000xi32, #tpu.memory_space<hbm>> -> memref<80xi32, #tpu.memory_space<hbm>>
    tpu.enqueue_dma source(%dma_start3A_262 : memref<80xi32, #tpu.memory_space<hbm>>) target(%arg9 : memref<80xi32, #tpu.memory_space<vmem>>) target_semaphore(%arg19 : memref<!tpu.dma_semaphore, #tpu.memory_space<semaphore_mem>>)
    %scan3A_263 = arith.constant 0 : i32
    %scan3A_264 = arith.constant 0 : i32
    %scan3A_265 = arith.constant 124 : i32
    %scan3A_266 = arith.addi %scan3A_264, %scan3A_265 : i32
    %scan3A_267 = arith.constant 1 : i32
    scf.for %scan3A_599 = %scan3A_264 to %scan3A_266 step %scan3A_267  : i32 {
      %mul3A_600 = arith.constant 2 : i32
      %mul3A_601 = arith.muli %mul3A_600, %scan3A_599 : i32
      %add3A_602 = arith.constant 2 : i32
      %add3A_603 = arith.addi %mul3A_601, %add3A_602 : i32
      %sub3A = arith.constant 1 : i32
      %sub3A_604 = arith.subi %add3A_603, %sub3A : i32
      %dma_wait3A_605 = arith.constant 0 : i32
      %dma_wait3A_606 = tpu.memref_slice %arg3[%dma_wait3A_605] : memref<320000xi32, #tpu.memory_space<hbm>> -> memref<80xi32, #tpu.memory_space<hbm>>
      %dma_wait3A_607 = arith.constant 0 : i32
      %dma_wait3A_608 = tpu.memref_slice %arg3[%dma_wait3A_607] : memref<320000xi32, #tpu.memory_space<hbm>> -> memref<80xi32, #tpu.memory_space<hbm>>
      tpu.wait_dma2 semaphore(%arg17 : memref<!tpu.dma_semaphore, #tpu.memory_space<semaphore_mem>>) src(%dma_wait3A_608 : memref<80xi32, #tpu.memory_space<hbm>>) dst(%arg7 : memref<80xi32, #tpu.memory_space<vmem>>)
      %dma_wait3A_609 = arith.constant 0 : i32
      %dma_wait3A_610 = tpu.memref_slice %arg4[%dma_wait3A_609] : memref<320000xi32, #tpu.memory_space<hbm>> -> memref<80xi32, #tpu.memory_space<hbm>>
      %dma_wait3A_611 = arith.constant 0 : i32
      %dma_wait3A_612 = tpu.memref_slice %arg4[%dma_wait3A_611] : memref<320000xi32, #tpu.memory_space<hbm>> -> memref<80xi32, #tpu.memory_space<hbm>>
      tpu.wait_dma2 semaphore(%arg19 : memref<!tpu.dma_semaphore, #tpu.memory_space<semaphore_mem>>) src(%dma_wait3A_612 : memref<80xi32, #tpu.memory_space<hbm>>) dst(%arg9 : memref<80xi32, #tpu.memory_space<vmem>>)
      %get3A_613 = arith.constant 0 : index
      %get3A_614 = tpu.vector_load %arg7[%get3A_613] {strides = array<i32>} : memref<80xi32, #tpu.memory_space<vmem>>, vector<16xi32>,
      %get3A_615 = vector.shape_cast %get3A_614 : vector<16xi32> to vector<16xi32>
      %add3A_616 = vector.broadcast %mul3A_69 : i32 to vector<16xi32>
      %add3A_617 = arith.addi %get3A_615, %add3A_616 : vector<16xi32>
      %swap3A_618 = arith.constant 0 : index
      %swap3A_619 = tpu.vector_load %arg7[%swap3A_618] {strides = array<i32>} : memref<80xi32, #tpu.memory_space<vmem>>, vector<16xi32>,
      %swap3A_620 = vector.shape_cast %swap3A_619 : vector<16xi32> to vector<16xi32>
      %swap3A_621 = vector.shape_cast %add3A_617 : vector<16xi32> to vector<16xi32>
      tpu.vector_store %arg7[%swap3A_618], %swap3A_621 {strides = array<i32>} : memref<80xi32, #tpu.memory_space<vmem>>, vector<16xi32>,
      %get3A_622 = arith.constant 16 : index
      %get3A_623 = tpu.vector_load %arg7[%get3A_622] {strides = array<i32>} : memref<80xi32, #tpu.memory_space<vmem>>, vector<16xi32>,
      %get3A_624 = vector.shape_cast %get3A_623 : vector<16xi32> to vector<16xi32>
      %add3A_625 = vector.broadcast %mul3A_69 : i32 to vector<16xi32>
      %add3A_626 = arith.addi %get3A_624, %add3A_625 : vector<16xi32>
      %swap3A_627 = arith.constant 16 : index
      %swap3A_628 = tpu.vector_load %arg7[%swap3A_627] {strides = array<i32>} : memref<80xi32, #tpu.memory_space<vmem>>, vector<16xi32>,
      %swap3A_629 = vector.shape_cast %swap3A_628 : vector<16xi32> to vector<16xi32>
      %swap3A_630 = vector.shape_cast %add3A_626 : vector<16xi32> to vector<16xi32>
      tpu.vector_store %arg7[%swap3A_627], %swap3A_630 {strides = array<i32>} : memref<80xi32, #tpu.memory_space<vmem>>, vector<16xi32>,
      %get3A_631 = arith.constant 32 : index
      %get3A_632 = tpu.vector_load %arg7[%get3A_631] {strides = array<i32>} : memref<80xi32, #tpu.memory_space<vmem>>, vector<16xi32>,
      %get3A_633 = vector.shape_cast %get3A_632 : vector<16xi32> to vector<16xi32>
      %add3A_634 = vector.broadcast %mul3A_69 : i32 to vector<16xi32>
      %add3A_635 = arith.addi %get3A_633, %add3A_634 : vector<16xi32>
      %swap3A_636 = arith.constant 32 : index
      %swap3A_637 = tpu.vector_load %arg7[%swap3A_636] {strides = array<i32>} : memref<80xi32, #tpu.memory_space<vmem>>, vector<16xi32>,
      %swap3A_638 = vector.shape_cast %swap3A_637 : vector<16xi32> to vector<16xi32>
      %swap3A_639 = vector.shape_cast %add3A_635 : vector<16xi32> to vector<16xi32>
      tpu.vector_store %arg7[%swap3A_636], %swap3A_639 {strides = array<i32>} : memref<80xi32, #tpu.memory_space<vmem>>, vector<16xi32>,
      %get3A_640 = arith.constant 48 : index
      %get3A_641 = tpu.vector_load %arg7[%get3A_640] {strides = array<i32>} : memref<80xi32, #tpu.memory_space<vmem>>, vector<16xi32>,
      %get3A_642 = vector.shape_cast %get3A_641 : vector<16xi32> to vector<16xi32>
      %add3A_643 = vector.broadcast %mul3A_69 : i32 to vector<16xi32>
      %add3A_644 = arith.addi %get3A_642, %add3A_643 : vector<16xi32>
      %swap3A_645 = arith.constant 48 : index
      %swap3A_646 = tpu.vector_load %arg7[%swap3A_645] {strides = array<i32>} : memref<80xi32, #tpu.memory_space<vmem>>, vector<16xi32>,
      %swap3A_647 = vector.shape_cast %swap3A_646 : vector<16xi32> to vector<16xi32>
      %swap3A_648 = vector.shape_cast %add3A_644 : vector<16xi32> to vector<16xi32>
      tpu.vector_store %arg7[%swap3A_645], %swap3A_648 {strides = array<i32>} : memref<80xi32, #tpu.memory_space<vmem>>, vector<16xi32>,
      %get3A_649 = arith.constant 64 : index
      %get3A_650 = tpu.vector_load %arg7[%get3A_649] {strides = array<i32>} : memref<80xi32, #tpu.memory_space<vmem>>, vector<16xi32>,
      %get3A_651 = vector.shape_cast %get3A_650 : vector<16xi32> to vector<16xi32>
      %add3A_652 = vector.broadcast %mul3A_69 : i32 to vector<16xi32>
      %add3A_653 = arith.addi %get3A_651, %add3A_652 : vector<16xi32>
      %swap3A_654 = arith.constant 64 : index
      %swap3A_655 = tpu.vector_load %arg7[%swap3A_654] {strides = array<i32>} : memref<80xi32, #tpu.memory_space<vmem>>, vector<16xi32>,
      %swap3A_656 = vector.shape_cast %swap3A_655 : vector<16xi32> to vector<16xi32>
      %swap3A_657 = vector.shape_cast %add3A_653 : vector<16xi32> to vector<16xi32>
      tpu.vector_store %arg7[%swap3A_654], %swap3A_657 {strides = array<i32>} : memref<80xi32, #tpu.memory_space<vmem>>, vector<16xi32>,
      %dma_wait3A_658 = arith.constant 0 : i32
      %dma_wait3A_659 = arith.constant 0 : i32
      %dma_wait3A_660 = tpu.memref_slice %arg2[%dma_wait3A_658, %dma_wait3A_659] : memref<40000x128xf32, #tpu.memory_space<hbm>> -> memref<40000x128xf32, #tpu.memory_space<hbm>>
      tpu.wait_indirect_dma semaphore(%arg22 : memref<!tpu.dma_semaphore, #tpu.memory_space<semaphore_mem>>) src(%dma_wait3A_660 : memref<40000x128xf32, #tpu.memory_space<hbm>>) dst(%arg14 : memref<80x128xf32, #tpu.memory_space<vmem>>)
      %dma_wait3A_661 = arith.constant 0 : i32
      %dma_wait3A_662 = arith.constant 0 : i32
      %dma_wait3A_663 = tpu.memref_slice %arg16[%dma_wait3A_661, %dma_wait3A_662] : memref<10000x128xf32, #tpu.memory_space<vmem_shared>> -> memref<10000x128xf32, #tpu.memory_space<vmem_shared>>
      tpu.wait_indirect_dma semaphore(%arg23 : memref<!tpu.dma_semaphore, #tpu.memory_space<semaphore_mem>>) src(%arg13 : memref<80x128xf32, #tpu.memory_space<vmem>>) dst(%dma_wait3A_663 : memref<10000x128xf32, #tpu.memory_space<vmem_shared>>)
      %dma_start3A_664 = arith.constant 0 : i32
      %dma_start3A_665 = arith.constant 0 : i32
      %dma_start3A_666 = tpu.memref_slice %arg2[%dma_start3A_664, %dma_start3A_665] : memref<40000x128xf32, #tpu.memory_space<hbm>> -> memref<40000x128xf32, #tpu.memory_space<hbm>>
      tpu.enqueue_indirect_dma source(%dma_start3A_666 : memref<40000x128xf32, #tpu.memory_space<hbm>>) target(%arg13 : memref<80x128xf32, #tpu.memory_space<vmem>>) offsets(%arg7 : memref<80xi32, #tpu.memory_space<vmem>>) semaphore(%arg21 : memref<!tpu.dma_semaphore, #tpu.memory_space<semaphore_mem>>)
      %get3A_667 = arith.constant 0 : index
      %get3A_668 = tpu.vector_load %arg10[%get3A_667] {strides = array<i32>} : memref<80xi32, #tpu.memory_space<vmem>>, vector<16xi32>,
      %get3A_669 = vector.shape_cast %get3A_668 : vector<16xi32> to vector<16xi32>
      %swap3A_670 = arith.constant 0 : index
      %swap3A_671 = tpu.vector_load %arg12[%swap3A_670] {strides = array<i32>} : memref<80xi32, #tpu.memory_space<vmem>>, vector<16xi32>,
      %swap3A_672 = vector.shape_cast %swap3A_671 : vector<16xi32> to vector<16xi32>
      %swap3A_673 = vector.shape_cast %get3A_669 : vector<16xi32> to vector<16xi32>
      tpu.vector_store %arg12[%swap3A_670], %swap3A_673 {strides = array<i32>} : memref<80xi32, #tpu.memory_space<vmem>>, vector<16xi32>,
      %get3A_674 = arith.constant 16 : index
      %get3A_675 = tpu.vector_load %arg10[%get3A_674] {strides = array<i32>} : memref<80xi32, #tpu.memory_space<vmem>>, vector<16xi32>,
      %get3A_676 = vector.shape_cast %get3A_675 : vector<16xi32> to vector<16xi32>
      %swap3A_677 = arith.constant 16 : index
      %swap3A_678 = tpu.vector_load %arg12[%swap3A_677] {strides = array<i32>} : memref<80xi32, #tpu.memory_space<vmem>>, vector<16xi32>,
      %swap3A_679 = vector.shape_cast %swap3A_678 : vector<16xi32> to vector<16xi32>
      %swap3A_680 = vector.shape_cast %get3A_676 : vector<16xi32> to vector<16xi32>
      tpu.vector_store %arg12[%swap3A_677], %swap3A_680 {strides = array<i32>} : memref<80xi32, #tpu.memory_space<vmem>>, vector<16xi32>,
      %get3A_681 = arith.constant 32 : index
      %get3A_682 = tpu.vector_load %arg10[%get3A_681] {strides = array<i32>} : memref<80xi32, #tpu.memory_space<vmem>>, vector<16xi32>,
      %get3A_683 = vector.shape_cast %get3A_682 : vector<16xi32> to vector<16xi32>
      %swap3A_684 = arith.constant 32 : index
      %swap3A_685 = tpu.vector_load %arg12[%swap3A_684] {strides = array<i32>} : memref<80xi32, #tpu.memory_space<vmem>>, vector<16xi32>,
      %swap3A_686 = vector.shape_cast %swap3A_685 : vector<16xi32> to vector<16xi32>
      %swap3A_687 = vector.shape_cast %get3A_683 : vector<16xi32> to vector<16xi32>
      tpu.vector_store %arg12[%swap3A_684], %swap3A_687 {strides = array<i32>} : memref<80xi32, #tpu.memory_space<vmem>>, vector<16xi32>,
      %get3A_688 = arith.constant 48 : index
      %get3A_689 = tpu.vector_load %arg10[%get3A_688] {strides = array<i32>} : memref<80xi32, #tpu.memory_space<vmem>>, vector<16xi32>,
      %get3A_690 = vector.shape_cast %get3A_689 : vector<16xi32> to vector<16xi32>
      %swap3A_691 = arith.constant 48 : index
      %swap3A_692 = tpu.vector_load %arg12[%swap3A_691] {strides = array<i32>} : memref<80xi32, #tpu.memory_space<vmem>>, vector<16xi32>,
      %swap3A_693 = vector.shape_cast %swap3A_692 : vector<16xi32> to vector<16xi32>
      %swap3A_694 = vector.shape_cast %get3A_690 : vector<16xi32> to vector<16xi32>
      tpu.vector_store %arg12[%swap3A_691], %swap3A_694 {strides = array<i32>} : memref<80xi32, #tpu.memory_space<vmem>>, vector<16xi32>,
      %get3A_695 = arith.constant 64 : index
      %get3A_696 = tpu.vector_load %arg10[%get3A_695] {strides = array<i32>} : memref<80xi32, #tpu.memory_space<vmem>>, vector<16xi32>,
      %get3A_697 = vector.shape_cast %get3A_696 : vector<16xi32> to vector<16xi32>
      %swap3A_698 = arith.constant 64 : index
      %swap3A_699 = tpu.vector_load %arg12[%swap3A_698] {strides = array<i32>} : memref<80xi32, #tpu.memory_space<vmem>>, vector<16xi32>,
      %swap3A_700 = vector.shape_cast %swap3A_699 : vector<16xi32> to vector<16xi32>
      %swap3A_701 = vector.shape_cast %get3A_697 : vector<16xi32> to vector<16xi32>
      tpu.vector_store %arg12[%swap3A_698], %swap3A_701 {strides = array<i32>} : memref<80xi32, #tpu.memory_space<vmem>>, vector<16xi32>,
      %dma_start3A_702 = arith.constant 0 : i32
      %dma_start3A_703 = arith.constant 0 : i32
      %dma_start3A_704 = tpu.memref_slice %arg16[%dma_start3A_702, %dma_start3A_703] : memref<10000x128xf32, #tpu.memory_space<vmem_shared>> -> memref<10000x128xf32, #tpu.memory_space<vmem_shared>>
      tpu.enqueue_indirect_dma source(%arg14 : memref<80x128xf32, #tpu.memory_space<vmem>>) target(%dma_start3A_704 : memref<10000x128xf32, #tpu.memory_space<vmem_shared>>) offsets(%arg12 : memref<80xi32, #tpu.memory_space<vmem>>) semaphore(%arg24 : memref<!tpu.dma_semaphore, #tpu.memory_space<semaphore_mem>>) {add = true}
      %add3A_705 = arith.constant 2 : i32
      %add3A_706 = arith.addi %sub3A_604, %add3A_705 : i32
      %rem3A_707 = arith.constant 250 : i32
      %rem3A_708 = arith.remsi %add3A_706, %rem3A_707 : i32
      %mul3A_709 = arith.constant 80 : i32
      %mul3A_710 = arith.muli %mul3A_709, %rem3A_708 : i32
      %add3A_711 = arith.addi %mul3A_0, %mul3A_710 : i32
      %dma_start3A_712 = tpu.memref_slice %arg3[%add3A_711] : memref<320000xi32, #tpu.memory_space<hbm>> -> memref<80xi32, #tpu.memory_space<hbm>>
      %dma_start3A_713 = tpu.memref_slice %arg3[%add3A_711] : memref<320000xi32, #tpu.memory_space<hbm>> -> memref<80xi32, #tpu.memory_space<hbm>>
      tpu.enqueue_dma source(%dma_start3A_713 : memref<80xi32, #tpu.memory_space<hbm>>) target(%arg8 : memref<80xi32, #tpu.memory_space<vmem>>) target_semaphore(%arg18 : memref<!tpu.dma_semaphore, #tpu.memory_space<semaphore_mem>>)
      %dma_start3A_714 = tpu.memref_slice %arg4[%add3A_711] : memref<320000xi32, #tpu.memory_space<hbm>> -> memref<80xi32, #tpu.memory_space<hbm>>
      %dma_start3A_715 = tpu.memref_slice %arg4[%add3A_711] : memref<320000xi32, #tpu.memory_space<hbm>> -> memref<80xi32, #tpu.memory_space<hbm>>
      tpu.enqueue_dma source(%dma_start3A_715 : memref<80xi32, #tpu.memory_space<hbm>>) target(%arg10 : memref<80xi32, #tpu.memory_space<vmem>>) target_semaphore(%arg20 : memref<!tpu.dma_semaphore, #tpu.memory_space<semaphore_mem>>)
      %mul3A_716 = arith.constant 2 : i32
      %mul3A_717 = arith.muli %mul3A_716, %scan3A_599 : i32
      %add3A_718 = arith.constant 2 : i32
      %add3A_719 = arith.addi %mul3A_717, %add3A_718 : i32
      %sub3A_720 = arith.constant 0 : i32
      %sub3A_721 = arith.subi %add3A_719, %sub3A_720 : i32
      %dma_wait3A_722 = arith.constant 0 : i32
      %dma_wait3A_723 = tpu.memref_slice %arg3[%dma_wait3A_722] : memref<320000xi32, #tpu.memory_space<hbm>> -> memref<80xi32, #tpu.memory_space<hbm>>
      %dma_wait3A_724 = arith.constant 0 : i32
      %dma_wait3A_725 = tpu.memref_slice %arg3[%dma_wait3A_724] : memref<320000xi32, #tpu.memory_space<hbm>> -> memref<80xi32, #tpu.memory_space<hbm>>
      tpu.wait_dma2 semaphore(%arg18 : memref<!tpu.dma_semaphore, #tpu.memory_space<semaphore_mem>>) src(%dma_wait3A_725 : memref<80xi32, #tpu.memory_space<hbm>>) dst(%arg8 : memref<80xi32, #tpu.memory_space<vmem>>)
      %dma_wait3A_726 = arith.constant 0 : i32
      %dma_wait3A_727 = tpu.memref_slice %arg4[%dma_wait3A_726] : memref<320000xi32, #tpu.memory_space<hbm>> -> memref<80xi32, #tpu.memory_space<hbm>>
      %dma_wait3A_728 = arith.constant 0 : i32
      %dma_wait3A_729 = tpu.memref_slice %arg4[%dma_wait3A_728] : memref<320000xi32, #tpu.memory_space<hbm>> -> memref<80xi32, #tpu.memory_space<hbm>>
      tpu.wait_dma2 semaphore(%arg20 : memref<!tpu.dma_semaphore, #tpu.memory_space<semaphore_mem>>) src(%dma_wait3A_729 : memref<80xi32, #tpu.memory_space<hbm>>) dst(%arg10 : memref<80xi32, #tpu.memory_space<vmem>>)
      %get3A_730 = arith.constant 0 : index
      %get3A_731 = tpu.vector_load %arg8[%get3A_730] {strides = array<i32>} : memref<80xi32, #tpu.memory_space<vmem>>, vector<16xi32>,
      %get3A_732 = vector.shape_cast %get3A_731 : vector<16xi32> to vector<16xi32>
      %add3A_733 = vector.broadcast %mul3A_69 : i32 to vector<16xi32>
      %add3A_734 = arith.addi %get3A_732, %add3A_733 : vector<16xi32>
      %swap3A_735 = arith.constant 0 : index
      %swap3A_736 = tpu.vector_load %arg8[%swap3A_735] {strides = array<i32>} : memref<80xi32, #tpu.memory_space<vmem>>, vector<16xi32>,
      %swap3A_737 = vector.shape_cast %swap3A_736 : vector<16xi32> to vector<16xi32>
      %swap3A_738 = vector.shape_cast %add3A_734 : vector<16xi32> to vector<16xi32>
      tpu.vector_store %arg8[%swap3A_735], %swap3A_738 {strides = array<i32>} : memref<80xi32, #tpu.memory_space<vmem>>, vector<16xi32>,
      %get3A_739 = arith.constant 16 : index
      %get3A_740 = tpu.vector_load %arg8[%get3A_739] {strides = array<i32>} : memref<80xi32, #tpu.memory_space<vmem>>, vector<16xi32>,
      %get3A_741 = vector.shape_cast %get3A_740 : vector<16xi32> to vector<16xi32>
      %add3A_742 = vector.broadcast %mul3A_69 : i32 to vector<16xi32>
      %add3A_743 = arith.addi %get3A_741, %add3A_742 : vector<16xi32>
      %swap3A_744 = arith.constant 16 : index
      %swap3A_745 = tpu.vector_load %arg8[%swap3A_744] {strides = array<i32>} : memref<80xi32, #tpu.memory_space<vmem>>, vector<16xi32>,
      %swap3A_746 = vector.shape_cast %swap3A_745 : vector<16xi32> to vector<16xi32>
      %swap3A_747 = vector.shape_cast %add3A_743 : vector<16xi32> to vector<16xi32>
      tpu.vector_store %arg8[%swap3A_744], %swap3A_747 {strides = array<i32>} : memref<80xi32, #tpu.memory_space<vmem>>, vector<16xi32>,
      %get3A_748 = arith.constant 32 : index
      %get3A_749 = tpu.vector_load %arg8[%get3A_748] {strides = array<i32>} : memref<80xi32, #tpu.memory_space<vmem>>, vector<16xi32>,
      %get3A_750 = vector.shape_cast %get3A_749 : vector<16xi32> to vector<16xi32>
      %add3A_751 = vector.broadcast %mul3A_69 : i32 to vector<16xi32>
      %add3A_752 = arith.addi %get3A_750, %add3A_751 : vector<16xi32>
      %swap3A_753 = arith.constant 32 : index
      %swap3A_754 = tpu.vector_load %arg8[%swap3A_753] {strides = array<i32>} : memref<80xi32, #tpu.memory_space<vmem>>, vector<16xi32>,
      %swap3A_755 = vector.shape_cast %swap3A_754 : vector<16xi32> to vector<16xi32>
      %swap3A_756 = vector.shape_cast %add3A_752 : vector<16xi32> to vector<16xi32>
      tpu.vector_store %arg8[%swap3A_753], %swap3A_756 {strides = array<i32>} : memref<80xi32, #tpu.memory_space<vmem>>, vector<16xi32>,
      %get3A_757 = arith.constant 48 : index
      %get3A_758 = tpu.vector_load %arg8[%get3A_757] {strides = array<i32>} : memref<80xi32, #tpu.memory_space<vmem>>, vector<16xi32>,
      %get3A_759 = vector.shape_cast %get3A_758 : vector<16xi32> to vector<16xi32>
      %add3A_760 = vector.broadcast %mul3A_69 : i32 to vector<16xi32>
      %add3A_761 = arith.addi %get3A_759, %add3A_760 : vector<16xi32>
      %swap3A_762 = arith.constant 48 : index
      %swap3A_763 = tpu.vector_load %arg8[%swap3A_762] {strides = array<i32>} : memref<80xi32, #tpu.memory_space<vmem>>, vector<16xi32>,
      %swap3A_764 = vector.shape_cast %swap3A_763 : vector<16xi32> to vector<16xi32>
      %swap3A_765 = vector.shape_cast %add3A_761 : vector<16xi32> to vector<16xi32>
      tpu.vector_store %arg8[%swap3A_762], %swap3A_765 {strides = array<i32>} : memref<80xi32, #tpu.memory_space<vmem>>, vector<16xi32>,
      %get3A_766 = arith.constant 64 : index
      %get3A_767 = tpu.vector_load %arg8[%get3A_766] {strides = array<i32>} : memref<80xi32, #tpu.memory_space<vmem>>, vector<16xi32>,
      %get3A_768 = vector.shape_cast %get3A_767 : vector<16xi32> to vector<16xi32>
      %add3A_769 = vector.broadcast %mul3A_69 : i32 to vector<16xi32>
      %add3A_770 = arith.addi %get3A_768, %add3A_769 : vector<16xi32>
      %swap3A_771 = arith.constant 64 : index
      %swap3A_772 = tpu.vector_load %arg8[%swap3A_771] {strides = array<i32>} : memref<80xi32, #tpu.memory_space<vmem>>, vector<16xi32>,
      %swap3A_773 = vector.shape_cast %swap3A_772 : vector<16xi32> to vector<16xi32>
      %swap3A_774 = vector.shape_cast %add3A_770 : vector<16xi32> to vector<16xi32>
      tpu.vector_store %arg8[%swap3A_771], %swap3A_774 {strides = array<i32>} : memref<80xi32, #tpu.memory_space<vmem>>, vector<16xi32>,
      %dma_wait3A_775 = arith.constant 0 : i32
      %dma_wait3A_776 = arith.constant 0 : i32
      %dma_wait3A_777 = tpu.memref_slice %arg2[%dma_wait3A_775, %dma_wait3A_776] : memref<40000x128xf32, #tpu.memory_space<hbm>> -> memref<40000x128xf32, #tpu.memory_space<hbm>>
      tpu.wait_indirect_dma semaphore(%arg21 : memref<!tpu.dma_semaphore, #tpu.memory_space<semaphore_mem>>) src(%dma_wait3A_777 : memref<40000x128xf32, #tpu.memory_space<hbm>>) dst(%arg13 : memref<80x128xf32, #tpu.memory_space<vmem>>)
      %dma_wait3A_778 = arith.constant 0 : i32
      %dma_wait3A_779 = arith.constant 0 : i32
      %dma_wait3A_780 = tpu.memref_slice %arg16[%dma_wait3A_778, %dma_wait3A_779] : memref<10000x128xf32, #tpu.memory_space<vmem_shared>> -> memref<10000x128xf32, #tpu.memory_space<vmem_shared>>
      tpu.wait_indirect_dma semaphore(%arg24 : memref<!tpu.dma_semaphore, #tpu.memory_space<semaphore_mem>>) src(%arg14 : memref<80x128xf32, #tpu.memory_space<vmem>>) dst(%dma_wait3A_780 : memref<10000x128xf32, #tpu.memory_space<vmem_shared>>)
      %dma_start3A_781 = arith.constant 0 : i32
      %dma_start3A_782 = arith.constant 0 : i32
      %dma_start3A_783 = tpu.memref_slice %arg2[%dma_start3A_781, %dma_start3A_782] : memref<40000x128xf32, #tpu.memory_space<hbm>> -> memref<40000x128xf32, #tpu.memory_space<hbm>>
      tpu.enqueue_indirect_dma source(%dma_start3A_783 : memref<40000x128xf32, #tpu.memory_space<hbm>>) target(%arg14 : memref<80x128xf32, #tpu.memory_space<vmem>>) offsets(%arg8 : memref<80xi32, #tpu.memory_space<vmem>>) semaphore(%arg22 : memref<!tpu.dma_semaphore, #tpu.memory_space<semaphore_mem>>)
      %get3A_784 = arith.constant 0 : index
      %get3A_785 = tpu.vector_load %arg9[%get3A_784] {strides = array<i32>} : memref<80xi32, #tpu.memory_space<vmem>>, vector<16xi32>,
      %get3A_786 = vector.shape_cast %get3A_785 : vector<16xi32> to vector<16xi32>
      %swap3A_787 = arith.constant 0 : index
      %swap3A_788 = tpu.vector_load %arg11[%swap3A_787] {strides = array<i32>} : memref<80xi32, #tpu.memory_space<vmem>>, vector<16xi32>,
      %swap3A_789 = vector.shape_cast %swap3A_788 : vector<16xi32> to vector<16xi32>
      %swap3A_790 = vector.shape_cast %get3A_786 : vector<16xi32> to vector<16xi32>
      tpu.vector_store %arg11[%swap3A_787], %swap3A_790 {strides = array<i32>} : memref<80xi32, #tpu.memory_space<vmem>>, vector<16xi32>,
      %get3A_791 = arith.constant 16 : index
      %get3A_792 = tpu.vector_load %arg9[%get3A_791] {strides = array<i32>} : memref<80xi32, #tpu.memory_space<vmem>>, vector<16xi32>,
      %get3A_793 = vector.shape_cast %get3A_792 : vector<16xi32> to vector<16xi32>
      %swap3A_794 = arith.constant 16 : index
      %swap3A_795 = tpu.vector_load %arg11[%swap3A_794] {strides = array<i32>} : memref<80xi32, #tpu.memory_space<vmem>>, vector<16xi32>,
      %swap3A_796 = vector.shape_cast %swap3A_795 : vector<16xi32> to vector<16xi32>
      %swap3A_797 = vector.shape_cast %get3A_793 : vector<16xi32> to vector<16xi32>
      tpu.vector_store %arg11[%swap3A_794], %swap3A_797 {strides = array<i32>} : memref<80xi32, #tpu.memory_space<vmem>>, vector<16xi32>,
      %get3A_798 = arith.constant 32 : index
      %get3A_799 = tpu.vector_load %arg9[%get3A_798] {strides = array<i32>} : memref<80xi32, #tpu.memory_space<vmem>>, vector<16xi32>,
      %get3A_800 = vector.shape_cast %get3A_799 : vector<16xi32> to vector<16xi32>
      %swap3A_801 = arith.constant 32 : index
      %swap3A_802 = tpu.vector_load %arg11[%swap3A_801] {strides = array<i32>} : memref<80xi32, #tpu.memory_space<vmem>>, vector<16xi32>,
      %swap3A_803 = vector.shape_cast %swap3A_802 : vector<16xi32> to vector<16xi32>
      %swap3A_804 = vector.shape_cast %get3A_800 : vector<16xi32> to vector<16xi32>
      tpu.vector_store %arg11[%swap3A_801], %swap3A_804 {strides = array<i32>} : memref<80xi32, #tpu.memory_space<vmem>>, vector<16xi32>,
      %get3A_805 = arith.constant 48 : index
      %get3A_806 = tpu.vector_load %arg9[%get3A_805] {strides = array<i32>} : memref<80xi32, #tpu.memory_space<vmem>>, vector<16xi32>,
      %get3A_807 = vector.shape_cast %get3A_806 : vector<16xi32> to vector<16xi32>
      %swap3A_808 = arith.constant 48 : index
      %swap3A_809 = tpu.vector_load %arg11[%swap3A_808] {strides = array<i32>} : memref<80xi32, #tpu.memory_space<vmem>>, vector<16xi32>,
      %swap3A_810 = vector.shape_cast %swap3A_809 : vector<16xi32> to vector<16xi32>
      %swap3A_811 = vector.shape_cast %get3A_807 : vector<16xi32> to vector<16xi32>
      tpu.vector_store %arg11[%swap3A_808], %swap3A_811 {strides = array<i32>} : memref<80xi32, #tpu.memory_space<vmem>>, vector<16xi32>,
      %get3A_812 = arith.constant 64 : index
      %get3A_813 = tpu.vector_load %arg9[%get3A_812] {strides = array<i32>} : memref<80xi32, #tpu.memory_space<vmem>>, vector<16xi32>,
      %get3A_814 = vector.shape_cast %get3A_813 : vector<16xi32> to vector<16xi32>
      %swap3A_815 = arith.constant 64 : index
      %swap3A_816 = tpu.vector_load %arg11[%swap3A_815] {strides = array<i32>} : memref<80xi32, #tpu.memory_space<vmem>>, vector<16xi32>,
      %swap3A_817 = vector.shape_cast %swap3A_816 : vector<16xi32> to vector<16xi32>
      %swap3A_818 = vector.shape_cast %get3A_814 : vector<16xi32> to vector<16xi32>
      tpu.vector_store %arg11[%swap3A_815], %swap3A_818 {strides = array<i32>} : memref<80xi32, #tpu.memory_space<vmem>>, vector<16xi32>,
      %dma_start3A_819 = arith.constant 0 : i32
      %dma_start3A_820 = arith.constant 0 : i32
      %dma_start3A_821 = tpu.memref_slice %arg16[%dma_start3A_819, %dma_start3A_820] : memref<10000x128xf32, #tpu.memory_space<vmem_shared>> -> memref<10000x128xf32, #tpu.memory_space<vmem_shared>>
      tpu.enqueue_indirect_dma source(%arg13 : memref<80x128xf32, #tpu.memory_space<vmem>>) target(%dma_start3A_821 : memref<10000x128xf32, #tpu.memory_space<vmem_shared>>) offsets(%arg11 : memref<80xi32, #tpu.memory_space<vmem>>) semaphore(%arg23 : memref<!tpu.dma_semaphore, #tpu.memory_space<semaphore_mem>>) {add = true}
      %add3A_822 = arith.constant 2 : i32
      %add3A_823 = arith.addi %sub3A_721, %add3A_822 : i32
      %rem3A_824 = arith.constant 250 : i32
      %rem3A_825 = arith.remsi %add3A_823, %rem3A_824 : i32
      %mul3A_826 = arith.constant 80 : i32
      %mul3A_827 = arith.muli %mul3A_826, %rem3A_825 : i32
      %add3A_828 = arith.addi %mul3A_0, %mul3A_827 : i32
      %dma_start3A_829 = tpu.memref_slice %arg3[%add3A_828] : memref<320000xi32, #tpu.memory_space<hbm>> -> memref<80xi32, #tpu.memory_space<hbm>>
      %dma_start3A_830 = tpu.memref_slice %arg3[%add3A_828] : memref<320000xi32, #tpu.memory_space<hbm>> -> memref<80xi32, #tpu.memory_space<hbm>>
      tpu.enqueue_dma source(%dma_start3A_830 : memref<80xi32, #tpu.memory_space<hbm>>) target(%arg7 : memref<80xi32, #tpu.memory_space<vmem>>) target_semaphore(%arg17 : memref<!tpu.dma_semaphore, #tpu.memory_space<semaphore_mem>>)
      %dma_start3A_831 = tpu.memref_slice %arg4[%add3A_828] : memref<320000xi32, #tpu.memory_space<hbm>> -> memref<80xi32, #tpu.memory_space<hbm>>
      %dma_start3A_832 = tpu.memref_slice %arg4[%add3A_828] : memref<320000xi32, #tpu.memory_space<hbm>> -> memref<80xi32, #tpu.memory_space<hbm>>
      tpu.enqueue_dma source(%dma_start3A_832 : memref<80xi32, #tpu.memory_space<hbm>>) target(%arg9 : memref<80xi32, #tpu.memory_space<vmem>>) target_semaphore(%arg19 : memref<!tpu.dma_semaphore, #tpu.memory_space<semaphore_mem>>)
    }
    %scan3A_268 = arith.constant 124 : i32
    %dma_wait3A_269 = arith.constant 0 : i32
    %dma_wait3A_270 = tpu.memref_slice %arg3[%dma_wait3A_269] : memref<320000xi32, #tpu.memory_space<hbm>> -> memref<80xi32, #tpu.memory_space<hbm>>
    %dma_wait3A_271 = arith.constant 0 : i32
    %dma_wait3A_272 = tpu.memref_slice %arg3[%dma_wait3A_271] : memref<320000xi32, #tpu.memory_space<hbm>> -> memref<80xi32, #tpu.memory_space<hbm>>
    tpu.wait_dma2 semaphore(%arg17 : memref<!tpu.dma_semaphore, #tpu.memory_space<semaphore_mem>>) src(%dma_wait3A_272 : memref<80xi32, #tpu.memory_space<hbm>>) dst(%arg7 : memref<80xi32, #tpu.memory_space<vmem>>)
    %dma_wait3A_273 = arith.constant 0 : i32
    %dma_wait3A_274 = tpu.memref_slice %arg4[%dma_wait3A_273] : memref<320000xi32, #tpu.memory_space<hbm>> -> memref<80xi32, #tpu.memory_space<hbm>>
    %dma_wait3A_275 = arith.constant 0 : i32
    %dma_wait3A_276 = tpu.memref_slice %arg4[%dma_wait3A_275] : memref<320000xi32, #tpu.memory_space<hbm>> -> memref<80xi32, #tpu.memory_space<hbm>>
    tpu.wait_dma2 semaphore(%arg19 : memref<!tpu.dma_semaphore, #tpu.memory_space<semaphore_mem>>) src(%dma_wait3A_276 : memref<80xi32, #tpu.memory_space<hbm>>) dst(%arg9 : memref<80xi32, #tpu.memory_space<vmem>>)
    %dma_wait3A_277 = arith.constant 0 : i32
    %dma_wait3A_278 = arith.constant 0 : i32
    %dma_wait3A_279 = tpu.memref_slice %arg2[%dma_wait3A_277, %dma_wait3A_278] : memref<40000x128xf32, #tpu.memory_space<hbm>> -> memref<40000x128xf32, #tpu.memory_space<hbm>>
    tpu.wait_indirect_dma semaphore(%arg22 : memref<!tpu.dma_semaphore, #tpu.memory_space<semaphore_mem>>) src(%dma_wait3A_279 : memref<40000x128xf32, #tpu.memory_space<hbm>>) dst(%arg14 : memref<80x128xf32, #tpu.memory_space<vmem>>)
    %dma_wait3A_280 = arith.constant 0 : i32
    %dma_wait3A_281 = arith.constant 0 : i32
    %dma_wait3A_282 = tpu.memref_slice %arg16[%dma_wait3A_280, %dma_wait3A_281] : memref<10000x128xf32, #tpu.memory_space<vmem_shared>> -> memref<10000x128xf32, #tpu.memory_space<vmem_shared>>
    tpu.wait_indirect_dma semaphore(%arg23 : memref<!tpu.dma_semaphore, #tpu.memory_space<semaphore_mem>>) src(%arg13 : memref<80x128xf32, #tpu.memory_space<vmem>>) dst(%dma_wait3A_282 : memref<10000x128xf32, #tpu.memory_space<vmem_shared>>)
    %get3A_283 = arith.constant 0 : index
    %get3A_284 = tpu.vector_load %arg10[%get3A_283] {strides = array<i32>} : memref<80xi32, #tpu.memory_space<vmem>>, vector<16xi32>,
    %get3A_285 = vector.shape_cast %get3A_284 : vector<16xi32> to vector<16xi32>
    %swap3A_286 = arith.constant 0 : index
    %swap3A_287 = tpu.vector_load %arg12[%swap3A_286] {strides = array<i32>} : memref<80xi32, #tpu.memory_space<vmem>>, vector<16xi32>,
    %swap3A_288 = vector.shape_cast %swap3A_287 : vector<16xi32> to vector<16xi32>
    %swap3A_289 = vector.shape_cast %get3A_285 : vector<16xi32> to vector<16xi32>
    tpu.vector_store %arg12[%swap3A_286], %swap3A_289 {strides = array<i32>} : memref<80xi32, #tpu.memory_space<vmem>>, vector<16xi32>,
    %get3A_290 = arith.constant 16 : index
    %get3A_291 = tpu.vector_load %arg10[%get3A_290] {strides = array<i32>} : memref<80xi32, #tpu.memory_space<vmem>>, vector<16xi32>,
    %get3A_292 = vector.shape_cast %get3A_291 : vector<16xi32> to vector<16xi32>
    %swap3A_293 = arith.constant 16 : index
    %swap3A_294 = tpu.vector_load %arg12[%swap3A_293] {strides = array<i32>} : memref<80xi32, #tpu.memory_space<vmem>>, vector<16xi32>,
    %swap3A_295 = vector.shape_cast %swap3A_294 : vector<16xi32> to vector<16xi32>
    %swap3A_296 = vector.shape_cast %get3A_292 : vector<16xi32> to vector<16xi32>
    tpu.vector_store %arg12[%swap3A_293], %swap3A_296 {strides = array<i32>} : memref<80xi32, #tpu.memory_space<vmem>>, vector<16xi32>,
    %get3A_297 = arith.constant 32 : index
    %get3A_298 = tpu.vector_load %arg10[%get3A_297] {strides = array<i32>} : memref<80xi32, #tpu.memory_space<vmem>>, vector<16xi32>,
    %get3A_299 = vector.shape_cast %get3A_298 : vector<16xi32> to vector<16xi32>
    %swap3A_300 = arith.constant 32 : index
    %swap3A_301 = tpu.vector_load %arg12[%swap3A_300] {strides = array<i32>} : memref<80xi32, #tpu.memory_space<vmem>>, vector<16xi32>,
    %swap3A_302 = vector.shape_cast %swap3A_301 : vector<16xi32> to vector<16xi32>
    %swap3A_303 = vector.shape_cast %get3A_299 : vector<16xi32> to vector<16xi32>
    tpu.vector_store %arg12[%swap3A_300], %swap3A_303 {strides = array<i32>} : memref<80xi32, #tpu.memory_space<vmem>>, vector<16xi32>,
    %get3A_304 = arith.constant 48 : index
    %get3A_305 = tpu.vector_load %arg10[%get3A_304] {strides = array<i32>} : memref<80xi32, #tpu.memory_space<vmem>>, vector<16xi32>,
    %get3A_306 = vector.shape_cast %get3A_305 : vector<16xi32> to vector<16xi32>
    %swap3A_307 = arith.constant 48 : index
    %swap3A_308 = tpu.vector_load %arg12[%swap3A_307] {strides = array<i32>} : memref<80xi32, #tpu.memory_space<vmem>>, vector<16xi32>,
    %swap3A_309 = vector.shape_cast %swap3A_308 : vector<16xi32> to vector<16xi32>
    %swap3A_310 = vector.shape_cast %get3A_306 : vector<16xi32> to vector<16xi32>
    tpu.vector_store %arg12[%swap3A_307], %swap3A_310 {strides = array<i32>} : memref<80xi32, #tpu.memory_space<vmem>>, vector<16xi32>,
    %get3A_311 = arith.constant 64 : index
    %get3A_312 = tpu.vector_load %arg10[%get3A_311] {strides = array<i32>} : memref<80xi32, #tpu.memory_space<vmem>>, vector<16xi32>,
    %get3A_313 = vector.shape_cast %get3A_312 : vector<16xi32> to vector<16xi32>
    %swap3A_314 = arith.constant 64 : index
    %swap3A_315 = tpu.vector_load %arg12[%swap3A_314] {strides = array<i32>} : memref<80xi32, #tpu.memory_space<vmem>>, vector<16xi32>,
    %swap3A_316 = vector.shape_cast %swap3A_315 : vector<16xi32> to vector<16xi32>
    %swap3A_317 = vector.shape_cast %get3A_313 : vector<16xi32> to vector<16xi32>
    tpu.vector_store %arg12[%swap3A_314], %swap3A_317 {strides = array<i32>} : memref<80xi32, #tpu.memory_space<vmem>>, vector<16xi32>,
    %dma_start3A_318 = arith.constant 0 : i32
    %dma_start3A_319 = arith.constant 0 : i32
    %dma_start3A_320 = tpu.memref_slice %arg16[%dma_start3A_318, %dma_start3A_319] : memref<10000x128xf32, #tpu.memory_space<vmem_shared>> -> memref<10000x128xf32, #tpu.memory_space<vmem_shared>>
    tpu.enqueue_indirect_dma source(%arg14 : memref<80x128xf32, #tpu.memory_space<vmem>>) target(%dma_start3A_320 : memref<10000x128xf32, #tpu.memory_space<vmem_shared>>) offsets(%arg12 : memref<80xi32, #tpu.memory_space<vmem>>) semaphore(%arg24 : memref<!tpu.dma_semaphore, #tpu.memory_space<semaphore_mem>>) {add = true}
    %dma_wait3A_321 = arith.constant 0 : i32
    %dma_wait3A_322 = arith.constant 0 : i32
    %dma_wait3A_323 = tpu.memref_slice %arg16[%dma_wait3A_321, %dma_wait3A_322] : memref<10000x128xf32, #tpu.memory_space<vmem_shared>> -> memref<10000x128xf32, #tpu.memory_space<vmem_shared>>
    tpu.wait_indirect_dma semaphore(%arg24 : memref<!tpu.dma_semaphore, #tpu.memory_space<semaphore_mem>>) src(%arg14 : memref<80x128xf32, #tpu.memory_space<vmem>>) dst(%dma_wait3A_323 : memref<10000x128xf32, #tpu.memory_space<vmem_shared>>)
    %barrier3A_324 = arith.constant 0 : index
    tpu.barrier barrier_id(%barrier3A_324)
    %add3A_325 = arith.addi %mul3A_69, %mul3A_8 : i32
    "tpu.region"() ({
      %run_scoped3A = tpu.sem_alloc : memref<!tpu.dma_semaphore, #tpu.memory_space<semaphore_mem>>
      %dma_start3A_599 = arith.constant 0 : i32
      %dma_start3A_600 = tpu.memref_slice %arg5[%add3A_325, %dma_start3A_599] : memref<40000x128xf32, #tpu.memory_space<hbm>> -> memref<624x128xf32, #tpu.memory_space<hbm>>
      %dma_start3A_601 = arith.constant 0 : i32
      %dma_start3A_602 = tpu.memref_slice %arg16[%mul3A_8, %dma_start3A_601] : memref<10000x128xf32, #tpu.memory_space<vmem_shared>> -> memref<624x128xf32, #tpu.memory_space<vmem_shared>>
      tpu.enqueue_dma source(%dma_start3A_602 : memref<624x128xf32, #tpu.memory_space<vmem_shared>>) target(%dma_start3A_600 : memref<624x128xf32, #tpu.memory_space<hbm>>) target_semaphore(%run_scoped3A : memref<!tpu.dma_semaphore, #tpu.memory_space<semaphore_mem>>)
      %dma_wait3A_603 = arith.constant 0 : i32
      %dma_wait3A_604 = tpu.memref_slice %arg5[%add3A_325, %dma_wait3A_603] : memref<40000x128xf32, #tpu.memory_space<hbm>> -> memref<624x128xf32, #tpu.memory_space<hbm>>
      %dma_wait3A_605 = arith.constant 0 : i32
      %dma_wait3A_606 = tpu.memref_slice %arg16[%mul3A_8, %dma_wait3A_605] : memref<10000x128xf32, #tpu.memory_space<vmem_shared>> -> memref<624x128xf32, #tpu.memory_space<vmem_shared>>
      tpu.wait_dma2 semaphore(%run_scoped3A : memref<!tpu.dma_semaphore, #tpu.memory_space<semaphore_mem>>) src(%dma_wait3A_606 : memref<624x128xf32, #tpu.memory_space<vmem_shared>>) dst(%dma_wait3A_604 : memref<624x128xf32, #tpu.memory_space<hbm>>)
      tpu.yield
    }) : () -> ()
    %eq3A_326 = arith.constant 15 : i32
    %eq3A_327 = arith.cmpi eq, %arg1, %eq3A_326 : i32
    %convert_element_type3A_328 = arith.extui %eq3A_327 : i1 to i32
    %cond3A_329 = arith.constant 0 : i32
    %cond3A_330 = arith.cmpi ne, %convert_element_type3A_328, %cond3A_329 : i32
    scf.if %cond3A_330 {
      %add3A_599 = arith.constant 9984 : i32
      %add3A_600 = arith.addi %mul3A_69, %add3A_599 : i32
      "tpu.region"() ({
        %run_scoped3A = tpu.sem_alloc : memref<!tpu.dma_semaphore, #tpu.memory_space<semaphore_mem>>
        %dma_start3A_601 = arith.constant 0 : i32
        %dma_start3A_602 = tpu.memref_slice %arg5[%add3A_600, %dma_start3A_601] : memref<40000x128xf32, #tpu.memory_space<hbm>> -> memref<16x128xf32, #tpu.memory_space<hbm>>
        %dma_start3A_603 = arith.constant 9984 : i32
        %dma_start3A_604 = arith.constant 0 : i32
        %dma_start3A_605 = tpu.memref_slice %arg16[%dma_start3A_603, %dma_start3A_604] : memref<10000x128xf32, #tpu.memory_space<vmem_shared>> -> memref<16x128xf32, #tpu.memory_space<vmem_shared>>
        tpu.enqueue_dma source(%dma_start3A_605 : memref<16x128xf32, #tpu.memory_space<vmem_shared>>) target(%dma_start3A_602 : memref<16x128xf32, #tpu.memory_space<hbm>>) target_semaphore(%run_scoped3A : memref<!tpu.dma_semaphore, #tpu.memory_space<semaphore_mem>>)
        %dma_wait3A_606 = arith.constant 0 : i32
        %dma_wait3A_607 = tpu.memref_slice %arg5[%add3A_600, %dma_wait3A_606] : memref<40000x128xf32, #tpu.memory_space<hbm>> -> memref<16x128xf32, #tpu.memory_space<hbm>>
        %dma_wait3A_608 = arith.constant 9984 : i32
        %dma_wait3A_609 = arith.constant 0 : i32
        %dma_wait3A_610 = tpu.memref_slice %arg16[%dma_wait3A_608, %dma_wait3A_609] : memref<10000x128xf32, #tpu.memory_space<vmem_shared>> -> memref<16x128xf32, #tpu.memory_space<vmem_shared>>
        tpu.wait_dma2 semaphore(%run_scoped3A : memref<!tpu.dma_semaphore, #tpu.memory_space<semaphore_mem>>) src(%dma_wait3A_610 : memref<16x128xf32, #tpu.memory_space<vmem_shared>>) dst(%dma_wait3A_607 : memref<16x128xf32, #tpu.memory_space<hbm>>)
        tpu.yield
      }) : () -> ()
    } else {
    }
    %barrier3A_331 = arith.constant 0 : index
    tpu.barrier barrier_id(%barrier3A_331)
    %add3A_332 = arith.constant 2 : i32
    %add3A_333 = arith.addi %arg0, %add3A_332 : i32
    %mul3A_334 = arith.constant 10000 : i32
    %mul3A_335 = arith.muli %add3A_333, %mul3A_334 : i32
    %scan3A_336 = arith.constant 0 : i32
    %scan3A_337 = arith.constant 0 : i32
    %scan3A_338 = arith.constant 26 : i32
    %scan3A_339 = arith.addi %scan3A_337, %scan3A_338 : i32
    %scan3A_340 = arith.constant 1 : i32
    scf.for %scan3A_599 = %scan3A_337 to %scan3A_339 step %scan3A_340  : i32 {
      %mul3A_600 = arith.constant 24 : i32
      %mul3A_601 = arith.muli %mul3A_600, %scan3A_599 : i32
      %add3A_602 = arith.addi %mul3A_8, %mul3A_601 : i32
      "tpu.region"() ({
        %run_scoped3A = tpu.sem_alloc : memref<!tpu.dma_semaphore, #tpu.memory_space<semaphore_mem>>
        %dma_start3A_603 = arith.constant 0 : i32
        %dma_start3A_604 = tpu.memref_slice %arg16[%add3A_602, %dma_start3A_603] : memref<10000x128xf32, #tpu.memory_space<vmem_shared>> -> memref<24x128xf32, #tpu.memory_space<vmem_shared>>
        %dma_start3A_605 = arith.constant 0 : i32
        %dma_start3A_606 = tpu.memref_slice %arg16[%add3A_602, %dma_start3A_605] : memref<10000x128xf32, #tpu.memory_space<vmem_shared>> -> memref<24x128xf32, #tpu.memory_space<vmem_shared>>
        tpu.enqueue_dma source(%arg15 : memref<24x128xf32, #tpu.memory_space<vmem>>) target(%dma_start3A_606 : memref<24x128xf32, #tpu.memory_space<vmem_shared>>) target_semaphore(%run_scoped3A : memref<!tpu.dma_semaphore, #tpu.memory_space<semaphore_mem>>)
        %dma_wait3A_607 = arith.constant 0 : i32
        %dma_wait3A_608 = tpu.memref_slice %arg16[%add3A_602, %dma_wait3A_607] : memref<10000x128xf32, #tpu.memory_space<vmem_shared>> -> memref<24x128xf32, #tpu.memory_space<vmem_shared>>
        %dma_wait3A_609 = arith.constant 0 : i32
        %dma_wait3A_610 = tpu.memref_slice %arg16[%add3A_602, %dma_wait3A_609] : memref<10000x128xf32, #tpu.memory_space<vmem_shared>> -> memref<24x128xf32, #tpu.memory_space<vmem_shared>>
        tpu.wait_dma2 semaphore(%run_scoped3A : memref<!tpu.dma_semaphore, #tpu.memory_space<semaphore_mem>>) src(%arg15 : memref<24x128xf32, #tpu.memory_space<vmem>>) dst(%dma_wait3A_610 : memref<24x128xf32, #tpu.memory_space<vmem_shared>>)
        tpu.yield
      }) : () -> ()
    }
    %scan3A_341 = arith.constant 26 : i32
    %eq3A_342 = arith.constant 15 : i32
    %eq3A_343 = arith.cmpi eq, %arg1, %eq3A_342 : i32
    %convert_element_type3A_344 = arith.extui %eq3A_343 : i1 to i32
    %cond3A_345 = arith.constant 0 : i32
    %cond3A_346 = arith.cmpi ne, %convert_element_type3A_344, %cond3A_345 : i32
    scf.if %cond3A_346 {
      "tpu.region"() ({
        %run_scoped3A = tpu.sem_alloc : memref<!tpu.dma_semaphore, #tpu.memory_space<semaphore_mem>>
        %dma_start3A_599 = arith.constant 0 : i32
        %dma_start3A_600 = arith.constant 0 : i32
        %dma_start3A_601 = tpu.memref_slice %arg15[%dma_start3A_599, %dma_start3A_600] : memref<24x128xf32, #tpu.memory_space<vmem>> -> memref<16x128xf32, #tpu.memory_space<vmem>>
        %dma_start3A_602 = arith.constant 9984 : i32
        %dma_start3A_603 = arith.constant 0 : i32
        %dma_start3A_604 = tpu.memref_slice %arg16[%dma_start3A_602, %dma_start3A_603] : memref<10000x128xf32, #tpu.memory_space<vmem_shared>> -> memref<16x128xf32, #tpu.memory_space<vmem_shared>>
        %dma_start3A_605 = arith.constant 9984 : i32
        %dma_start3A_606 = arith.constant 0 : i32
        %dma_start3A_607 = tpu.memref_slice %arg16[%dma_start3A_605, %dma_start3A_606] : memref<10000x128xf32, #tpu.memory_space<vmem_shared>> -> memref<16x128xf32, #tpu.memory_space<vmem_shared>>
        %dma_start3A_608 = arith.constant 0 : i32
        %dma_start3A_609 = arith.constant 0 : i32
        %dma_start3A_610 = tpu.memref_slice %arg15[%dma_start3A_608, %dma_start3A_609] : memref<24x128xf32, #tpu.memory_space<vmem>> -> memref<16x128xf32, #tpu.memory_space<vmem>>
        tpu.enqueue_dma source(%dma_start3A_610 : memref<16x128xf32, #tpu.memory_space<vmem>>) target(%dma_start3A_607 : memref<16x128xf32, #tpu.memory_space<vmem_shared>>) target_semaphore(%run_scoped3A : memref<!tpu.dma_semaphore, #tpu.memory_space<semaphore_mem>>)
        %dma_wait3A_611 = arith.constant 0 : i32
        %dma_wait3A_612 = arith.constant 0 : i32
        %dma_wait3A_613 = tpu.memref_slice %arg15[%dma_wait3A_611, %dma_wait3A_612] : memref<24x128xf32, #tpu.memory_space<vmem>> -> memref<16x128xf32, #tpu.memory_space<vmem>>
        %dma_wait3A_614 = arith.constant 9984 : i32
        %dma_wait3A_615 = arith.constant 0 : i32
        %dma_wait3A_616 = tpu.memref_slice %arg16[%dma_wait3A_614, %dma_wait3A_615] : memref<10000x128xf32, #tpu.memory_space<vmem_shared>> -> memref<16x128xf32, #tpu.memory_space<vmem_shared>>
        %dma_wait3A_617 = arith.constant 9984 : i32
        %dma_wait3A_618 = arith.constant 0 : i32
        %dma_wait3A_619 = tpu.memref_slice %arg16[%dma_wait3A_617, %dma_wait3A_618] : memref<10000x128xf32, #tpu.memory_space<vmem_shared>> -> memref<16x128xf32, #tpu.memory_space<vmem_shared>>
        %dma_wait3A_620 = arith.constant 0 : i32
        %dma_wait3A_621 = arith.constant 0 : i32
        %dma_wait3A_622 = tpu.memref_slice %arg15[%dma_wait3A_620, %dma_wait3A_621] : memref<24x128xf32, #tpu.memory_space<vmem>> -> memref<16x128xf32, #tpu.memory_space<vmem>>
        tpu.wait_dma2 semaphore(%run_scoped3A : memref<!tpu.dma_semaphore, #tpu.memory_space<semaphore_mem>>) src(%dma_wait3A_622 : memref<16x128xf32, #tpu.memory_space<vmem>>) dst(%dma_wait3A_619 : memref<16x128xf32, #tpu.memory_space<vmem_shared>>)
        tpu.yield
      }) : () -> ()
    } else {
    }
    %barrier3A_347 = arith.constant 0 : index
    tpu.barrier barrier_id(%barrier3A_347)
    %rem3A_348 = arith.constant 0 : i32
    %rem3A_349 = arith.constant 250 : i32
    %rem3A_350 = arith.remsi %rem3A_348, %rem3A_349 : i32
    %mul3A_351 = arith.constant 80 : i32
    %mul3A_352 = arith.muli %mul3A_351, %rem3A_350 : i32
    %add3A_353 = arith.addi %mul3A_0, %mul3A_352 : i32
    %dma_start3A_354 = tpu.memref_slice %arg3[%add3A_353] : memref<320000xi32, #tpu.memory_space<hbm>> -> memref<80xi32, #tpu.memory_space<hbm>>
    %dma_start3A_355 = tpu.memref_slice %arg3[%add3A_353] : memref<320000xi32, #tpu.memory_space<hbm>> -> memref<80xi32, #tpu.memory_space<hbm>>
    tpu.enqueue_dma source(%dma_start3A_355 : memref<80xi32, #tpu.memory_space<hbm>>) target(%arg7 : memref<80xi32, #tpu.memory_space<vmem>>) target_semaphore(%arg17 : memref<!tpu.dma_semaphore, #tpu.memory_space<semaphore_mem>>)
    %dma_start3A_356 = tpu.memref_slice %arg4[%add3A_353] : memref<320000xi32, #tpu.memory_space<hbm>> -> memref<80xi32, #tpu.memory_space<hbm>>
    %dma_start3A_357 = tpu.memref_slice %arg4[%add3A_353] : memref<320000xi32, #tpu.memory_space<hbm>> -> memref<80xi32, #tpu.memory_space<hbm>>
    tpu.enqueue_dma source(%dma_start3A_357 : memref<80xi32, #tpu.memory_space<hbm>>) target(%arg9 : memref<80xi32, #tpu.memory_space<vmem>>) target_semaphore(%arg19 : memref<!tpu.dma_semaphore, #tpu.memory_space<semaphore_mem>>)
    %rem3A_358 = arith.constant 1 : i32
    %rem3A_359 = arith.constant 250 : i32
    %rem3A_360 = arith.remsi %rem3A_358, %rem3A_359 : i32
    %mul3A_361 = arith.constant 80 : i32
    %mul3A_362 = arith.muli %mul3A_361, %rem3A_360 : i32
    %add3A_363 = arith.addi %mul3A_0, %mul3A_362 : i32
    %dma_start3A_364 = tpu.memref_slice %arg3[%add3A_363] : memref<320000xi32, #tpu.memory_space<hbm>> -> memref<80xi32, #tpu.memory_space<hbm>>
    %dma_start3A_365 = tpu.memref_slice %arg3[%add3A_363] : memref<320000xi32, #tpu.memory_space<hbm>> -> memref<80xi32, #tpu.memory_space<hbm>>
    tpu.enqueue_dma source(%dma_start3A_365 : memref<80xi32, #tpu.memory_space<hbm>>) target(%arg8 : memref<80xi32, #tpu.memory_space<vmem>>) target_semaphore(%arg18 : memref<!tpu.dma_semaphore, #tpu.memory_space<semaphore_mem>>)
    %dma_start3A_366 = tpu.memref_slice %arg4[%add3A_363] : memref<320000xi32, #tpu.memory_space<hbm>> -> memref<80xi32, #tpu.memory_space<hbm>>
    %dma_start3A_367 = tpu.memref_slice %arg4[%add3A_363] : memref<320000xi32, #tpu.memory_space<hbm>> -> memref<80xi32, #tpu.memory_space<hbm>>
    tpu.enqueue_dma source(%dma_start3A_367 : memref<80xi32, #tpu.memory_space<hbm>>) target(%arg10 : memref<80xi32, #tpu.memory_space<vmem>>) target_semaphore(%arg20 : memref<!tpu.dma_semaphore, #tpu.memory_space<semaphore_mem>>)
    %dma_wait3A_368 = arith.constant 0 : i32
    %dma_wait3A_369 = tpu.memref_slice %arg3[%dma_wait3A_368] : memref<320000xi32, #tpu.memory_space<hbm>> -> memref<80xi32, #tpu.memory_space<hbm>>
    %dma_wait3A_370 = arith.constant 0 : i32
    %dma_wait3A_371 = tpu.memref_slice %arg3[%dma_wait3A_370] : memref<320000xi32, #tpu.memory_space<hbm>> -> memref<80xi32, #tpu.memory_space<hbm>>
    tpu.wait_dma2 semaphore(%arg17 : memref<!tpu.dma_semaphore, #tpu.memory_space<semaphore_mem>>) src(%dma_wait3A_371 : memref<80xi32, #tpu.memory_space<hbm>>) dst(%arg7 : memref<80xi32, #tpu.memory_space<vmem>>)
    %dma_wait3A_372 = arith.constant 0 : i32
    %dma_wait3A_373 = tpu.memref_slice %arg4[%dma_wait3A_372] : memref<320000xi32, #tpu.memory_space<hbm>> -> memref<80xi32, #tpu.memory_space<hbm>>
    %dma_wait3A_374 = arith.constant 0 : i32
    %dma_wait3A_375 = tpu.memref_slice %arg4[%dma_wait3A_374] : memref<320000xi32, #tpu.memory_space<hbm>> -> memref<80xi32, #tpu.memory_space<hbm>>
    tpu.wait_dma2 semaphore(%arg19 : memref<!tpu.dma_semaphore, #tpu.memory_space<semaphore_mem>>) src(%dma_wait3A_375 : memref<80xi32, #tpu.memory_space<hbm>>) dst(%arg9 : memref<80xi32, #tpu.memory_space<vmem>>)
    %get3A_376 = arith.constant 0 : index
    %get3A_377 = tpu.vector_load %arg7[%get3A_376] {strides = array<i32>} : memref<80xi32, #tpu.memory_space<vmem>>, vector<16xi32>,
    %get3A_378 = vector.shape_cast %get3A_377 : vector<16xi32> to vector<16xi32>
    %add3A_379 = vector.broadcast %mul3A_335 : i32 to vector<16xi32>
    %add3A_380 = arith.addi %get3A_378, %add3A_379 : vector<16xi32>
    %swap3A_381 = arith.constant 0 : index
    %swap3A_382 = tpu.vector_load %arg7[%swap3A_381] {strides = array<i32>} : memref<80xi32, #tpu.memory_space<vmem>>, vector<16xi32>,
    %swap3A_383 = vector.shape_cast %swap3A_382 : vector<16xi32> to vector<16xi32>
    %swap3A_384 = vector.shape_cast %add3A_380 : vector<16xi32> to vector<16xi32>
    tpu.vector_store %arg7[%swap3A_381], %swap3A_384 {strides = array<i32>} : memref<80xi32, #tpu.memory_space<vmem>>, vector<16xi32>,
    %get3A_385 = arith.constant 16 : index
    %get3A_386 = tpu.vector_load %arg7[%get3A_385] {strides = array<i32>} : memref<80xi32, #tpu.memory_space<vmem>>, vector<16xi32>,
    %get3A_387 = vector.shape_cast %get3A_386 : vector<16xi32> to vector<16xi32>
    %add3A_388 = vector.broadcast %mul3A_335 : i32 to vector<16xi32>
    %add3A_389 = arith.addi %get3A_387, %add3A_388 : vector<16xi32>
    %swap3A_390 = arith.constant 16 : index
    %swap3A_391 = tpu.vector_load %arg7[%swap3A_390] {strides = array<i32>} : memref<80xi32, #tpu.memory_space<vmem>>, vector<16xi32>,
    %swap3A_392 = vector.shape_cast %swap3A_391 : vector<16xi32> to vector<16xi32>
    %swap3A_393 = vector.shape_cast %add3A_389 : vector<16xi32> to vector<16xi32>
    tpu.vector_store %arg7[%swap3A_390], %swap3A_393 {strides = array<i32>} : memref<80xi32, #tpu.memory_space<vmem>>, vector<16xi32>,
    %get3A_394 = arith.constant 32 : index
    %get3A_395 = tpu.vector_load %arg7[%get3A_394] {strides = array<i32>} : memref<80xi32, #tpu.memory_space<vmem>>, vector<16xi32>,
    %get3A_396 = vector.shape_cast %get3A_395 : vector<16xi32> to vector<16xi32>
    %add3A_397 = vector.broadcast %mul3A_335 : i32 to vector<16xi32>
    %add3A_398 = arith.addi %get3A_396, %add3A_397 : vector<16xi32>
    %swap3A_399 = arith.constant 32 : index
    %swap3A_400 = tpu.vector_load %arg7[%swap3A_399] {strides = array<i32>} : memref<80xi32, #tpu.memory_space<vmem>>, vector<16xi32>,
    %swap3A_401 = vector.shape_cast %swap3A_400 : vector<16xi32> to vector<16xi32>
    %swap3A_402 = vector.shape_cast %add3A_398 : vector<16xi32> to vector<16xi32>
    tpu.vector_store %arg7[%swap3A_399], %swap3A_402 {strides = array<i32>} : memref<80xi32, #tpu.memory_space<vmem>>, vector<16xi32>,
    %get3A_403 = arith.constant 48 : index
    %get3A_404 = tpu.vector_load %arg7[%get3A_403] {strides = array<i32>} : memref<80xi32, #tpu.memory_space<vmem>>, vector<16xi32>,
    %get3A_405 = vector.shape_cast %get3A_404 : vector<16xi32> to vector<16xi32>
    %add3A_406 = vector.broadcast %mul3A_335 : i32 to vector<16xi32>
    %add3A_407 = arith.addi %get3A_405, %add3A_406 : vector<16xi32>
    %swap3A_408 = arith.constant 48 : index
    %swap3A_409 = tpu.vector_load %arg7[%swap3A_408] {strides = array<i32>} : memref<80xi32, #tpu.memory_space<vmem>>, vector<16xi32>,
    %swap3A_410 = vector.shape_cast %swap3A_409 : vector<16xi32> to vector<16xi32>
    %swap3A_411 = vector.shape_cast %add3A_407 : vector<16xi32> to vector<16xi32>
    tpu.vector_store %arg7[%swap3A_408], %swap3A_411 {strides = array<i32>} : memref<80xi32, #tpu.memory_space<vmem>>, vector<16xi32>,
    %get3A_412 = arith.constant 64 : index
    %get3A_413 = tpu.vector_load %arg7[%get3A_412] {strides = array<i32>} : memref<80xi32, #tpu.memory_space<vmem>>, vector<16xi32>,
    %get3A_414 = vector.shape_cast %get3A_413 : vector<16xi32> to vector<16xi32>
    %add3A_415 = vector.broadcast %mul3A_335 : i32 to vector<16xi32>
    %add3A_416 = arith.addi %get3A_414, %add3A_415 : vector<16xi32>
    %swap3A_417 = arith.constant 64 : index
    %swap3A_418 = tpu.vector_load %arg7[%swap3A_417] {strides = array<i32>} : memref<80xi32, #tpu.memory_space<vmem>>, vector<16xi32>,
    %swap3A_419 = vector.shape_cast %swap3A_418 : vector<16xi32> to vector<16xi32>
    %swap3A_420 = vector.shape_cast %add3A_416 : vector<16xi32> to vector<16xi32>
    tpu.vector_store %arg7[%swap3A_417], %swap3A_420 {strides = array<i32>} : memref<80xi32, #tpu.memory_space<vmem>>, vector<16xi32>,
    %dma_start3A_421 = arith.constant 0 : i32
    %dma_start3A_422 = arith.constant 0 : i32
    %dma_start3A_423 = tpu.memref_slice %arg2[%dma_start3A_421, %dma_start3A_422] : memref<40000x128xf32, #tpu.memory_space<hbm>> -> memref<40000x128xf32, #tpu.memory_space<hbm>>
    tpu.enqueue_indirect_dma source(%dma_start3A_423 : memref<40000x128xf32, #tpu.memory_space<hbm>>) target(%arg13 : memref<80x128xf32, #tpu.memory_space<vmem>>) offsets(%arg7 : memref<80xi32, #tpu.memory_space<vmem>>) semaphore(%arg21 : memref<!tpu.dma_semaphore, #tpu.memory_space<semaphore_mem>>)
    %dma_wait3A_424 = arith.constant 0 : i32
    %dma_wait3A_425 = tpu.memref_slice %arg3[%dma_wait3A_424] : memref<320000xi32, #tpu.memory_space<hbm>> -> memref<80xi32, #tpu.memory_space<hbm>>
    %dma_wait3A_426 = arith.constant 0 : i32
    %dma_wait3A_427 = tpu.memref_slice %arg3[%dma_wait3A_426] : memref<320000xi32, #tpu.memory_space<hbm>> -> memref<80xi32, #tpu.memory_space<hbm>>
    tpu.wait_dma2 semaphore(%arg18 : memref<!tpu.dma_semaphore, #tpu.memory_space<semaphore_mem>>) src(%dma_wait3A_427 : memref<80xi32, #tpu.memory_space<hbm>>) dst(%arg8 : memref<80xi32, #tpu.memory_space<vmem>>)
    %dma_wait3A_428 = arith.constant 0 : i32
    %dma_wait3A_429 = tpu.memref_slice %arg4[%dma_wait3A_428] : memref<320000xi32, #tpu.memory_space<hbm>> -> memref<80xi32, #tpu.memory_space<hbm>>
    %dma_wait3A_430 = arith.constant 0 : i32
    %dma_wait3A_431 = tpu.memref_slice %arg4[%dma_wait3A_430] : memref<320000xi32, #tpu.memory_space<hbm>> -> memref<80xi32, #tpu.memory_space<hbm>>
    tpu.wait_dma2 semaphore(%arg20 : memref<!tpu.dma_semaphore, #tpu.memory_space<semaphore_mem>>) src(%dma_wait3A_431 : memref<80xi32, #tpu.memory_space<hbm>>) dst(%arg10 : memref<80xi32, #tpu.memory_space<vmem>>)
    %get3A_432 = arith.constant 0 : index
    %get3A_433 = tpu.vector_load %arg8[%get3A_432] {strides = array<i32>} : memref<80xi32, #tpu.memory_space<vmem>>, vector<16xi32>,
    %get3A_434 = vector.shape_cast %get3A_433 : vector<16xi32> to vector<16xi32>
    %add3A_435 = vector.broadcast %mul3A_335 : i32 to vector<16xi32>
    %add3A_436 = arith.addi %get3A_434, %add3A_435 : vector<16xi32>
    %swap3A_437 = arith.constant 0 : index
    %swap3A_438 = tpu.vector_load %arg8[%swap3A_437] {strides = array<i32>} : memref<80xi32, #tpu.memory_space<vmem>>, vector<16xi32>,
    %swap3A_439 = vector.shape_cast %swap3A_438 : vector<16xi32> to vector<16xi32>
    %swap3A_440 = vector.shape_cast %add3A_436 : vector<16xi32> to vector<16xi32>
    tpu.vector_store %arg8[%swap3A_437], %swap3A_440 {strides = array<i32>} : memref<80xi32, #tpu.memory_space<vmem>>, vector<16xi32>,
    %get3A_441 = arith.constant 16 : index
    %get3A_442 = tpu.vector_load %arg8[%get3A_441] {strides = array<i32>} : memref<80xi32, #tpu.memory_space<vmem>>, vector<16xi32>,
    %get3A_443 = vector.shape_cast %get3A_442 : vector<16xi32> to vector<16xi32>
    %add3A_444 = vector.broadcast %mul3A_335 : i32 to vector<16xi32>
    %add3A_445 = arith.addi %get3A_443, %add3A_444 : vector<16xi32>
    %swap3A_446 = arith.constant 16 : index
    %swap3A_447 = tpu.vector_load %arg8[%swap3A_446] {strides = array<i32>} : memref<80xi32, #tpu.memory_space<vmem>>, vector<16xi32>,
    %swap3A_448 = vector.shape_cast %swap3A_447 : vector<16xi32> to vector<16xi32>
    %swap3A_449 = vector.shape_cast %add3A_445 : vector<16xi32> to vector<16xi32>
    tpu.vector_store %arg8[%swap3A_446], %swap3A_449 {strides = array<i32>} : memref<80xi32, #tpu.memory_space<vmem>>, vector<16xi32>,
    %get3A_450 = arith.constant 32 : index
    %get3A_451 = tpu.vector_load %arg8[%get3A_450] {strides = array<i32>} : memref<80xi32, #tpu.memory_space<vmem>>, vector<16xi32>,
    %get3A_452 = vector.shape_cast %get3A_451 : vector<16xi32> to vector<16xi32>
    %add3A_453 = vector.broadcast %mul3A_335 : i32 to vector<16xi32>
    %add3A_454 = arith.addi %get3A_452, %add3A_453 : vector<16xi32>
    %swap3A_455 = arith.constant 32 : index
    %swap3A_456 = tpu.vector_load %arg8[%swap3A_455] {strides = array<i32>} : memref<80xi32, #tpu.memory_space<vmem>>, vector<16xi32>,
    %swap3A_457 = vector.shape_cast %swap3A_456 : vector<16xi32> to vector<16xi32>
    %swap3A_458 = vector.shape_cast %add3A_454 : vector<16xi32> to vector<16xi32>
    tpu.vector_store %arg8[%swap3A_455], %swap3A_458 {strides = array<i32>} : memref<80xi32, #tpu.memory_space<vmem>>, vector<16xi32>,
    %get3A_459 = arith.constant 48 : index
    %get3A_460 = tpu.vector_load %arg8[%get3A_459] {strides = array<i32>} : memref<80xi32, #tpu.memory_space<vmem>>, vector<16xi32>,
    %get3A_461 = vector.shape_cast %get3A_460 : vector<16xi32> to vector<16xi32>
    %add3A_462 = vector.broadcast %mul3A_335 : i32 to vector<16xi32>
    %add3A_463 = arith.addi %get3A_461, %add3A_462 : vector<16xi32>
    %swap3A_464 = arith.constant 48 : index
    %swap3A_465 = tpu.vector_load %arg8[%swap3A_464] {strides = array<i32>} : memref<80xi32, #tpu.memory_space<vmem>>, vector<16xi32>,
    %swap3A_466 = vector.shape_cast %swap3A_465 : vector<16xi32> to vector<16xi32>
    %swap3A_467 = vector.shape_cast %add3A_463 : vector<16xi32> to vector<16xi32>
    tpu.vector_store %arg8[%swap3A_464], %swap3A_467 {strides = array<i32>} : memref<80xi32, #tpu.memory_space<vmem>>, vector<16xi32>,
    %get3A_468 = arith.constant 64 : index
    %get3A_469 = tpu.vector_load %arg8[%get3A_468] {strides = array<i32>} : memref<80xi32, #tpu.memory_space<vmem>>, vector<16xi32>,
    %get3A_470 = vector.shape_cast %get3A_469 : vector<16xi32> to vector<16xi32>
    %add3A_471 = vector.broadcast %mul3A_335 : i32 to vector<16xi32>
    %add3A_472 = arith.addi %get3A_470, %add3A_471 : vector<16xi32>
    %swap3A_473 = arith.constant 64 : index
    %swap3A_474 = tpu.vector_load %arg8[%swap3A_473] {strides = array<i32>} : memref<80xi32, #tpu.memory_space<vmem>>, vector<16xi32>,
    %swap3A_475 = vector.shape_cast %swap3A_474 : vector<16xi32> to vector<16xi32>
    %swap3A_476 = vector.shape_cast %add3A_472 : vector<16xi32> to vector<16xi32>
    tpu.vector_store %arg8[%swap3A_473], %swap3A_476 {strides = array<i32>} : memref<80xi32, #tpu.memory_space<vmem>>, vector<16xi32>,
    %dma_wait3A_477 = arith.constant 0 : i32
    %dma_wait3A_478 = arith.constant 0 : i32
    %dma_wait3A_479 = tpu.memref_slice %arg2[%dma_wait3A_477, %dma_wait3A_478] : memref<40000x128xf32, #tpu.memory_space<hbm>> -> memref<40000x128xf32, #tpu.memory_space<hbm>>
    tpu.wait_indirect_dma semaphore(%arg21 : memref<!tpu.dma_semaphore, #tpu.memory_space<semaphore_mem>>) src(%dma_wait3A_479 : memref<40000x128xf32, #tpu.memory_space<hbm>>) dst(%arg13 : memref<80x128xf32, #tpu.memory_space<vmem>>)
    %dma_start3A_480 = arith.constant 0 : i32
    %dma_start3A_481 = arith.constant 0 : i32
    %dma_start3A_482 = tpu.memref_slice %arg2[%dma_start3A_480, %dma_start3A_481] : memref<40000x128xf32, #tpu.memory_space<hbm>> -> memref<40000x128xf32, #tpu.memory_space<hbm>>
    tpu.enqueue_indirect_dma source(%dma_start3A_482 : memref<40000x128xf32, #tpu.memory_space<hbm>>) target(%arg14 : memref<80x128xf32, #tpu.memory_space<vmem>>) offsets(%arg8 : memref<80xi32, #tpu.memory_space<vmem>>) semaphore(%arg22 : memref<!tpu.dma_semaphore, #tpu.memory_space<semaphore_mem>>)
    %get3A_483 = arith.constant 0 : index
    %get3A_484 = tpu.vector_load %arg9[%get3A_483] {strides = array<i32>} : memref<80xi32, #tpu.memory_space<vmem>>, vector<16xi32>,
    %get3A_485 = vector.shape_cast %get3A_484 : vector<16xi32> to vector<16xi32>
    %swap3A_486 = arith.constant 0 : index
    %swap3A_487 = tpu.vector_load %arg11[%swap3A_486] {strides = array<i32>} : memref<80xi32, #tpu.memory_space<vmem>>, vector<16xi32>,
    %swap3A_488 = vector.shape_cast %swap3A_487 : vector<16xi32> to vector<16xi32>
    %swap3A_489 = vector.shape_cast %get3A_485 : vector<16xi32> to vector<16xi32>
    tpu.vector_store %arg11[%swap3A_486], %swap3A_489 {strides = array<i32>} : memref<80xi32, #tpu.memory_space<vmem>>, vector<16xi32>,
    %get3A_490 = arith.constant 16 : index
    %get3A_491 = tpu.vector_load %arg9[%get3A_490] {strides = array<i32>} : memref<80xi32, #tpu.memory_space<vmem>>, vector<16xi32>,
    %get3A_492 = vector.shape_cast %get3A_491 : vector<16xi32> to vector<16xi32>
    %swap3A_493 = arith.constant 16 : index
    %swap3A_494 = tpu.vector_load %arg11[%swap3A_493] {strides = array<i32>} : memref<80xi32, #tpu.memory_space<vmem>>, vector<16xi32>,
    %swap3A_495 = vector.shape_cast %swap3A_494 : vector<16xi32> to vector<16xi32>
    %swap3A_496 = vector.shape_cast %get3A_492 : vector<16xi32> to vector<16xi32>
    tpu.vector_store %arg11[%swap3A_493], %swap3A_496 {strides = array<i32>} : memref<80xi32, #tpu.memory_space<vmem>>, vector<16xi32>,
    %get3A_497 = arith.constant 32 : index
    %get3A_498 = tpu.vector_load %arg9[%get3A_497] {strides = array<i32>} : memref<80xi32, #tpu.memory_space<vmem>>, vector<16xi32>,
    %get3A_499 = vector.shape_cast %get3A_498 : vector<16xi32> to vector<16xi32>
    %swap3A_500 = arith.constant 32 : index
    %swap3A_501 = tpu.vector_load %arg11[%swap3A_500] {strides = array<i32>} : memref<80xi32, #tpu.memory_space<vmem>>, vector<16xi32>,
    %swap3A_502 = vector.shape_cast %swap3A_501 : vector<16xi32> to vector<16xi32>
    %swap3A_503 = vector.shape_cast %get3A_499 : vector<16xi32> to vector<16xi32>
    tpu.vector_store %arg11[%swap3A_500], %swap3A_503 {strides = array<i32>} : memref<80xi32, #tpu.memory_space<vmem>>, vector<16xi32>,
    %get3A_504 = arith.constant 48 : index
    %get3A_505 = tpu.vector_load %arg9[%get3A_504] {strides = array<i32>} : memref<80xi32, #tpu.memory_space<vmem>>, vector<16xi32>,
    %get3A_506 = vector.shape_cast %get3A_505 : vector<16xi32> to vector<16xi32>
    %swap3A_507 = arith.constant 48 : index
    %swap3A_508 = tpu.vector_load %arg11[%swap3A_507] {strides = array<i32>} : memref<80xi32, #tpu.memory_space<vmem>>, vector<16xi32>,
    %swap3A_509 = vector.shape_cast %swap3A_508 : vector<16xi32> to vector<16xi32>
    %swap3A_510 = vector.shape_cast %get3A_506 : vector<16xi32> to vector<16xi32>
    tpu.vector_store %arg11[%swap3A_507], %swap3A_510 {strides = array<i32>} : memref<80xi32, #tpu.memory_space<vmem>>, vector<16xi32>,
    %get3A_511 = arith.constant 64 : index
    %get3A_512 = tpu.vector_load %arg9[%get3A_511] {strides = array<i32>} : memref<80xi32, #tpu.memory_space<vmem>>, vector<16xi32>,
    %get3A_513 = vector.shape_cast %get3A_512 : vector<16xi32> to vector<16xi32>
    %swap3A_514 = arith.constant 64 : index
    %swap3A_515 = tpu.vector_load %arg11[%swap3A_514] {strides = array<i32>} : memref<80xi32, #tpu.memory_space<vmem>>, vector<16xi32>,
    %swap3A_516 = vector.shape_cast %swap3A_515 : vector<16xi32> to vector<16xi32>
    %swap3A_517 = vector.shape_cast %get3A_513 : vector<16xi32> to vector<16xi32>
    tpu.vector_store %arg11[%swap3A_514], %swap3A_517 {strides = array<i32>} : memref<80xi32, #tpu.memory_space<vmem>>, vector<16xi32>,
    %dma_start3A_518 = arith.constant 0 : i32
    %dma_start3A_519 = arith.constant 0 : i32
    %dma_start3A_520 = tpu.memref_slice %arg16[%dma_start3A_518, %dma_start3A_519] : memref<10000x128xf32, #tpu.memory_space<vmem_shared>> -> memref<10000x128xf32, #tpu.memory_space<vmem_shared>>
    tpu.enqueue_indirect_dma source(%arg13 : memref<80x128xf32, #tpu.memory_space<vmem>>) target(%dma_start3A_520 : memref<10000x128xf32, #tpu.memory_space<vmem_shared>>) offsets(%arg11 : memref<80xi32, #tpu.memory_space<vmem>>) semaphore(%arg23 : memref<!tpu.dma_semaphore, #tpu.memory_space<semaphore_mem>>) {add = true}
    %rem3A_521 = arith.constant 2 : i32
    %rem3A_522 = arith.constant 250 : i32
    %rem3A_523 = arith.remsi %rem3A_521, %rem3A_522 : i32
    %mul3A_524 = arith.constant 80 : i32
    %mul3A_525 = arith.muli %mul3A_524, %rem3A_523 : i32
    %add3A_526 = arith.addi %mul3A_0, %mul3A_525 : i32
    %dma_start3A_527 = tpu.memref_slice %arg3[%add3A_526] : memref<320000xi32, #tpu.memory_space<hbm>> -> memref<80xi32, #tpu.memory_space<hbm>>
    %dma_start3A_528 = tpu.memref_slice %arg3[%add3A_526] : memref<320000xi32, #tpu.memory_space<hbm>> -> memref<80xi32, #tpu.memory_space<hbm>>
    tpu.enqueue_dma source(%dma_start3A_528 : memref<80xi32, #tpu.memory_space<hbm>>) target(%arg7 : memref<80xi32, #tpu.memory_space<vmem>>) target_semaphore(%arg17 : memref<!tpu.dma_semaphore, #tpu.memory_space<semaphore_mem>>)
    %dma_start3A_529 = tpu.memref_slice %arg4[%add3A_526] : memref<320000xi32, #tpu.memory_space<hbm>> -> memref<80xi32, #tpu.memory_space<hbm>>
    %dma_start3A_530 = tpu.memref_slice %arg4[%add3A_526] : memref<320000xi32, #tpu.memory_space<hbm>> -> memref<80xi32, #tpu.memory_space<hbm>>
    tpu.enqueue_dma source(%dma_start3A_530 : memref<80xi32, #tpu.memory_space<hbm>>) target(%arg9 : memref<80xi32, #tpu.memory_space<vmem>>) target_semaphore(%arg19 : memref<!tpu.dma_semaphore, #tpu.memory_space<semaphore_mem>>)
    %scan3A_531 = arith.constant 0 : i32
    %scan3A_532 = arith.constant 0 : i32
    %scan3A_533 = arith.constant 124 : i32
    %scan3A_534 = arith.addi %scan3A_532, %scan3A_533 : i32
    %scan3A_535 = arith.constant 1 : i32
    scf.for %scan3A_599 = %scan3A_532 to %scan3A_534 step %scan3A_535  : i32 {
      %mul3A_600 = arith.constant 2 : i32
      %mul3A_601 = arith.muli %mul3A_600, %scan3A_599 : i32
      %add3A_602 = arith.constant 2 : i32
      %add3A_603 = arith.addi %mul3A_601, %add3A_602 : i32
      %sub3A = arith.constant 1 : i32
      %sub3A_604 = arith.subi %add3A_603, %sub3A : i32
      %dma_wait3A_605 = arith.constant 0 : i32
      %dma_wait3A_606 = tpu.memref_slice %arg3[%dma_wait3A_605] : memref<320000xi32, #tpu.memory_space<hbm>> -> memref<80xi32, #tpu.memory_space<hbm>>
      %dma_wait3A_607 = arith.constant 0 : i32
      %dma_wait3A_608 = tpu.memref_slice %arg3[%dma_wait3A_607] : memref<320000xi32, #tpu.memory_space<hbm>> -> memref<80xi32, #tpu.memory_space<hbm>>
      tpu.wait_dma2 semaphore(%arg17 : memref<!tpu.dma_semaphore, #tpu.memory_space<semaphore_mem>>) src(%dma_wait3A_608 : memref<80xi32, #tpu.memory_space<hbm>>) dst(%arg7 : memref<80xi32, #tpu.memory_space<vmem>>)
      %dma_wait3A_609 = arith.constant 0 : i32
      %dma_wait3A_610 = tpu.memref_slice %arg4[%dma_wait3A_609] : memref<320000xi32, #tpu.memory_space<hbm>> -> memref<80xi32, #tpu.memory_space<hbm>>
      %dma_wait3A_611 = arith.constant 0 : i32
      %dma_wait3A_612 = tpu.memref_slice %arg4[%dma_wait3A_611] : memref<320000xi32, #tpu.memory_space<hbm>> -> memref<80xi32, #tpu.memory_space<hbm>>
      tpu.wait_dma2 semaphore(%arg19 : memref<!tpu.dma_semaphore, #tpu.memory_space<semaphore_mem>>) src(%dma_wait3A_612 : memref<80xi32, #tpu.memory_space<hbm>>) dst(%arg9 : memref<80xi32, #tpu.memory_space<vmem>>)
      %get3A_613 = arith.constant 0 : index
      %get3A_614 = tpu.vector_load %arg7[%get3A_613] {strides = array<i32>} : memref<80xi32, #tpu.memory_space<vmem>>, vector<16xi32>,
      %get3A_615 = vector.shape_cast %get3A_614 : vector<16xi32> to vector<16xi32>
      %add3A_616 = vector.broadcast %mul3A_335 : i32 to vector<16xi32>
      %add3A_617 = arith.addi %get3A_615, %add3A_616 : vector<16xi32>
      %swap3A_618 = arith.constant 0 : index
      %swap3A_619 = tpu.vector_load %arg7[%swap3A_618] {strides = array<i32>} : memref<80xi32, #tpu.memory_space<vmem>>, vector<16xi32>,
      %swap3A_620 = vector.shape_cast %swap3A_619 : vector<16xi32> to vector<16xi32>
      %swap3A_621 = vector.shape_cast %add3A_617 : vector<16xi32> to vector<16xi32>
      tpu.vector_store %arg7[%swap3A_618], %swap3A_621 {strides = array<i32>} : memref<80xi32, #tpu.memory_space<vmem>>, vector<16xi32>,
      %get3A_622 = arith.constant 16 : index
      %get3A_623 = tpu.vector_load %arg7[%get3A_622] {strides = array<i32>} : memref<80xi32, #tpu.memory_space<vmem>>, vector<16xi32>,
      %get3A_624 = vector.shape_cast %get3A_623 : vector<16xi32> to vector<16xi32>
      %add3A_625 = vector.broadcast %mul3A_335 : i32 to vector<16xi32>
      %add3A_626 = arith.addi %get3A_624, %add3A_625 : vector<16xi32>
      %swap3A_627 = arith.constant 16 : index
      %swap3A_628 = tpu.vector_load %arg7[%swap3A_627] {strides = array<i32>} : memref<80xi32, #tpu.memory_space<vmem>>, vector<16xi32>,
      %swap3A_629 = vector.shape_cast %swap3A_628 : vector<16xi32> to vector<16xi32>
      %swap3A_630 = vector.shape_cast %add3A_626 : vector<16xi32> to vector<16xi32>
      tpu.vector_store %arg7[%swap3A_627], %swap3A_630 {strides = array<i32>} : memref<80xi32, #tpu.memory_space<vmem>>, vector<16xi32>,
      %get3A_631 = arith.constant 32 : index
      %get3A_632 = tpu.vector_load %arg7[%get3A_631] {strides = array<i32>} : memref<80xi32, #tpu.memory_space<vmem>>, vector<16xi32>,
      %get3A_633 = vector.shape_cast %get3A_632 : vector<16xi32> to vector<16xi32>
      %add3A_634 = vector.broadcast %mul3A_335 : i32 to vector<16xi32>
      %add3A_635 = arith.addi %get3A_633, %add3A_634 : vector<16xi32>
      %swap3A_636 = arith.constant 32 : index
      %swap3A_637 = tpu.vector_load %arg7[%swap3A_636] {strides = array<i32>} : memref<80xi32, #tpu.memory_space<vmem>>, vector<16xi32>,
      %swap3A_638 = vector.shape_cast %swap3A_637 : vector<16xi32> to vector<16xi32>
      %swap3A_639 = vector.shape_cast %add3A_635 : vector<16xi32> to vector<16xi32>
      tpu.vector_store %arg7[%swap3A_636], %swap3A_639 {strides = array<i32>} : memref<80xi32, #tpu.memory_space<vmem>>, vector<16xi32>,
      %get3A_640 = arith.constant 48 : index
      %get3A_641 = tpu.vector_load %arg7[%get3A_640] {strides = array<i32>} : memref<80xi32, #tpu.memory_space<vmem>>, vector<16xi32>,
      %get3A_642 = vector.shape_cast %get3A_641 : vector<16xi32> to vector<16xi32>
      %add3A_643 = vector.broadcast %mul3A_335 : i32 to vector<16xi32>
      %add3A_644 = arith.addi %get3A_642, %add3A_643 : vector<16xi32>
      %swap3A_645 = arith.constant 48 : index
      %swap3A_646 = tpu.vector_load %arg7[%swap3A_645] {strides = array<i32>} : memref<80xi32, #tpu.memory_space<vmem>>, vector<16xi32>,
      %swap3A_647 = vector.shape_cast %swap3A_646 : vector<16xi32> to vector<16xi32>
      %swap3A_648 = vector.shape_cast %add3A_644 : vector<16xi32> to vector<16xi32>
      tpu.vector_store %arg7[%swap3A_645], %swap3A_648 {strides = array<i32>} : memref<80xi32, #tpu.memory_space<vmem>>, vector<16xi32>,
      %get3A_649 = arith.constant 64 : index
      %get3A_650 = tpu.vector_load %arg7[%get3A_649] {strides = array<i32>} : memref<80xi32, #tpu.memory_space<vmem>>, vector<16xi32>,
      %get3A_651 = vector.shape_cast %get3A_650 : vector<16xi32> to vector<16xi32>
      %add3A_652 = vector.broadcast %mul3A_335 : i32 to vector<16xi32>
      %add3A_653 = arith.addi %get3A_651, %add3A_652 : vector<16xi32>
      %swap3A_654 = arith.constant 64 : index
      %swap3A_655 = tpu.vector_load %arg7[%swap3A_654] {strides = array<i32>} : memref<80xi32, #tpu.memory_space<vmem>>, vector<16xi32>,
      %swap3A_656 = vector.shape_cast %swap3A_655 : vector<16xi32> to vector<16xi32>
      %swap3A_657 = vector.shape_cast %add3A_653 : vector<16xi32> to vector<16xi32>
      tpu.vector_store %arg7[%swap3A_654], %swap3A_657 {strides = array<i32>} : memref<80xi32, #tpu.memory_space<vmem>>, vector<16xi32>,
      %dma_wait3A_658 = arith.constant 0 : i32
      %dma_wait3A_659 = arith.constant 0 : i32
      %dma_wait3A_660 = tpu.memref_slice %arg2[%dma_wait3A_658, %dma_wait3A_659] : memref<40000x128xf32, #tpu.memory_space<hbm>> -> memref<40000x128xf32, #tpu.memory_space<hbm>>
      tpu.wait_indirect_dma semaphore(%arg22 : memref<!tpu.dma_semaphore, #tpu.memory_space<semaphore_mem>>) src(%dma_wait3A_660 : memref<40000x128xf32, #tpu.memory_space<hbm>>) dst(%arg14 : memref<80x128xf32, #tpu.memory_space<vmem>>)
      %dma_wait3A_661 = arith.constant 0 : i32
      %dma_wait3A_662 = arith.constant 0 : i32
      %dma_wait3A_663 = tpu.memref_slice %arg16[%dma_wait3A_661, %dma_wait3A_662] : memref<10000x128xf32, #tpu.memory_space<vmem_shared>> -> memref<10000x128xf32, #tpu.memory_space<vmem_shared>>
      tpu.wait_indirect_dma semaphore(%arg23 : memref<!tpu.dma_semaphore, #tpu.memory_space<semaphore_mem>>) src(%arg13 : memref<80x128xf32, #tpu.memory_space<vmem>>) dst(%dma_wait3A_663 : memref<10000x128xf32, #tpu.memory_space<vmem_shared>>)
      %dma_start3A_664 = arith.constant 0 : i32
      %dma_start3A_665 = arith.constant 0 : i32
      %dma_start3A_666 = tpu.memref_slice %arg2[%dma_start3A_664, %dma_start3A_665] : memref<40000x128xf32, #tpu.memory_space<hbm>> -> memref<40000x128xf32, #tpu.memory_space<hbm>>
      tpu.enqueue_indirect_dma source(%dma_start3A_666 : memref<40000x128xf32, #tpu.memory_space<hbm>>) target(%arg13 : memref<80x128xf32, #tpu.memory_space<vmem>>) offsets(%arg7 : memref<80xi32, #tpu.memory_space<vmem>>) semaphore(%arg21 : memref<!tpu.dma_semaphore, #tpu.memory_space<semaphore_mem>>)
      %get3A_667 = arith.constant 0 : index
      %get3A_668 = tpu.vector_load %arg10[%get3A_667] {strides = array<i32>} : memref<80xi32, #tpu.memory_space<vmem>>, vector<16xi32>,
      %get3A_669 = vector.shape_cast %get3A_668 : vector<16xi32> to vector<16xi32>
      %swap3A_670 = arith.constant 0 : index
      %swap3A_671 = tpu.vector_load %arg12[%swap3A_670] {strides = array<i32>} : memref<80xi32, #tpu.memory_space<vmem>>, vector<16xi32>,
      %swap3A_672 = vector.shape_cast %swap3A_671 : vector<16xi32> to vector<16xi32>
      %swap3A_673 = vector.shape_cast %get3A_669 : vector<16xi32> to vector<16xi32>
      tpu.vector_store %arg12[%swap3A_670], %swap3A_673 {strides = array<i32>} : memref<80xi32, #tpu.memory_space<vmem>>, vector<16xi32>,
      %get3A_674 = arith.constant 16 : index
      %get3A_675 = tpu.vector_load %arg10[%get3A_674] {strides = array<i32>} : memref<80xi32, #tpu.memory_space<vmem>>, vector<16xi32>,
      %get3A_676 = vector.shape_cast %get3A_675 : vector<16xi32> to vector<16xi32>
      %swap3A_677 = arith.constant 16 : index
      %swap3A_678 = tpu.vector_load %arg12[%swap3A_677] {strides = array<i32>} : memref<80xi32, #tpu.memory_space<vmem>>, vector<16xi32>,
      %swap3A_679 = vector.shape_cast %swap3A_678 : vector<16xi32> to vector<16xi32>
      %swap3A_680 = vector.shape_cast %get3A_676 : vector<16xi32> to vector<16xi32>
      tpu.vector_store %arg12[%swap3A_677], %swap3A_680 {strides = array<i32>} : memref<80xi32, #tpu.memory_space<vmem>>, vector<16xi32>,
      %get3A_681 = arith.constant 32 : index
      %get3A_682 = tpu.vector_load %arg10[%get3A_681] {strides = array<i32>} : memref<80xi32, #tpu.memory_space<vmem>>, vector<16xi32>,
      %get3A_683 = vector.shape_cast %get3A_682 : vector<16xi32> to vector<16xi32>
      %swap3A_684 = arith.constant 32 : index
      %swap3A_685 = tpu.vector_load %arg12[%swap3A_684] {strides = array<i32>} : memref<80xi32, #tpu.memory_space<vmem>>, vector<16xi32>,
      %swap3A_686 = vector.shape_cast %swap3A_685 : vector<16xi32> to vector<16xi32>
      %swap3A_687 = vector.shape_cast %get3A_683 : vector<16xi32> to vector<16xi32>
      tpu.vector_store %arg12[%swap3A_684], %swap3A_687 {strides = array<i32>} : memref<80xi32, #tpu.memory_space<vmem>>, vector<16xi32>,
      %get3A_688 = arith.constant 48 : index
      %get3A_689 = tpu.vector_load %arg10[%get3A_688] {strides = array<i32>} : memref<80xi32, #tpu.memory_space<vmem>>, vector<16xi32>,
      %get3A_690 = vector.shape_cast %get3A_689 : vector<16xi32> to vector<16xi32>
      %swap3A_691 = arith.constant 48 : index
      %swap3A_692 = tpu.vector_load %arg12[%swap3A_691] {strides = array<i32>} : memref<80xi32, #tpu.memory_space<vmem>>, vector<16xi32>,
      %swap3A_693 = vector.shape_cast %swap3A_692 : vector<16xi32> to vector<16xi32>
      %swap3A_694 = vector.shape_cast %get3A_690 : vector<16xi32> to vector<16xi32>
      tpu.vector_store %arg12[%swap3A_691], %swap3A_694 {strides = array<i32>} : memref<80xi32, #tpu.memory_space<vmem>>, vector<16xi32>,
      %get3A_695 = arith.constant 64 : index
      %get3A_696 = tpu.vector_load %arg10[%get3A_695] {strides = array<i32>} : memref<80xi32, #tpu.memory_space<vmem>>, vector<16xi32>,
      %get3A_697 = vector.shape_cast %get3A_696 : vector<16xi32> to vector<16xi32>
      %swap3A_698 = arith.constant 64 : index
      %swap3A_699 = tpu.vector_load %arg12[%swap3A_698] {strides = array<i32>} : memref<80xi32, #tpu.memory_space<vmem>>, vector<16xi32>,
      %swap3A_700 = vector.shape_cast %swap3A_699 : vector<16xi32> to vector<16xi32>
      %swap3A_701 = vector.shape_cast %get3A_697 : vector<16xi32> to vector<16xi32>
      tpu.vector_store %arg12[%swap3A_698], %swap3A_701 {strides = array<i32>} : memref<80xi32, #tpu.memory_space<vmem>>, vector<16xi32>,
      %dma_start3A_702 = arith.constant 0 : i32
      %dma_start3A_703 = arith.constant 0 : i32
      %dma_start3A_704 = tpu.memref_slice %arg16[%dma_start3A_702, %dma_start3A_703] : memref<10000x128xf32, #tpu.memory_space<vmem_shared>> -> memref<10000x128xf32, #tpu.memory_space<vmem_shared>>
      tpu.enqueue_indirect_dma source(%arg14 : memref<80x128xf32, #tpu.memory_space<vmem>>) target(%dma_start3A_704 : memref<10000x128xf32, #tpu.memory_space<vmem_shared>>) offsets(%arg12 : memref<80xi32, #tpu.memory_space<vmem>>) semaphore(%arg24 : memref<!tpu.dma_semaphore, #tpu.memory_space<semaphore_mem>>) {add = true}
      %add3A_705 = arith.constant 2 : i32
      %add3A_706 = arith.addi %sub3A_604, %add3A_705 : i32
      %rem3A_707 = arith.constant 250 : i32
      %rem3A_708 = arith.remsi %add3A_706, %rem3A_707 : i32
      %mul3A_709 = arith.constant 80 : i32
      %mul3A_710 = arith.muli %mul3A_709, %rem3A_708 : i32
      %add3A_711 = arith.addi %mul3A_0, %mul3A_710 : i32
      %dma_start3A_712 = tpu.memref_slice %arg3[%add3A_711] : memref<320000xi32, #tpu.memory_space<hbm>> -> memref<80xi32, #tpu.memory_space<hbm>>
      %dma_start3A_713 = tpu.memref_slice %arg3[%add3A_711] : memref<320000xi32, #tpu.memory_space<hbm>> -> memref<80xi32, #tpu.memory_space<hbm>>
      tpu.enqueue_dma source(%dma_start3A_713 : memref<80xi32, #tpu.memory_space<hbm>>) target(%arg8 : memref<80xi32, #tpu.memory_space<vmem>>) target_semaphore(%arg18 : memref<!tpu.dma_semaphore, #tpu.memory_space<semaphore_mem>>)
      %dma_start3A_714 = tpu.memref_slice %arg4[%add3A_711] : memref<320000xi32, #tpu.memory_space<hbm>> -> memref<80xi32, #tpu.memory_space<hbm>>
      %dma_start3A_715 = tpu.memref_slice %arg4[%add3A_711] : memref<320000xi32, #tpu.memory_space<hbm>> -> memref<80xi32, #tpu.memory_space<hbm>>
      tpu.enqueue_dma source(%dma_start3A_715 : memref<80xi32, #tpu.memory_space<hbm>>) target(%arg10 : memref<80xi32, #tpu.memory_space<vmem>>) target_semaphore(%arg20 : memref<!tpu.dma_semaphore, #tpu.memory_space<semaphore_mem>>)
      %mul3A_716 = arith.constant 2 : i32
      %mul3A_717 = arith.muli %mul3A_716, %scan3A_599 : i32
      %add3A_718 = arith.constant 2 : i32
      %add3A_719 = arith.addi %mul3A_717, %add3A_718 : i32
      %sub3A_720 = arith.constant 0 : i32
      %sub3A_721 = arith.subi %add3A_719, %sub3A_720 : i32
      %dma_wait3A_722 = arith.constant 0 : i32
      %dma_wait3A_723 = tpu.memref_slice %arg3[%dma_wait3A_722] : memref<320000xi32, #tpu.memory_space<hbm>> -> memref<80xi32, #tpu.memory_space<hbm>>
      %dma_wait3A_724 = arith.constant 0 : i32
      %dma_wait3A_725 = tpu.memref_slice %arg3[%dma_wait3A_724] : memref<320000xi32, #tpu.memory_space<hbm>> -> memref<80xi32, #tpu.memory_space<hbm>>
      tpu.wait_dma2 semaphore(%arg18 : memref<!tpu.dma_semaphore, #tpu.memory_space<semaphore_mem>>) src(%dma_wait3A_725 : memref<80xi32, #tpu.memory_space<hbm>>) dst(%arg8 : memref<80xi32, #tpu.memory_space<vmem>>)
      %dma_wait3A_726 = arith.constant 0 : i32
      %dma_wait3A_727 = tpu.memref_slice %arg4[%dma_wait3A_726] : memref<320000xi32, #tpu.memory_space<hbm>> -> memref<80xi32, #tpu.memory_space<hbm>>
      %dma_wait3A_728 = arith.constant 0 : i32
      %dma_wait3A_729 = tpu.memref_slice %arg4[%dma_wait3A_728] : memref<320000xi32, #tpu.memory_space<hbm>> -> memref<80xi32, #tpu.memory_space<hbm>>
      tpu.wait_dma2 semaphore(%arg20 : memref<!tpu.dma_semaphore, #tpu.memory_space<semaphore_mem>>) src(%dma_wait3A_729 : memref<80xi32, #tpu.memory_space<hbm>>) dst(%arg10 : memref<80xi32, #tpu.memory_space<vmem>>)
      %get3A_730 = arith.constant 0 : index
      %get3A_731 = tpu.vector_load %arg8[%get3A_730] {strides = array<i32>} : memref<80xi32, #tpu.memory_space<vmem>>, vector<16xi32>,
      %get3A_732 = vector.shape_cast %get3A_731 : vector<16xi32> to vector<16xi32>
      %add3A_733 = vector.broadcast %mul3A_335 : i32 to vector<16xi32>
      %add3A_734 = arith.addi %get3A_732, %add3A_733 : vector<16xi32>
      %swap3A_735 = arith.constant 0 : index
      %swap3A_736 = tpu.vector_load %arg8[%swap3A_735] {strides = array<i32>} : memref<80xi32, #tpu.memory_space<vmem>>, vector<16xi32>,
      %swap3A_737 = vector.shape_cast %swap3A_736 : vector<16xi32> to vector<16xi32>
      %swap3A_738 = vector.shape_cast %add3A_734 : vector<16xi32> to vector<16xi32>
      tpu.vector_store %arg8[%swap3A_735], %swap3A_738 {strides = array<i32>} : memref<80xi32, #tpu.memory_space<vmem>>, vector<16xi32>,
      %get3A_739 = arith.constant 16 : index
      %get3A_740 = tpu.vector_load %arg8[%get3A_739] {strides = array<i32>} : memref<80xi32, #tpu.memory_space<vmem>>, vector<16xi32>,
      %get3A_741 = vector.shape_cast %get3A_740 : vector<16xi32> to vector<16xi32>
      %add3A_742 = vector.broadcast %mul3A_335 : i32 to vector<16xi32>
      %add3A_743 = arith.addi %get3A_741, %add3A_742 : vector<16xi32>
      %swap3A_744 = arith.constant 16 : index
      %swap3A_745 = tpu.vector_load %arg8[%swap3A_744] {strides = array<i32>} : memref<80xi32, #tpu.memory_space<vmem>>, vector<16xi32>,
      %swap3A_746 = vector.shape_cast %swap3A_745 : vector<16xi32> to vector<16xi32>
      %swap3A_747 = vector.shape_cast %add3A_743 : vector<16xi32> to vector<16xi32>
      tpu.vector_store %arg8[%swap3A_744], %swap3A_747 {strides = array<i32>} : memref<80xi32, #tpu.memory_space<vmem>>, vector<16xi32>,
      %get3A_748 = arith.constant 32 : index
      %get3A_749 = tpu.vector_load %arg8[%get3A_748] {strides = array<i32>} : memref<80xi32, #tpu.memory_space<vmem>>, vector<16xi32>,
      %get3A_750 = vector.shape_cast %get3A_749 : vector<16xi32> to vector<16xi32>
      %add3A_751 = vector.broadcast %mul3A_335 : i32 to vector<16xi32>
      %add3A_752 = arith.addi %get3A_750, %add3A_751 : vector<16xi32>
      %swap3A_753 = arith.constant 32 : index
      %swap3A_754 = tpu.vector_load %arg8[%swap3A_753] {strides = array<i32>} : memref<80xi32, #tpu.memory_space<vmem>>, vector<16xi32>,
      %swap3A_755 = vector.shape_cast %swap3A_754 : vector<16xi32> to vector<16xi32>
      %swap3A_756 = vector.shape_cast %add3A_752 : vector<16xi32> to vector<16xi32>
      tpu.vector_store %arg8[%swap3A_753], %swap3A_756 {strides = array<i32>} : memref<80xi32, #tpu.memory_space<vmem>>, vector<16xi32>,
      %get3A_757 = arith.constant 48 : index
      %get3A_758 = tpu.vector_load %arg8[%get3A_757] {strides = array<i32>} : memref<80xi32, #tpu.memory_space<vmem>>, vector<16xi32>,
      %get3A_759 = vector.shape_cast %get3A_758 : vector<16xi32> to vector<16xi32>
      %add3A_760 = vector.broadcast %mul3A_335 : i32 to vector<16xi32>
      %add3A_761 = arith.addi %get3A_759, %add3A_760 : vector<16xi32>
      %swap3A_762 = arith.constant 48 : index
      %swap3A_763 = tpu.vector_load %arg8[%swap3A_762] {strides = array<i32>} : memref<80xi32, #tpu.memory_space<vmem>>, vector<16xi32>,
      %swap3A_764 = vector.shape_cast %swap3A_763 : vector<16xi32> to vector<16xi32>
      %swap3A_765 = vector.shape_cast %add3A_761 : vector<16xi32> to vector<16xi32>
      tpu.vector_store %arg8[%swap3A_762], %swap3A_765 {strides = array<i32>} : memref<80xi32, #tpu.memory_space<vmem>>, vector<16xi32>,
      %get3A_766 = arith.constant 64 : index
      %get3A_767 = tpu.vector_load %arg8[%get3A_766] {strides = array<i32>} : memref<80xi32, #tpu.memory_space<vmem>>, vector<16xi32>,
      %get3A_768 = vector.shape_cast %get3A_767 : vector<16xi32> to vector<16xi32>
      %add3A_769 = vector.broadcast %mul3A_335 : i32 to vector<16xi32>
      %add3A_770 = arith.addi %get3A_768, %add3A_769 : vector<16xi32>
      %swap3A_771 = arith.constant 64 : index
      %swap3A_772 = tpu.vector_load %arg8[%swap3A_771] {strides = array<i32>} : memref<80xi32, #tpu.memory_space<vmem>>, vector<16xi32>,
      %swap3A_773 = vector.shape_cast %swap3A_772 : vector<16xi32> to vector<16xi32>
      %swap3A_774 = vector.shape_cast %add3A_770 : vector<16xi32> to vector<16xi32>
      tpu.vector_store %arg8[%swap3A_771], %swap3A_774 {strides = array<i32>} : memref<80xi32, #tpu.memory_space<vmem>>, vector<16xi32>,
      %dma_wait3A_775 = arith.constant 0 : i32
      %dma_wait3A_776 = arith.constant 0 : i32
      %dma_wait3A_777 = tpu.memref_slice %arg2[%dma_wait3A_775, %dma_wait3A_776] : memref<40000x128xf32, #tpu.memory_space<hbm>> -> memref<40000x128xf32, #tpu.memory_space<hbm>>
      tpu.wait_indirect_dma semaphore(%arg21 : memref<!tpu.dma_semaphore, #tpu.memory_space<semaphore_mem>>) src(%dma_wait3A_777 : memref<40000x128xf32, #tpu.memory_space<hbm>>) dst(%arg13 : memref<80x128xf32, #tpu.memory_space<vmem>>)
      %dma_wait3A_778 = arith.constant 0 : i32
      %dma_wait3A_779 = arith.constant 0 : i32
      %dma_wait3A_780 = tpu.memref_slice %arg16[%dma_wait3A_778, %dma_wait3A_779] : memref<10000x128xf32, #tpu.memory_space<vmem_shared>> -> memref<10000x128xf32, #tpu.memory_space<vmem_shared>>
      tpu.wait_indirect_dma semaphore(%arg24 : memref<!tpu.dma_semaphore, #tpu.memory_space<semaphore_mem>>) src(%arg14 : memref<80x128xf32, #tpu.memory_space<vmem>>) dst(%dma_wait3A_780 : memref<10000x128xf32, #tpu.memory_space<vmem_shared>>)
      %dma_start3A_781 = arith.constant 0 : i32
      %dma_start3A_782 = arith.constant 0 : i32
      %dma_start3A_783 = tpu.memref_slice %arg2[%dma_start3A_781, %dma_start3A_782] : memref<40000x128xf32, #tpu.memory_space<hbm>> -> memref<40000x128xf32, #tpu.memory_space<hbm>>
      tpu.enqueue_indirect_dma source(%dma_start3A_783 : memref<40000x128xf32, #tpu.memory_space<hbm>>) target(%arg14 : memref<80x128xf32, #tpu.memory_space<vmem>>) offsets(%arg8 : memref<80xi32, #tpu.memory_space<vmem>>) semaphore(%arg22 : memref<!tpu.dma_semaphore, #tpu.memory_space<semaphore_mem>>)
      %get3A_784 = arith.constant 0 : index
      %get3A_785 = tpu.vector_load %arg9[%get3A_784] {strides = array<i32>} : memref<80xi32, #tpu.memory_space<vmem>>, vector<16xi32>,
      %get3A_786 = vector.shape_cast %get3A_785 : vector<16xi32> to vector<16xi32>
      %swap3A_787 = arith.constant 0 : index
      %swap3A_788 = tpu.vector_load %arg11[%swap3A_787] {strides = array<i32>} : memref<80xi32, #tpu.memory_space<vmem>>, vector<16xi32>,
      %swap3A_789 = vector.shape_cast %swap3A_788 : vector<16xi32> to vector<16xi32>
      %swap3A_790 = vector.shape_cast %get3A_786 : vector<16xi32> to vector<16xi32>
      tpu.vector_store %arg11[%swap3A_787], %swap3A_790 {strides = array<i32>} : memref<80xi32, #tpu.memory_space<vmem>>, vector<16xi32>,
      %get3A_791 = arith.constant 16 : index
      %get3A_792 = tpu.vector_load %arg9[%get3A_791] {strides = array<i32>} : memref<80xi32, #tpu.memory_space<vmem>>, vector<16xi32>,
      %get3A_793 = vector.shape_cast %get3A_792 : vector<16xi32> to vector<16xi32>
      %swap3A_794 = arith.constant 16 : index
      %swap3A_795 = tpu.vector_load %arg11[%swap3A_794] {strides = array<i32>} : memref<80xi32, #tpu.memory_space<vmem>>, vector<16xi32>,
      %swap3A_796 = vector.shape_cast %swap3A_795 : vector<16xi32> to vector<16xi32>
      %swap3A_797 = vector.shape_cast %get3A_793 : vector<16xi32> to vector<16xi32>
      tpu.vector_store %arg11[%swap3A_794], %swap3A_797 {strides = array<i32>} : memref<80xi32, #tpu.memory_space<vmem>>, vector<16xi32>,
      %get3A_798 = arith.constant 32 : index
      %get3A_799 = tpu.vector_load %arg9[%get3A_798] {strides = array<i32>} : memref<80xi32, #tpu.memory_space<vmem>>, vector<16xi32>,
      %get3A_800 = vector.shape_cast %get3A_799 : vector<16xi32> to vector<16xi32>
      %swap3A_801 = arith.constant 32 : index
      %swap3A_802 = tpu.vector_load %arg11[%swap3A_801] {strides = array<i32>} : memref<80xi32, #tpu.memory_space<vmem>>, vector<16xi32>,
      %swap3A_803 = vector.shape_cast %swap3A_802 : vector<16xi32> to vector<16xi32>
      %swap3A_804 = vector.shape_cast %get3A_800 : vector<16xi32> to vector<16xi32>
      tpu.vector_store %arg11[%swap3A_801], %swap3A_804 {strides = array<i32>} : memref<80xi32, #tpu.memory_space<vmem>>, vector<16xi32>,
      %get3A_805 = arith.constant 48 : index
      %get3A_806 = tpu.vector_load %arg9[%get3A_805] {strides = array<i32>} : memref<80xi32, #tpu.memory_space<vmem>>, vector<16xi32>,
      %get3A_807 = vector.shape_cast %get3A_806 : vector<16xi32> to vector<16xi32>
      %swap3A_808 = arith.constant 48 : index
      %swap3A_809 = tpu.vector_load %arg11[%swap3A_808] {strides = array<i32>} : memref<80xi32, #tpu.memory_space<vmem>>, vector<16xi32>,
      %swap3A_810 = vector.shape_cast %swap3A_809 : vector<16xi32> to vector<16xi32>
      %swap3A_811 = vector.shape_cast %get3A_807 : vector<16xi32> to vector<16xi32>
      tpu.vector_store %arg11[%swap3A_808], %swap3A_811 {strides = array<i32>} : memref<80xi32, #tpu.memory_space<vmem>>, vector<16xi32>,
      %get3A_812 = arith.constant 64 : index
      %get3A_813 = tpu.vector_load %arg9[%get3A_812] {strides = array<i32>} : memref<80xi32, #tpu.memory_space<vmem>>, vector<16xi32>,
      %get3A_814 = vector.shape_cast %get3A_813 : vector<16xi32> to vector<16xi32>
      %swap3A_815 = arith.constant 64 : index
      %swap3A_816 = tpu.vector_load %arg11[%swap3A_815] {strides = array<i32>} : memref<80xi32, #tpu.memory_space<vmem>>, vector<16xi32>,
      %swap3A_817 = vector.shape_cast %swap3A_816 : vector<16xi32> to vector<16xi32>
      %swap3A_818 = vector.shape_cast %get3A_814 : vector<16xi32> to vector<16xi32>
      tpu.vector_store %arg11[%swap3A_815], %swap3A_818 {strides = array<i32>} : memref<80xi32, #tpu.memory_space<vmem>>, vector<16xi32>,
      %dma_start3A_819 = arith.constant 0 : i32
      %dma_start3A_820 = arith.constant 0 : i32
      %dma_start3A_821 = tpu.memref_slice %arg16[%dma_start3A_819, %dma_start3A_820] : memref<10000x128xf32, #tpu.memory_space<vmem_shared>> -> memref<10000x128xf32, #tpu.memory_space<vmem_shared>>
      tpu.enqueue_indirect_dma source(%arg13 : memref<80x128xf32, #tpu.memory_space<vmem>>) target(%dma_start3A_821 : memref<10000x128xf32, #tpu.memory_space<vmem_shared>>) offsets(%arg11 : memref<80xi32, #tpu.memory_space<vmem>>) semaphore(%arg23 : memref<!tpu.dma_semaphore, #tpu.memory_space<semaphore_mem>>) {add = true}
      %add3A_822 = arith.constant 2 : i32
      %add3A_823 = arith.addi %sub3A_721, %add3A_822 : i32
      %rem3A_824 = arith.constant 250 : i32
      %rem3A_825 = arith.remsi %add3A_823, %rem3A_824 : i32
      %mul3A_826 = arith.constant 80 : i32
      %mul3A_827 = arith.muli %mul3A_826, %rem3A_825 : i32
      %add3A_828 = arith.addi %mul3A_0, %mul3A_827 : i32
      %dma_start3A_829 = tpu.memref_slice %arg3[%add3A_828] : memref<320000xi32, #tpu.memory_space<hbm>> -> memref<80xi32, #tpu.memory_space<hbm>>
      %dma_start3A_830 = tpu.memref_slice %arg3[%add3A_828] : memref<320000xi32, #tpu.memory_space<hbm>> -> memref<80xi32, #tpu.memory_space<hbm>>
      tpu.enqueue_dma source(%dma_start3A_830 : memref<80xi32, #tpu.memory_space<hbm>>) target(%arg7 : memref<80xi32, #tpu.memory_space<vmem>>) target_semaphore(%arg17 : memref<!tpu.dma_semaphore, #tpu.memory_space<semaphore_mem>>)
      %dma_start3A_831 = tpu.memref_slice %arg4[%add3A_828] : memref<320000xi32, #tpu.memory_space<hbm>> -> memref<80xi32, #tpu.memory_space<hbm>>
      %dma_start3A_832 = tpu.memref_slice %arg4[%add3A_828] : memref<320000xi32, #tpu.memory_space<hbm>> -> memref<80xi32, #tpu.memory_space<hbm>>
      tpu.enqueue_dma source(%dma_start3A_832 : memref<80xi32, #tpu.memory_space<hbm>>) target(%arg9 : memref<80xi32, #tpu.memory_space<vmem>>) target_semaphore(%arg19 : memref<!tpu.dma_semaphore, #tpu.memory_space<semaphore_mem>>)
    }
    %scan3A_536 = arith.constant 124 : i32
    %dma_wait3A_537 = arith.constant 0 : i32
    %dma_wait3A_538 = tpu.memref_slice %arg3[%dma_wait3A_537] : memref<320000xi32, #tpu.memory_space<hbm>> -> memref<80xi32, #tpu.memory_space<hbm>>
    %dma_wait3A_539 = arith.constant 0 : i32
    %dma_wait3A_540 = tpu.memref_slice %arg3[%dma_wait3A_539] : memref<320000xi32, #tpu.memory_space<hbm>> -> memref<80xi32, #tpu.memory_space<hbm>>
    tpu.wait_dma2 semaphore(%arg17 : memref<!tpu.dma_semaphore, #tpu.memory_space<semaphore_mem>>) src(%dma_wait3A_540 : memref<80xi32, #tpu.memory_space<hbm>>) dst(%arg7 : memref<80xi32, #tpu.memory_space<vmem>>)
    %dma_wait3A_541 = arith.constant 0 : i32
    %dma_wait3A_542 = tpu.memref_slice %arg4[%dma_wait3A_541] : memref<320000xi32, #tpu.memory_space<hbm>> -> memref<80xi32, #tpu.memory_space<hbm>>
    %dma_wait3A_543 = arith.constant 0 : i32
    %dma_wait3A_544 = tpu.memref_slice %arg4[%dma_wait3A_543] : memref<320000xi32, #tpu.memory_space<hbm>> -> memref<80xi32, #tpu.memory_space<hbm>>
    tpu.wait_dma2 semaphore(%arg19 : memref<!tpu.dma_semaphore, #tpu.memory_space<semaphore_mem>>) src(%dma_wait3A_544 : memref<80xi32, #tpu.memory_space<hbm>>) dst(%arg9 : memref<80xi32, #tpu.memory_space<vmem>>)
    %dma_wait3A_545 = arith.constant 0 : i32
    %dma_wait3A_546 = arith.constant 0 : i32
    %dma_wait3A_547 = tpu.memref_slice %arg2[%dma_wait3A_545, %dma_wait3A_546] : memref<40000x128xf32, #tpu.memory_space<hbm>> -> memref<40000x128xf32, #tpu.memory_space<hbm>>
    tpu.wait_indirect_dma semaphore(%arg22 : memref<!tpu.dma_semaphore, #tpu.memory_space<semaphore_mem>>) src(%dma_wait3A_547 : memref<40000x128xf32, #tpu.memory_space<hbm>>) dst(%arg14 : memref<80x128xf32, #tpu.memory_space<vmem>>)
    %dma_wait3A_548 = arith.constant 0 : i32
    %dma_wait3A_549 = arith.constant 0 : i32
    %dma_wait3A_550 = tpu.memref_slice %arg16[%dma_wait3A_548, %dma_wait3A_549] : memref<10000x128xf32, #tpu.memory_space<vmem_shared>> -> memref<10000x128xf32, #tpu.memory_space<vmem_shared>>
    tpu.wait_indirect_dma semaphore(%arg23 : memref<!tpu.dma_semaphore, #tpu.memory_space<semaphore_mem>>) src(%arg13 : memref<80x128xf32, #tpu.memory_space<vmem>>) dst(%dma_wait3A_550 : memref<10000x128xf32, #tpu.memory_space<vmem_shared>>)
    %get3A_551 = arith.constant 0 : index
    %get3A_552 = tpu.vector_load %arg10[%get3A_551] {strides = array<i32>} : memref<80xi32, #tpu.memory_space<vmem>>, vector<16xi32>,
    %get3A_553 = vector.shape_cast %get3A_552 : vector<16xi32> to vector<16xi32>
    %swap3A_554 = arith.constant 0 : index
    %swap3A_555 = tpu.vector_load %arg12[%swap3A_554] {strides = array<i32>} : memref<80xi32, #tpu.memory_space<vmem>>, vector<16xi32>,
    %swap3A_556 = vector.shape_cast %swap3A_555 : vector<16xi32> to vector<16xi32>
    %swap3A_557 = vector.shape_cast %get3A_553 : vector<16xi32> to vector<16xi32>
    tpu.vector_store %arg12[%swap3A_554], %swap3A_557 {strides = array<i32>} : memref<80xi32, #tpu.memory_space<vmem>>, vector<16xi32>,
    %get3A_558 = arith.constant 16 : index
    %get3A_559 = tpu.vector_load %arg10[%get3A_558] {strides = array<i32>} : memref<80xi32, #tpu.memory_space<vmem>>, vector<16xi32>,
    %get3A_560 = vector.shape_cast %get3A_559 : vector<16xi32> to vector<16xi32>
    %swap3A_561 = arith.constant 16 : index
    %swap3A_562 = tpu.vector_load %arg12[%swap3A_561] {strides = array<i32>} : memref<80xi32, #tpu.memory_space<vmem>>, vector<16xi32>,
    %swap3A_563 = vector.shape_cast %swap3A_562 : vector<16xi32> to vector<16xi32>
    %swap3A_564 = vector.shape_cast %get3A_560 : vector<16xi32> to vector<16xi32>
    tpu.vector_store %arg12[%swap3A_561], %swap3A_564 {strides = array<i32>} : memref<80xi32, #tpu.memory_space<vmem>>, vector<16xi32>,
    %get3A_565 = arith.constant 32 : index
    %get3A_566 = tpu.vector_load %arg10[%get3A_565] {strides = array<i32>} : memref<80xi32, #tpu.memory_space<vmem>>, vector<16xi32>,
    %get3A_567 = vector.shape_cast %get3A_566 : vector<16xi32> to vector<16xi32>
    %swap3A_568 = arith.constant 32 : index
    %swap3A_569 = tpu.vector_load %arg12[%swap3A_568] {strides = array<i32>} : memref<80xi32, #tpu.memory_space<vmem>>, vector<16xi32>,
    %swap3A_570 = vector.shape_cast %swap3A_569 : vector<16xi32> to vector<16xi32>
    %swap3A_571 = vector.shape_cast %get3A_567 : vector<16xi32> to vector<16xi32>
    tpu.vector_store %arg12[%swap3A_568], %swap3A_571 {strides = array<i32>} : memref<80xi32, #tpu.memory_space<vmem>>, vector<16xi32>,
    %get3A_572 = arith.constant 48 : index
    %get3A_573 = tpu.vector_load %arg10[%get3A_572] {strides = array<i32>} : memref<80xi32, #tpu.memory_space<vmem>>, vector<16xi32>,
    %get3A_574 = vector.shape_cast %get3A_573 : vector<16xi32> to vector<16xi32>
    %swap3A_575 = arith.constant 48 : index
    %swap3A_576 = tpu.vector_load %arg12[%swap3A_575] {strides = array<i32>} : memref<80xi32, #tpu.memory_space<vmem>>, vector<16xi32>,
    %swap3A_577 = vector.shape_cast %swap3A_576 : vector<16xi32> to vector<16xi32>
    %swap3A_578 = vector.shape_cast %get3A_574 : vector<16xi32> to vector<16xi32>
    tpu.vector_store %arg12[%swap3A_575], %swap3A_578 {strides = array<i32>} : memref<80xi32, #tpu.memory_space<vmem>>, vector<16xi32>,
    %get3A_579 = arith.constant 64 : index
    %get3A_580 = tpu.vector_load %arg10[%get3A_579] {strides = array<i32>} : memref<80xi32, #tpu.memory_space<vmem>>, vector<16xi32>,
    %get3A_581 = vector.shape_cast %get3A_580 : vector<16xi32> to vector<16xi32>
    %swap3A_582 = arith.constant 64 : index
    %swap3A_583 = tpu.vector_load %arg12[%swap3A_582] {strides = array<i32>} : memref<80xi32, #tpu.memory_space<vmem>>, vector<16xi32>,
    %swap3A_584 = vector.shape_cast %swap3A_583 : vector<16xi32> to vector<16xi32>
    %swap3A_585 = vector.shape_cast %get3A_581 : vector<16xi32> to vector<16xi32>
    tpu.vector_store %arg12[%swap3A_582], %swap3A_585 {strides = array<i32>} : memref<80xi32, #tpu.memory_space<vmem>>, vector<16xi32>,
    %dma_start3A_586 = arith.constant 0 : i32
    %dma_start3A_587 = arith.constant 0 : i32
    %dma_start3A_588 = tpu.memref_slice %arg16[%dma_start3A_586, %dma_start3A_587] : memref<10000x128xf32, #tpu.memory_space<vmem_shared>> -> memref<10000x128xf32, #tpu.memory_space<vmem_shared>>
    tpu.enqueue_indirect_dma source(%arg14 : memref<80x128xf32, #tpu.memory_space<vmem>>) target(%dma_start3A_588 : memref<10000x128xf32, #tpu.memory_space<vmem_shared>>) offsets(%arg12 : memref<80xi32, #tpu.memory_space<vmem>>) semaphore(%arg24 : memref<!tpu.dma_semaphore, #tpu.memory_space<semaphore_mem>>) {add = true}
    %dma_wait3A_589 = arith.constant 0 : i32
    %dma_wait3A_590 = arith.constant 0 : i32
    %dma_wait3A_591 = tpu.memref_slice %arg16[%dma_wait3A_589, %dma_wait3A_590] : memref<10000x128xf32, #tpu.memory_space<vmem_shared>> -> memref<10000x128xf32, #tpu.memory_space<vmem_shared>>
    tpu.wait_indirect_dma semaphore(%arg24 : memref<!tpu.dma_semaphore, #tpu.memory_space<semaphore_mem>>) src(%arg14 : memref<80x128xf32, #tpu.memory_space<vmem>>) dst(%dma_wait3A_591 : memref<10000x128xf32, #tpu.memory_space<vmem_shared>>)
    %barrier3A_592 = arith.constant 0 : index
    tpu.barrier barrier_id(%barrier3A_592)
    %add3A_593 = arith.addi %mul3A_335, %mul3A_8 : i32
    "tpu.region"() ({
      %run_scoped3A = tpu.sem_alloc : memref<!tpu.dma_semaphore, #tpu.memory_space<semaphore_mem>>
      %dma_start3A_599 = arith.constant 0 : i32
      %dma_start3A_600 = tpu.memref_slice %arg5[%add3A_593, %dma_start3A_599] : memref<40000x128xf32, #tpu.memory_space<hbm>> -> memref<624x128xf32, #tpu.memory_space<hbm>>
      %dma_start3A_601 = arith.constant 0 : i32
      %dma_start3A_602 = tpu.memref_slice %arg16[%mul3A_8, %dma_start3A_601] : memref<10000x128xf32, #tpu.memory_space<vmem_shared>> -> memref<624x128xf32, #tpu.memory_space<vmem_shared>>
      tpu.enqueue_dma source(%dma_start3A_602 : memref<624x128xf32, #tpu.memory_space<vmem_shared>>) target(%dma_start3A_600 : memref<624x128xf32, #tpu.memory_space<hbm>>) target_semaphore(%run_scoped3A : memref<!tpu.dma_semaphore, #tpu.memory_space<semaphore_mem>>)
      %dma_wait3A_603 = arith.constant 0 : i32
      %dma_wait3A_604 = tpu.memref_slice %arg5[%add3A_593, %dma_wait3A_603] : memref<40000x128xf32, #tpu.memory_space<hbm>> -> memref<624x128xf32, #tpu.memory_space<hbm>>
      %dma_wait3A_605 = arith.constant 0 : i32
      %dma_wait3A_606 = tpu.memref_slice %arg16[%mul3A_8, %dma_wait3A_605] : memref<10000x128xf32, #tpu.memory_space<vmem_shared>> -> memref<624x128xf32, #tpu.memory_space<vmem_shared>>
      tpu.wait_dma2 semaphore(%run_scoped3A : memref<!tpu.dma_semaphore, #tpu.memory_space<semaphore_mem>>) src(%dma_wait3A_606 : memref<624x128xf32, #tpu.memory_space<vmem_shared>>) dst(%dma_wait3A_604 : memref<624x128xf32, #tpu.memory_space<hbm>>)
      tpu.yield
    }) : () -> ()
    %eq3A_594 = arith.constant 15 : i32
    %eq3A_595 = arith.cmpi eq, %arg1, %eq3A_594 : i32
    %convert_element_type3A_596 = arith.extui %eq3A_595 : i1 to i32
    %cond3A_597 = arith.constant 0 : i32
    %cond3A_598 = arith.cmpi ne, %convert_element_type3A_596, %cond3A_597 : i32
    scf.if %cond3A_598 {
      %add3A_599 = arith.constant 9984 : i32
      %add3A_600 = arith.addi %mul3A_335, %add3A_599 : i32
      "tpu.region"() ({
        %run_scoped3A = tpu.sem_alloc : memref<!tpu.dma_semaphore, #tpu.memory_space<semaphore_mem>>
        %dma_start3A_601 = arith.constant 0 : i32
        %dma_start3A_602 = tpu.memref_slice %arg5[%add3A_600, %dma_start3A_601] : memref<40000x128xf32, #tpu.memory_space<hbm>> -> memref<16x128xf32, #tpu.memory_space<hbm>>
        %dma_start3A_603 = arith.constant 9984 : i32
        %dma_start3A_604 = arith.constant 0 : i32
        %dma_start3A_605 = tpu.memref_slice %arg16[%dma_start3A_603, %dma_start3A_604] : memref<10000x128xf32, #tpu.memory_space<vmem_shared>> -> memref<16x128xf32, #tpu.memory_space<vmem_shared>>
        tpu.enqueue_dma source(%dma_start3A_605 : memref<16x128xf32, #tpu.memory_space<vmem_shared>>) target(%dma_start3A_602 : memref<16x128xf32, #tpu.memory_space<hbm>>) target_semaphore(%run_scoped3A : memref<!tpu.dma_semaphore, #tpu.memory_space<semaphore_mem>>)
        %dma_wait3A_606 = arith.constant 0 : i32
        %dma_wait3A_607 = tpu.memref_slice %arg5[%add3A_600, %dma_wait3A_606] : memref<40000x128xf32, #tpu.memory_space<hbm>> -> memref<16x128xf32, #tpu.memory_space<hbm>>
        %dma_wait3A_608 = arith.constant 9984 : i32
        %dma_wait3A_609 = arith.constant 0 : i32
        %dma_wait3A_610 = tpu.memref_slice %arg16[%dma_wait3A_608, %dma_wait3A_609] : memref<10000x128xf32, #tpu.memory_space<vmem_shared>> -> memref<16x128xf32, #tpu.memory_space<vmem_shared>>
        tpu.wait_dma2 semaphore(%run_scoped3A : memref<!tpu.dma_semaphore, #tpu.memory_space<semaphore_mem>>) src(%dma_wait3A_610 : memref<16x128xf32, #tpu.memory_space<vmem_shared>>) dst(%dma_wait3A_607 : memref<16x128xf32, #tpu.memory_space<hbm>>)
        tpu.yield
      }) : () -> ()
    } else {
    }
    return
  }
}

#map = affine_map<(d0, d1) -> (0, 0)>
#map1 = affine_map<(d0, d1) -> (0)>
module attributes {stable_mosaic.version = 14 : i64} {
  func.func @_sc_agg_body(%arg0: i32, %arg1: i32, %arg2: memref<40000x128xf32, #tpu.memory_space<hbm>>, %arg3: memref<320000xi32, #tpu.memory_space<hbm>>, %arg4: memref<320000xi32, #tpu.memory_space<hbm>>, %arg5: memref<40000x128xf32, #tpu.memory_space<hbm>>, %arg6: memref<80xi32, #tpu.memory_space<vmem>>, %arg7: memref<80xi32, #tpu.memory_space<vmem>>, %arg8: memref<80xi32, #tpu.memory_space<vmem>>, %arg9: memref<80xi32, #tpu.memory_space<vmem>>, %arg10: memref<80xi32, #tpu.memory_space<vmem>>, %arg11: memref<80xi32, #tpu.memory_space<vmem>>, %arg12: memref<80x128xf32, #tpu.memory_space<vmem>>, %arg13: memref<80x128xf32, #tpu.memory_space<vmem>>, %arg14: memref<24x128xf32, #tpu.memory_space<vmem>>, %arg15: memref<10000x128xf32, #tpu.memory_space<vmem_shared>>, %arg16: memref<!tpu.dma_semaphore, #tpu.memory_space<semaphore_mem>>, %arg17: memref<!tpu.dma_semaphore, #tpu.memory_space<semaphore_mem>>, %arg18: memref<!tpu.dma_semaphore, #tpu.memory_space<semaphore_mem>>, %arg19: memref<!tpu.dma_semaphore, #tpu.memory_space<semaphore_mem>>, %arg20: memref<!tpu.dma_semaphore, #tpu.memory_space<semaphore_mem>>, %arg21: memref<!tpu.dma_semaphore, #tpu.memory_space<semaphore_mem>>, %arg22: memref<!tpu.dma_semaphore, #tpu.memory_space<semaphore_mem>>, %arg23: memref<!tpu.dma_semaphore, #tpu.memory_space<semaphore_mem>>) attributes {dimension_semantics = [#tpu.dimension_semantics<core_parallel>, #tpu.dimension_semantics<subcore_parallel>], iteration_bounds = array<i64: 2, 16>, scalar_prefetch = 0 : i64, scratch_operands = 18 : i64, tpu.core_type = #tpu.core_type<sc_vector_subcore>, window_params = [{transform_indices = #map}, {transform_indices = #map1}, {transform_indices = #map1}, {transform_indices = #map}]} {
    %mul3A = arith.constant 20000 : i32
    %mul3A_0 = arith.muli %arg1, %mul3A : i32
    %broadcast_in_dim3A = arith.constant 0.000000e+00 : f32
    %broadcast_in_dim3A_1 = vector.broadcast %broadcast_in_dim3A : f32 to vector<16xf32>
    %scan3A = arith.constant 0 : i32
    %scan3A_2 = arith.constant 0 : i32
    %scan3A_3 = arith.constant 24 : i32
    %scan3A_4 = arith.addi %scan3A_2, %scan3A_3 : i32
    %scan3A_5 = arith.constant 1 : i32
    scf.for %scan3A_534 = %scan3A_2 to %scan3A_4 step %scan3A_5  : i32 {
      %swap3A_535 = arith.index_cast %scan3A_534 : i32 to index
      %swap3A_536 = arith.constant 0 : index
      %swap3A_537 = tpu.vector_load %arg14[%swap3A_535, %swap3A_536] {strides = array<i32>} : memref<24x128xf32, #tpu.memory_space<vmem>>, vector<1x16xf32>,
      %swap3A_538 = vector.shape_cast %swap3A_537 : vector<1x16xf32> to vector<16xf32>
      %swap3A_539 = vector.shape_cast %broadcast_in_dim3A_1 : vector<16xf32> to vector<1x16xf32>
      tpu.vector_store %arg14[%swap3A_535, %swap3A_536], %swap3A_539 {strides = array<i32>} : memref<24x128xf32, #tpu.memory_space<vmem>>, vector<1x16xf32>,
      %swap3A_540 = arith.index_cast %scan3A_534 : i32 to index
      %swap3A_541 = arith.constant 16 : index
      %swap3A_542 = tpu.vector_load %arg14[%swap3A_540, %swap3A_541] {strides = array<i32>} : memref<24x128xf32, #tpu.memory_space<vmem>>, vector<1x16xf32>,
      %swap3A_543 = vector.shape_cast %swap3A_542 : vector<1x16xf32> to vector<16xf32>
      %swap3A_544 = vector.shape_cast %broadcast_in_dim3A_1 : vector<16xf32> to vector<1x16xf32>
      tpu.vector_store %arg14[%swap3A_540, %swap3A_541], %swap3A_544 {strides = array<i32>} : memref<24x128xf32, #tpu.memory_space<vmem>>, vector<1x16xf32>,
      %swap3A_545 = arith.index_cast %scan3A_534 : i32 to index
      %swap3A_546 = arith.constant 32 : index
      %swap3A_547 = tpu.vector_load %arg14[%swap3A_545, %swap3A_546] {strides = array<i32>} : memref<24x128xf32, #tpu.memory_space<vmem>>, vector<1x16xf32>,
      %swap3A_548 = vector.shape_cast %swap3A_547 : vector<1x16xf32> to vector<16xf32>
      %swap3A_549 = vector.shape_cast %broadcast_in_dim3A_1 : vector<16xf32> to vector<1x16xf32>
      tpu.vector_store %arg14[%swap3A_545, %swap3A_546], %swap3A_549 {strides = array<i32>} : memref<24x128xf32, #tpu.memory_space<vmem>>, vector<1x16xf32>,
      %swap3A_550 = arith.index_cast %scan3A_534 : i32 to index
      %swap3A_551 = arith.constant 48 : index
      %swap3A_552 = tpu.vector_load %arg14[%swap3A_550, %swap3A_551] {strides = array<i32>} : memref<24x128xf32, #tpu.memory_space<vmem>>, vector<1x16xf32>,
      %swap3A_553 = vector.shape_cast %swap3A_552 : vector<1x16xf32> to vector<16xf32>
      %swap3A_554 = vector.shape_cast %broadcast_in_dim3A_1 : vector<16xf32> to vector<1x16xf32>
      tpu.vector_store %arg14[%swap3A_550, %swap3A_551], %swap3A_554 {strides = array<i32>} : memref<24x128xf32, #tpu.memory_space<vmem>>, vector<1x16xf32>,
      %swap3A_555 = arith.index_cast %scan3A_534 : i32 to index
      %swap3A_556 = arith.constant 64 : index
      %swap3A_557 = tpu.vector_load %arg14[%swap3A_555, %swap3A_556] {strides = array<i32>} : memref<24x128xf32, #tpu.memory_space<vmem>>, vector<1x16xf32>,
      %swap3A_558 = vector.shape_cast %swap3A_557 : vector<1x16xf32> to vector<16xf32>
      %swap3A_559 = vector.shape_cast %broadcast_in_dim3A_1 : vector<16xf32> to vector<1x16xf32>
      tpu.vector_store %arg14[%swap3A_555, %swap3A_556], %swap3A_559 {strides = array<i32>} : memref<24x128xf32, #tpu.memory_space<vmem>>, vector<1x16xf32>,
      %swap3A_560 = arith.index_cast %scan3A_534 : i32 to index
      %swap3A_561 = arith.constant 80 : index
      %swap3A_562 = tpu.vector_load %arg14[%swap3A_560, %swap3A_561] {strides = array<i32>} : memref<24x128xf32, #tpu.memory_space<vmem>>, vector<1x16xf32>,
      %swap3A_563 = vector.shape_cast %swap3A_562 : vector<1x16xf32> to vector<16xf32>
      %swap3A_564 = vector.shape_cast %broadcast_in_dim3A_1 : vector<16xf32> to vector<1x16xf32>
      tpu.vector_store %arg14[%swap3A_560, %swap3A_561], %swap3A_564 {strides = array<i32>} : memref<24x128xf32, #tpu.memory_space<vmem>>, vector<1x16xf32>,
      %swap3A_565 = arith.index_cast %scan3A_534 : i32 to index
      %swap3A_566 = arith.constant 96 : index
      %swap3A_567 = tpu.vector_load %arg14[%swap3A_565, %swap3A_566] {strides = array<i32>} : memref<24x128xf32, #tpu.memory_space<vmem>>, vector<1x16xf32>,
      %swap3A_568 = vector.shape_cast %swap3A_567 : vector<1x16xf32> to vector<16xf32>
      %swap3A_569 = vector.shape_cast %broadcast_in_dim3A_1 : vector<16xf32> to vector<1x16xf32>
      tpu.vector_store %arg14[%swap3A_565, %swap3A_566], %swap3A_569 {strides = array<i32>} : memref<24x128xf32, #tpu.memory_space<vmem>>, vector<1x16xf32>,
      %swap3A_570 = arith.index_cast %scan3A_534 : i32 to index
      %swap3A_571 = arith.constant 112 : index
      %swap3A_572 = tpu.vector_load %arg14[%swap3A_570, %swap3A_571] {strides = array<i32>} : memref<24x128xf32, #tpu.memory_space<vmem>>, vector<1x16xf32>,
      %swap3A_573 = vector.shape_cast %swap3A_572 : vector<1x16xf32> to vector<16xf32>
      %swap3A_574 = vector.shape_cast %broadcast_in_dim3A_1 : vector<16xf32> to vector<1x16xf32>
      tpu.vector_store %arg14[%swap3A_570, %swap3A_571], %swap3A_574 {strides = array<i32>} : memref<24x128xf32, #tpu.memory_space<vmem>>, vector<1x16xf32>,
    }
    %scan3A_6 = arith.constant 24 : i32
    %mul3A_7 = arith.constant 624 : i32
    %mul3A_8 = arith.muli %arg1, %mul3A_7 : i32
    %add3A = arith.constant 0 : i32
    %add3A_9 = arith.addi %arg0, %add3A : i32
    %mul3A_10 = arith.constant 10000 : i32
    %mul3A_11 = arith.muli %add3A_9, %mul3A_10 : i32
    %scan3A_12 = arith.constant 0 : i32
    %scan3A_13 = arith.constant 0 : i32
    %scan3A_14 = arith.constant 26 : i32
    %scan3A_15 = arith.addi %scan3A_13, %scan3A_14 : i32
    %scan3A_16 = arith.constant 1 : i32
    scf.for %scan3A_534 = %scan3A_13 to %scan3A_15 step %scan3A_16  : i32 {
      %mul3A_535 = arith.constant 24 : i32
      %mul3A_536 = arith.muli %mul3A_535, %scan3A_534 : i32
      %add3A_537 = arith.addi %mul3A_8, %mul3A_536 : i32
      "tpu.region"() ({
        %run_scoped3A = tpu.sem_alloc : memref<!tpu.dma_semaphore, #tpu.memory_space<semaphore_mem>>
        %dma_start3A_538 = arith.constant 0 : i32
        %dma_start3A_539 = tpu.memref_slice %arg15[%add3A_537, %dma_start3A_538] : memref<10000x128xf32, #tpu.memory_space<vmem_shared>> -> memref<24x128xf32, #tpu.memory_space<vmem_shared>>
        %dma_start3A_540 = arith.constant 0 : i32
        %dma_start3A_541 = tpu.memref_slice %arg15[%add3A_537, %dma_start3A_540] : memref<10000x128xf32, #tpu.memory_space<vmem_shared>> -> memref<24x128xf32, #tpu.memory_space<vmem_shared>>
        tpu.enqueue_dma source(%arg14 : memref<24x128xf32, #tpu.memory_space<vmem>>) target(%dma_start3A_541 : memref<24x128xf32, #tpu.memory_space<vmem_shared>>) target_semaphore(%run_scoped3A : memref<!tpu.dma_semaphore, #tpu.memory_space<semaphore_mem>>)
        %dma_wait3A_542 = arith.constant 0 : i32
        %dma_wait3A_543 = tpu.memref_slice %arg15[%add3A_537, %dma_wait3A_542] : memref<10000x128xf32, #tpu.memory_space<vmem_shared>> -> memref<24x128xf32, #tpu.memory_space<vmem_shared>>
        %dma_wait3A_544 = arith.constant 0 : i32
        %dma_wait3A_545 = tpu.memref_slice %arg15[%add3A_537, %dma_wait3A_544] : memref<10000x128xf32, #tpu.memory_space<vmem_shared>> -> memref<24x128xf32, #tpu.memory_space<vmem_shared>>
        tpu.wait_dma2 semaphore(%run_scoped3A : memref<!tpu.dma_semaphore, #tpu.memory_space<semaphore_mem>>) src(%arg14 : memref<24x128xf32, #tpu.memory_space<vmem>>) dst(%dma_wait3A_545 : memref<24x128xf32, #tpu.memory_space<vmem_shared>>)
        tpu.yield
      }) : () -> ()
    }
    %scan3A_17 = arith.constant 26 : i32
    %eq3A = arith.constant 15 : i32
    %eq3A_18 = arith.cmpi eq, %arg1, %eq3A : i32
    %convert_element_type3A = arith.extui %eq3A_18 : i1 to i32
    %cond3A = arith.constant 0 : i32
    %cond3A_19 = arith.cmpi ne, %convert_element_type3A, %cond3A : i32
    scf.if %cond3A_19 {
      "tpu.region"() ({
        %run_scoped3A = tpu.sem_alloc : memref<!tpu.dma_semaphore, #tpu.memory_space<semaphore_mem>>
        %dma_start3A_534 = arith.constant 0 : i32
        %dma_start3A_535 = arith.constant 0 : i32
        %dma_start3A_536 = tpu.memref_slice %arg14[%dma_start3A_534, %dma_start3A_535] : memref<24x128xf32, #tpu.memory_space<vmem>> -> memref<16x128xf32, #tpu.memory_space<vmem>>
        %dma_start3A_537 = arith.constant 9984 : i32
        %dma_start3A_538 = arith.constant 0 : i32
        %dma_start3A_539 = tpu.memref_slice %arg15[%dma_start3A_537, %dma_start3A_538] : memref<10000x128xf32, #tpu.memory_space<vmem_shared>> -> memref<16x128xf32, #tpu.memory_space<vmem_shared>>
        %dma_start3A_540 = arith.constant 9984 : i32
        %dma_start3A_541 = arith.constant 0 : i32
        %dma_start3A_542 = tpu.memref_slice %arg15[%dma_start3A_540, %dma_start3A_541] : memref<10000x128xf32, #tpu.memory_space<vmem_shared>> -> memref<16x128xf32, #tpu.memory_space<vmem_shared>>
        %dma_start3A_543 = arith.constant 0 : i32
        %dma_start3A_544 = arith.constant 0 : i32
        %dma_start3A_545 = tpu.memref_slice %arg14[%dma_start3A_543, %dma_start3A_544] : memref<24x128xf32, #tpu.memory_space<vmem>> -> memref<16x128xf32, #tpu.memory_space<vmem>>
        tpu.enqueue_dma source(%dma_start3A_545 : memref<16x128xf32, #tpu.memory_space<vmem>>) target(%dma_start3A_542 : memref<16x128xf32, #tpu.memory_space<vmem_shared>>) target_semaphore(%run_scoped3A : memref<!tpu.dma_semaphore, #tpu.memory_space<semaphore_mem>>)
        %dma_wait3A_546 = arith.constant 0 : i32
        %dma_wait3A_547 = arith.constant 0 : i32
        %dma_wait3A_548 = tpu.memref_slice %arg14[%dma_wait3A_546, %dma_wait3A_547] : memref<24x128xf32, #tpu.memory_space<vmem>> -> memref<16x128xf32, #tpu.memory_space<vmem>>
        %dma_wait3A_549 = arith.constant 9984 : i32
        %dma_wait3A_550 = arith.constant 0 : i32
        %dma_wait3A_551 = tpu.memref_slice %arg15[%dma_wait3A_549, %dma_wait3A_550] : memref<10000x128xf32, #tpu.memory_space<vmem_shared>> -> memref<16x128xf32, #tpu.memory_space<vmem_shared>>
        %dma_wait3A_552 = arith.constant 9984 : i32
        %dma_wait3A_553 = arith.constant 0 : i32
        %dma_wait3A_554 = tpu.memref_slice %arg15[%dma_wait3A_552, %dma_wait3A_553] : memref<10000x128xf32, #tpu.memory_space<vmem_shared>> -> memref<16x128xf32, #tpu.memory_space<vmem_shared>>
        %dma_wait3A_555 = arith.constant 0 : i32
        %dma_wait3A_556 = arith.constant 0 : i32
        %dma_wait3A_557 = tpu.memref_slice %arg14[%dma_wait3A_555, %dma_wait3A_556] : memref<24x128xf32, #tpu.memory_space<vmem>> -> memref<16x128xf32, #tpu.memory_space<vmem>>
        tpu.wait_dma2 semaphore(%run_scoped3A : memref<!tpu.dma_semaphore, #tpu.memory_space<semaphore_mem>>) src(%dma_wait3A_557 : memref<16x128xf32, #tpu.memory_space<vmem>>) dst(%dma_wait3A_554 : memref<16x128xf32, #tpu.memory_space<vmem_shared>>)
        tpu.yield
      }) : () -> ()
    } else {
    }
    %barrier3A = arith.constant 0 : index
    tpu.barrier barrier_id(%barrier3A)
    %rem3A = arith.constant 0 : i32
    %rem3A_20 = arith.constant 250 : i32
    %rem3A_21 = arith.remsi %rem3A, %rem3A_20 : i32
    %mul3A_22 = arith.constant 80 : i32
    %mul3A_23 = arith.muli %mul3A_22, %rem3A_21 : i32
    %add3A_24 = arith.addi %mul3A_0, %mul3A_23 : i32
    %dma_start3A = tpu.memref_slice %arg3[%add3A_24] : memref<320000xi32, #tpu.memory_space<hbm>> -> memref<80xi32, #tpu.memory_space<hbm>>
    %dma_start3A_25 = tpu.memref_slice %arg3[%add3A_24] : memref<320000xi32, #tpu.memory_space<hbm>> -> memref<80xi32, #tpu.memory_space<hbm>>
    tpu.enqueue_dma source(%dma_start3A_25 : memref<80xi32, #tpu.memory_space<hbm>>) target(%arg6 : memref<80xi32, #tpu.memory_space<vmem>>) target_semaphore(%arg16 : memref<!tpu.dma_semaphore, #tpu.memory_space<semaphore_mem>>)
    %dma_start3A_26 = tpu.memref_slice %arg4[%add3A_24] : memref<320000xi32, #tpu.memory_space<hbm>> -> memref<80xi32, #tpu.memory_space<hbm>>
    %dma_start3A_27 = tpu.memref_slice %arg4[%add3A_24] : memref<320000xi32, #tpu.memory_space<hbm>> -> memref<80xi32, #tpu.memory_space<hbm>>
    tpu.enqueue_dma source(%dma_start3A_27 : memref<80xi32, #tpu.memory_space<hbm>>) target(%arg8 : memref<80xi32, #tpu.memory_space<vmem>>) target_semaphore(%arg18 : memref<!tpu.dma_semaphore, #tpu.memory_space<semaphore_mem>>)
    %rem3A_28 = arith.constant 1 : i32
    %rem3A_29 = arith.constant 250 : i32
    %rem3A_30 = arith.remsi %rem3A_28, %rem3A_29 : i32
    %mul3A_31 = arith.constant 80 : i32
    %mul3A_32 = arith.muli %mul3A_31, %rem3A_30 : i32
    %add3A_33 = arith.addi %mul3A_0, %mul3A_32 : i32
    %dma_start3A_34 = tpu.memref_slice %arg3[%add3A_33] : memref<320000xi32, #tpu.memory_space<hbm>> -> memref<80xi32, #tpu.memory_space<hbm>>
    %dma_start3A_35 = tpu.memref_slice %arg3[%add3A_33] : memref<320000xi32, #tpu.memory_space<hbm>> -> memref<80xi32, #tpu.memory_space<hbm>>
    tpu.enqueue_dma source(%dma_start3A_35 : memref<80xi32, #tpu.memory_space<hbm>>) target(%arg7 : memref<80xi32, #tpu.memory_space<vmem>>) target_semaphore(%arg17 : memref<!tpu.dma_semaphore, #tpu.memory_space<semaphore_mem>>)
    %dma_start3A_36 = tpu.memref_slice %arg4[%add3A_33] : memref<320000xi32, #tpu.memory_space<hbm>> -> memref<80xi32, #tpu.memory_space<hbm>>
    %dma_start3A_37 = tpu.memref_slice %arg4[%add3A_33] : memref<320000xi32, #tpu.memory_space<hbm>> -> memref<80xi32, #tpu.memory_space<hbm>>
    tpu.enqueue_dma source(%dma_start3A_37 : memref<80xi32, #tpu.memory_space<hbm>>) target(%arg9 : memref<80xi32, #tpu.memory_space<vmem>>) target_semaphore(%arg19 : memref<!tpu.dma_semaphore, #tpu.memory_space<semaphore_mem>>)
    %dma_wait3A = arith.constant 0 : i32
    %dma_wait3A_38 = tpu.memref_slice %arg3[%dma_wait3A] : memref<320000xi32, #tpu.memory_space<hbm>> -> memref<80xi32, #tpu.memory_space<hbm>>
    %dma_wait3A_39 = arith.constant 0 : i32
    %dma_wait3A_40 = tpu.memref_slice %arg3[%dma_wait3A_39] : memref<320000xi32, #tpu.memory_space<hbm>> -> memref<80xi32, #tpu.memory_space<hbm>>
    tpu.wait_dma2 semaphore(%arg16 : memref<!tpu.dma_semaphore, #tpu.memory_space<semaphore_mem>>) src(%dma_wait3A_40 : memref<80xi32, #tpu.memory_space<hbm>>) dst(%arg6 : memref<80xi32, #tpu.memory_space<vmem>>)
    %dma_wait3A_41 = arith.constant 0 : i32
    %dma_wait3A_42 = tpu.memref_slice %arg4[%dma_wait3A_41] : memref<320000xi32, #tpu.memory_space<hbm>> -> memref<80xi32, #tpu.memory_space<hbm>>
    %dma_wait3A_43 = arith.constant 0 : i32
    %dma_wait3A_44 = tpu.memref_slice %arg4[%dma_wait3A_43] : memref<320000xi32, #tpu.memory_space<hbm>> -> memref<80xi32, #tpu.memory_space<hbm>>
    tpu.wait_dma2 semaphore(%arg18 : memref<!tpu.dma_semaphore, #tpu.memory_space<semaphore_mem>>) src(%dma_wait3A_44 : memref<80xi32, #tpu.memory_space<hbm>>) dst(%arg8 : memref<80xi32, #tpu.memory_space<vmem>>)
    %get3A = arith.constant 0 : index
    %get3A_45 = tpu.vector_load %arg6[%get3A] {strides = array<i32>} : memref<80xi32, #tpu.memory_space<vmem>>, vector<16xi32>,
    %get3A_46 = vector.shape_cast %get3A_45 : vector<16xi32> to vector<16xi32>
    %add3A_47 = vector.broadcast %mul3A_11 : i32 to vector<16xi32>
    %add3A_48 = arith.addi %get3A_46, %add3A_47 : vector<16xi32>
    %swap3A = arith.constant 0 : index
    %swap3A_49 = tpu.vector_load %arg6[%swap3A] {strides = array<i32>} : memref<80xi32, #tpu.memory_space<vmem>>, vector<16xi32>,
    %swap3A_50 = vector.shape_cast %swap3A_49 : vector<16xi32> to vector<16xi32>
    %swap3A_51 = vector.shape_cast %add3A_48 : vector<16xi32> to vector<16xi32>
    tpu.vector_store %arg6[%swap3A], %swap3A_51 {strides = array<i32>} : memref<80xi32, #tpu.memory_space<vmem>>, vector<16xi32>,
    %get3A_52 = arith.constant 16 : index
    %get3A_53 = tpu.vector_load %arg6[%get3A_52] {strides = array<i32>} : memref<80xi32, #tpu.memory_space<vmem>>, vector<16xi32>,
    %get3A_54 = vector.shape_cast %get3A_53 : vector<16xi32> to vector<16xi32>
    %add3A_55 = vector.broadcast %mul3A_11 : i32 to vector<16xi32>
    %add3A_56 = arith.addi %get3A_54, %add3A_55 : vector<16xi32>
    %swap3A_57 = arith.constant 16 : index
    %swap3A_58 = tpu.vector_load %arg6[%swap3A_57] {strides = array<i32>} : memref<80xi32, #tpu.memory_space<vmem>>, vector<16xi32>,
    %swap3A_59 = vector.shape_cast %swap3A_58 : vector<16xi32> to vector<16xi32>
    %swap3A_60 = vector.shape_cast %add3A_56 : vector<16xi32> to vector<16xi32>
    tpu.vector_store %arg6[%swap3A_57], %swap3A_60 {strides = array<i32>} : memref<80xi32, #tpu.memory_space<vmem>>, vector<16xi32>,
    %get3A_61 = arith.constant 32 : index
    %get3A_62 = tpu.vector_load %arg6[%get3A_61] {strides = array<i32>} : memref<80xi32, #tpu.memory_space<vmem>>, vector<16xi32>,
    %get3A_63 = vector.shape_cast %get3A_62 : vector<16xi32> to vector<16xi32>
    %add3A_64 = vector.broadcast %mul3A_11 : i32 to vector<16xi32>
    %add3A_65 = arith.addi %get3A_63, %add3A_64 : vector<16xi32>
    %swap3A_66 = arith.constant 32 : index
    %swap3A_67 = tpu.vector_load %arg6[%swap3A_66] {strides = array<i32>} : memref<80xi32, #tpu.memory_space<vmem>>, vector<16xi32>,
    %swap3A_68 = vector.shape_cast %swap3A_67 : vector<16xi32> to vector<16xi32>
    %swap3A_69 = vector.shape_cast %add3A_65 : vector<16xi32> to vector<16xi32>
    tpu.vector_store %arg6[%swap3A_66], %swap3A_69 {strides = array<i32>} : memref<80xi32, #tpu.memory_space<vmem>>, vector<16xi32>,
    %get3A_70 = arith.constant 48 : index
    %get3A_71 = tpu.vector_load %arg6[%get3A_70] {strides = array<i32>} : memref<80xi32, #tpu.memory_space<vmem>>, vector<16xi32>,
    %get3A_72 = vector.shape_cast %get3A_71 : vector<16xi32> to vector<16xi32>
    %add3A_73 = vector.broadcast %mul3A_11 : i32 to vector<16xi32>
    %add3A_74 = arith.addi %get3A_72, %add3A_73 : vector<16xi32>
    %swap3A_75 = arith.constant 48 : index
    %swap3A_76 = tpu.vector_load %arg6[%swap3A_75] {strides = array<i32>} : memref<80xi32, #tpu.memory_space<vmem>>, vector<16xi32>,
    %swap3A_77 = vector.shape_cast %swap3A_76 : vector<16xi32> to vector<16xi32>
    %swap3A_78 = vector.shape_cast %add3A_74 : vector<16xi32> to vector<16xi32>
    tpu.vector_store %arg6[%swap3A_75], %swap3A_78 {strides = array<i32>} : memref<80xi32, #tpu.memory_space<vmem>>, vector<16xi32>,
    %get3A_79 = arith.constant 64 : index
    %get3A_80 = tpu.vector_load %arg6[%get3A_79] {strides = array<i32>} : memref<80xi32, #tpu.memory_space<vmem>>, vector<16xi32>,
    %get3A_81 = vector.shape_cast %get3A_80 : vector<16xi32> to vector<16xi32>
    %add3A_82 = vector.broadcast %mul3A_11 : i32 to vector<16xi32>
    %add3A_83 = arith.addi %get3A_81, %add3A_82 : vector<16xi32>
    %swap3A_84 = arith.constant 64 : index
    %swap3A_85 = tpu.vector_load %arg6[%swap3A_84] {strides = array<i32>} : memref<80xi32, #tpu.memory_space<vmem>>, vector<16xi32>,
    %swap3A_86 = vector.shape_cast %swap3A_85 : vector<16xi32> to vector<16xi32>
    %swap3A_87 = vector.shape_cast %add3A_83 : vector<16xi32> to vector<16xi32>
    tpu.vector_store %arg6[%swap3A_84], %swap3A_87 {strides = array<i32>} : memref<80xi32, #tpu.memory_space<vmem>>, vector<16xi32>,
    %dma_start3A_88 = arith.constant 0 : i32
    %dma_start3A_89 = arith.constant 0 : i32
    %dma_start3A_90 = tpu.memref_slice %arg2[%dma_start3A_88, %dma_start3A_89] : memref<40000x128xf32, #tpu.memory_space<hbm>> -> memref<40000x128xf32, #tpu.memory_space<hbm>>
    tpu.enqueue_indirect_dma source(%dma_start3A_90 : memref<40000x128xf32, #tpu.memory_space<hbm>>) target(%arg12 : memref<80x128xf32, #tpu.memory_space<vmem>>) offsets(%arg6 : memref<80xi32, #tpu.memory_space<vmem>>) semaphore(%arg20 : memref<!tpu.dma_semaphore, #tpu.memory_space<semaphore_mem>>)
    %dma_wait3A_91 = arith.constant 0 : i32
    %dma_wait3A_92 = tpu.memref_slice %arg3[%dma_wait3A_91] : memref<320000xi32, #tpu.memory_space<hbm>> -> memref<80xi32, #tpu.memory_space<hbm>>
    %dma_wait3A_93 = arith.constant 0 : i32
    %dma_wait3A_94 = tpu.memref_slice %arg3[%dma_wait3A_93] : memref<320000xi32, #tpu.memory_space<hbm>> -> memref<80xi32, #tpu.memory_space<hbm>>
    tpu.wait_dma2 semaphore(%arg17 : memref<!tpu.dma_semaphore, #tpu.memory_space<semaphore_mem>>) src(%dma_wait3A_94 : memref<80xi32, #tpu.memory_space<hbm>>) dst(%arg7 : memref<80xi32, #tpu.memory_space<vmem>>)
    %dma_wait3A_95 = arith.constant 0 : i32
    %dma_wait3A_96 = tpu.memref_slice %arg4[%dma_wait3A_95] : memref<320000xi32, #tpu.memory_space<hbm>> -> memref<80xi32, #tpu.memory_space<hbm>>
    %dma_wait3A_97 = arith.constant 0 : i32
    %dma_wait3A_98 = tpu.memref_slice %arg4[%dma_wait3A_97] : memref<320000xi32, #tpu.memory_space<hbm>> -> memref<80xi32, #tpu.memory_space<hbm>>
    tpu.wait_dma2 semaphore(%arg19 : memref<!tpu.dma_semaphore, #tpu.memory_space<semaphore_mem>>) src(%dma_wait3A_98 : memref<80xi32, #tpu.memory_space<hbm>>) dst(%arg9 : memref<80xi32, #tpu.memory_space<vmem>>)
    %get3A_99 = arith.constant 0 : index
    %get3A_100 = tpu.vector_load %arg7[%get3A_99] {strides = array<i32>} : memref<80xi32, #tpu.memory_space<vmem>>, vector<16xi32>,
    %get3A_101 = vector.shape_cast %get3A_100 : vector<16xi32> to vector<16xi32>
    %add3A_102 = vector.broadcast %mul3A_11 : i32 to vector<16xi32>
    %add3A_103 = arith.addi %get3A_101, %add3A_102 : vector<16xi32>
    %swap3A_104 = arith.constant 0 : index
    %swap3A_105 = tpu.vector_load %arg7[%swap3A_104] {strides = array<i32>} : memref<80xi32, #tpu.memory_space<vmem>>, vector<16xi32>,
    %swap3A_106 = vector.shape_cast %swap3A_105 : vector<16xi32> to vector<16xi32>
    %swap3A_107 = vector.shape_cast %add3A_103 : vector<16xi32> to vector<16xi32>
    tpu.vector_store %arg7[%swap3A_104], %swap3A_107 {strides = array<i32>} : memref<80xi32, #tpu.memory_space<vmem>>, vector<16xi32>,
    %get3A_108 = arith.constant 16 : index
    %get3A_109 = tpu.vector_load %arg7[%get3A_108] {strides = array<i32>} : memref<80xi32, #tpu.memory_space<vmem>>, vector<16xi32>,
    %get3A_110 = vector.shape_cast %get3A_109 : vector<16xi32> to vector<16xi32>
    %add3A_111 = vector.broadcast %mul3A_11 : i32 to vector<16xi32>
    %add3A_112 = arith.addi %get3A_110, %add3A_111 : vector<16xi32>
    %swap3A_113 = arith.constant 16 : index
    %swap3A_114 = tpu.vector_load %arg7[%swap3A_113] {strides = array<i32>} : memref<80xi32, #tpu.memory_space<vmem>>, vector<16xi32>,
    %swap3A_115 = vector.shape_cast %swap3A_114 : vector<16xi32> to vector<16xi32>
    %swap3A_116 = vector.shape_cast %add3A_112 : vector<16xi32> to vector<16xi32>
    tpu.vector_store %arg7[%swap3A_113], %swap3A_116 {strides = array<i32>} : memref<80xi32, #tpu.memory_space<vmem>>, vector<16xi32>,
    %get3A_117 = arith.constant 32 : index
    %get3A_118 = tpu.vector_load %arg7[%get3A_117] {strides = array<i32>} : memref<80xi32, #tpu.memory_space<vmem>>, vector<16xi32>,
    %get3A_119 = vector.shape_cast %get3A_118 : vector<16xi32> to vector<16xi32>
    %add3A_120 = vector.broadcast %mul3A_11 : i32 to vector<16xi32>
    %add3A_121 = arith.addi %get3A_119, %add3A_120 : vector<16xi32>
    %swap3A_122 = arith.constant 32 : index
    %swap3A_123 = tpu.vector_load %arg7[%swap3A_122] {strides = array<i32>} : memref<80xi32, #tpu.memory_space<vmem>>, vector<16xi32>,
    %swap3A_124 = vector.shape_cast %swap3A_123 : vector<16xi32> to vector<16xi32>
    %swap3A_125 = vector.shape_cast %add3A_121 : vector<16xi32> to vector<16xi32>
    tpu.vector_store %arg7[%swap3A_122], %swap3A_125 {strides = array<i32>} : memref<80xi32, #tpu.memory_space<vmem>>, vector<16xi32>,
    %get3A_126 = arith.constant 48 : index
    %get3A_127 = tpu.vector_load %arg7[%get3A_126] {strides = array<i32>} : memref<80xi32, #tpu.memory_space<vmem>>, vector<16xi32>,
    %get3A_128 = vector.shape_cast %get3A_127 : vector<16xi32> to vector<16xi32>
    %add3A_129 = vector.broadcast %mul3A_11 : i32 to vector<16xi32>
    %add3A_130 = arith.addi %get3A_128, %add3A_129 : vector<16xi32>
    %swap3A_131 = arith.constant 48 : index
    %swap3A_132 = tpu.vector_load %arg7[%swap3A_131] {strides = array<i32>} : memref<80xi32, #tpu.memory_space<vmem>>, vector<16xi32>,
    %swap3A_133 = vector.shape_cast %swap3A_132 : vector<16xi32> to vector<16xi32>
    %swap3A_134 = vector.shape_cast %add3A_130 : vector<16xi32> to vector<16xi32>
    tpu.vector_store %arg7[%swap3A_131], %swap3A_134 {strides = array<i32>} : memref<80xi32, #tpu.memory_space<vmem>>, vector<16xi32>,
    %get3A_135 = arith.constant 64 : index
    %get3A_136 = tpu.vector_load %arg7[%get3A_135] {strides = array<i32>} : memref<80xi32, #tpu.memory_space<vmem>>, vector<16xi32>,
    %get3A_137 = vector.shape_cast %get3A_136 : vector<16xi32> to vector<16xi32>
    %add3A_138 = vector.broadcast %mul3A_11 : i32 to vector<16xi32>
    %add3A_139 = arith.addi %get3A_137, %add3A_138 : vector<16xi32>
    %swap3A_140 = arith.constant 64 : index
    %swap3A_141 = tpu.vector_load %arg7[%swap3A_140] {strides = array<i32>} : memref<80xi32, #tpu.memory_space<vmem>>, vector<16xi32>,
    %swap3A_142 = vector.shape_cast %swap3A_141 : vector<16xi32> to vector<16xi32>
    %swap3A_143 = vector.shape_cast %add3A_139 : vector<16xi32> to vector<16xi32>
    tpu.vector_store %arg7[%swap3A_140], %swap3A_143 {strides = array<i32>} : memref<80xi32, #tpu.memory_space<vmem>>, vector<16xi32>,
    %dma_wait3A_144 = arith.constant 0 : i32
    %dma_wait3A_145 = arith.constant 0 : i32
    %dma_wait3A_146 = tpu.memref_slice %arg2[%dma_wait3A_144, %dma_wait3A_145] : memref<40000x128xf32, #tpu.memory_space<hbm>> -> memref<40000x128xf32, #tpu.memory_space<hbm>>
    tpu.wait_indirect_dma semaphore(%arg20 : memref<!tpu.dma_semaphore, #tpu.memory_space<semaphore_mem>>) src(%dma_wait3A_146 : memref<40000x128xf32, #tpu.memory_space<hbm>>) dst(%arg12 : memref<80x128xf32, #tpu.memory_space<vmem>>)
    %dma_start3A_147 = arith.constant 0 : i32
    %dma_start3A_148 = arith.constant 0 : i32
    %dma_start3A_149 = tpu.memref_slice %arg2[%dma_start3A_147, %dma_start3A_148] : memref<40000x128xf32, #tpu.memory_space<hbm>> -> memref<40000x128xf32, #tpu.memory_space<hbm>>
    tpu.enqueue_indirect_dma source(%dma_start3A_149 : memref<40000x128xf32, #tpu.memory_space<hbm>>) target(%arg13 : memref<80x128xf32, #tpu.memory_space<vmem>>) offsets(%arg7 : memref<80xi32, #tpu.memory_space<vmem>>) semaphore(%arg21 : memref<!tpu.dma_semaphore, #tpu.memory_space<semaphore_mem>>)
    %get3A_150 = arith.constant 0 : index
    %get3A_151 = tpu.vector_load %arg8[%get3A_150] {strides = array<i32>} : memref<80xi32, #tpu.memory_space<vmem>>, vector<16xi32>,
    %get3A_152 = vector.shape_cast %get3A_151 : vector<16xi32> to vector<16xi32>
    %swap3A_153 = arith.constant 0 : index
    %swap3A_154 = tpu.vector_load %arg10[%swap3A_153] {strides = array<i32>} : memref<80xi32, #tpu.memory_space<vmem>>, vector<16xi32>,
    %swap3A_155 = vector.shape_cast %swap3A_154 : vector<16xi32> to vector<16xi32>
    %swap3A_156 = vector.shape_cast %get3A_152 : vector<16xi32> to vector<16xi32>
    tpu.vector_store %arg10[%swap3A_153], %swap3A_156 {strides = array<i32>} : memref<80xi32, #tpu.memory_space<vmem>>, vector<16xi32>,
    %get3A_157 = arith.constant 16 : index
    %get3A_158 = tpu.vector_load %arg8[%get3A_157] {strides = array<i32>} : memref<80xi32, #tpu.memory_space<vmem>>, vector<16xi32>,
    %get3A_159 = vector.shape_cast %get3A_158 : vector<16xi32> to vector<16xi32>
    %swap3A_160 = arith.constant 16 : index
    %swap3A_161 = tpu.vector_load %arg10[%swap3A_160] {strides = array<i32>} : memref<80xi32, #tpu.memory_space<vmem>>, vector<16xi32>,
    %swap3A_162 = vector.shape_cast %swap3A_161 : vector<16xi32> to vector<16xi32>
    %swap3A_163 = vector.shape_cast %get3A_159 : vector<16xi32> to vector<16xi32>
    tpu.vector_store %arg10[%swap3A_160], %swap3A_163 {strides = array<i32>} : memref<80xi32, #tpu.memory_space<vmem>>, vector<16xi32>,
    %get3A_164 = arith.constant 32 : index
    %get3A_165 = tpu.vector_load %arg8[%get3A_164] {strides = array<i32>} : memref<80xi32, #tpu.memory_space<vmem>>, vector<16xi32>,
    %get3A_166 = vector.shape_cast %get3A_165 : vector<16xi32> to vector<16xi32>
    %swap3A_167 = arith.constant 32 : index
    %swap3A_168 = tpu.vector_load %arg10[%swap3A_167] {strides = array<i32>} : memref<80xi32, #tpu.memory_space<vmem>>, vector<16xi32>,
    %swap3A_169 = vector.shape_cast %swap3A_168 : vector<16xi32> to vector<16xi32>
    %swap3A_170 = vector.shape_cast %get3A_166 : vector<16xi32> to vector<16xi32>
    tpu.vector_store %arg10[%swap3A_167], %swap3A_170 {strides = array<i32>} : memref<80xi32, #tpu.memory_space<vmem>>, vector<16xi32>,
    %get3A_171 = arith.constant 48 : index
    %get3A_172 = tpu.vector_load %arg8[%get3A_171] {strides = array<i32>} : memref<80xi32, #tpu.memory_space<vmem>>, vector<16xi32>,
    %get3A_173 = vector.shape_cast %get3A_172 : vector<16xi32> to vector<16xi32>
    %swap3A_174 = arith.constant 48 : index
    %swap3A_175 = tpu.vector_load %arg10[%swap3A_174] {strides = array<i32>} : memref<80xi32, #tpu.memory_space<vmem>>, vector<16xi32>,
    %swap3A_176 = vector.shape_cast %swap3A_175 : vector<16xi32> to vector<16xi32>
    %swap3A_177 = vector.shape_cast %get3A_173 : vector<16xi32> to vector<16xi32>
    tpu.vector_store %arg10[%swap3A_174], %swap3A_177 {strides = array<i32>} : memref<80xi32, #tpu.memory_space<vmem>>, vector<16xi32>,
    %get3A_178 = arith.constant 64 : index
    %get3A_179 = tpu.vector_load %arg8[%get3A_178] {strides = array<i32>} : memref<80xi32, #tpu.memory_space<vmem>>, vector<16xi32>,
    %get3A_180 = vector.shape_cast %get3A_179 : vector<16xi32> to vector<16xi32>
    %swap3A_181 = arith.constant 64 : index
    %swap3A_182 = tpu.vector_load %arg10[%swap3A_181] {strides = array<i32>} : memref<80xi32, #tpu.memory_space<vmem>>, vector<16xi32>,
    %swap3A_183 = vector.shape_cast %swap3A_182 : vector<16xi32> to vector<16xi32>
    %swap3A_184 = vector.shape_cast %get3A_180 : vector<16xi32> to vector<16xi32>
    tpu.vector_store %arg10[%swap3A_181], %swap3A_184 {strides = array<i32>} : memref<80xi32, #tpu.memory_space<vmem>>, vector<16xi32>,
    %dma_start3A_185 = arith.constant 0 : i32
    %dma_start3A_186 = arith.constant 0 : i32
    %dma_start3A_187 = tpu.memref_slice %arg15[%dma_start3A_185, %dma_start3A_186] : memref<10000x128xf32, #tpu.memory_space<vmem_shared>> -> memref<10000x128xf32, #tpu.memory_space<vmem_shared>>
    tpu.enqueue_indirect_dma source(%arg12 : memref<80x128xf32, #tpu.memory_space<vmem>>) target(%dma_start3A_187 : memref<10000x128xf32, #tpu.memory_space<vmem_shared>>) offsets(%arg10 : memref<80xi32, #tpu.memory_space<vmem>>) semaphore(%arg22 : memref<!tpu.dma_semaphore, #tpu.memory_space<semaphore_mem>>) {add = true}
    %rem3A_188 = arith.constant 2 : i32
    %rem3A_189 = arith.constant 250 : i32
    %rem3A_190 = arith.remsi %rem3A_188, %rem3A_189 : i32
    %mul3A_191 = arith.constant 80 : i32
    %mul3A_192 = arith.muli %mul3A_191, %rem3A_190 : i32
    %add3A_193 = arith.addi %mul3A_0, %mul3A_192 : i32
    %dma_start3A_194 = tpu.memref_slice %arg3[%add3A_193] : memref<320000xi32, #tpu.memory_space<hbm>> -> memref<80xi32, #tpu.memory_space<hbm>>
    %dma_start3A_195 = tpu.memref_slice %arg3[%add3A_193] : memref<320000xi32, #tpu.memory_space<hbm>> -> memref<80xi32, #tpu.memory_space<hbm>>
    tpu.enqueue_dma source(%dma_start3A_195 : memref<80xi32, #tpu.memory_space<hbm>>) target(%arg6 : memref<80xi32, #tpu.memory_space<vmem>>) target_semaphore(%arg16 : memref<!tpu.dma_semaphore, #tpu.memory_space<semaphore_mem>>)
    %dma_start3A_196 = tpu.memref_slice %arg4[%add3A_193] : memref<320000xi32, #tpu.memory_space<hbm>> -> memref<80xi32, #tpu.memory_space<hbm>>
    %dma_start3A_197 = tpu.memref_slice %arg4[%add3A_193] : memref<320000xi32, #tpu.memory_space<hbm>> -> memref<80xi32, #tpu.memory_space<hbm>>
    tpu.enqueue_dma source(%dma_start3A_197 : memref<80xi32, #tpu.memory_space<hbm>>) target(%arg8 : memref<80xi32, #tpu.memory_space<vmem>>) target_semaphore(%arg18 : memref<!tpu.dma_semaphore, #tpu.memory_space<semaphore_mem>>)
    %scan3A_198 = arith.constant 0 : i32
    %scan3A_199 = arith.constant 0 : i32
    %scan3A_200 = arith.constant 124 : i32
    %scan3A_201 = arith.addi %scan3A_199, %scan3A_200 : i32
    %scan3A_202 = arith.constant 1 : i32
    scf.for %scan3A_534 = %scan3A_199 to %scan3A_201 step %scan3A_202  : i32 {
      %mul3A_535 = arith.constant 2 : i32
      %mul3A_536 = arith.muli %mul3A_535, %scan3A_534 : i32
      %add3A_537 = arith.constant 2 : i32
      %add3A_538 = arith.addi %mul3A_536, %add3A_537 : i32
      %sub3A = arith.constant 1 : i32
      %sub3A_539 = arith.subi %add3A_538, %sub3A : i32
      %dma_wait3A_540 = arith.constant 0 : i32
      %dma_wait3A_541 = tpu.memref_slice %arg3[%dma_wait3A_540] : memref<320000xi32, #tpu.memory_space<hbm>> -> memref<80xi32, #tpu.memory_space<hbm>>
      %dma_wait3A_542 = arith.constant 0 : i32
      %dma_wait3A_543 = tpu.memref_slice %arg3[%dma_wait3A_542] : memref<320000xi32, #tpu.memory_space<hbm>> -> memref<80xi32, #tpu.memory_space<hbm>>
      tpu.wait_dma2 semaphore(%arg16 : memref<!tpu.dma_semaphore, #tpu.memory_space<semaphore_mem>>) src(%dma_wait3A_543 : memref<80xi32, #tpu.memory_space<hbm>>) dst(%arg6 : memref<80xi32, #tpu.memory_space<vmem>>)
      %dma_wait3A_544 = arith.constant 0 : i32
      %dma_wait3A_545 = tpu.memref_slice %arg4[%dma_wait3A_544] : memref<320000xi32, #tpu.memory_space<hbm>> -> memref<80xi32, #tpu.memory_space<hbm>>
      %dma_wait3A_546 = arith.constant 0 : i32
      %dma_wait3A_547 = tpu.memref_slice %arg4[%dma_wait3A_546] : memref<320000xi32, #tpu.memory_space<hbm>> -> memref<80xi32, #tpu.memory_space<hbm>>
      tpu.wait_dma2 semaphore(%arg18 : memref<!tpu.dma_semaphore, #tpu.memory_space<semaphore_mem>>) src(%dma_wait3A_547 : memref<80xi32, #tpu.memory_space<hbm>>) dst(%arg8 : memref<80xi32, #tpu.memory_space<vmem>>)
      %get3A_548 = arith.constant 0 : index
      %get3A_549 = tpu.vector_load %arg6[%get3A_548] {strides = array<i32>} : memref<80xi32, #tpu.memory_space<vmem>>, vector<16xi32>,
      %get3A_550 = vector.shape_cast %get3A_549 : vector<16xi32> to vector<16xi32>
      %add3A_551 = vector.broadcast %mul3A_11 : i32 to vector<16xi32>
      %add3A_552 = arith.addi %get3A_550, %add3A_551 : vector<16xi32>
      %swap3A_553 = arith.constant 0 : index
      %swap3A_554 = tpu.vector_load %arg6[%swap3A_553] {strides = array<i32>} : memref<80xi32, #tpu.memory_space<vmem>>, vector<16xi32>,
      %swap3A_555 = vector.shape_cast %swap3A_554 : vector<16xi32> to vector<16xi32>
      %swap3A_556 = vector.shape_cast %add3A_552 : vector<16xi32> to vector<16xi32>
      tpu.vector_store %arg6[%swap3A_553], %swap3A_556 {strides = array<i32>} : memref<80xi32, #tpu.memory_space<vmem>>, vector<16xi32>,
      %get3A_557 = arith.constant 16 : index
      %get3A_558 = tpu.vector_load %arg6[%get3A_557] {strides = array<i32>} : memref<80xi32, #tpu.memory_space<vmem>>, vector<16xi32>,
      %get3A_559 = vector.shape_cast %get3A_558 : vector<16xi32> to vector<16xi32>
      %add3A_560 = vector.broadcast %mul3A_11 : i32 to vector<16xi32>
      %add3A_561 = arith.addi %get3A_559, %add3A_560 : vector<16xi32>
      %swap3A_562 = arith.constant 16 : index
      %swap3A_563 = tpu.vector_load %arg6[%swap3A_562] {strides = array<i32>} : memref<80xi32, #tpu.memory_space<vmem>>, vector<16xi32>,
      %swap3A_564 = vector.shape_cast %swap3A_563 : vector<16xi32> to vector<16xi32>
      %swap3A_565 = vector.shape_cast %add3A_561 : vector<16xi32> to vector<16xi32>
      tpu.vector_store %arg6[%swap3A_562], %swap3A_565 {strides = array<i32>} : memref<80xi32, #tpu.memory_space<vmem>>, vector<16xi32>,
      %get3A_566 = arith.constant 32 : index
      %get3A_567 = tpu.vector_load %arg6[%get3A_566] {strides = array<i32>} : memref<80xi32, #tpu.memory_space<vmem>>, vector<16xi32>,
      %get3A_568 = vector.shape_cast %get3A_567 : vector<16xi32> to vector<16xi32>
      %add3A_569 = vector.broadcast %mul3A_11 : i32 to vector<16xi32>
      %add3A_570 = arith.addi %get3A_568, %add3A_569 : vector<16xi32>
      %swap3A_571 = arith.constant 32 : index
      %swap3A_572 = tpu.vector_load %arg6[%swap3A_571] {strides = array<i32>} : memref<80xi32, #tpu.memory_space<vmem>>, vector<16xi32>,
      %swap3A_573 = vector.shape_cast %swap3A_572 : vector<16xi32> to vector<16xi32>
      %swap3A_574 = vector.shape_cast %add3A_570 : vector<16xi32> to vector<16xi32>
      tpu.vector_store %arg6[%swap3A_571], %swap3A_574 {strides = array<i32>} : memref<80xi32, #tpu.memory_space<vmem>>, vector<16xi32>,
      %get3A_575 = arith.constant 48 : index
      %get3A_576 = tpu.vector_load %arg6[%get3A_575] {strides = array<i32>} : memref<80xi32, #tpu.memory_space<vmem>>, vector<16xi32>,
      %get3A_577 = vector.shape_cast %get3A_576 : vector<16xi32> to vector<16xi32>
      %add3A_578 = vector.broadcast %mul3A_11 : i32 to vector<16xi32>
      %add3A_579 = arith.addi %get3A_577, %add3A_578 : vector<16xi32>
      %swap3A_580 = arith.constant 48 : index
      %swap3A_581 = tpu.vector_load %arg6[%swap3A_580] {strides = array<i32>} : memref<80xi32, #tpu.memory_space<vmem>>, vector<16xi32>,
      %swap3A_582 = vector.shape_cast %swap3A_581 : vector<16xi32> to vector<16xi32>
      %swap3A_583 = vector.shape_cast %add3A_579 : vector<16xi32> to vector<16xi32>
      tpu.vector_store %arg6[%swap3A_580], %swap3A_583 {strides = array<i32>} : memref<80xi32, #tpu.memory_space<vmem>>, vector<16xi32>,
      %get3A_584 = arith.constant 64 : index
      %get3A_585 = tpu.vector_load %arg6[%get3A_584] {strides = array<i32>} : memref<80xi32, #tpu.memory_space<vmem>>, vector<16xi32>,
      %get3A_586 = vector.shape_cast %get3A_585 : vector<16xi32> to vector<16xi32>
      %add3A_587 = vector.broadcast %mul3A_11 : i32 to vector<16xi32>
      %add3A_588 = arith.addi %get3A_586, %add3A_587 : vector<16xi32>
      %swap3A_589 = arith.constant 64 : index
      %swap3A_590 = tpu.vector_load %arg6[%swap3A_589] {strides = array<i32>} : memref<80xi32, #tpu.memory_space<vmem>>, vector<16xi32>,
      %swap3A_591 = vector.shape_cast %swap3A_590 : vector<16xi32> to vector<16xi32>
      %swap3A_592 = vector.shape_cast %add3A_588 : vector<16xi32> to vector<16xi32>
      tpu.vector_store %arg6[%swap3A_589], %swap3A_592 {strides = array<i32>} : memref<80xi32, #tpu.memory_space<vmem>>, vector<16xi32>,
      %dma_wait3A_593 = arith.constant 0 : i32
      %dma_wait3A_594 = arith.constant 0 : i32
      %dma_wait3A_595 = tpu.memref_slice %arg2[%dma_wait3A_593, %dma_wait3A_594] : memref<40000x128xf32, #tpu.memory_space<hbm>> -> memref<40000x128xf32, #tpu.memory_space<hbm>>
      tpu.wait_indirect_dma semaphore(%arg21 : memref<!tpu.dma_semaphore, #tpu.memory_space<semaphore_mem>>) src(%dma_wait3A_595 : memref<40000x128xf32, #tpu.memory_space<hbm>>) dst(%arg13 : memref<80x128xf32, #tpu.memory_space<vmem>>)
      %dma_wait3A_596 = arith.constant 0 : i32
      %dma_wait3A_597 = arith.constant 0 : i32
      %dma_wait3A_598 = tpu.memref_slice %arg15[%dma_wait3A_596, %dma_wait3A_597] : memref<10000x128xf32, #tpu.memory_space<vmem_shared>> -> memref<10000x128xf32, #tpu.memory_space<vmem_shared>>
      tpu.wait_indirect_dma semaphore(%arg22 : memref<!tpu.dma_semaphore, #tpu.memory_space<semaphore_mem>>) src(%arg12 : memref<80x128xf32, #tpu.memory_space<vmem>>) dst(%dma_wait3A_598 : memref<10000x128xf32, #tpu.memory_space<vmem_shared>>)
      %dma_start3A_599 = arith.constant 0 : i32
      %dma_start3A_600 = arith.constant 0 : i32
      %dma_start3A_601 = tpu.memref_slice %arg2[%dma_start3A_599, %dma_start3A_600] : memref<40000x128xf32, #tpu.memory_space<hbm>> -> memref<40000x128xf32, #tpu.memory_space<hbm>>
      tpu.enqueue_indirect_dma source(%dma_start3A_601 : memref<40000x128xf32, #tpu.memory_space<hbm>>) target(%arg12 : memref<80x128xf32, #tpu.memory_space<vmem>>) offsets(%arg6 : memref<80xi32, #tpu.memory_space<vmem>>) semaphore(%arg20 : memref<!tpu.dma_semaphore, #tpu.memory_space<semaphore_mem>>)
      %get3A_602 = arith.constant 0 : index
      %get3A_603 = tpu.vector_load %arg9[%get3A_602] {strides = array<i32>} : memref<80xi32, #tpu.memory_space<vmem>>, vector<16xi32>,
      %get3A_604 = vector.shape_cast %get3A_603 : vector<16xi32> to vector<16xi32>
      %swap3A_605 = arith.constant 0 : index
      %swap3A_606 = tpu.vector_load %arg11[%swap3A_605] {strides = array<i32>} : memref<80xi32, #tpu.memory_space<vmem>>, vector<16xi32>,
      %swap3A_607 = vector.shape_cast %swap3A_606 : vector<16xi32> to vector<16xi32>
      %swap3A_608 = vector.shape_cast %get3A_604 : vector<16xi32> to vector<16xi32>
      tpu.vector_store %arg11[%swap3A_605], %swap3A_608 {strides = array<i32>} : memref<80xi32, #tpu.memory_space<vmem>>, vector<16xi32>,
      %get3A_609 = arith.constant 16 : index
      %get3A_610 = tpu.vector_load %arg9[%get3A_609] {strides = array<i32>} : memref<80xi32, #tpu.memory_space<vmem>>, vector<16xi32>,
      %get3A_611 = vector.shape_cast %get3A_610 : vector<16xi32> to vector<16xi32>
      %swap3A_612 = arith.constant 16 : index
      %swap3A_613 = tpu.vector_load %arg11[%swap3A_612] {strides = array<i32>} : memref<80xi32, #tpu.memory_space<vmem>>, vector<16xi32>,
      %swap3A_614 = vector.shape_cast %swap3A_613 : vector<16xi32> to vector<16xi32>
      %swap3A_615 = vector.shape_cast %get3A_611 : vector<16xi32> to vector<16xi32>
      tpu.vector_store %arg11[%swap3A_612], %swap3A_615 {strides = array<i32>} : memref<80xi32, #tpu.memory_space<vmem>>, vector<16xi32>,
      %get3A_616 = arith.constant 32 : index
      %get3A_617 = tpu.vector_load %arg9[%get3A_616] {strides = array<i32>} : memref<80xi32, #tpu.memory_space<vmem>>, vector<16xi32>,
      %get3A_618 = vector.shape_cast %get3A_617 : vector<16xi32> to vector<16xi32>
      %swap3A_619 = arith.constant 32 : index
      %swap3A_620 = tpu.vector_load %arg11[%swap3A_619] {strides = array<i32>} : memref<80xi32, #tpu.memory_space<vmem>>, vector<16xi32>,
      %swap3A_621 = vector.shape_cast %swap3A_620 : vector<16xi32> to vector<16xi32>
      %swap3A_622 = vector.shape_cast %get3A_618 : vector<16xi32> to vector<16xi32>
      tpu.vector_store %arg11[%swap3A_619], %swap3A_622 {strides = array<i32>} : memref<80xi32, #tpu.memory_space<vmem>>, vector<16xi32>,
      %get3A_623 = arith.constant 48 : index
      %get3A_624 = tpu.vector_load %arg9[%get3A_623] {strides = array<i32>} : memref<80xi32, #tpu.memory_space<vmem>>, vector<16xi32>,
      %get3A_625 = vector.shape_cast %get3A_624 : vector<16xi32> to vector<16xi32>
      %swap3A_626 = arith.constant 48 : index
      %swap3A_627 = tpu.vector_load %arg11[%swap3A_626] {strides = array<i32>} : memref<80xi32, #tpu.memory_space<vmem>>, vector<16xi32>,
      %swap3A_628 = vector.shape_cast %swap3A_627 : vector<16xi32> to vector<16xi32>
      %swap3A_629 = vector.shape_cast %get3A_625 : vector<16xi32> to vector<16xi32>
      tpu.vector_store %arg11[%swap3A_626], %swap3A_629 {strides = array<i32>} : memref<80xi32, #tpu.memory_space<vmem>>, vector<16xi32>,
      %get3A_630 = arith.constant 64 : index
      %get3A_631 = tpu.vector_load %arg9[%get3A_630] {strides = array<i32>} : memref<80xi32, #tpu.memory_space<vmem>>, vector<16xi32>,
      %get3A_632 = vector.shape_cast %get3A_631 : vector<16xi32> to vector<16xi32>
      %swap3A_633 = arith.constant 64 : index
      %swap3A_634 = tpu.vector_load %arg11[%swap3A_633] {strides = array<i32>} : memref<80xi32, #tpu.memory_space<vmem>>, vector<16xi32>,
      %swap3A_635 = vector.shape_cast %swap3A_634 : vector<16xi32> to vector<16xi32>
      %swap3A_636 = vector.shape_cast %get3A_632 : vector<16xi32> to vector<16xi32>
      tpu.vector_store %arg11[%swap3A_633], %swap3A_636 {strides = array<i32>} : memref<80xi32, #tpu.memory_space<vmem>>, vector<16xi32>,
      %dma_start3A_637 = arith.constant 0 : i32
      %dma_start3A_638 = arith.constant 0 : i32
      %dma_start3A_639 = tpu.memref_slice %arg15[%dma_start3A_637, %dma_start3A_638] : memref<10000x128xf32, #tpu.memory_space<vmem_shared>> -> memref<10000x128xf32, #tpu.memory_space<vmem_shared>>
      tpu.enqueue_indirect_dma source(%arg13 : memref<80x128xf32, #tpu.memory_space<vmem>>) target(%dma_start3A_639 : memref<10000x128xf32, #tpu.memory_space<vmem_shared>>) offsets(%arg11 : memref<80xi32, #tpu.memory_space<vmem>>) semaphore(%arg23 : memref<!tpu.dma_semaphore, #tpu.memory_space<semaphore_mem>>) {add = true}
      %add3A_640 = arith.constant 2 : i32
      %add3A_641 = arith.addi %sub3A_539, %add3A_640 : i32
      %rem3A_642 = arith.constant 250 : i32
      %rem3A_643 = arith.remsi %add3A_641, %rem3A_642 : i32
      %mul3A_644 = arith.constant 80 : i32
      %mul3A_645 = arith.muli %mul3A_644, %rem3A_643 : i32
      %add3A_646 = arith.addi %mul3A_0, %mul3A_645 : i32
      %dma_start3A_647 = tpu.memref_slice %arg3[%add3A_646] : memref<320000xi32, #tpu.memory_space<hbm>> -> memref<80xi32, #tpu.memory_space<hbm>>
      %dma_start3A_648 = tpu.memref_slice %arg3[%add3A_646] : memref<320000xi32, #tpu.memory_space<hbm>> -> memref<80xi32, #tpu.memory_space<hbm>>
      tpu.enqueue_dma source(%dma_start3A_648 : memref<80xi32, #tpu.memory_space<hbm>>) target(%arg7 : memref<80xi32, #tpu.memory_space<vmem>>) target_semaphore(%arg17 : memref<!tpu.dma_semaphore, #tpu.memory_space<semaphore_mem>>)
      %dma_start3A_649 = tpu.memref_slice %arg4[%add3A_646] : memref<320000xi32, #tpu.memory_space<hbm>> -> memref<80xi32, #tpu.memory_space<hbm>>
      %dma_start3A_650 = tpu.memref_slice %arg4[%add3A_646] : memref<320000xi32, #tpu.memory_space<hbm>> -> memref<80xi32, #tpu.memory_space<hbm>>
      tpu.enqueue_dma source(%dma_start3A_650 : memref<80xi32, #tpu.memory_space<hbm>>) target(%arg9 : memref<80xi32, #tpu.memory_space<vmem>>) target_semaphore(%arg19 : memref<!tpu.dma_semaphore, #tpu.memory_space<semaphore_mem>>)
      %mul3A_651 = arith.constant 2 : i32
      %mul3A_652 = arith.muli %mul3A_651, %scan3A_534 : i32
      %add3A_653 = arith.constant 2 : i32
      %add3A_654 = arith.addi %mul3A_652, %add3A_653 : i32
      %sub3A_655 = arith.constant 0 : i32
      %sub3A_656 = arith.subi %add3A_654, %sub3A_655 : i32
      %dma_wait3A_657 = arith.constant 0 : i32
      %dma_wait3A_658 = tpu.memref_slice %arg3[%dma_wait3A_657] : memref<320000xi32, #tpu.memory_space<hbm>> -> memref<80xi32, #tpu.memory_space<hbm>>
      %dma_wait3A_659 = arith.constant 0 : i32
      %dma_wait3A_660 = tpu.memref_slice %arg3[%dma_wait3A_659] : memref<320000xi32, #tpu.memory_space<hbm>> -> memref<80xi32, #tpu.memory_space<hbm>>
      tpu.wait_dma2 semaphore(%arg17 : memref<!tpu.dma_semaphore, #tpu.memory_space<semaphore_mem>>) src(%dma_wait3A_660 : memref<80xi32, #tpu.memory_space<hbm>>) dst(%arg7 : memref<80xi32, #tpu.memory_space<vmem>>)
      %dma_wait3A_661 = arith.constant 0 : i32
      %dma_wait3A_662 = tpu.memref_slice %arg4[%dma_wait3A_661] : memref<320000xi32, #tpu.memory_space<hbm>> -> memref<80xi32, #tpu.memory_space<hbm>>
      %dma_wait3A_663 = arith.constant 0 : i32
      %dma_wait3A_664 = tpu.memref_slice %arg4[%dma_wait3A_663] : memref<320000xi32, #tpu.memory_space<hbm>> -> memref<80xi32, #tpu.memory_space<hbm>>
      tpu.wait_dma2 semaphore(%arg19 : memref<!tpu.dma_semaphore, #tpu.memory_space<semaphore_mem>>) src(%dma_wait3A_664 : memref<80xi32, #tpu.memory_space<hbm>>) dst(%arg9 : memref<80xi32, #tpu.memory_space<vmem>>)
      %get3A_665 = arith.constant 0 : index
      %get3A_666 = tpu.vector_load %arg7[%get3A_665] {strides = array<i32>} : memref<80xi32, #tpu.memory_space<vmem>>, vector<16xi32>,
      %get3A_667 = vector.shape_cast %get3A_666 : vector<16xi32> to vector<16xi32>
      %add3A_668 = vector.broadcast %mul3A_11 : i32 to vector<16xi32>
      %add3A_669 = arith.addi %get3A_667, %add3A_668 : vector<16xi32>
      %swap3A_670 = arith.constant 0 : index
      %swap3A_671 = tpu.vector_load %arg7[%swap3A_670] {strides = array<i32>} : memref<80xi32, #tpu.memory_space<vmem>>, vector<16xi32>,
      %swap3A_672 = vector.shape_cast %swap3A_671 : vector<16xi32> to vector<16xi32>
      %swap3A_673 = vector.shape_cast %add3A_669 : vector<16xi32> to vector<16xi32>
      tpu.vector_store %arg7[%swap3A_670], %swap3A_673 {strides = array<i32>} : memref<80xi32, #tpu.memory_space<vmem>>, vector<16xi32>,
      %get3A_674 = arith.constant 16 : index
      %get3A_675 = tpu.vector_load %arg7[%get3A_674] {strides = array<i32>} : memref<80xi32, #tpu.memory_space<vmem>>, vector<16xi32>,
      %get3A_676 = vector.shape_cast %get3A_675 : vector<16xi32> to vector<16xi32>
      %add3A_677 = vector.broadcast %mul3A_11 : i32 to vector<16xi32>
      %add3A_678 = arith.addi %get3A_676, %add3A_677 : vector<16xi32>
      %swap3A_679 = arith.constant 16 : index
      %swap3A_680 = tpu.vector_load %arg7[%swap3A_679] {strides = array<i32>} : memref<80xi32, #tpu.memory_space<vmem>>, vector<16xi32>,
      %swap3A_681 = vector.shape_cast %swap3A_680 : vector<16xi32> to vector<16xi32>
      %swap3A_682 = vector.shape_cast %add3A_678 : vector<16xi32> to vector<16xi32>
      tpu.vector_store %arg7[%swap3A_679], %swap3A_682 {strides = array<i32>} : memref<80xi32, #tpu.memory_space<vmem>>, vector<16xi32>,
      %get3A_683 = arith.constant 32 : index
      %get3A_684 = tpu.vector_load %arg7[%get3A_683] {strides = array<i32>} : memref<80xi32, #tpu.memory_space<vmem>>, vector<16xi32>,
      %get3A_685 = vector.shape_cast %get3A_684 : vector<16xi32> to vector<16xi32>
      %add3A_686 = vector.broadcast %mul3A_11 : i32 to vector<16xi32>
      %add3A_687 = arith.addi %get3A_685, %add3A_686 : vector<16xi32>
      %swap3A_688 = arith.constant 32 : index
      %swap3A_689 = tpu.vector_load %arg7[%swap3A_688] {strides = array<i32>} : memref<80xi32, #tpu.memory_space<vmem>>, vector<16xi32>,
      %swap3A_690 = vector.shape_cast %swap3A_689 : vector<16xi32> to vector<16xi32>
      %swap3A_691 = vector.shape_cast %add3A_687 : vector<16xi32> to vector<16xi32>
      tpu.vector_store %arg7[%swap3A_688], %swap3A_691 {strides = array<i32>} : memref<80xi32, #tpu.memory_space<vmem>>, vector<16xi32>,
      %get3A_692 = arith.constant 48 : index
      %get3A_693 = tpu.vector_load %arg7[%get3A_692] {strides = array<i32>} : memref<80xi32, #tpu.memory_space<vmem>>, vector<16xi32>,
      %get3A_694 = vector.shape_cast %get3A_693 : vector<16xi32> to vector<16xi32>
      %add3A_695 = vector.broadcast %mul3A_11 : i32 to vector<16xi32>
      %add3A_696 = arith.addi %get3A_694, %add3A_695 : vector<16xi32>
      %swap3A_697 = arith.constant 48 : index
      %swap3A_698 = tpu.vector_load %arg7[%swap3A_697] {strides = array<i32>} : memref<80xi32, #tpu.memory_space<vmem>>, vector<16xi32>,
      %swap3A_699 = vector.shape_cast %swap3A_698 : vector<16xi32> to vector<16xi32>
      %swap3A_700 = vector.shape_cast %add3A_696 : vector<16xi32> to vector<16xi32>
      tpu.vector_store %arg7[%swap3A_697], %swap3A_700 {strides = array<i32>} : memref<80xi32, #tpu.memory_space<vmem>>, vector<16xi32>,
      %get3A_701 = arith.constant 64 : index
      %get3A_702 = tpu.vector_load %arg7[%get3A_701] {strides = array<i32>} : memref<80xi32, #tpu.memory_space<vmem>>, vector<16xi32>,
      %get3A_703 = vector.shape_cast %get3A_702 : vector<16xi32> to vector<16xi32>
      %add3A_704 = vector.broadcast %mul3A_11 : i32 to vector<16xi32>
      %add3A_705 = arith.addi %get3A_703, %add3A_704 : vector<16xi32>
      %swap3A_706 = arith.constant 64 : index
      %swap3A_707 = tpu.vector_load %arg7[%swap3A_706] {strides = array<i32>} : memref<80xi32, #tpu.memory_space<vmem>>, vector<16xi32>,
      %swap3A_708 = vector.shape_cast %swap3A_707 : vector<16xi32> to vector<16xi32>
      %swap3A_709 = vector.shape_cast %add3A_705 : vector<16xi32> to vector<16xi32>
      tpu.vector_store %arg7[%swap3A_706], %swap3A_709 {strides = array<i32>} : memref<80xi32, #tpu.memory_space<vmem>>, vector<16xi32>,
      %dma_wait3A_710 = arith.constant 0 : i32
      %dma_wait3A_711 = arith.constant 0 : i32
      %dma_wait3A_712 = tpu.memref_slice %arg2[%dma_wait3A_710, %dma_wait3A_711] : memref<40000x128xf32, #tpu.memory_space<hbm>> -> memref<40000x128xf32, #tpu.memory_space<hbm>>
      tpu.wait_indirect_dma semaphore(%arg20 : memref<!tpu.dma_semaphore, #tpu.memory_space<semaphore_mem>>) src(%dma_wait3A_712 : memref<40000x128xf32, #tpu.memory_space<hbm>>) dst(%arg12 : memref<80x128xf32, #tpu.memory_space<vmem>>)
      %dma_wait3A_713 = arith.constant 0 : i32
      %dma_wait3A_714 = arith.constant 0 : i32
      %dma_wait3A_715 = tpu.memref_slice %arg15[%dma_wait3A_713, %dma_wait3A_714] : memref<10000x128xf32, #tpu.memory_space<vmem_shared>> -> memref<10000x128xf32, #tpu.memory_space<vmem_shared>>
      tpu.wait_indirect_dma semaphore(%arg23 : memref<!tpu.dma_semaphore, #tpu.memory_space<semaphore_mem>>) src(%arg13 : memref<80x128xf32, #tpu.memory_space<vmem>>) dst(%dma_wait3A_715 : memref<10000x128xf32, #tpu.memory_space<vmem_shared>>)
      %dma_start3A_716 = arith.constant 0 : i32
      %dma_start3A_717 = arith.constant 0 : i32
      %dma_start3A_718 = tpu.memref_slice %arg2[%dma_start3A_716, %dma_start3A_717] : memref<40000x128xf32, #tpu.memory_space<hbm>> -> memref<40000x128xf32, #tpu.memory_space<hbm>>
      tpu.enqueue_indirect_dma source(%dma_start3A_718 : memref<40000x128xf32, #tpu.memory_space<hbm>>) target(%arg13 : memref<80x128xf32, #tpu.memory_space<vmem>>) offsets(%arg7 : memref<80xi32, #tpu.memory_space<vmem>>) semaphore(%arg21 : memref<!tpu.dma_semaphore, #tpu.memory_space<semaphore_mem>>)
      %get3A_719 = arith.constant 0 : index
      %get3A_720 = tpu.vector_load %arg8[%get3A_719] {strides = array<i32>} : memref<80xi32, #tpu.memory_space<vmem>>, vector<16xi32>,
      %get3A_721 = vector.shape_cast %get3A_720 : vector<16xi32> to vector<16xi32>
      %swap3A_722 = arith.constant 0 : index
      %swap3A_723 = tpu.vector_load %arg10[%swap3A_722] {strides = array<i32>} : memref<80xi32, #tpu.memory_space<vmem>>, vector<16xi32>,
      %swap3A_724 = vector.shape_cast %swap3A_723 : vector<16xi32> to vector<16xi32>
      %swap3A_725 = vector.shape_cast %get3A_721 : vector<16xi32> to vector<16xi32>
      tpu.vector_store %arg10[%swap3A_722], %swap3A_725 {strides = array<i32>} : memref<80xi32, #tpu.memory_space<vmem>>, vector<16xi32>,
      %get3A_726 = arith.constant 16 : index
      %get3A_727 = tpu.vector_load %arg8[%get3A_726] {strides = array<i32>} : memref<80xi32, #tpu.memory_space<vmem>>, vector<16xi32>,
      %get3A_728 = vector.shape_cast %get3A_727 : vector<16xi32> to vector<16xi32>
      %swap3A_729 = arith.constant 16 : index
      %swap3A_730 = tpu.vector_load %arg10[%swap3A_729] {strides = array<i32>} : memref<80xi32, #tpu.memory_space<vmem>>, vector<16xi32>,
      %swap3A_731 = vector.shape_cast %swap3A_730 : vector<16xi32> to vector<16xi32>
      %swap3A_732 = vector.shape_cast %get3A_728 : vector<16xi32> to vector<16xi32>
      tpu.vector_store %arg10[%swap3A_729], %swap3A_732 {strides = array<i32>} : memref<80xi32, #tpu.memory_space<vmem>>, vector<16xi32>,
      %get3A_733 = arith.constant 32 : index
      %get3A_734 = tpu.vector_load %arg8[%get3A_733] {strides = array<i32>} : memref<80xi32, #tpu.memory_space<vmem>>, vector<16xi32>,
      %get3A_735 = vector.shape_cast %get3A_734 : vector<16xi32> to vector<16xi32>
      %swap3A_736 = arith.constant 32 : index
      %swap3A_737 = tpu.vector_load %arg10[%swap3A_736] {strides = array<i32>} : memref<80xi32, #tpu.memory_space<vmem>>, vector<16xi32>,
      %swap3A_738 = vector.shape_cast %swap3A_737 : vector<16xi32> to vector<16xi32>
      %swap3A_739 = vector.shape_cast %get3A_735 : vector<16xi32> to vector<16xi32>
      tpu.vector_store %arg10[%swap3A_736], %swap3A_739 {strides = array<i32>} : memref<80xi32, #tpu.memory_space<vmem>>, vector<16xi32>,
      %get3A_740 = arith.constant 48 : index
      %get3A_741 = tpu.vector_load %arg8[%get3A_740] {strides = array<i32>} : memref<80xi32, #tpu.memory_space<vmem>>, vector<16xi32>,
      %get3A_742 = vector.shape_cast %get3A_741 : vector<16xi32> to vector<16xi32>
      %swap3A_743 = arith.constant 48 : index
      %swap3A_744 = tpu.vector_load %arg10[%swap3A_743] {strides = array<i32>} : memref<80xi32, #tpu.memory_space<vmem>>, vector<16xi32>,
      %swap3A_745 = vector.shape_cast %swap3A_744 : vector<16xi32> to vector<16xi32>
      %swap3A_746 = vector.shape_cast %get3A_742 : vector<16xi32> to vector<16xi32>
      tpu.vector_store %arg10[%swap3A_743], %swap3A_746 {strides = array<i32>} : memref<80xi32, #tpu.memory_space<vmem>>, vector<16xi32>,
      %get3A_747 = arith.constant 64 : index
      %get3A_748 = tpu.vector_load %arg8[%get3A_747] {strides = array<i32>} : memref<80xi32, #tpu.memory_space<vmem>>, vector<16xi32>,
      %get3A_749 = vector.shape_cast %get3A_748 : vector<16xi32> to vector<16xi32>
      %swap3A_750 = arith.constant 64 : index
      %swap3A_751 = tpu.vector_load %arg10[%swap3A_750] {strides = array<i32>} : memref<80xi32, #tpu.memory_space<vmem>>, vector<16xi32>,
      %swap3A_752 = vector.shape_cast %swap3A_751 : vector<16xi32> to vector<16xi32>
      %swap3A_753 = vector.shape_cast %get3A_749 : vector<16xi32> to vector<16xi32>
      tpu.vector_store %arg10[%swap3A_750], %swap3A_753 {strides = array<i32>} : memref<80xi32, #tpu.memory_space<vmem>>, vector<16xi32>,
      %dma_start3A_754 = arith.constant 0 : i32
      %dma_start3A_755 = arith.constant 0 : i32
      %dma_start3A_756 = tpu.memref_slice %arg15[%dma_start3A_754, %dma_start3A_755] : memref<10000x128xf32, #tpu.memory_space<vmem_shared>> -> memref<10000x128xf32, #tpu.memory_space<vmem_shared>>
      tpu.enqueue_indirect_dma source(%arg12 : memref<80x128xf32, #tpu.memory_space<vmem>>) target(%dma_start3A_756 : memref<10000x128xf32, #tpu.memory_space<vmem_shared>>) offsets(%arg10 : memref<80xi32, #tpu.memory_space<vmem>>) semaphore(%arg22 : memref<!tpu.dma_semaphore, #tpu.memory_space<semaphore_mem>>) {add = true}
      %add3A_757 = arith.constant 2 : i32
      %add3A_758 = arith.addi %sub3A_656, %add3A_757 : i32
      %rem3A_759 = arith.constant 250 : i32
      %rem3A_760 = arith.remsi %add3A_758, %rem3A_759 : i32
      %mul3A_761 = arith.constant 80 : i32
      %mul3A_762 = arith.muli %mul3A_761, %rem3A_760 : i32
      %add3A_763 = arith.addi %mul3A_0, %mul3A_762 : i32
      %dma_start3A_764 = tpu.memref_slice %arg3[%add3A_763] : memref<320000xi32, #tpu.memory_space<hbm>> -> memref<80xi32, #tpu.memory_space<hbm>>
      %dma_start3A_765 = tpu.memref_slice %arg3[%add3A_763] : memref<320000xi32, #tpu.memory_space<hbm>> -> memref<80xi32, #tpu.memory_space<hbm>>
      tpu.enqueue_dma source(%dma_start3A_765 : memref<80xi32, #tpu.memory_space<hbm>>) target(%arg6 : memref<80xi32, #tpu.memory_space<vmem>>) target_semaphore(%arg16 : memref<!tpu.dma_semaphore, #tpu.memory_space<semaphore_mem>>)
      %dma_start3A_766 = tpu.memref_slice %arg4[%add3A_763] : memref<320000xi32, #tpu.memory_space<hbm>> -> memref<80xi32, #tpu.memory_space<hbm>>
      %dma_start3A_767 = tpu.memref_slice %arg4[%add3A_763] : memref<320000xi32, #tpu.memory_space<hbm>> -> memref<80xi32, #tpu.memory_space<hbm>>
      tpu.enqueue_dma source(%dma_start3A_767 : memref<80xi32, #tpu.memory_space<hbm>>) target(%arg8 : memref<80xi32, #tpu.memory_space<vmem>>) target_semaphore(%arg18 : memref<!tpu.dma_semaphore, #tpu.memory_space<semaphore_mem>>)
    }
    %scan3A_203 = arith.constant 124 : i32
    %dma_wait3A_204 = arith.constant 0 : i32
    %dma_wait3A_205 = tpu.memref_slice %arg3[%dma_wait3A_204] : memref<320000xi32, #tpu.memory_space<hbm>> -> memref<80xi32, #tpu.memory_space<hbm>>
    %dma_wait3A_206 = arith.constant 0 : i32
    %dma_wait3A_207 = tpu.memref_slice %arg3[%dma_wait3A_206] : memref<320000xi32, #tpu.memory_space<hbm>> -> memref<80xi32, #tpu.memory_space<hbm>>
    tpu.wait_dma2 semaphore(%arg16 : memref<!tpu.dma_semaphore, #tpu.memory_space<semaphore_mem>>) src(%dma_wait3A_207 : memref<80xi32, #tpu.memory_space<hbm>>) dst(%arg6 : memref<80xi32, #tpu.memory_space<vmem>>)
    %dma_wait3A_208 = arith.constant 0 : i32
    %dma_wait3A_209 = tpu.memref_slice %arg4[%dma_wait3A_208] : memref<320000xi32, #tpu.memory_space<hbm>> -> memref<80xi32, #tpu.memory_space<hbm>>
    %dma_wait3A_210 = arith.constant 0 : i32
    %dma_wait3A_211 = tpu.memref_slice %arg4[%dma_wait3A_210] : memref<320000xi32, #tpu.memory_space<hbm>> -> memref<80xi32, #tpu.memory_space<hbm>>
    tpu.wait_dma2 semaphore(%arg18 : memref<!tpu.dma_semaphore, #tpu.memory_space<semaphore_mem>>) src(%dma_wait3A_211 : memref<80xi32, #tpu.memory_space<hbm>>) dst(%arg8 : memref<80xi32, #tpu.memory_space<vmem>>)
    %dma_wait3A_212 = arith.constant 0 : i32
    %dma_wait3A_213 = arith.constant 0 : i32
    %dma_wait3A_214 = tpu.memref_slice %arg2[%dma_wait3A_212, %dma_wait3A_213] : memref<40000x128xf32, #tpu.memory_space<hbm>> -> memref<40000x128xf32, #tpu.memory_space<hbm>>
    tpu.wait_indirect_dma semaphore(%arg21 : memref<!tpu.dma_semaphore, #tpu.memory_space<semaphore_mem>>) src(%dma_wait3A_214 : memref<40000x128xf32, #tpu.memory_space<hbm>>) dst(%arg13 : memref<80x128xf32, #tpu.memory_space<vmem>>)
    %dma_wait3A_215 = arith.constant 0 : i32
    %dma_wait3A_216 = arith.constant 0 : i32
    %dma_wait3A_217 = tpu.memref_slice %arg15[%dma_wait3A_215, %dma_wait3A_216] : memref<10000x128xf32, #tpu.memory_space<vmem_shared>> -> memref<10000x128xf32, #tpu.memory_space<vmem_shared>>
    tpu.wait_indirect_dma semaphore(%arg22 : memref<!tpu.dma_semaphore, #tpu.memory_space<semaphore_mem>>) src(%arg12 : memref<80x128xf32, #tpu.memory_space<vmem>>) dst(%dma_wait3A_217 : memref<10000x128xf32, #tpu.memory_space<vmem_shared>>)
    %get3A_218 = arith.constant 0 : index
    %get3A_219 = tpu.vector_load %arg9[%get3A_218] {strides = array<i32>} : memref<80xi32, #tpu.memory_space<vmem>>, vector<16xi32>,
    %get3A_220 = vector.shape_cast %get3A_219 : vector<16xi32> to vector<16xi32>
    %swap3A_221 = arith.constant 0 : index
    %swap3A_222 = tpu.vector_load %arg11[%swap3A_221] {strides = array<i32>} : memref<80xi32, #tpu.memory_space<vmem>>, vector<16xi32>,
    %swap3A_223 = vector.shape_cast %swap3A_222 : vector<16xi32> to vector<16xi32>
    %swap3A_224 = vector.shape_cast %get3A_220 : vector<16xi32> to vector<16xi32>
    tpu.vector_store %arg11[%swap3A_221], %swap3A_224 {strides = array<i32>} : memref<80xi32, #tpu.memory_space<vmem>>, vector<16xi32>,
    %get3A_225 = arith.constant 16 : index
    %get3A_226 = tpu.vector_load %arg9[%get3A_225] {strides = array<i32>} : memref<80xi32, #tpu.memory_space<vmem>>, vector<16xi32>,
    %get3A_227 = vector.shape_cast %get3A_226 : vector<16xi32> to vector<16xi32>
    %swap3A_228 = arith.constant 16 : index
    %swap3A_229 = tpu.vector_load %arg11[%swap3A_228] {strides = array<i32>} : memref<80xi32, #tpu.memory_space<vmem>>, vector<16xi32>,
    %swap3A_230 = vector.shape_cast %swap3A_229 : vector<16xi32> to vector<16xi32>
    %swap3A_231 = vector.shape_cast %get3A_227 : vector<16xi32> to vector<16xi32>
    tpu.vector_store %arg11[%swap3A_228], %swap3A_231 {strides = array<i32>} : memref<80xi32, #tpu.memory_space<vmem>>, vector<16xi32>,
    %get3A_232 = arith.constant 32 : index
    %get3A_233 = tpu.vector_load %arg9[%get3A_232] {strides = array<i32>} : memref<80xi32, #tpu.memory_space<vmem>>, vector<16xi32>,
    %get3A_234 = vector.shape_cast %get3A_233 : vector<16xi32> to vector<16xi32>
    %swap3A_235 = arith.constant 32 : index
    %swap3A_236 = tpu.vector_load %arg11[%swap3A_235] {strides = array<i32>} : memref<80xi32, #tpu.memory_space<vmem>>, vector<16xi32>,
    %swap3A_237 = vector.shape_cast %swap3A_236 : vector<16xi32> to vector<16xi32>
    %swap3A_238 = vector.shape_cast %get3A_234 : vector<16xi32> to vector<16xi32>
    tpu.vector_store %arg11[%swap3A_235], %swap3A_238 {strides = array<i32>} : memref<80xi32, #tpu.memory_space<vmem>>, vector<16xi32>,
    %get3A_239 = arith.constant 48 : index
    %get3A_240 = tpu.vector_load %arg9[%get3A_239] {strides = array<i32>} : memref<80xi32, #tpu.memory_space<vmem>>, vector<16xi32>,
    %get3A_241 = vector.shape_cast %get3A_240 : vector<16xi32> to vector<16xi32>
    %swap3A_242 = arith.constant 48 : index
    %swap3A_243 = tpu.vector_load %arg11[%swap3A_242] {strides = array<i32>} : memref<80xi32, #tpu.memory_space<vmem>>, vector<16xi32>,
    %swap3A_244 = vector.shape_cast %swap3A_243 : vector<16xi32> to vector<16xi32>
    %swap3A_245 = vector.shape_cast %get3A_241 : vector<16xi32> to vector<16xi32>
    tpu.vector_store %arg11[%swap3A_242], %swap3A_245 {strides = array<i32>} : memref<80xi32, #tpu.memory_space<vmem>>, vector<16xi32>,
    %get3A_246 = arith.constant 64 : index
    %get3A_247 = tpu.vector_load %arg9[%get3A_246] {strides = array<i32>} : memref<80xi32, #tpu.memory_space<vmem>>, vector<16xi32>,
    %get3A_248 = vector.shape_cast %get3A_247 : vector<16xi32> to vector<16xi32>
    %swap3A_249 = arith.constant 64 : index
    %swap3A_250 = tpu.vector_load %arg11[%swap3A_249] {strides = array<i32>} : memref<80xi32, #tpu.memory_space<vmem>>, vector<16xi32>,
    %swap3A_251 = vector.shape_cast %swap3A_250 : vector<16xi32> to vector<16xi32>
    %swap3A_252 = vector.shape_cast %get3A_248 : vector<16xi32> to vector<16xi32>
    tpu.vector_store %arg11[%swap3A_249], %swap3A_252 {strides = array<i32>} : memref<80xi32, #tpu.memory_space<vmem>>, vector<16xi32>,
    %dma_start3A_253 = arith.constant 0 : i32
    %dma_start3A_254 = arith.constant 0 : i32
    %dma_start3A_255 = tpu.memref_slice %arg15[%dma_start3A_253, %dma_start3A_254] : memref<10000x128xf32, #tpu.memory_space<vmem_shared>> -> memref<10000x128xf32, #tpu.memory_space<vmem_shared>>
    tpu.enqueue_indirect_dma source(%arg13 : memref<80x128xf32, #tpu.memory_space<vmem>>) target(%dma_start3A_255 : memref<10000x128xf32, #tpu.memory_space<vmem_shared>>) offsets(%arg11 : memref<80xi32, #tpu.memory_space<vmem>>) semaphore(%arg23 : memref<!tpu.dma_semaphore, #tpu.memory_space<semaphore_mem>>) {add = true}
    %dma_wait3A_256 = arith.constant 0 : i32
    %dma_wait3A_257 = arith.constant 0 : i32
    %dma_wait3A_258 = tpu.memref_slice %arg15[%dma_wait3A_256, %dma_wait3A_257] : memref<10000x128xf32, #tpu.memory_space<vmem_shared>> -> memref<10000x128xf32, #tpu.memory_space<vmem_shared>>
    tpu.wait_indirect_dma semaphore(%arg23 : memref<!tpu.dma_semaphore, #tpu.memory_space<semaphore_mem>>) src(%arg13 : memref<80x128xf32, #tpu.memory_space<vmem>>) dst(%dma_wait3A_258 : memref<10000x128xf32, #tpu.memory_space<vmem_shared>>)
    %barrier3A_259 = arith.constant 0 : index
    tpu.barrier barrier_id(%barrier3A_259)
    %add3A_260 = arith.addi %mul3A_11, %mul3A_8 : i32
    "tpu.region"() ({
      %run_scoped3A = tpu.sem_alloc : memref<!tpu.dma_semaphore, #tpu.memory_space<semaphore_mem>>
      %dma_start3A_534 = arith.constant 0 : i32
      %dma_start3A_535 = tpu.memref_slice %arg5[%add3A_260, %dma_start3A_534] : memref<40000x128xf32, #tpu.memory_space<hbm>> -> memref<624x128xf32, #tpu.memory_space<hbm>>
      %dma_start3A_536 = arith.constant 0 : i32
      %dma_start3A_537 = tpu.memref_slice %arg15[%mul3A_8, %dma_start3A_536] : memref<10000x128xf32, #tpu.memory_space<vmem_shared>> -> memref<624x128xf32, #tpu.memory_space<vmem_shared>>
      tpu.enqueue_dma source(%dma_start3A_537 : memref<624x128xf32, #tpu.memory_space<vmem_shared>>) target(%dma_start3A_535 : memref<624x128xf32, #tpu.memory_space<hbm>>) target_semaphore(%run_scoped3A : memref<!tpu.dma_semaphore, #tpu.memory_space<semaphore_mem>>)
      %dma_wait3A_538 = arith.constant 0 : i32
      %dma_wait3A_539 = tpu.memref_slice %arg5[%add3A_260, %dma_wait3A_538] : memref<40000x128xf32, #tpu.memory_space<hbm>> -> memref<624x128xf32, #tpu.memory_space<hbm>>
      %dma_wait3A_540 = arith.constant 0 : i32
      %dma_wait3A_541 = tpu.memref_slice %arg15[%mul3A_8, %dma_wait3A_540] : memref<10000x128xf32, #tpu.memory_space<vmem_shared>> -> memref<624x128xf32, #tpu.memory_space<vmem_shared>>
      tpu.wait_dma2 semaphore(%run_scoped3A : memref<!tpu.dma_semaphore, #tpu.memory_space<semaphore_mem>>) src(%dma_wait3A_541 : memref<624x128xf32, #tpu.memory_space<vmem_shared>>) dst(%dma_wait3A_539 : memref<624x128xf32, #tpu.memory_space<hbm>>)
      tpu.yield
    }) : () -> ()
    %eq3A_261 = arith.constant 15 : i32
    %eq3A_262 = arith.cmpi eq, %arg1, %eq3A_261 : i32
    %convert_element_type3A_263 = arith.extui %eq3A_262 : i1 to i32
    %cond3A_264 = arith.constant 0 : i32
    %cond3A_265 = arith.cmpi ne, %convert_element_type3A_263, %cond3A_264 : i32
    scf.if %cond3A_265 {
      %add3A_534 = arith.constant 9984 : i32
      %add3A_535 = arith.addi %mul3A_11, %add3A_534 : i32
      "tpu.region"() ({
        %run_scoped3A = tpu.sem_alloc : memref<!tpu.dma_semaphore, #tpu.memory_space<semaphore_mem>>
        %dma_start3A_536 = arith.constant 0 : i32
        %dma_start3A_537 = tpu.memref_slice %arg5[%add3A_535, %dma_start3A_536] : memref<40000x128xf32, #tpu.memory_space<hbm>> -> memref<16x128xf32, #tpu.memory_space<hbm>>
        %dma_start3A_538 = arith.constant 9984 : i32
        %dma_start3A_539 = arith.constant 0 : i32
        %dma_start3A_540 = tpu.memref_slice %arg15[%dma_start3A_538, %dma_start3A_539] : memref<10000x128xf32, #tpu.memory_space<vmem_shared>> -> memref<16x128xf32, #tpu.memory_space<vmem_shared>>
        tpu.enqueue_dma source(%dma_start3A_540 : memref<16x128xf32, #tpu.memory_space<vmem_shared>>) target(%dma_start3A_537 : memref<16x128xf32, #tpu.memory_space<hbm>>) target_semaphore(%run_scoped3A : memref<!tpu.dma_semaphore, #tpu.memory_space<semaphore_mem>>)
        %dma_wait3A_541 = arith.constant 0 : i32
        %dma_wait3A_542 = tpu.memref_slice %arg5[%add3A_535, %dma_wait3A_541] : memref<40000x128xf32, #tpu.memory_space<hbm>> -> memref<16x128xf32, #tpu.memory_space<hbm>>
        %dma_wait3A_543 = arith.constant 9984 : i32
        %dma_wait3A_544 = arith.constant 0 : i32
        %dma_wait3A_545 = tpu.memref_slice %arg15[%dma_wait3A_543, %dma_wait3A_544] : memref<10000x128xf32, #tpu.memory_space<vmem_shared>> -> memref<16x128xf32, #tpu.memory_space<vmem_shared>>
        tpu.wait_dma2 semaphore(%run_scoped3A : memref<!tpu.dma_semaphore, #tpu.memory_space<semaphore_mem>>) src(%dma_wait3A_545 : memref<16x128xf32, #tpu.memory_space<vmem_shared>>) dst(%dma_wait3A_542 : memref<16x128xf32, #tpu.memory_space<hbm>>)
        tpu.yield
      }) : () -> ()
    } else {
    }
    %barrier3A_266 = arith.constant 0 : index
    tpu.barrier barrier_id(%barrier3A_266)
    %add3A_267 = arith.constant 2 : i32
    %add3A_268 = arith.addi %arg0, %add3A_267 : i32
    %mul3A_269 = arith.constant 10000 : i32
    %mul3A_270 = arith.muli %add3A_268, %mul3A_269 : i32
    %scan3A_271 = arith.constant 0 : i32
    %scan3A_272 = arith.constant 0 : i32
    %scan3A_273 = arith.constant 26 : i32
    %scan3A_274 = arith.addi %scan3A_272, %scan3A_273 : i32
    %scan3A_275 = arith.constant 1 : i32
    scf.for %scan3A_534 = %scan3A_272 to %scan3A_274 step %scan3A_275  : i32 {
      %mul3A_535 = arith.constant 24 : i32
      %mul3A_536 = arith.muli %mul3A_535, %scan3A_534 : i32
      %add3A_537 = arith.addi %mul3A_8, %mul3A_536 : i32
      "tpu.region"() ({
        %run_scoped3A = tpu.sem_alloc : memref<!tpu.dma_semaphore, #tpu.memory_space<semaphore_mem>>
        %dma_start3A_538 = arith.constant 0 : i32
        %dma_start3A_539 = tpu.memref_slice %arg15[%add3A_537, %dma_start3A_538] : memref<10000x128xf32, #tpu.memory_space<vmem_shared>> -> memref<24x128xf32, #tpu.memory_space<vmem_shared>>
        %dma_start3A_540 = arith.constant 0 : i32
        %dma_start3A_541 = tpu.memref_slice %arg15[%add3A_537, %dma_start3A_540] : memref<10000x128xf32, #tpu.memory_space<vmem_shared>> -> memref<24x128xf32, #tpu.memory_space<vmem_shared>>
        tpu.enqueue_dma source(%arg14 : memref<24x128xf32, #tpu.memory_space<vmem>>) target(%dma_start3A_541 : memref<24x128xf32, #tpu.memory_space<vmem_shared>>) target_semaphore(%run_scoped3A : memref<!tpu.dma_semaphore, #tpu.memory_space<semaphore_mem>>)
        %dma_wait3A_542 = arith.constant 0 : i32
        %dma_wait3A_543 = tpu.memref_slice %arg15[%add3A_537, %dma_wait3A_542] : memref<10000x128xf32, #tpu.memory_space<vmem_shared>> -> memref<24x128xf32, #tpu.memory_space<vmem_shared>>
        %dma_wait3A_544 = arith.constant 0 : i32
        %dma_wait3A_545 = tpu.memref_slice %arg15[%add3A_537, %dma_wait3A_544] : memref<10000x128xf32, #tpu.memory_space<vmem_shared>> -> memref<24x128xf32, #tpu.memory_space<vmem_shared>>
        tpu.wait_dma2 semaphore(%run_scoped3A : memref<!tpu.dma_semaphore, #tpu.memory_space<semaphore_mem>>) src(%arg14 : memref<24x128xf32, #tpu.memory_space<vmem>>) dst(%dma_wait3A_545 : memref<24x128xf32, #tpu.memory_space<vmem_shared>>)
        tpu.yield
      }) : () -> ()
    }
    %scan3A_276 = arith.constant 26 : i32
    %eq3A_277 = arith.constant 15 : i32
    %eq3A_278 = arith.cmpi eq, %arg1, %eq3A_277 : i32
    %convert_element_type3A_279 = arith.extui %eq3A_278 : i1 to i32
    %cond3A_280 = arith.constant 0 : i32
    %cond3A_281 = arith.cmpi ne, %convert_element_type3A_279, %cond3A_280 : i32
    scf.if %cond3A_281 {
      "tpu.region"() ({
        %run_scoped3A = tpu.sem_alloc : memref<!tpu.dma_semaphore, #tpu.memory_space<semaphore_mem>>
        %dma_start3A_534 = arith.constant 0 : i32
        %dma_start3A_535 = arith.constant 0 : i32
        %dma_start3A_536 = tpu.memref_slice %arg14[%dma_start3A_534, %dma_start3A_535] : memref<24x128xf32, #tpu.memory_space<vmem>> -> memref<16x128xf32, #tpu.memory_space<vmem>>
        %dma_start3A_537 = arith.constant 9984 : i32
        %dma_start3A_538 = arith.constant 0 : i32
        %dma_start3A_539 = tpu.memref_slice %arg15[%dma_start3A_537, %dma_start3A_538] : memref<10000x128xf32, #tpu.memory_space<vmem_shared>> -> memref<16x128xf32, #tpu.memory_space<vmem_shared>>
        %dma_start3A_540 = arith.constant 9984 : i32
        %dma_start3A_541 = arith.constant 0 : i32
        %dma_start3A_542 = tpu.memref_slice %arg15[%dma_start3A_540, %dma_start3A_541] : memref<10000x128xf32, #tpu.memory_space<vmem_shared>> -> memref<16x128xf32, #tpu.memory_space<vmem_shared>>
        %dma_start3A_543 = arith.constant 0 : i32
        %dma_start3A_544 = arith.constant 0 : i32
        %dma_start3A_545 = tpu.memref_slice %arg14[%dma_start3A_543, %dma_start3A_544] : memref<24x128xf32, #tpu.memory_space<vmem>> -> memref<16x128xf32, #tpu.memory_space<vmem>>
        tpu.enqueue_dma source(%dma_start3A_545 : memref<16x128xf32, #tpu.memory_space<vmem>>) target(%dma_start3A_542 : memref<16x128xf32, #tpu.memory_space<vmem_shared>>) target_semaphore(%run_scoped3A : memref<!tpu.dma_semaphore, #tpu.memory_space<semaphore_mem>>)
        %dma_wait3A_546 = arith.constant 0 : i32
        %dma_wait3A_547 = arith.constant 0 : i32
        %dma_wait3A_548 = tpu.memref_slice %arg14[%dma_wait3A_546, %dma_wait3A_547] : memref<24x128xf32, #tpu.memory_space<vmem>> -> memref<16x128xf32, #tpu.memory_space<vmem>>
        %dma_wait3A_549 = arith.constant 9984 : i32
        %dma_wait3A_550 = arith.constant 0 : i32
        %dma_wait3A_551 = tpu.memref_slice %arg15[%dma_wait3A_549, %dma_wait3A_550] : memref<10000x128xf32, #tpu.memory_space<vmem_shared>> -> memref<16x128xf32, #tpu.memory_space<vmem_shared>>
        %dma_wait3A_552 = arith.constant 9984 : i32
        %dma_wait3A_553 = arith.constant 0 : i32
        %dma_wait3A_554 = tpu.memref_slice %arg15[%dma_wait3A_552, %dma_wait3A_553] : memref<10000x128xf32, #tpu.memory_space<vmem_shared>> -> memref<16x128xf32, #tpu.memory_space<vmem_shared>>
        %dma_wait3A_555 = arith.constant 0 : i32
        %dma_wait3A_556 = arith.constant 0 : i32
        %dma_wait3A_557 = tpu.memref_slice %arg14[%dma_wait3A_555, %dma_wait3A_556] : memref<24x128xf32, #tpu.memory_space<vmem>> -> memref<16x128xf32, #tpu.memory_space<vmem>>
        tpu.wait_dma2 semaphore(%run_scoped3A : memref<!tpu.dma_semaphore, #tpu.memory_space<semaphore_mem>>) src(%dma_wait3A_557 : memref<16x128xf32, #tpu.memory_space<vmem>>) dst(%dma_wait3A_554 : memref<16x128xf32, #tpu.memory_space<vmem_shared>>)
        tpu.yield
      }) : () -> ()
    } else {
    }
    %barrier3A_282 = arith.constant 0 : index
    tpu.barrier barrier_id(%barrier3A_282)
    %rem3A_283 = arith.constant 0 : i32
    %rem3A_284 = arith.constant 250 : i32
    %rem3A_285 = arith.remsi %rem3A_283, %rem3A_284 : i32
    %mul3A_286 = arith.constant 80 : i32
    %mul3A_287 = arith.muli %mul3A_286, %rem3A_285 : i32
    %add3A_288 = arith.addi %mul3A_0, %mul3A_287 : i32
    %dma_start3A_289 = tpu.memref_slice %arg3[%add3A_288] : memref<320000xi32, #tpu.memory_space<hbm>> -> memref<80xi32, #tpu.memory_space<hbm>>
    %dma_start3A_290 = tpu.memref_slice %arg3[%add3A_288] : memref<320000xi32, #tpu.memory_space<hbm>> -> memref<80xi32, #tpu.memory_space<hbm>>
    tpu.enqueue_dma source(%dma_start3A_290 : memref<80xi32, #tpu.memory_space<hbm>>) target(%arg6 : memref<80xi32, #tpu.memory_space<vmem>>) target_semaphore(%arg16 : memref<!tpu.dma_semaphore, #tpu.memory_space<semaphore_mem>>)
    %dma_start3A_291 = tpu.memref_slice %arg4[%add3A_288] : memref<320000xi32, #tpu.memory_space<hbm>> -> memref<80xi32, #tpu.memory_space<hbm>>
    %dma_start3A_292 = tpu.memref_slice %arg4[%add3A_288] : memref<320000xi32, #tpu.memory_space<hbm>> -> memref<80xi32, #tpu.memory_space<hbm>>
    tpu.enqueue_dma source(%dma_start3A_292 : memref<80xi32, #tpu.memory_space<hbm>>) target(%arg8 : memref<80xi32, #tpu.memory_space<vmem>>) target_semaphore(%arg18 : memref<!tpu.dma_semaphore, #tpu.memory_space<semaphore_mem>>)
    %rem3A_293 = arith.constant 1 : i32
    %rem3A_294 = arith.constant 250 : i32
    %rem3A_295 = arith.remsi %rem3A_293, %rem3A_294 : i32
    %mul3A_296 = arith.constant 80 : i32
    %mul3A_297 = arith.muli %mul3A_296, %rem3A_295 : i32
    %add3A_298 = arith.addi %mul3A_0, %mul3A_297 : i32
    %dma_start3A_299 = tpu.memref_slice %arg3[%add3A_298] : memref<320000xi32, #tpu.memory_space<hbm>> -> memref<80xi32, #tpu.memory_space<hbm>>
    %dma_start3A_300 = tpu.memref_slice %arg3[%add3A_298] : memref<320000xi32, #tpu.memory_space<hbm>> -> memref<80xi32, #tpu.memory_space<hbm>>
    tpu.enqueue_dma source(%dma_start3A_300 : memref<80xi32, #tpu.memory_space<hbm>>) target(%arg7 : memref<80xi32, #tpu.memory_space<vmem>>) target_semaphore(%arg17 : memref<!tpu.dma_semaphore, #tpu.memory_space<semaphore_mem>>)
    %dma_start3A_301 = tpu.memref_slice %arg4[%add3A_298] : memref<320000xi32, #tpu.memory_space<hbm>> -> memref<80xi32, #tpu.memory_space<hbm>>
    %dma_start3A_302 = tpu.memref_slice %arg4[%add3A_298] : memref<320000xi32, #tpu.memory_space<hbm>> -> memref<80xi32, #tpu.memory_space<hbm>>
    tpu.enqueue_dma source(%dma_start3A_302 : memref<80xi32, #tpu.memory_space<hbm>>) target(%arg9 : memref<80xi32, #tpu.memory_space<vmem>>) target_semaphore(%arg19 : memref<!tpu.dma_semaphore, #tpu.memory_space<semaphore_mem>>)
    %dma_wait3A_303 = arith.constant 0 : i32
    %dma_wait3A_304 = tpu.memref_slice %arg3[%dma_wait3A_303] : memref<320000xi32, #tpu.memory_space<hbm>> -> memref<80xi32, #tpu.memory_space<hbm>>
    %dma_wait3A_305 = arith.constant 0 : i32
    %dma_wait3A_306 = tpu.memref_slice %arg3[%dma_wait3A_305] : memref<320000xi32, #tpu.memory_space<hbm>> -> memref<80xi32, #tpu.memory_space<hbm>>
    tpu.wait_dma2 semaphore(%arg16 : memref<!tpu.dma_semaphore, #tpu.memory_space<semaphore_mem>>) src(%dma_wait3A_306 : memref<80xi32, #tpu.memory_space<hbm>>) dst(%arg6 : memref<80xi32, #tpu.memory_space<vmem>>)
    %dma_wait3A_307 = arith.constant 0 : i32
    %dma_wait3A_308 = tpu.memref_slice %arg4[%dma_wait3A_307] : memref<320000xi32, #tpu.memory_space<hbm>> -> memref<80xi32, #tpu.memory_space<hbm>>
    %dma_wait3A_309 = arith.constant 0 : i32
    %dma_wait3A_310 = tpu.memref_slice %arg4[%dma_wait3A_309] : memref<320000xi32, #tpu.memory_space<hbm>> -> memref<80xi32, #tpu.memory_space<hbm>>
    tpu.wait_dma2 semaphore(%arg18 : memref<!tpu.dma_semaphore, #tpu.memory_space<semaphore_mem>>) src(%dma_wait3A_310 : memref<80xi32, #tpu.memory_space<hbm>>) dst(%arg8 : memref<80xi32, #tpu.memory_space<vmem>>)
    %get3A_311 = arith.constant 0 : index
    %get3A_312 = tpu.vector_load %arg6[%get3A_311] {strides = array<i32>} : memref<80xi32, #tpu.memory_space<vmem>>, vector<16xi32>,
    %get3A_313 = vector.shape_cast %get3A_312 : vector<16xi32> to vector<16xi32>
    %add3A_314 = vector.broadcast %mul3A_270 : i32 to vector<16xi32>
    %add3A_315 = arith.addi %get3A_313, %add3A_314 : vector<16xi32>
    %swap3A_316 = arith.constant 0 : index
    %swap3A_317 = tpu.vector_load %arg6[%swap3A_316] {strides = array<i32>} : memref<80xi32, #tpu.memory_space<vmem>>, vector<16xi32>,
    %swap3A_318 = vector.shape_cast %swap3A_317 : vector<16xi32> to vector<16xi32>
    %swap3A_319 = vector.shape_cast %add3A_315 : vector<16xi32> to vector<16xi32>
    tpu.vector_store %arg6[%swap3A_316], %swap3A_319 {strides = array<i32>} : memref<80xi32, #tpu.memory_space<vmem>>, vector<16xi32>,
    %get3A_320 = arith.constant 16 : index
    %get3A_321 = tpu.vector_load %arg6[%get3A_320] {strides = array<i32>} : memref<80xi32, #tpu.memory_space<vmem>>, vector<16xi32>,
    %get3A_322 = vector.shape_cast %get3A_321 : vector<16xi32> to vector<16xi32>
    %add3A_323 = vector.broadcast %mul3A_270 : i32 to vector<16xi32>
    %add3A_324 = arith.addi %get3A_322, %add3A_323 : vector<16xi32>
    %swap3A_325 = arith.constant 16 : index
    %swap3A_326 = tpu.vector_load %arg6[%swap3A_325] {strides = array<i32>} : memref<80xi32, #tpu.memory_space<vmem>>, vector<16xi32>,
    %swap3A_327 = vector.shape_cast %swap3A_326 : vector<16xi32> to vector<16xi32>
    %swap3A_328 = vector.shape_cast %add3A_324 : vector<16xi32> to vector<16xi32>
    tpu.vector_store %arg6[%swap3A_325], %swap3A_328 {strides = array<i32>} : memref<80xi32, #tpu.memory_space<vmem>>, vector<16xi32>,
    %get3A_329 = arith.constant 32 : index
    %get3A_330 = tpu.vector_load %arg6[%get3A_329] {strides = array<i32>} : memref<80xi32, #tpu.memory_space<vmem>>, vector<16xi32>,
    %get3A_331 = vector.shape_cast %get3A_330 : vector<16xi32> to vector<16xi32>
    %add3A_332 = vector.broadcast %mul3A_270 : i32 to vector<16xi32>
    %add3A_333 = arith.addi %get3A_331, %add3A_332 : vector<16xi32>
    %swap3A_334 = arith.constant 32 : index
    %swap3A_335 = tpu.vector_load %arg6[%swap3A_334] {strides = array<i32>} : memref<80xi32, #tpu.memory_space<vmem>>, vector<16xi32>,
    %swap3A_336 = vector.shape_cast %swap3A_335 : vector<16xi32> to vector<16xi32>
    %swap3A_337 = vector.shape_cast %add3A_333 : vector<16xi32> to vector<16xi32>
    tpu.vector_store %arg6[%swap3A_334], %swap3A_337 {strides = array<i32>} : memref<80xi32, #tpu.memory_space<vmem>>, vector<16xi32>,
    %get3A_338 = arith.constant 48 : index
    %get3A_339 = tpu.vector_load %arg6[%get3A_338] {strides = array<i32>} : memref<80xi32, #tpu.memory_space<vmem>>, vector<16xi32>,
    %get3A_340 = vector.shape_cast %get3A_339 : vector<16xi32> to vector<16xi32>
    %add3A_341 = vector.broadcast %mul3A_270 : i32 to vector<16xi32>
    %add3A_342 = arith.addi %get3A_340, %add3A_341 : vector<16xi32>
    %swap3A_343 = arith.constant 48 : index
    %swap3A_344 = tpu.vector_load %arg6[%swap3A_343] {strides = array<i32>} : memref<80xi32, #tpu.memory_space<vmem>>, vector<16xi32>,
    %swap3A_345 = vector.shape_cast %swap3A_344 : vector<16xi32> to vector<16xi32>
    %swap3A_346 = vector.shape_cast %add3A_342 : vector<16xi32> to vector<16xi32>
    tpu.vector_store %arg6[%swap3A_343], %swap3A_346 {strides = array<i32>} : memref<80xi32, #tpu.memory_space<vmem>>, vector<16xi32>,
    %get3A_347 = arith.constant 64 : index
    %get3A_348 = tpu.vector_load %arg6[%get3A_347] {strides = array<i32>} : memref<80xi32, #tpu.memory_space<vmem>>, vector<16xi32>,
    %get3A_349 = vector.shape_cast %get3A_348 : vector<16xi32> to vector<16xi32>
    %add3A_350 = vector.broadcast %mul3A_270 : i32 to vector<16xi32>
    %add3A_351 = arith.addi %get3A_349, %add3A_350 : vector<16xi32>
    %swap3A_352 = arith.constant 64 : index
    %swap3A_353 = tpu.vector_load %arg6[%swap3A_352] {strides = array<i32>} : memref<80xi32, #tpu.memory_space<vmem>>, vector<16xi32>,
    %swap3A_354 = vector.shape_cast %swap3A_353 : vector<16xi32> to vector<16xi32>
    %swap3A_355 = vector.shape_cast %add3A_351 : vector<16xi32> to vector<16xi32>
    tpu.vector_store %arg6[%swap3A_352], %swap3A_355 {strides = array<i32>} : memref<80xi32, #tpu.memory_space<vmem>>, vector<16xi32>,
    %dma_start3A_356 = arith.constant 0 : i32
    %dma_start3A_357 = arith.constant 0 : i32
    %dma_start3A_358 = tpu.memref_slice %arg2[%dma_start3A_356, %dma_start3A_357] : memref<40000x128xf32, #tpu.memory_space<hbm>> -> memref<40000x128xf32, #tpu.memory_space<hbm>>
    tpu.enqueue_indirect_dma source(%dma_start3A_358 : memref<40000x128xf32, #tpu.memory_space<hbm>>) target(%arg12 : memref<80x128xf32, #tpu.memory_space<vmem>>) offsets(%arg6 : memref<80xi32, #tpu.memory_space<vmem>>) semaphore(%arg20 : memref<!tpu.dma_semaphore, #tpu.memory_space<semaphore_mem>>)
    %dma_wait3A_359 = arith.constant 0 : i32
    %dma_wait3A_360 = tpu.memref_slice %arg3[%dma_wait3A_359] : memref<320000xi32, #tpu.memory_space<hbm>> -> memref<80xi32, #tpu.memory_space<hbm>>
    %dma_wait3A_361 = arith.constant 0 : i32
    %dma_wait3A_362 = tpu.memref_slice %arg3[%dma_wait3A_361] : memref<320000xi32, #tpu.memory_space<hbm>> -> memref<80xi32, #tpu.memory_space<hbm>>
    tpu.wait_dma2 semaphore(%arg17 : memref<!tpu.dma_semaphore, #tpu.memory_space<semaphore_mem>>) src(%dma_wait3A_362 : memref<80xi32, #tpu.memory_space<hbm>>) dst(%arg7 : memref<80xi32, #tpu.memory_space<vmem>>)
    %dma_wait3A_363 = arith.constant 0 : i32
    %dma_wait3A_364 = tpu.memref_slice %arg4[%dma_wait3A_363] : memref<320000xi32, #tpu.memory_space<hbm>> -> memref<80xi32, #tpu.memory_space<hbm>>
    %dma_wait3A_365 = arith.constant 0 : i32
    %dma_wait3A_366 = tpu.memref_slice %arg4[%dma_wait3A_365] : memref<320000xi32, #tpu.memory_space<hbm>> -> memref<80xi32, #tpu.memory_space<hbm>>
    tpu.wait_dma2 semaphore(%arg19 : memref<!tpu.dma_semaphore, #tpu.memory_space<semaphore_mem>>) src(%dma_wait3A_366 : memref<80xi32, #tpu.memory_space<hbm>>) dst(%arg9 : memref<80xi32, #tpu.memory_space<vmem>>)
    %get3A_367 = arith.constant 0 : index
    %get3A_368 = tpu.vector_load %arg7[%get3A_367] {strides = array<i32>} : memref<80xi32, #tpu.memory_space<vmem>>, vector<16xi32>,
    %get3A_369 = vector.shape_cast %get3A_368 : vector<16xi32> to vector<16xi32>
    %add3A_370 = vector.broadcast %mul3A_270 : i32 to vector<16xi32>
    %add3A_371 = arith.addi %get3A_369, %add3A_370 : vector<16xi32>
    %swap3A_372 = arith.constant 0 : index
    %swap3A_373 = tpu.vector_load %arg7[%swap3A_372] {strides = array<i32>} : memref<80xi32, #tpu.memory_space<vmem>>, vector<16xi32>,
    %swap3A_374 = vector.shape_cast %swap3A_373 : vector<16xi32> to vector<16xi32>
    %swap3A_375 = vector.shape_cast %add3A_371 : vector<16xi32> to vector<16xi32>
    tpu.vector_store %arg7[%swap3A_372], %swap3A_375 {strides = array<i32>} : memref<80xi32, #tpu.memory_space<vmem>>, vector<16xi32>,
    %get3A_376 = arith.constant 16 : index
    %get3A_377 = tpu.vector_load %arg7[%get3A_376] {strides = array<i32>} : memref<80xi32, #tpu.memory_space<vmem>>, vector<16xi32>,
    %get3A_378 = vector.shape_cast %get3A_377 : vector<16xi32> to vector<16xi32>
    %add3A_379 = vector.broadcast %mul3A_270 : i32 to vector<16xi32>
    %add3A_380 = arith.addi %get3A_378, %add3A_379 : vector<16xi32>
    %swap3A_381 = arith.constant 16 : index
    %swap3A_382 = tpu.vector_load %arg7[%swap3A_381] {strides = array<i32>} : memref<80xi32, #tpu.memory_space<vmem>>, vector<16xi32>,
    %swap3A_383 = vector.shape_cast %swap3A_382 : vector<16xi32> to vector<16xi32>
    %swap3A_384 = vector.shape_cast %add3A_380 : vector<16xi32> to vector<16xi32>
    tpu.vector_store %arg7[%swap3A_381], %swap3A_384 {strides = array<i32>} : memref<80xi32, #tpu.memory_space<vmem>>, vector<16xi32>,
    %get3A_385 = arith.constant 32 : index
    %get3A_386 = tpu.vector_load %arg7[%get3A_385] {strides = array<i32>} : memref<80xi32, #tpu.memory_space<vmem>>, vector<16xi32>,
    %get3A_387 = vector.shape_cast %get3A_386 : vector<16xi32> to vector<16xi32>
    %add3A_388 = vector.broadcast %mul3A_270 : i32 to vector<16xi32>
    %add3A_389 = arith.addi %get3A_387, %add3A_388 : vector<16xi32>
    %swap3A_390 = arith.constant 32 : index
    %swap3A_391 = tpu.vector_load %arg7[%swap3A_390] {strides = array<i32>} : memref<80xi32, #tpu.memory_space<vmem>>, vector<16xi32>,
    %swap3A_392 = vector.shape_cast %swap3A_391 : vector<16xi32> to vector<16xi32>
    %swap3A_393 = vector.shape_cast %add3A_389 : vector<16xi32> to vector<16xi32>
    tpu.vector_store %arg7[%swap3A_390], %swap3A_393 {strides = array<i32>} : memref<80xi32, #tpu.memory_space<vmem>>, vector<16xi32>,
    %get3A_394 = arith.constant 48 : index
    %get3A_395 = tpu.vector_load %arg7[%get3A_394] {strides = array<i32>} : memref<80xi32, #tpu.memory_space<vmem>>, vector<16xi32>,
    %get3A_396 = vector.shape_cast %get3A_395 : vector<16xi32> to vector<16xi32>
    %add3A_397 = vector.broadcast %mul3A_270 : i32 to vector<16xi32>
    %add3A_398 = arith.addi %get3A_396, %add3A_397 : vector<16xi32>
    %swap3A_399 = arith.constant 48 : index
    %swap3A_400 = tpu.vector_load %arg7[%swap3A_399] {strides = array<i32>} : memref<80xi32, #tpu.memory_space<vmem>>, vector<16xi32>,
    %swap3A_401 = vector.shape_cast %swap3A_400 : vector<16xi32> to vector<16xi32>
    %swap3A_402 = vector.shape_cast %add3A_398 : vector<16xi32> to vector<16xi32>
    tpu.vector_store %arg7[%swap3A_399], %swap3A_402 {strides = array<i32>} : memref<80xi32, #tpu.memory_space<vmem>>, vector<16xi32>,
    %get3A_403 = arith.constant 64 : index
    %get3A_404 = tpu.vector_load %arg7[%get3A_403] {strides = array<i32>} : memref<80xi32, #tpu.memory_space<vmem>>, vector<16xi32>,
    %get3A_405 = vector.shape_cast %get3A_404 : vector<16xi32> to vector<16xi32>
    %add3A_406 = vector.broadcast %mul3A_270 : i32 to vector<16xi32>
    %add3A_407 = arith.addi %get3A_405, %add3A_406 : vector<16xi32>
    %swap3A_408 = arith.constant 64 : index
    %swap3A_409 = tpu.vector_load %arg7[%swap3A_408] {strides = array<i32>} : memref<80xi32, #tpu.memory_space<vmem>>, vector<16xi32>,
    %swap3A_410 = vector.shape_cast %swap3A_409 : vector<16xi32> to vector<16xi32>
    %swap3A_411 = vector.shape_cast %add3A_407 : vector<16xi32> to vector<16xi32>
    tpu.vector_store %arg7[%swap3A_408], %swap3A_411 {strides = array<i32>} : memref<80xi32, #tpu.memory_space<vmem>>, vector<16xi32>,
    %dma_wait3A_412 = arith.constant 0 : i32
    %dma_wait3A_413 = arith.constant 0 : i32
    %dma_wait3A_414 = tpu.memref_slice %arg2[%dma_wait3A_412, %dma_wait3A_413] : memref<40000x128xf32, #tpu.memory_space<hbm>> -> memref<40000x128xf32, #tpu.memory_space<hbm>>
    tpu.wait_indirect_dma semaphore(%arg20 : memref<!tpu.dma_semaphore, #tpu.memory_space<semaphore_mem>>) src(%dma_wait3A_414 : memref<40000x128xf32, #tpu.memory_space<hbm>>) dst(%arg12 : memref<80x128xf32, #tpu.memory_space<vmem>>)
    %dma_start3A_415 = arith.constant 0 : i32
    %dma_start3A_416 = arith.constant 0 : i32
    %dma_start3A_417 = tpu.memref_slice %arg2[%dma_start3A_415, %dma_start3A_416] : memref<40000x128xf32, #tpu.memory_space<hbm>> -> memref<40000x128xf32, #tpu.memory_space<hbm>>
    tpu.enqueue_indirect_dma source(%dma_start3A_417 : memref<40000x128xf32, #tpu.memory_space<hbm>>) target(%arg13 : memref<80x128xf32, #tpu.memory_space<vmem>>) offsets(%arg7 : memref<80xi32, #tpu.memory_space<vmem>>) semaphore(%arg21 : memref<!tpu.dma_semaphore, #tpu.memory_space<semaphore_mem>>)
    %get3A_418 = arith.constant 0 : index
    %get3A_419 = tpu.vector_load %arg8[%get3A_418] {strides = array<i32>} : memref<80xi32, #tpu.memory_space<vmem>>, vector<16xi32>,
    %get3A_420 = vector.shape_cast %get3A_419 : vector<16xi32> to vector<16xi32>
    %swap3A_421 = arith.constant 0 : index
    %swap3A_422 = tpu.vector_load %arg10[%swap3A_421] {strides = array<i32>} : memref<80xi32, #tpu.memory_space<vmem>>, vector<16xi32>,
    %swap3A_423 = vector.shape_cast %swap3A_422 : vector<16xi32> to vector<16xi32>
    %swap3A_424 = vector.shape_cast %get3A_420 : vector<16xi32> to vector<16xi32>
    tpu.vector_store %arg10[%swap3A_421], %swap3A_424 {strides = array<i32>} : memref<80xi32, #tpu.memory_space<vmem>>, vector<16xi32>,
    %get3A_425 = arith.constant 16 : index
    %get3A_426 = tpu.vector_load %arg8[%get3A_425] {strides = array<i32>} : memref<80xi32, #tpu.memory_space<vmem>>, vector<16xi32>,
    %get3A_427 = vector.shape_cast %get3A_426 : vector<16xi32> to vector<16xi32>
    %swap3A_428 = arith.constant 16 : index
    %swap3A_429 = tpu.vector_load %arg10[%swap3A_428] {strides = array<i32>} : memref<80xi32, #tpu.memory_space<vmem>>, vector<16xi32>,
    %swap3A_430 = vector.shape_cast %swap3A_429 : vector<16xi32> to vector<16xi32>
    %swap3A_431 = vector.shape_cast %get3A_427 : vector<16xi32> to vector<16xi32>
    tpu.vector_store %arg10[%swap3A_428], %swap3A_431 {strides = array<i32>} : memref<80xi32, #tpu.memory_space<vmem>>, vector<16xi32>,
    %get3A_432 = arith.constant 32 : index
    %get3A_433 = tpu.vector_load %arg8[%get3A_432] {strides = array<i32>} : memref<80xi32, #tpu.memory_space<vmem>>, vector<16xi32>,
    %get3A_434 = vector.shape_cast %get3A_433 : vector<16xi32> to vector<16xi32>
    %swap3A_435 = arith.constant 32 : index
    %swap3A_436 = tpu.vector_load %arg10[%swap3A_435] {strides = array<i32>} : memref<80xi32, #tpu.memory_space<vmem>>, vector<16xi32>,
    %swap3A_437 = vector.shape_cast %swap3A_436 : vector<16xi32> to vector<16xi32>
    %swap3A_438 = vector.shape_cast %get3A_434 : vector<16xi32> to vector<16xi32>
    tpu.vector_store %arg10[%swap3A_435], %swap3A_438 {strides = array<i32>} : memref<80xi32, #tpu.memory_space<vmem>>, vector<16xi32>,
    %get3A_439 = arith.constant 48 : index
    %get3A_440 = tpu.vector_load %arg8[%get3A_439] {strides = array<i32>} : memref<80xi32, #tpu.memory_space<vmem>>, vector<16xi32>,
    %get3A_441 = vector.shape_cast %get3A_440 : vector<16xi32> to vector<16xi32>
    %swap3A_442 = arith.constant 48 : index
    %swap3A_443 = tpu.vector_load %arg10[%swap3A_442] {strides = array<i32>} : memref<80xi32, #tpu.memory_space<vmem>>, vector<16xi32>,
    %swap3A_444 = vector.shape_cast %swap3A_443 : vector<16xi32> to vector<16xi32>
    %swap3A_445 = vector.shape_cast %get3A_441 : vector<16xi32> to vector<16xi32>
    tpu.vector_store %arg10[%swap3A_442], %swap3A_445 {strides = array<i32>} : memref<80xi32, #tpu.memory_space<vmem>>, vector<16xi32>,
    %get3A_446 = arith.constant 64 : index
    %get3A_447 = tpu.vector_load %arg8[%get3A_446] {strides = array<i32>} : memref<80xi32, #tpu.memory_space<vmem>>, vector<16xi32>,
    %get3A_448 = vector.shape_cast %get3A_447 : vector<16xi32> to vector<16xi32>
    %swap3A_449 = arith.constant 64 : index
    %swap3A_450 = tpu.vector_load %arg10[%swap3A_449] {strides = array<i32>} : memref<80xi32, #tpu.memory_space<vmem>>, vector<16xi32>,
    %swap3A_451 = vector.shape_cast %swap3A_450 : vector<16xi32> to vector<16xi32>
    %swap3A_452 = vector.shape_cast %get3A_448 : vector<16xi32> to vector<16xi32>
    tpu.vector_store %arg10[%swap3A_449], %swap3A_452 {strides = array<i32>} : memref<80xi32, #tpu.memory_space<vmem>>, vector<16xi32>,
    %dma_start3A_453 = arith.constant 0 : i32
    %dma_start3A_454 = arith.constant 0 : i32
    %dma_start3A_455 = tpu.memref_slice %arg15[%dma_start3A_453, %dma_start3A_454] : memref<10000x128xf32, #tpu.memory_space<vmem_shared>> -> memref<10000x128xf32, #tpu.memory_space<vmem_shared>>
    tpu.enqueue_indirect_dma source(%arg12 : memref<80x128xf32, #tpu.memory_space<vmem>>) target(%dma_start3A_455 : memref<10000x128xf32, #tpu.memory_space<vmem_shared>>) offsets(%arg10 : memref<80xi32, #tpu.memory_space<vmem>>) semaphore(%arg22 : memref<!tpu.dma_semaphore, #tpu.memory_space<semaphore_mem>>) {add = true}
    %rem3A_456 = arith.constant 2 : i32
    %rem3A_457 = arith.constant 250 : i32
    %rem3A_458 = arith.remsi %rem3A_456, %rem3A_457 : i32
    %mul3A_459 = arith.constant 80 : i32
    %mul3A_460 = arith.muli %mul3A_459, %rem3A_458 : i32
    %add3A_461 = arith.addi %mul3A_0, %mul3A_460 : i32
    %dma_start3A_462 = tpu.memref_slice %arg3[%add3A_461] : memref<320000xi32, #tpu.memory_space<hbm>> -> memref<80xi32, #tpu.memory_space<hbm>>
    %dma_start3A_463 = tpu.memref_slice %arg3[%add3A_461] : memref<320000xi32, #tpu.memory_space<hbm>> -> memref<80xi32, #tpu.memory_space<hbm>>
    tpu.enqueue_dma source(%dma_start3A_463 : memref<80xi32, #tpu.memory_space<hbm>>) target(%arg6 : memref<80xi32, #tpu.memory_space<vmem>>) target_semaphore(%arg16 : memref<!tpu.dma_semaphore, #tpu.memory_space<semaphore_mem>>)
    %dma_start3A_464 = tpu.memref_slice %arg4[%add3A_461] : memref<320000xi32, #tpu.memory_space<hbm>> -> memref<80xi32, #tpu.memory_space<hbm>>
    %dma_start3A_465 = tpu.memref_slice %arg4[%add3A_461] : memref<320000xi32, #tpu.memory_space<hbm>> -> memref<80xi32, #tpu.memory_space<hbm>>
    tpu.enqueue_dma source(%dma_start3A_465 : memref<80xi32, #tpu.memory_space<hbm>>) target(%arg8 : memref<80xi32, #tpu.memory_space<vmem>>) target_semaphore(%arg18 : memref<!tpu.dma_semaphore, #tpu.memory_space<semaphore_mem>>)
    %scan3A_466 = arith.constant 0 : i32
    %scan3A_467 = arith.constant 0 : i32
    %scan3A_468 = arith.constant 124 : i32
    %scan3A_469 = arith.addi %scan3A_467, %scan3A_468 : i32
    %scan3A_470 = arith.constant 1 : i32
    scf.for %scan3A_534 = %scan3A_467 to %scan3A_469 step %scan3A_470  : i32 {
      %mul3A_535 = arith.constant 2 : i32
      %mul3A_536 = arith.muli %mul3A_535, %scan3A_534 : i32
      %add3A_537 = arith.constant 2 : i32
      %add3A_538 = arith.addi %mul3A_536, %add3A_537 : i32
      %sub3A = arith.constant 1 : i32
      %sub3A_539 = arith.subi %add3A_538, %sub3A : i32
      %dma_wait3A_540 = arith.constant 0 : i32
      %dma_wait3A_541 = tpu.memref_slice %arg3[%dma_wait3A_540] : memref<320000xi32, #tpu.memory_space<hbm>> -> memref<80xi32, #tpu.memory_space<hbm>>
      %dma_wait3A_542 = arith.constant 0 : i32
      %dma_wait3A_543 = tpu.memref_slice %arg3[%dma_wait3A_542] : memref<320000xi32, #tpu.memory_space<hbm>> -> memref<80xi32, #tpu.memory_space<hbm>>
      tpu.wait_dma2 semaphore(%arg16 : memref<!tpu.dma_semaphore, #tpu.memory_space<semaphore_mem>>) src(%dma_wait3A_543 : memref<80xi32, #tpu.memory_space<hbm>>) dst(%arg6 : memref<80xi32, #tpu.memory_space<vmem>>)
      %dma_wait3A_544 = arith.constant 0 : i32
      %dma_wait3A_545 = tpu.memref_slice %arg4[%dma_wait3A_544] : memref<320000xi32, #tpu.memory_space<hbm>> -> memref<80xi32, #tpu.memory_space<hbm>>
      %dma_wait3A_546 = arith.constant 0 : i32
      %dma_wait3A_547 = tpu.memref_slice %arg4[%dma_wait3A_546] : memref<320000xi32, #tpu.memory_space<hbm>> -> memref<80xi32, #tpu.memory_space<hbm>>
      tpu.wait_dma2 semaphore(%arg18 : memref<!tpu.dma_semaphore, #tpu.memory_space<semaphore_mem>>) src(%dma_wait3A_547 : memref<80xi32, #tpu.memory_space<hbm>>) dst(%arg8 : memref<80xi32, #tpu.memory_space<vmem>>)
      %get3A_548 = arith.constant 0 : index
      %get3A_549 = tpu.vector_load %arg6[%get3A_548] {strides = array<i32>} : memref<80xi32, #tpu.memory_space<vmem>>, vector<16xi32>,
      %get3A_550 = vector.shape_cast %get3A_549 : vector<16xi32> to vector<16xi32>
      %add3A_551 = vector.broadcast %mul3A_270 : i32 to vector<16xi32>
      %add3A_552 = arith.addi %get3A_550, %add3A_551 : vector<16xi32>
      %swap3A_553 = arith.constant 0 : index
      %swap3A_554 = tpu.vector_load %arg6[%swap3A_553] {strides = array<i32>} : memref<80xi32, #tpu.memory_space<vmem>>, vector<16xi32>,
      %swap3A_555 = vector.shape_cast %swap3A_554 : vector<16xi32> to vector<16xi32>
      %swap3A_556 = vector.shape_cast %add3A_552 : vector<16xi32> to vector<16xi32>
      tpu.vector_store %arg6[%swap3A_553], %swap3A_556 {strides = array<i32>} : memref<80xi32, #tpu.memory_space<vmem>>, vector<16xi32>,
      %get3A_557 = arith.constant 16 : index
      %get3A_558 = tpu.vector_load %arg6[%get3A_557] {strides = array<i32>} : memref<80xi32, #tpu.memory_space<vmem>>, vector<16xi32>,
      %get3A_559 = vector.shape_cast %get3A_558 : vector<16xi32> to vector<16xi32>
      %add3A_560 = vector.broadcast %mul3A_270 : i32 to vector<16xi32>
      %add3A_561 = arith.addi %get3A_559, %add3A_560 : vector<16xi32>
      %swap3A_562 = arith.constant 16 : index
      %swap3A_563 = tpu.vector_load %arg6[%swap3A_562] {strides = array<i32>} : memref<80xi32, #tpu.memory_space<vmem>>, vector<16xi32>,
      %swap3A_564 = vector.shape_cast %swap3A_563 : vector<16xi32> to vector<16xi32>
      %swap3A_565 = vector.shape_cast %add3A_561 : vector<16xi32> to vector<16xi32>
      tpu.vector_store %arg6[%swap3A_562], %swap3A_565 {strides = array<i32>} : memref<80xi32, #tpu.memory_space<vmem>>, vector<16xi32>,
      %get3A_566 = arith.constant 32 : index
      %get3A_567 = tpu.vector_load %arg6[%get3A_566] {strides = array<i32>} : memref<80xi32, #tpu.memory_space<vmem>>, vector<16xi32>,
      %get3A_568 = vector.shape_cast %get3A_567 : vector<16xi32> to vector<16xi32>
      %add3A_569 = vector.broadcast %mul3A_270 : i32 to vector<16xi32>
      %add3A_570 = arith.addi %get3A_568, %add3A_569 : vector<16xi32>
      %swap3A_571 = arith.constant 32 : index
      %swap3A_572 = tpu.vector_load %arg6[%swap3A_571] {strides = array<i32>} : memref<80xi32, #tpu.memory_space<vmem>>, vector<16xi32>,
      %swap3A_573 = vector.shape_cast %swap3A_572 : vector<16xi32> to vector<16xi32>
      %swap3A_574 = vector.shape_cast %add3A_570 : vector<16xi32> to vector<16xi32>
      tpu.vector_store %arg6[%swap3A_571], %swap3A_574 {strides = array<i32>} : memref<80xi32, #tpu.memory_space<vmem>>, vector<16xi32>,
      %get3A_575 = arith.constant 48 : index
      %get3A_576 = tpu.vector_load %arg6[%get3A_575] {strides = array<i32>} : memref<80xi32, #tpu.memory_space<vmem>>, vector<16xi32>,
      %get3A_577 = vector.shape_cast %get3A_576 : vector<16xi32> to vector<16xi32>
      %add3A_578 = vector.broadcast %mul3A_270 : i32 to vector<16xi32>
      %add3A_579 = arith.addi %get3A_577, %add3A_578 : vector<16xi32>
      %swap3A_580 = arith.constant 48 : index
      %swap3A_581 = tpu.vector_load %arg6[%swap3A_580] {strides = array<i32>} : memref<80xi32, #tpu.memory_space<vmem>>, vector<16xi32>,
      %swap3A_582 = vector.shape_cast %swap3A_581 : vector<16xi32> to vector<16xi32>
      %swap3A_583 = vector.shape_cast %add3A_579 : vector<16xi32> to vector<16xi32>
      tpu.vector_store %arg6[%swap3A_580], %swap3A_583 {strides = array<i32>} : memref<80xi32, #tpu.memory_space<vmem>>, vector<16xi32>,
      %get3A_584 = arith.constant 64 : index
      %get3A_585 = tpu.vector_load %arg6[%get3A_584] {strides = array<i32>} : memref<80xi32, #tpu.memory_space<vmem>>, vector<16xi32>,
      %get3A_586 = vector.shape_cast %get3A_585 : vector<16xi32> to vector<16xi32>
      %add3A_587 = vector.broadcast %mul3A_270 : i32 to vector<16xi32>
      %add3A_588 = arith.addi %get3A_586, %add3A_587 : vector<16xi32>
      %swap3A_589 = arith.constant 64 : index
      %swap3A_590 = tpu.vector_load %arg6[%swap3A_589] {strides = array<i32>} : memref<80xi32, #tpu.memory_space<vmem>>, vector<16xi32>,
      %swap3A_591 = vector.shape_cast %swap3A_590 : vector<16xi32> to vector<16xi32>
      %swap3A_592 = vector.shape_cast %add3A_588 : vector<16xi32> to vector<16xi32>
      tpu.vector_store %arg6[%swap3A_589], %swap3A_592 {strides = array<i32>} : memref<80xi32, #tpu.memory_space<vmem>>, vector<16xi32>,
      %dma_wait3A_593 = arith.constant 0 : i32
      %dma_wait3A_594 = arith.constant 0 : i32
      %dma_wait3A_595 = tpu.memref_slice %arg2[%dma_wait3A_593, %dma_wait3A_594] : memref<40000x128xf32, #tpu.memory_space<hbm>> -> memref<40000x128xf32, #tpu.memory_space<hbm>>
      tpu.wait_indirect_dma semaphore(%arg21 : memref<!tpu.dma_semaphore, #tpu.memory_space<semaphore_mem>>) src(%dma_wait3A_595 : memref<40000x128xf32, #tpu.memory_space<hbm>>) dst(%arg13 : memref<80x128xf32, #tpu.memory_space<vmem>>)
      %dma_wait3A_596 = arith.constant 0 : i32
      %dma_wait3A_597 = arith.constant 0 : i32
      %dma_wait3A_598 = tpu.memref_slice %arg15[%dma_wait3A_596, %dma_wait3A_597] : memref<10000x128xf32, #tpu.memory_space<vmem_shared>> -> memref<10000x128xf32, #tpu.memory_space<vmem_shared>>
      tpu.wait_indirect_dma semaphore(%arg22 : memref<!tpu.dma_semaphore, #tpu.memory_space<semaphore_mem>>) src(%arg12 : memref<80x128xf32, #tpu.memory_space<vmem>>) dst(%dma_wait3A_598 : memref<10000x128xf32, #tpu.memory_space<vmem_shared>>)
      %dma_start3A_599 = arith.constant 0 : i32
      %dma_start3A_600 = arith.constant 0 : i32
      %dma_start3A_601 = tpu.memref_slice %arg2[%dma_start3A_599, %dma_start3A_600] : memref<40000x128xf32, #tpu.memory_space<hbm>> -> memref<40000x128xf32, #tpu.memory_space<hbm>>
      tpu.enqueue_indirect_dma source(%dma_start3A_601 : memref<40000x128xf32, #tpu.memory_space<hbm>>) target(%arg12 : memref<80x128xf32, #tpu.memory_space<vmem>>) offsets(%arg6 : memref<80xi32, #tpu.memory_space<vmem>>) semaphore(%arg20 : memref<!tpu.dma_semaphore, #tpu.memory_space<semaphore_mem>>)
      %get3A_602 = arith.constant 0 : index
      %get3A_603 = tpu.vector_load %arg9[%get3A_602] {strides = array<i32>} : memref<80xi32, #tpu.memory_space<vmem>>, vector<16xi32>,
      %get3A_604 = vector.shape_cast %get3A_603 : vector<16xi32> to vector<16xi32>
      %swap3A_605 = arith.constant 0 : index
      %swap3A_606 = tpu.vector_load %arg11[%swap3A_605] {strides = array<i32>} : memref<80xi32, #tpu.memory_space<vmem>>, vector<16xi32>,
      %swap3A_607 = vector.shape_cast %swap3A_606 : vector<16xi32> to vector<16xi32>
      %swap3A_608 = vector.shape_cast %get3A_604 : vector<16xi32> to vector<16xi32>
      tpu.vector_store %arg11[%swap3A_605], %swap3A_608 {strides = array<i32>} : memref<80xi32, #tpu.memory_space<vmem>>, vector<16xi32>,
      %get3A_609 = arith.constant 16 : index
      %get3A_610 = tpu.vector_load %arg9[%get3A_609] {strides = array<i32>} : memref<80xi32, #tpu.memory_space<vmem>>, vector<16xi32>,
      %get3A_611 = vector.shape_cast %get3A_610 : vector<16xi32> to vector<16xi32>
      %swap3A_612 = arith.constant 16 : index
      %swap3A_613 = tpu.vector_load %arg11[%swap3A_612] {strides = array<i32>} : memref<80xi32, #tpu.memory_space<vmem>>, vector<16xi32>,
      %swap3A_614 = vector.shape_cast %swap3A_613 : vector<16xi32> to vector<16xi32>
      %swap3A_615 = vector.shape_cast %get3A_611 : vector<16xi32> to vector<16xi32>
      tpu.vector_store %arg11[%swap3A_612], %swap3A_615 {strides = array<i32>} : memref<80xi32, #tpu.memory_space<vmem>>, vector<16xi32>,
      %get3A_616 = arith.constant 32 : index
      %get3A_617 = tpu.vector_load %arg9[%get3A_616] {strides = array<i32>} : memref<80xi32, #tpu.memory_space<vmem>>, vector<16xi32>,
      %get3A_618 = vector.shape_cast %get3A_617 : vector<16xi32> to vector<16xi32>
      %swap3A_619 = arith.constant 32 : index
      %swap3A_620 = tpu.vector_load %arg11[%swap3A_619] {strides = array<i32>} : memref<80xi32, #tpu.memory_space<vmem>>, vector<16xi32>,
      %swap3A_621 = vector.shape_cast %swap3A_620 : vector<16xi32> to vector<16xi32>
      %swap3A_622 = vector.shape_cast %get3A_618 : vector<16xi32> to vector<16xi32>
      tpu.vector_store %arg11[%swap3A_619], %swap3A_622 {strides = array<i32>} : memref<80xi32, #tpu.memory_space<vmem>>, vector<16xi32>,
      %get3A_623 = arith.constant 48 : index
      %get3A_624 = tpu.vector_load %arg9[%get3A_623] {strides = array<i32>} : memref<80xi32, #tpu.memory_space<vmem>>, vector<16xi32>,
      %get3A_625 = vector.shape_cast %get3A_624 : vector<16xi32> to vector<16xi32>
      %swap3A_626 = arith.constant 48 : index
      %swap3A_627 = tpu.vector_load %arg11[%swap3A_626] {strides = array<i32>} : memref<80xi32, #tpu.memory_space<vmem>>, vector<16xi32>,
      %swap3A_628 = vector.shape_cast %swap3A_627 : vector<16xi32> to vector<16xi32>
      %swap3A_629 = vector.shape_cast %get3A_625 : vector<16xi32> to vector<16xi32>
      tpu.vector_store %arg11[%swap3A_626], %swap3A_629 {strides = array<i32>} : memref<80xi32, #tpu.memory_space<vmem>>, vector<16xi32>,
      %get3A_630 = arith.constant 64 : index
      %get3A_631 = tpu.vector_load %arg9[%get3A_630] {strides = array<i32>} : memref<80xi32, #tpu.memory_space<vmem>>, vector<16xi32>,
      %get3A_632 = vector.shape_cast %get3A_631 : vector<16xi32> to vector<16xi32>
      %swap3A_633 = arith.constant 64 : index
      %swap3A_634 = tpu.vector_load %arg11[%swap3A_633] {strides = array<i32>} : memref<80xi32, #tpu.memory_space<vmem>>, vector<16xi32>,
      %swap3A_635 = vector.shape_cast %swap3A_634 : vector<16xi32> to vector<16xi32>
      %swap3A_636 = vector.shape_cast %get3A_632 : vector<16xi32> to vector<16xi32>
      tpu.vector_store %arg11[%swap3A_633], %swap3A_636 {strides = array<i32>} : memref<80xi32, #tpu.memory_space<vmem>>, vector<16xi32>,
      %dma_start3A_637 = arith.constant 0 : i32
      %dma_start3A_638 = arith.constant 0 : i32
      %dma_start3A_639 = tpu.memref_slice %arg15[%dma_start3A_637, %dma_start3A_638] : memref<10000x128xf32, #tpu.memory_space<vmem_shared>> -> memref<10000x128xf32, #tpu.memory_space<vmem_shared>>
      tpu.enqueue_indirect_dma source(%arg13 : memref<80x128xf32, #tpu.memory_space<vmem>>) target(%dma_start3A_639 : memref<10000x128xf32, #tpu.memory_space<vmem_shared>>) offsets(%arg11 : memref<80xi32, #tpu.memory_space<vmem>>) semaphore(%arg23 : memref<!tpu.dma_semaphore, #tpu.memory_space<semaphore_mem>>) {add = true}
      %add3A_640 = arith.constant 2 : i32
      %add3A_641 = arith.addi %sub3A_539, %add3A_640 : i32
      %rem3A_642 = arith.constant 250 : i32
      %rem3A_643 = arith.remsi %add3A_641, %rem3A_642 : i32
      %mul3A_644 = arith.constant 80 : i32
      %mul3A_645 = arith.muli %mul3A_644, %rem3A_643 : i32
      %add3A_646 = arith.addi %mul3A_0, %mul3A_645 : i32
      %dma_start3A_647 = tpu.memref_slice %arg3[%add3A_646] : memref<320000xi32, #tpu.memory_space<hbm>> -> memref<80xi32, #tpu.memory_space<hbm>>
      %dma_start3A_648 = tpu.memref_slice %arg3[%add3A_646] : memref<320000xi32, #tpu.memory_space<hbm>> -> memref<80xi32, #tpu.memory_space<hbm>>
      tpu.enqueue_dma source(%dma_start3A_648 : memref<80xi32, #tpu.memory_space<hbm>>) target(%arg7 : memref<80xi32, #tpu.memory_space<vmem>>) target_semaphore(%arg17 : memref<!tpu.dma_semaphore, #tpu.memory_space<semaphore_mem>>)
      %dma_start3A_649 = tpu.memref_slice %arg4[%add3A_646] : memref<320000xi32, #tpu.memory_space<hbm>> -> memref<80xi32, #tpu.memory_space<hbm>>
      %dma_start3A_650 = tpu.memref_slice %arg4[%add3A_646] : memref<320000xi32, #tpu.memory_space<hbm>> -> memref<80xi32, #tpu.memory_space<hbm>>
      tpu.enqueue_dma source(%dma_start3A_650 : memref<80xi32, #tpu.memory_space<hbm>>) target(%arg9 : memref<80xi32, #tpu.memory_space<vmem>>) target_semaphore(%arg19 : memref<!tpu.dma_semaphore, #tpu.memory_space<semaphore_mem>>)
      %mul3A_651 = arith.constant 2 : i32
      %mul3A_652 = arith.muli %mul3A_651, %scan3A_534 : i32
      %add3A_653 = arith.constant 2 : i32
      %add3A_654 = arith.addi %mul3A_652, %add3A_653 : i32
      %sub3A_655 = arith.constant 0 : i32
      %sub3A_656 = arith.subi %add3A_654, %sub3A_655 : i32
      %dma_wait3A_657 = arith.constant 0 : i32
      %dma_wait3A_658 = tpu.memref_slice %arg3[%dma_wait3A_657] : memref<320000xi32, #tpu.memory_space<hbm>> -> memref<80xi32, #tpu.memory_space<hbm>>
      %dma_wait3A_659 = arith.constant 0 : i32
      %dma_wait3A_660 = tpu.memref_slice %arg3[%dma_wait3A_659] : memref<320000xi32, #tpu.memory_space<hbm>> -> memref<80xi32, #tpu.memory_space<hbm>>
      tpu.wait_dma2 semaphore(%arg17 : memref<!tpu.dma_semaphore, #tpu.memory_space<semaphore_mem>>) src(%dma_wait3A_660 : memref<80xi32, #tpu.memory_space<hbm>>) dst(%arg7 : memref<80xi32, #tpu.memory_space<vmem>>)
      %dma_wait3A_661 = arith.constant 0 : i32
      %dma_wait3A_662 = tpu.memref_slice %arg4[%dma_wait3A_661] : memref<320000xi32, #tpu.memory_space<hbm>> -> memref<80xi32, #tpu.memory_space<hbm>>
      %dma_wait3A_663 = arith.constant 0 : i32
      %dma_wait3A_664 = tpu.memref_slice %arg4[%dma_wait3A_663] : memref<320000xi32, #tpu.memory_space<hbm>> -> memref<80xi32, #tpu.memory_space<hbm>>
      tpu.wait_dma2 semaphore(%arg19 : memref<!tpu.dma_semaphore, #tpu.memory_space<semaphore_mem>>) src(%dma_wait3A_664 : memref<80xi32, #tpu.memory_space<hbm>>) dst(%arg9 : memref<80xi32, #tpu.memory_space<vmem>>)
      %get3A_665 = arith.constant 0 : index
      %get3A_666 = tpu.vector_load %arg7[%get3A_665] {strides = array<i32>} : memref<80xi32, #tpu.memory_space<vmem>>, vector<16xi32>,
      %get3A_667 = vector.shape_cast %get3A_666 : vector<16xi32> to vector<16xi32>
      %add3A_668 = vector.broadcast %mul3A_270 : i32 to vector<16xi32>
      %add3A_669 = arith.addi %get3A_667, %add3A_668 : vector<16xi32>
      %swap3A_670 = arith.constant 0 : index
      %swap3A_671 = tpu.vector_load %arg7[%swap3A_670] {strides = array<i32>} : memref<80xi32, #tpu.memory_space<vmem>>, vector<16xi32>,
      %swap3A_672 = vector.shape_cast %swap3A_671 : vector<16xi32> to vector<16xi32>
      %swap3A_673 = vector.shape_cast %add3A_669 : vector<16xi32> to vector<16xi32>
      tpu.vector_store %arg7[%swap3A_670], %swap3A_673 {strides = array<i32>} : memref<80xi32, #tpu.memory_space<vmem>>, vector<16xi32>,
      %get3A_674 = arith.constant 16 : index
      %get3A_675 = tpu.vector_load %arg7[%get3A_674] {strides = array<i32>} : memref<80xi32, #tpu.memory_space<vmem>>, vector<16xi32>,
      %get3A_676 = vector.shape_cast %get3A_675 : vector<16xi32> to vector<16xi32>
      %add3A_677 = vector.broadcast %mul3A_270 : i32 to vector<16xi32>
      %add3A_678 = arith.addi %get3A_676, %add3A_677 : vector<16xi32>
      %swap3A_679 = arith.constant 16 : index
      %swap3A_680 = tpu.vector_load %arg7[%swap3A_679] {strides = array<i32>} : memref<80xi32, #tpu.memory_space<vmem>>, vector<16xi32>,
      %swap3A_681 = vector.shape_cast %swap3A_680 : vector<16xi32> to vector<16xi32>
      %swap3A_682 = vector.shape_cast %add3A_678 : vector<16xi32> to vector<16xi32>
      tpu.vector_store %arg7[%swap3A_679], %swap3A_682 {strides = array<i32>} : memref<80xi32, #tpu.memory_space<vmem>>, vector<16xi32>,
      %get3A_683 = arith.constant 32 : index
      %get3A_684 = tpu.vector_load %arg7[%get3A_683] {strides = array<i32>} : memref<80xi32, #tpu.memory_space<vmem>>, vector<16xi32>,
      %get3A_685 = vector.shape_cast %get3A_684 : vector<16xi32> to vector<16xi32>
      %add3A_686 = vector.broadcast %mul3A_270 : i32 to vector<16xi32>
      %add3A_687 = arith.addi %get3A_685, %add3A_686 : vector<16xi32>
      %swap3A_688 = arith.constant 32 : index
      %swap3A_689 = tpu.vector_load %arg7[%swap3A_688] {strides = array<i32>} : memref<80xi32, #tpu.memory_space<vmem>>, vector<16xi32>,
      %swap3A_690 = vector.shape_cast %swap3A_689 : vector<16xi32> to vector<16xi32>
      %swap3A_691 = vector.shape_cast %add3A_687 : vector<16xi32> to vector<16xi32>
      tpu.vector_store %arg7[%swap3A_688], %swap3A_691 {strides = array<i32>} : memref<80xi32, #tpu.memory_space<vmem>>, vector<16xi32>,
      %get3A_692 = arith.constant 48 : index
      %get3A_693 = tpu.vector_load %arg7[%get3A_692] {strides = array<i32>} : memref<80xi32, #tpu.memory_space<vmem>>, vector<16xi32>,
      %get3A_694 = vector.shape_cast %get3A_693 : vector<16xi32> to vector<16xi32>
      %add3A_695 = vector.broadcast %mul3A_270 : i32 to vector<16xi32>
      %add3A_696 = arith.addi %get3A_694, %add3A_695 : vector<16xi32>
      %swap3A_697 = arith.constant 48 : index
      %swap3A_698 = tpu.vector_load %arg7[%swap3A_697] {strides = array<i32>} : memref<80xi32, #tpu.memory_space<vmem>>, vector<16xi32>,
      %swap3A_699 = vector.shape_cast %swap3A_698 : vector<16xi32> to vector<16xi32>
      %swap3A_700 = vector.shape_cast %add3A_696 : vector<16xi32> to vector<16xi32>
      tpu.vector_store %arg7[%swap3A_697], %swap3A_700 {strides = array<i32>} : memref<80xi32, #tpu.memory_space<vmem>>, vector<16xi32>,
      %get3A_701 = arith.constant 64 : index
      %get3A_702 = tpu.vector_load %arg7[%get3A_701] {strides = array<i32>} : memref<80xi32, #tpu.memory_space<vmem>>, vector<16xi32>,
      %get3A_703 = vector.shape_cast %get3A_702 : vector<16xi32> to vector<16xi32>
      %add3A_704 = vector.broadcast %mul3A_270 : i32 to vector<16xi32>
      %add3A_705 = arith.addi %get3A_703, %add3A_704 : vector<16xi32>
      %swap3A_706 = arith.constant 64 : index
      %swap3A_707 = tpu.vector_load %arg7[%swap3A_706] {strides = array<i32>} : memref<80xi32, #tpu.memory_space<vmem>>, vector<16xi32>,
      %swap3A_708 = vector.shape_cast %swap3A_707 : vector<16xi32> to vector<16xi32>
      %swap3A_709 = vector.shape_cast %add3A_705 : vector<16xi32> to vector<16xi32>
      tpu.vector_store %arg7[%swap3A_706], %swap3A_709 {strides = array<i32>} : memref<80xi32, #tpu.memory_space<vmem>>, vector<16xi32>,
      %dma_wait3A_710 = arith.constant 0 : i32
      %dma_wait3A_711 = arith.constant 0 : i32
      %dma_wait3A_712 = tpu.memref_slice %arg2[%dma_wait3A_710, %dma_wait3A_711] : memref<40000x128xf32, #tpu.memory_space<hbm>> -> memref<40000x128xf32, #tpu.memory_space<hbm>>
      tpu.wait_indirect_dma semaphore(%arg20 : memref<!tpu.dma_semaphore, #tpu.memory_space<semaphore_mem>>) src(%dma_wait3A_712 : memref<40000x128xf32, #tpu.memory_space<hbm>>) dst(%arg12 : memref<80x128xf32, #tpu.memory_space<vmem>>)
      %dma_wait3A_713 = arith.constant 0 : i32
      %dma_wait3A_714 = arith.constant 0 : i32
      %dma_wait3A_715 = tpu.memref_slice %arg15[%dma_wait3A_713, %dma_wait3A_714] : memref<10000x128xf32, #tpu.memory_space<vmem_shared>> -> memref<10000x128xf32, #tpu.memory_space<vmem_shared>>
      tpu.wait_indirect_dma semaphore(%arg23 : memref<!tpu.dma_semaphore, #tpu.memory_space<semaphore_mem>>) src(%arg13 : memref<80x128xf32, #tpu.memory_space<vmem>>) dst(%dma_wait3A_715 : memref<10000x128xf32, #tpu.memory_space<vmem_shared>>)
      %dma_start3A_716 = arith.constant 0 : i32
      %dma_start3A_717 = arith.constant 0 : i32
      %dma_start3A_718 = tpu.memref_slice %arg2[%dma_start3A_716, %dma_start3A_717] : memref<40000x128xf32, #tpu.memory_space<hbm>> -> memref<40000x128xf32, #tpu.memory_space<hbm>>
      tpu.enqueue_indirect_dma source(%dma_start3A_718 : memref<40000x128xf32, #tpu.memory_space<hbm>>) target(%arg13 : memref<80x128xf32, #tpu.memory_space<vmem>>) offsets(%arg7 : memref<80xi32, #tpu.memory_space<vmem>>) semaphore(%arg21 : memref<!tpu.dma_semaphore, #tpu.memory_space<semaphore_mem>>)
      %get3A_719 = arith.constant 0 : index
      %get3A_720 = tpu.vector_load %arg8[%get3A_719] {strides = array<i32>} : memref<80xi32, #tpu.memory_space<vmem>>, vector<16xi32>,
      %get3A_721 = vector.shape_cast %get3A_720 : vector<16xi32> to vector<16xi32>
      %swap3A_722 = arith.constant 0 : index
      %swap3A_723 = tpu.vector_load %arg10[%swap3A_722] {strides = array<i32>} : memref<80xi32, #tpu.memory_space<vmem>>, vector<16xi32>,
      %swap3A_724 = vector.shape_cast %swap3A_723 : vector<16xi32> to vector<16xi32>
      %swap3A_725 = vector.shape_cast %get3A_721 : vector<16xi32> to vector<16xi32>
      tpu.vector_store %arg10[%swap3A_722], %swap3A_725 {strides = array<i32>} : memref<80xi32, #tpu.memory_space<vmem>>, vector<16xi32>,
      %get3A_726 = arith.constant 16 : index
      %get3A_727 = tpu.vector_load %arg8[%get3A_726] {strides = array<i32>} : memref<80xi32, #tpu.memory_space<vmem>>, vector<16xi32>,
      %get3A_728 = vector.shape_cast %get3A_727 : vector<16xi32> to vector<16xi32>
      %swap3A_729 = arith.constant 16 : index
      %swap3A_730 = tpu.vector_load %arg10[%swap3A_729] {strides = array<i32>} : memref<80xi32, #tpu.memory_space<vmem>>, vector<16xi32>,
      %swap3A_731 = vector.shape_cast %swap3A_730 : vector<16xi32> to vector<16xi32>
      %swap3A_732 = vector.shape_cast %get3A_728 : vector<16xi32> to vector<16xi32>
      tpu.vector_store %arg10[%swap3A_729], %swap3A_732 {strides = array<i32>} : memref<80xi32, #tpu.memory_space<vmem>>, vector<16xi32>,
      %get3A_733 = arith.constant 32 : index
      %get3A_734 = tpu.vector_load %arg8[%get3A_733] {strides = array<i32>} : memref<80xi32, #tpu.memory_space<vmem>>, vector<16xi32>,
      %get3A_735 = vector.shape_cast %get3A_734 : vector<16xi32> to vector<16xi32>
      %swap3A_736 = arith.constant 32 : index
      %swap3A_737 = tpu.vector_load %arg10[%swap3A_736] {strides = array<i32>} : memref<80xi32, #tpu.memory_space<vmem>>, vector<16xi32>,
      %swap3A_738 = vector.shape_cast %swap3A_737 : vector<16xi32> to vector<16xi32>
      %swap3A_739 = vector.shape_cast %get3A_735 : vector<16xi32> to vector<16xi32>
      tpu.vector_store %arg10[%swap3A_736], %swap3A_739 {strides = array<i32>} : memref<80xi32, #tpu.memory_space<vmem>>, vector<16xi32>,
      %get3A_740 = arith.constant 48 : index
      %get3A_741 = tpu.vector_load %arg8[%get3A_740] {strides = array<i32>} : memref<80xi32, #tpu.memory_space<vmem>>, vector<16xi32>,
      %get3A_742 = vector.shape_cast %get3A_741 : vector<16xi32> to vector<16xi32>
      %swap3A_743 = arith.constant 48 : index
      %swap3A_744 = tpu.vector_load %arg10[%swap3A_743] {strides = array<i32>} : memref<80xi32, #tpu.memory_space<vmem>>, vector<16xi32>,
      %swap3A_745 = vector.shape_cast %swap3A_744 : vector<16xi32> to vector<16xi32>
      %swap3A_746 = vector.shape_cast %get3A_742 : vector<16xi32> to vector<16xi32>
      tpu.vector_store %arg10[%swap3A_743], %swap3A_746 {strides = array<i32>} : memref<80xi32, #tpu.memory_space<vmem>>, vector<16xi32>,
      %get3A_747 = arith.constant 64 : index
      %get3A_748 = tpu.vector_load %arg8[%get3A_747] {strides = array<i32>} : memref<80xi32, #tpu.memory_space<vmem>>, vector<16xi32>,
      %get3A_749 = vector.shape_cast %get3A_748 : vector<16xi32> to vector<16xi32>
      %swap3A_750 = arith.constant 64 : index
      %swap3A_751 = tpu.vector_load %arg10[%swap3A_750] {strides = array<i32>} : memref<80xi32, #tpu.memory_space<vmem>>, vector<16xi32>,
      %swap3A_752 = vector.shape_cast %swap3A_751 : vector<16xi32> to vector<16xi32>
      %swap3A_753 = vector.shape_cast %get3A_749 : vector<16xi32> to vector<16xi32>
      tpu.vector_store %arg10[%swap3A_750], %swap3A_753 {strides = array<i32>} : memref<80xi32, #tpu.memory_space<vmem>>, vector<16xi32>,
      %dma_start3A_754 = arith.constant 0 : i32
      %dma_start3A_755 = arith.constant 0 : i32
      %dma_start3A_756 = tpu.memref_slice %arg15[%dma_start3A_754, %dma_start3A_755] : memref<10000x128xf32, #tpu.memory_space<vmem_shared>> -> memref<10000x128xf32, #tpu.memory_space<vmem_shared>>
      tpu.enqueue_indirect_dma source(%arg12 : memref<80x128xf32, #tpu.memory_space<vmem>>) target(%dma_start3A_756 : memref<10000x128xf32, #tpu.memory_space<vmem_shared>>) offsets(%arg10 : memref<80xi32, #tpu.memory_space<vmem>>) semaphore(%arg22 : memref<!tpu.dma_semaphore, #tpu.memory_space<semaphore_mem>>) {add = true}
      %add3A_757 = arith.constant 2 : i32
      %add3A_758 = arith.addi %sub3A_656, %add3A_757 : i32
      %rem3A_759 = arith.constant 250 : i32
      %rem3A_760 = arith.remsi %add3A_758, %rem3A_759 : i32
      %mul3A_761 = arith.constant 80 : i32
      %mul3A_762 = arith.muli %mul3A_761, %rem3A_760 : i32
      %add3A_763 = arith.addi %mul3A_0, %mul3A_762 : i32
      %dma_start3A_764 = tpu.memref_slice %arg3[%add3A_763] : memref<320000xi32, #tpu.memory_space<hbm>> -> memref<80xi32, #tpu.memory_space<hbm>>
      %dma_start3A_765 = tpu.memref_slice %arg3[%add3A_763] : memref<320000xi32, #tpu.memory_space<hbm>> -> memref<80xi32, #tpu.memory_space<hbm>>
      tpu.enqueue_dma source(%dma_start3A_765 : memref<80xi32, #tpu.memory_space<hbm>>) target(%arg6 : memref<80xi32, #tpu.memory_space<vmem>>) target_semaphore(%arg16 : memref<!tpu.dma_semaphore, #tpu.memory_space<semaphore_mem>>)
      %dma_start3A_766 = tpu.memref_slice %arg4[%add3A_763] : memref<320000xi32, #tpu.memory_space<hbm>> -> memref<80xi32, #tpu.memory_space<hbm>>
      %dma_start3A_767 = tpu.memref_slice %arg4[%add3A_763] : memref<320000xi32, #tpu.memory_space<hbm>> -> memref<80xi32, #tpu.memory_space<hbm>>
      tpu.enqueue_dma source(%dma_start3A_767 : memref<80xi32, #tpu.memory_space<hbm>>) target(%arg8 : memref<80xi32, #tpu.memory_space<vmem>>) target_semaphore(%arg18 : memref<!tpu.dma_semaphore, #tpu.memory_space<semaphore_mem>>)
    }
    %scan3A_471 = arith.constant 124 : i32
    %dma_wait3A_472 = arith.constant 0 : i32
    %dma_wait3A_473 = tpu.memref_slice %arg3[%dma_wait3A_472] : memref<320000xi32, #tpu.memory_space<hbm>> -> memref<80xi32, #tpu.memory_space<hbm>>
    %dma_wait3A_474 = arith.constant 0 : i32
    %dma_wait3A_475 = tpu.memref_slice %arg3[%dma_wait3A_474] : memref<320000xi32, #tpu.memory_space<hbm>> -> memref<80xi32, #tpu.memory_space<hbm>>
    tpu.wait_dma2 semaphore(%arg16 : memref<!tpu.dma_semaphore, #tpu.memory_space<semaphore_mem>>) src(%dma_wait3A_475 : memref<80xi32, #tpu.memory_space<hbm>>) dst(%arg6 : memref<80xi32, #tpu.memory_space<vmem>>)
    %dma_wait3A_476 = arith.constant 0 : i32
    %dma_wait3A_477 = tpu.memref_slice %arg4[%dma_wait3A_476] : memref<320000xi32, #tpu.memory_space<hbm>> -> memref<80xi32, #tpu.memory_space<hbm>>
    %dma_wait3A_478 = arith.constant 0 : i32
    %dma_wait3A_479 = tpu.memref_slice %arg4[%dma_wait3A_478] : memref<320000xi32, #tpu.memory_space<hbm>> -> memref<80xi32, #tpu.memory_space<hbm>>
    tpu.wait_dma2 semaphore(%arg18 : memref<!tpu.dma_semaphore, #tpu.memory_space<semaphore_mem>>) src(%dma_wait3A_479 : memref<80xi32, #tpu.memory_space<hbm>>) dst(%arg8 : memref<80xi32, #tpu.memory_space<vmem>>)
    %dma_wait3A_480 = arith.constant 0 : i32
    %dma_wait3A_481 = arith.constant 0 : i32
    %dma_wait3A_482 = tpu.memref_slice %arg2[%dma_wait3A_480, %dma_wait3A_481] : memref<40000x128xf32, #tpu.memory_space<hbm>> -> memref<40000x128xf32, #tpu.memory_space<hbm>>
    tpu.wait_indirect_dma semaphore(%arg21 : memref<!tpu.dma_semaphore, #tpu.memory_space<semaphore_mem>>) src(%dma_wait3A_482 : memref<40000x128xf32, #tpu.memory_space<hbm>>) dst(%arg13 : memref<80x128xf32, #tpu.memory_space<vmem>>)
    %dma_wait3A_483 = arith.constant 0 : i32
    %dma_wait3A_484 = arith.constant 0 : i32
    %dma_wait3A_485 = tpu.memref_slice %arg15[%dma_wait3A_483, %dma_wait3A_484] : memref<10000x128xf32, #tpu.memory_space<vmem_shared>> -> memref<10000x128xf32, #tpu.memory_space<vmem_shared>>
    tpu.wait_indirect_dma semaphore(%arg22 : memref<!tpu.dma_semaphore, #tpu.memory_space<semaphore_mem>>) src(%arg12 : memref<80x128xf32, #tpu.memory_space<vmem>>) dst(%dma_wait3A_485 : memref<10000x128xf32, #tpu.memory_space<vmem_shared>>)
    %get3A_486 = arith.constant 0 : index
    %get3A_487 = tpu.vector_load %arg9[%get3A_486] {strides = array<i32>} : memref<80xi32, #tpu.memory_space<vmem>>, vector<16xi32>,
    %get3A_488 = vector.shape_cast %get3A_487 : vector<16xi32> to vector<16xi32>
    %swap3A_489 = arith.constant 0 : index
    %swap3A_490 = tpu.vector_load %arg11[%swap3A_489] {strides = array<i32>} : memref<80xi32, #tpu.memory_space<vmem>>, vector<16xi32>,
    %swap3A_491 = vector.shape_cast %swap3A_490 : vector<16xi32> to vector<16xi32>
    %swap3A_492 = vector.shape_cast %get3A_488 : vector<16xi32> to vector<16xi32>
    tpu.vector_store %arg11[%swap3A_489], %swap3A_492 {strides = array<i32>} : memref<80xi32, #tpu.memory_space<vmem>>, vector<16xi32>,
    %get3A_493 = arith.constant 16 : index
    %get3A_494 = tpu.vector_load %arg9[%get3A_493] {strides = array<i32>} : memref<80xi32, #tpu.memory_space<vmem>>, vector<16xi32>,
    %get3A_495 = vector.shape_cast %get3A_494 : vector<16xi32> to vector<16xi32>
    %swap3A_496 = arith.constant 16 : index
    %swap3A_497 = tpu.vector_load %arg11[%swap3A_496] {strides = array<i32>} : memref<80xi32, #tpu.memory_space<vmem>>, vector<16xi32>,
    %swap3A_498 = vector.shape_cast %swap3A_497 : vector<16xi32> to vector<16xi32>
    %swap3A_499 = vector.shape_cast %get3A_495 : vector<16xi32> to vector<16xi32>
    tpu.vector_store %arg11[%swap3A_496], %swap3A_499 {strides = array<i32>} : memref<80xi32, #tpu.memory_space<vmem>>, vector<16xi32>,
    %get3A_500 = arith.constant 32 : index
    %get3A_501 = tpu.vector_load %arg9[%get3A_500] {strides = array<i32>} : memref<80xi32, #tpu.memory_space<vmem>>, vector<16xi32>,
    %get3A_502 = vector.shape_cast %get3A_501 : vector<16xi32> to vector<16xi32>
    %swap3A_503 = arith.constant 32 : index
    %swap3A_504 = tpu.vector_load %arg11[%swap3A_503] {strides = array<i32>} : memref<80xi32, #tpu.memory_space<vmem>>, vector<16xi32>,
    %swap3A_505 = vector.shape_cast %swap3A_504 : vector<16xi32> to vector<16xi32>
    %swap3A_506 = vector.shape_cast %get3A_502 : vector<16xi32> to vector<16xi32>
    tpu.vector_store %arg11[%swap3A_503], %swap3A_506 {strides = array<i32>} : memref<80xi32, #tpu.memory_space<vmem>>, vector<16xi32>,
    %get3A_507 = arith.constant 48 : index
    %get3A_508 = tpu.vector_load %arg9[%get3A_507] {strides = array<i32>} : memref<80xi32, #tpu.memory_space<vmem>>, vector<16xi32>,
    %get3A_509 = vector.shape_cast %get3A_508 : vector<16xi32> to vector<16xi32>
    %swap3A_510 = arith.constant 48 : index
    %swap3A_511 = tpu.vector_load %arg11[%swap3A_510] {strides = array<i32>} : memref<80xi32, #tpu.memory_space<vmem>>, vector<16xi32>,
    %swap3A_512 = vector.shape_cast %swap3A_511 : vector<16xi32> to vector<16xi32>
    %swap3A_513 = vector.shape_cast %get3A_509 : vector<16xi32> to vector<16xi32>
    tpu.vector_store %arg11[%swap3A_510], %swap3A_513 {strides = array<i32>} : memref<80xi32, #tpu.memory_space<vmem>>, vector<16xi32>,
    %get3A_514 = arith.constant 64 : index
    %get3A_515 = tpu.vector_load %arg9[%get3A_514] {strides = array<i32>} : memref<80xi32, #tpu.memory_space<vmem>>, vector<16xi32>,
    %get3A_516 = vector.shape_cast %get3A_515 : vector<16xi32> to vector<16xi32>
    %swap3A_517 = arith.constant 64 : index
    %swap3A_518 = tpu.vector_load %arg11[%swap3A_517] {strides = array<i32>} : memref<80xi32, #tpu.memory_space<vmem>>, vector<16xi32>,
    %swap3A_519 = vector.shape_cast %swap3A_518 : vector<16xi32> to vector<16xi32>
    %swap3A_520 = vector.shape_cast %get3A_516 : vector<16xi32> to vector<16xi32>
    tpu.vector_store %arg11[%swap3A_517], %swap3A_520 {strides = array<i32>} : memref<80xi32, #tpu.memory_space<vmem>>, vector<16xi32>,
    %dma_start3A_521 = arith.constant 0 : i32
    %dma_start3A_522 = arith.constant 0 : i32
    %dma_start3A_523 = tpu.memref_slice %arg15[%dma_start3A_521, %dma_start3A_522] : memref<10000x128xf32, #tpu.memory_space<vmem_shared>> -> memref<10000x128xf32, #tpu.memory_space<vmem_shared>>
    tpu.enqueue_indirect_dma source(%arg13 : memref<80x128xf32, #tpu.memory_space<vmem>>) target(%dma_start3A_523 : memref<10000x128xf32, #tpu.memory_space<vmem_shared>>) offsets(%arg11 : memref<80xi32, #tpu.memory_space<vmem>>) semaphore(%arg23 : memref<!tpu.dma_semaphore, #tpu.memory_space<semaphore_mem>>) {add = true}
    %dma_wait3A_524 = arith.constant 0 : i32
    %dma_wait3A_525 = arith.constant 0 : i32
    %dma_wait3A_526 = tpu.memref_slice %arg15[%dma_wait3A_524, %dma_wait3A_525] : memref<10000x128xf32, #tpu.memory_space<vmem_shared>> -> memref<10000x128xf32, #tpu.memory_space<vmem_shared>>
    tpu.wait_indirect_dma semaphore(%arg23 : memref<!tpu.dma_semaphore, #tpu.memory_space<semaphore_mem>>) src(%arg13 : memref<80x128xf32, #tpu.memory_space<vmem>>) dst(%dma_wait3A_526 : memref<10000x128xf32, #tpu.memory_space<vmem_shared>>)
    %barrier3A_527 = arith.constant 0 : index
    tpu.barrier barrier_id(%barrier3A_527)
    %add3A_528 = arith.addi %mul3A_270, %mul3A_8 : i32
    "tpu.region"() ({
      %run_scoped3A = tpu.sem_alloc : memref<!tpu.dma_semaphore, #tpu.memory_space<semaphore_mem>>
      %dma_start3A_534 = arith.constant 0 : i32
      %dma_start3A_535 = tpu.memref_slice %arg5[%add3A_528, %dma_start3A_534] : memref<40000x128xf32, #tpu.memory_space<hbm>> -> memref<624x128xf32, #tpu.memory_space<hbm>>
      %dma_start3A_536 = arith.constant 0 : i32
      %dma_start3A_537 = tpu.memref_slice %arg15[%mul3A_8, %dma_start3A_536] : memref<10000x128xf32, #tpu.memory_space<vmem_shared>> -> memref<624x128xf32, #tpu.memory_space<vmem_shared>>
      tpu.enqueue_dma source(%dma_start3A_537 : memref<624x128xf32, #tpu.memory_space<vmem_shared>>) target(%dma_start3A_535 : memref<624x128xf32, #tpu.memory_space<hbm>>) target_semaphore(%run_scoped3A : memref<!tpu.dma_semaphore, #tpu.memory_space<semaphore_mem>>)
      %dma_wait3A_538 = arith.constant 0 : i32
      %dma_wait3A_539 = tpu.memref_slice %arg5[%add3A_528, %dma_wait3A_538] : memref<40000x128xf32, #tpu.memory_space<hbm>> -> memref<624x128xf32, #tpu.memory_space<hbm>>
      %dma_wait3A_540 = arith.constant 0 : i32
      %dma_wait3A_541 = tpu.memref_slice %arg15[%mul3A_8, %dma_wait3A_540] : memref<10000x128xf32, #tpu.memory_space<vmem_shared>> -> memref<624x128xf32, #tpu.memory_space<vmem_shared>>
      tpu.wait_dma2 semaphore(%run_scoped3A : memref<!tpu.dma_semaphore, #tpu.memory_space<semaphore_mem>>) src(%dma_wait3A_541 : memref<624x128xf32, #tpu.memory_space<vmem_shared>>) dst(%dma_wait3A_539 : memref<624x128xf32, #tpu.memory_space<hbm>>)
      tpu.yield
    }) : () -> ()
    %eq3A_529 = arith.constant 15 : i32
    %eq3A_530 = arith.cmpi eq, %arg1, %eq3A_529 : i32
    %convert_element_type3A_531 = arith.extui %eq3A_530 : i1 to i32
    %cond3A_532 = arith.constant 0 : i32
    %cond3A_533 = arith.cmpi ne, %convert_element_type3A_531, %cond3A_532 : i32
    scf.if %cond3A_533 {
      %add3A_534 = arith.constant 9984 : i32
      %add3A_535 = arith.addi %mul3A_270, %add3A_534 : i32
      "tpu.region"() ({
        %run_scoped3A = tpu.sem_alloc : memref<!tpu.dma_semaphore, #tpu.memory_space<semaphore_mem>>
        %dma_start3A_536 = arith.constant 0 : i32
        %dma_start3A_537 = tpu.memref_slice %arg5[%add3A_535, %dma_start3A_536] : memref<40000x128xf32, #tpu.memory_space<hbm>> -> memref<16x128xf32, #tpu.memory_space<hbm>>
        %dma_start3A_538 = arith.constant 9984 : i32
        %dma_start3A_539 = arith.constant 0 : i32
        %dma_start3A_540 = tpu.memref_slice %arg15[%dma_start3A_538, %dma_start3A_539] : memref<10000x128xf32, #tpu.memory_space<vmem_shared>> -> memref<16x128xf32, #tpu.memory_space<vmem_shared>>
        tpu.enqueue_dma source(%dma_start3A_540 : memref<16x128xf32, #tpu.memory_space<vmem_shared>>) target(%dma_start3A_537 : memref<16x128xf32, #tpu.memory_space<hbm>>) target_semaphore(%run_scoped3A : memref<!tpu.dma_semaphore, #tpu.memory_space<semaphore_mem>>)
        %dma_wait3A_541 = arith.constant 0 : i32
        %dma_wait3A_542 = tpu.memref_slice %arg5[%add3A_535, %dma_wait3A_541] : memref<40000x128xf32, #tpu.memory_space<hbm>> -> memref<16x128xf32, #tpu.memory_space<hbm>>
        %dma_wait3A_543 = arith.constant 9984 : i32
        %dma_wait3A_544 = arith.constant 0 : i32
        %dma_wait3A_545 = tpu.memref_slice %arg15[%dma_wait3A_543, %dma_wait3A_544] : memref<10000x128xf32, #tpu.memory_space<vmem_shared>> -> memref<16x128xf32, #tpu.memory_space<vmem_shared>>
        tpu.wait_dma2 semaphore(%run_scoped3A : memref<!tpu.dma_semaphore, #tpu.memory_space<semaphore_mem>>) src(%dma_wait3A_545 : memref<16x128xf32, #tpu.memory_space<vmem_shared>>) dst(%dma_wait3A_542 : memref<16x128xf32, #tpu.memory_space<hbm>>)
        tpu.yield
      }) : () -> ()
    } else {
    }
    return
  }
}

module attributes {stable_mosaic.version = 14 : i64} {
  func.func @_tc1_body(%arg0: i32, %arg1: memref<4x1000x128xf32, #tpu.memory_space<vmem>>, %arg2: memref<4x1000x128xf32, #tpu.memory_space<vmem>>, %arg3: memref<2x1000x128xf32, #tpu.memory_space<vmem>>, %arg4: memref<128x128xf32, #tpu.memory_space<vmem>>, %arg5: memref<128x128xf32, #tpu.memory_space<vmem>>, %arg6: memref<1x128xf32, #tpu.memory_space<vmem>>, %arg7: memref<1x128xf32, #tpu.memory_space<vmem>>, %arg8: memref<1x128xf32, #tpu.memory_space<vmem>>, %arg9: memref<4x1000x128xf32, #tpu.memory_space<vmem>>) attributes {dimension_semantics = [#tpu.dimension_semantics<arbitrary>], iteration_bounds = array<i64: 10>, scalar_prefetch = 0 : i64, scratch_operands = 0 : i64, tpu.core_type = #tpu.core_type<tc>, window_params = [{transform_indices = @transform_0, window_bounds = array<i64: 4, 1000, 128>}, {transform_indices = @transform_1, window_bounds = array<i64: 4, 1000, 128>}, {transform_indices = @transform_2, window_bounds = array<i64: 2, 1000, 128>}, {pipeline_mode = #tpu.pipeline_mode<synchronous>, transform_indices = @transform_3, window_bounds = array<i64: 128, 128>}, {pipeline_mode = #tpu.pipeline_mode<synchronous>, transform_indices = @transform_4, window_bounds = array<i64: 128, 128>}, {pipeline_mode = #tpu.pipeline_mode<synchronous>, transform_indices = @transform_5, window_bounds = array<i64: 1, 128>}, {pipeline_mode = #tpu.pipeline_mode<synchronous>, transform_indices = @transform_6, window_bounds = array<i64: 1, 128>}, {pipeline_mode = #tpu.pipeline_mode<synchronous>, transform_indices = @transform_7, window_bounds = array<i64: 1, 128>}, {transform_indices = @transform_8, window_bounds = array<i64: 4, 1000, 128>}]} {
    %get3A = arith.constant 0 : index
    %get3A_0 = arith.constant 0 : index
    %get3A_1 = arith.constant 0 : index
    %get3A_2 = vector.load %arg3[%get3A, %get3A_0, %get3A_1] : memref<2x1000x128xf32, #tpu.memory_space<vmem>>, vector<1x1000x1xf32>
    %get3A_3 = vector.shape_cast %get3A_2 : vector<1x1000x1xf32> to vector<1000x1xf32>
    %get3A_4 = arith.constant 1 : index
    %get3A_5 = arith.constant 0 : index
    %get3A_6 = arith.constant 0 : index
    %get3A_7 = vector.load %arg3[%get3A_4, %get3A_5, %get3A_6] : memref<2x1000x128xf32, #tpu.memory_space<vmem>>, vector<1x1000x1xf32>
    %get3A_8 = vector.shape_cast %get3A_7 : vector<1x1000x1xf32> to vector<1000x1xf32>
    %add3A = arith.addf %get3A_3, %get3A_8 : vector<1000x1xf32>
    %max3A = arith.constant 1.000000e+00 : f32
    %max3A_9 = vector.broadcast %max3A : f32 to vector<1000x1xf32>
    %max3A_10 = arith.maximumf %add3A, %max3A_9 : vector<1000x1xf32>
    %get3A_11 = arith.constant 0 : index
    %get3A_12 = arith.constant 0 : index
    %get3A_13 = arith.constant 0 : index
    %get3A_14 = vector.load %arg1[%get3A_11, %get3A_12, %get3A_13] : memref<4x1000x128xf32, #tpu.memory_space<vmem>>, vector<1x1000x128xf32>
    %get3A_15 = vector.shape_cast %get3A_14 : vector<1x1000x128xf32> to vector<1000x128xf32>
    %div3A = vector.broadcast %max3A_10 : vector<1000x1xf32> to vector<1000x128xf32>
    %div3A_16 = arith.divf %get3A_15, %div3A : vector<1000x128xf32>
    %get3A_17 = arith.constant 0 : index
    %get3A_18 = arith.constant 0 : index
    %get3A_19 = vector.load %arg4[%get3A_17, %get3A_18] : memref<128x128xf32, #tpu.memory_space<vmem>>, vector<128x128xf32>
    %dot_general3A = arith.constant dense<0.000000e+00> : vector<1000x128xf32>
    %dot_general3A_20 = tpu.matmul %div3A_16, %get3A_19, %dot_general3A {dimension_numbers = #tpu.dot_dimension_numbers<[1], [0], [0], [1], [0, 0, 1, 1], [], []>, precision = #tpu.contract_precision<fp32>, transpose_lhs_hint = false} : vector<1000x128xf32>, vector<128x128xf32>, vector<1000x128xf32> -> vector<1000x128xf32>
    %get3A_21 = arith.constant 0 : index
    %get3A_22 = arith.constant 0 : index
    %get3A_23 = arith.constant 0 : index
    %get3A_24 = vector.load %arg2[%get3A_21, %get3A_22, %get3A_23] : memref<4x1000x128xf32, #tpu.memory_space<vmem>>, vector<1x1000x128xf32>
    %get3A_25 = vector.shape_cast %get3A_24 : vector<1x1000x128xf32> to vector<1000x128xf32>
    %get3A_26 = arith.constant 0 : index
    %get3A_27 = arith.constant 0 : index
    %get3A_28 = vector.load %arg5[%get3A_26, %get3A_27] : memref<128x128xf32, #tpu.memory_space<vmem>>, vector<128x128xf32>
    %dot_general3A_29 = arith.constant dense<0.000000e+00> : vector<1000x128xf32>
    %dot_general3A_30 = tpu.matmul %get3A_25, %get3A_28, %dot_general3A_29 {dimension_numbers = #tpu.dot_dimension_numbers<[1], [0], [0], [1], [0, 0, 1, 1], [], []>, precision = #tpu.contract_precision<fp32>, transpose_lhs_hint = false} : vector<1000x128xf32>, vector<128x128xf32>, vector<1000x128xf32> -> vector<1000x128xf32>
    %add3A_31 = arith.addf %dot_general3A_20, %dot_general3A_30 : vector<1000x128xf32>
    %get3A_32 = arith.constant 0 : index
    %get3A_33 = arith.constant 0 : index
    %get3A_34 = vector.load %arg6[%get3A_32, %get3A_33] : memref<1x128xf32, #tpu.memory_space<vmem>>, vector<1x128xf32>
    %add3A_35 = vector.broadcast %get3A_34 : vector<1x128xf32> to vector<1000x128xf32>
    %add3A_36 = arith.addf %add3A_31, %add3A_35 : vector<1000x128xf32>
    %reduce_sum3A = arith.constant dense<0.000000e+00> : vector<1000xf32>
    %reduce_sum3A_37 = vector.multi_reduction <add>, %add3A_36, %reduce_sum3A [1] : vector<1000x128xf32> to vector<1000xf32>
    %broadcast_in_dim3A = vector.shape_cast %reduce_sum3A_37 : vector<1000xf32> to vector<1000x1xf32>
    %div3A_38 = arith.constant 1.280000e+02 : f32
    %div3A_39 = vector.broadcast %div3A_38 : f32 to vector<1000x1xf32>
    %div3A_40 = arith.divf %broadcast_in_dim3A, %div3A_39 : vector<1000x1xf32>
    %sub3A = vector.broadcast %div3A_40 : vector<1000x1xf32> to vector<1000x128xf32>
    %sub3A_41 = arith.subf %add3A_36, %sub3A : vector<1000x128xf32>
    %sub3A_42 = vector.broadcast %div3A_40 : vector<1000x1xf32> to vector<1000x128xf32>
    %sub3A_43 = arith.subf %add3A_36, %sub3A_42 : vector<1000x128xf32>
    %mul3A = arith.mulf %sub3A_41, %sub3A_43 : vector<1000x128xf32>
    %reduce_sum3A_44 = arith.constant dense<0.000000e+00> : vector<1000xf32>
    %reduce_sum3A_45 = vector.multi_reduction <add>, %mul3A, %reduce_sum3A_44 [1] : vector<1000x128xf32> to vector<1000xf32>
    %broadcast_in_dim3A_46 = vector.shape_cast %reduce_sum3A_45 : vector<1000xf32> to vector<1000x1xf32>
    %div3A_47 = arith.constant 1.280000e+02 : f32
    %div3A_48 = vector.broadcast %div3A_47 : f32 to vector<1000x1xf32>
    %div3A_49 = arith.divf %broadcast_in_dim3A_46, %div3A_48 : vector<1000x1xf32>
    %sub3A_50 = vector.broadcast %div3A_40 : vector<1000x1xf32> to vector<1000x128xf32>
    %sub3A_51 = arith.subf %add3A_36, %sub3A_50 : vector<1000x128xf32>
    %add3A_52 = arith.constant 9.99999974E-6 : f32
    %add3A_53 = vector.broadcast %add3A_52 : f32 to vector<1000x1xf32>
    %add3A_54 = arith.addf %div3A_49, %add3A_53 : vector<1000x1xf32>
    %rsqrt3A = math.rsqrt %add3A_54 : vector<1000x1xf32>
    %mul3A_55 = vector.broadcast %rsqrt3A : vector<1000x1xf32> to vector<1000x128xf32>
    %mul3A_56 = arith.mulf %sub3A_51, %mul3A_55 : vector<1000x128xf32>
    %get3A_57 = arith.constant 0 : index
    %get3A_58 = arith.constant 0 : index
    %get3A_59 = vector.load %arg7[%get3A_57, %get3A_58] : memref<1x128xf32, #tpu.memory_space<vmem>>, vector<1x128xf32>
    %mul3A_60 = vector.broadcast %get3A_59 : vector<1x128xf32> to vector<1000x128xf32>
    %mul3A_61 = arith.mulf %mul3A_56, %mul3A_60 : vector<1000x128xf32>
    %get3A_62 = arith.constant 0 : index
    %get3A_63 = arith.constant 0 : index
    %get3A_64 = vector.load %arg8[%get3A_62, %get3A_63] : memref<1x128xf32, #tpu.memory_space<vmem>>, vector<1x128xf32>
    %add3A_65 = vector.broadcast %get3A_64 : vector<1x128xf32> to vector<1000x128xf32>
    %add3A_66 = arith.addf %mul3A_61, %add3A_65 : vector<1000x128xf32>
    %max3A_67 = arith.constant 0.000000e+00 : f32
    %max3A_68 = vector.broadcast %max3A_67 : f32 to vector<1000x128xf32>
    %max3A_69 = arith.maximumf %add3A_66, %max3A_68 : vector<1000x128xf32>
    %swap3A = arith.constant 0 : index
    %swap3A_70 = arith.constant 0 : index
    %swap3A_71 = arith.constant 0 : index
    %swap3A_72 = vector.load %arg9[%swap3A, %swap3A_70, %swap3A_71] : memref<4x1000x128xf32, #tpu.memory_space<vmem>>, vector<1x1000x128xf32>
    %swap3A_73 = vector.shape_cast %swap3A_72 : vector<1x1000x128xf32> to vector<1000x128xf32>
    %swap3A_74 = vector.shape_cast %max3A_69 : vector<1000x128xf32> to vector<1x1000x128xf32>
    tpu.vector_store %arg9[%swap3A, %swap3A_70, %swap3A_71], %swap3A_74 {strides = array<i32>} : memref<4x1000x128xf32, #tpu.memory_space<vmem>>, vector<1x1000x128xf32>,
    %get3A_75 = arith.constant 1 : index
    %get3A_76 = arith.constant 0 : index
    %get3A_77 = arith.constant 0 : index
    %get3A_78 = vector.load %arg1[%get3A_75, %get3A_76, %get3A_77] : memref<4x1000x128xf32, #tpu.memory_space<vmem>>, vector<1x1000x128xf32>
    %get3A_79 = vector.shape_cast %get3A_78 : vector<1x1000x128xf32> to vector<1000x128xf32>
    %div3A_80 = vector.broadcast %max3A_10 : vector<1000x1xf32> to vector<1000x128xf32>
    %div3A_81 = arith.divf %get3A_79, %div3A_80 : vector<1000x128xf32>
    %get3A_82 = arith.constant 0 : index
    %get3A_83 = arith.constant 0 : index
    %get3A_84 = vector.load %arg4[%get3A_82, %get3A_83] : memref<128x128xf32, #tpu.memory_space<vmem>>, vector<128x128xf32>
    %dot_general3A_85 = arith.constant dense<0.000000e+00> : vector<1000x128xf32>
    %dot_general3A_86 = tpu.matmul %div3A_81, %get3A_84, %dot_general3A_85 {dimension_numbers = #tpu.dot_dimension_numbers<[1], [0], [0], [1], [0, 0, 1, 1], [], []>, precision = #tpu.contract_precision<fp32>, transpose_lhs_hint = false} : vector<1000x128xf32>, vector<128x128xf32>, vector<1000x128xf32> -> vector<1000x128xf32>
    %get3A_87 = arith.constant 1 : index
    %get3A_88 = arith.constant 0 : index
    %get3A_89 = arith.constant 0 : index
    %get3A_90 = vector.load %arg2[%get3A_87, %get3A_88, %get3A_89] : memref<4x1000x128xf32, #tpu.memory_space<vmem>>, vector<1x1000x128xf32>
    %get3A_91 = vector.shape_cast %get3A_90 : vector<1x1000x128xf32> to vector<1000x128xf32>
    %get3A_92 = arith.constant 0 : index
    %get3A_93 = arith.constant 0 : index
    %get3A_94 = vector.load %arg5[%get3A_92, %get3A_93] : memref<128x128xf32, #tpu.memory_space<vmem>>, vector<128x128xf32>
    %dot_general3A_95 = arith.constant dense<0.000000e+00> : vector<1000x128xf32>
    %dot_general3A_96 = tpu.matmul %get3A_91, %get3A_94, %dot_general3A_95 {dimension_numbers = #tpu.dot_dimension_numbers<[1], [0], [0], [1], [0, 0, 1, 1], [], []>, precision = #tpu.contract_precision<fp32>, transpose_lhs_hint = false} : vector<1000x128xf32>, vector<128x128xf32>, vector<1000x128xf32> -> vector<1000x128xf32>
    %add3A_97 = arith.addf %dot_general3A_86, %dot_general3A_96 : vector<1000x128xf32>
    %get3A_98 = arith.constant 0 : index
    %get3A_99 = arith.constant 0 : index
    %get3A_100 = vector.load %arg6[%get3A_98, %get3A_99] : memref<1x128xf32, #tpu.memory_space<vmem>>, vector<1x128xf32>
    %add3A_101 = vector.broadcast %get3A_100 : vector<1x128xf32> to vector<1000x128xf32>
    %add3A_102 = arith.addf %add3A_97, %add3A_101 : vector<1000x128xf32>
    %reduce_sum3A_103 = arith.constant dense<0.000000e+00> : vector<1000xf32>
    %reduce_sum3A_104 = vector.multi_reduction <add>, %add3A_102, %reduce_sum3A_103 [1] : vector<1000x128xf32> to vector<1000xf32>
    %broadcast_in_dim3A_105 = vector.shape_cast %reduce_sum3A_104 : vector<1000xf32> to vector<1000x1xf32>
    %div3A_106 = arith.constant 1.280000e+02 : f32
    %div3A_107 = vector.broadcast %div3A_106 : f32 to vector<1000x1xf32>
    %div3A_108 = arith.divf %broadcast_in_dim3A_105, %div3A_107 : vector<1000x1xf32>
    %sub3A_109 = vector.broadcast %div3A_108 : vector<1000x1xf32> to vector<1000x128xf32>
    %sub3A_110 = arith.subf %add3A_102, %sub3A_109 : vector<1000x128xf32>
    %sub3A_111 = vector.broadcast %div3A_108 : vector<1000x1xf32> to vector<1000x128xf32>
    %sub3A_112 = arith.subf %add3A_102, %sub3A_111 : vector<1000x128xf32>
    %mul3A_113 = arith.mulf %sub3A_110, %sub3A_112 : vector<1000x128xf32>
    %reduce_sum3A_114 = arith.constant dense<0.000000e+00> : vector<1000xf32>
    %reduce_sum3A_115 = vector.multi_reduction <add>, %mul3A_113, %reduce_sum3A_114 [1] : vector<1000x128xf32> to vector<1000xf32>
    %broadcast_in_dim3A_116 = vector.shape_cast %reduce_sum3A_115 : vector<1000xf32> to vector<1000x1xf32>
    %div3A_117 = arith.constant 1.280000e+02 : f32
    %div3A_118 = vector.broadcast %div3A_117 : f32 to vector<1000x1xf32>
    %div3A_119 = arith.divf %broadcast_in_dim3A_116, %div3A_118 : vector<1000x1xf32>
    %sub3A_120 = vector.broadcast %div3A_108 : vector<1000x1xf32> to vector<1000x128xf32>
    %sub3A_121 = arith.subf %add3A_102, %sub3A_120 : vector<1000x128xf32>
    %add3A_122 = arith.constant 9.99999974E-6 : f32
    %add3A_123 = vector.broadcast %add3A_122 : f32 to vector<1000x1xf32>
    %add3A_124 = arith.addf %div3A_119, %add3A_123 : vector<1000x1xf32>
    %rsqrt3A_125 = math.rsqrt %add3A_124 : vector<1000x1xf32>
    %mul3A_126 = vector.broadcast %rsqrt3A_125 : vector<1000x1xf32> to vector<1000x128xf32>
    %mul3A_127 = arith.mulf %sub3A_121, %mul3A_126 : vector<1000x128xf32>
    %get3A_128 = arith.constant 0 : index
    %get3A_129 = arith.constant 0 : index
    %get3A_130 = vector.load %arg7[%get3A_128, %get3A_129] : memref<1x128xf32, #tpu.memory_space<vmem>>, vector<1x128xf32>
    %mul3A_131 = vector.broadcast %get3A_130 : vector<1x128xf32> to vector<1000x128xf32>
    %mul3A_132 = arith.mulf %mul3A_127, %mul3A_131 : vector<1000x128xf32>
    %get3A_133 = arith.constant 0 : index
    %get3A_134 = arith.constant 0 : index
    %get3A_135 = vector.load %arg8[%get3A_133, %get3A_134] : memref<1x128xf32, #tpu.memory_space<vmem>>, vector<1x128xf32>
    %add3A_136 = vector.broadcast %get3A_135 : vector<1x128xf32> to vector<1000x128xf32>
    %add3A_137 = arith.addf %mul3A_132, %add3A_136 : vector<1000x128xf32>
    %max3A_138 = arith.constant 0.000000e+00 : f32
    %max3A_139 = vector.broadcast %max3A_138 : f32 to vector<1000x128xf32>
    %max3A_140 = arith.maximumf %add3A_137, %max3A_139 : vector<1000x128xf32>
    %swap3A_141 = arith.constant 1 : index
    %swap3A_142 = arith.constant 0 : index
    %swap3A_143 = arith.constant 0 : index
    %swap3A_144 = vector.load %arg9[%swap3A_141, %swap3A_142, %swap3A_143] : memref<4x1000x128xf32, #tpu.memory_space<vmem>>, vector<1x1000x128xf32>
    %swap3A_145 = vector.shape_cast %swap3A_144 : vector<1x1000x128xf32> to vector<1000x128xf32>
    %swap3A_146 = vector.shape_cast %max3A_140 : vector<1000x128xf32> to vector<1x1000x128xf32>
    tpu.vector_store %arg9[%swap3A_141, %swap3A_142, %swap3A_143], %swap3A_146 {strides = array<i32>} : memref<4x1000x128xf32, #tpu.memory_space<vmem>>, vector<1x1000x128xf32>,
    %get3A_147 = arith.constant 2 : index
    %get3A_148 = arith.constant 0 : index
    %get3A_149 = arith.constant 0 : index
    %get3A_150 = vector.load %arg1[%get3A_147, %get3A_148, %get3A_149] : memref<4x1000x128xf32, #tpu.memory_space<vmem>>, vector<1x1000x128xf32>
    %get3A_151 = vector.shape_cast %get3A_150 : vector<1x1000x128xf32> to vector<1000x128xf32>
    %div3A_152 = vector.broadcast %max3A_10 : vector<1000x1xf32> to vector<1000x128xf32>
    %div3A_153 = arith.divf %get3A_151, %div3A_152 : vector<1000x128xf32>
    %get3A_154 = arith.constant 0 : index
    %get3A_155 = arith.constant 0 : index
    %get3A_156 = vector.load %arg4[%get3A_154, %get3A_155] : memref<128x128xf32, #tpu.memory_space<vmem>>, vector<128x128xf32>
    %dot_general3A_157 = arith.constant dense<0.000000e+00> : vector<1000x128xf32>
    %dot_general3A_158 = tpu.matmul %div3A_153, %get3A_156, %dot_general3A_157 {dimension_numbers = #tpu.dot_dimension_numbers<[1], [0], [0], [1], [0, 0, 1, 1], [], []>, precision = #tpu.contract_precision<fp32>, transpose_lhs_hint = false} : vector<1000x128xf32>, vector<128x128xf32>, vector<1000x128xf32> -> vector<1000x128xf32>
    %get3A_159 = arith.constant 2 : index
    %get3A_160 = arith.constant 0 : index
    %get3A_161 = arith.constant 0 : index
    %get3A_162 = vector.load %arg2[%get3A_159, %get3A_160, %get3A_161] : memref<4x1000x128xf32, #tpu.memory_space<vmem>>, vector<1x1000x128xf32>
    %get3A_163 = vector.shape_cast %get3A_162 : vector<1x1000x128xf32> to vector<1000x128xf32>
    %get3A_164 = arith.constant 0 : index
    %get3A_165 = arith.constant 0 : index
    %get3A_166 = vector.load %arg5[%get3A_164, %get3A_165] : memref<128x128xf32, #tpu.memory_space<vmem>>, vector<128x128xf32>
    %dot_general3A_167 = arith.constant dense<0.000000e+00> : vector<1000x128xf32>
    %dot_general3A_168 = tpu.matmul %get3A_163, %get3A_166, %dot_general3A_167 {dimension_numbers = #tpu.dot_dimension_numbers<[1], [0], [0], [1], [0, 0, 1, 1], [], []>, precision = #tpu.contract_precision<fp32>, transpose_lhs_hint = false} : vector<1000x128xf32>, vector<128x128xf32>, vector<1000x128xf32> -> vector<1000x128xf32>
    %add3A_169 = arith.addf %dot_general3A_158, %dot_general3A_168 : vector<1000x128xf32>
    %get3A_170 = arith.constant 0 : index
    %get3A_171 = arith.constant 0 : index
    %get3A_172 = vector.load %arg6[%get3A_170, %get3A_171] : memref<1x128xf32, #tpu.memory_space<vmem>>, vector<1x128xf32>
    %add3A_173 = vector.broadcast %get3A_172 : vector<1x128xf32> to vector<1000x128xf32>
    %add3A_174 = arith.addf %add3A_169, %add3A_173 : vector<1000x128xf32>
    %reduce_sum3A_175 = arith.constant dense<0.000000e+00> : vector<1000xf32>
    %reduce_sum3A_176 = vector.multi_reduction <add>, %add3A_174, %reduce_sum3A_175 [1] : vector<1000x128xf32> to vector<1000xf32>
    %broadcast_in_dim3A_177 = vector.shape_cast %reduce_sum3A_176 : vector<1000xf32> to vector<1000x1xf32>
    %div3A_178 = arith.constant 1.280000e+02 : f32
    %div3A_179 = vector.broadcast %div3A_178 : f32 to vector<1000x1xf32>
    %div3A_180 = arith.divf %broadcast_in_dim3A_177, %div3A_179 : vector<1000x1xf32>
    %sub3A_181 = vector.broadcast %div3A_180 : vector<1000x1xf32> to vector<1000x128xf32>
    %sub3A_182 = arith.subf %add3A_174, %sub3A_181 : vector<1000x128xf32>
    %sub3A_183 = vector.broadcast %div3A_180 : vector<1000x1xf32> to vector<1000x128xf32>
    %sub3A_184 = arith.subf %add3A_174, %sub3A_183 : vector<1000x128xf32>
    %mul3A_185 = arith.mulf %sub3A_182, %sub3A_184 : vector<1000x128xf32>
    %reduce_sum3A_186 = arith.constant dense<0.000000e+00> : vector<1000xf32>
    %reduce_sum3A_187 = vector.multi_reduction <add>, %mul3A_185, %reduce_sum3A_186 [1] : vector<1000x128xf32> to vector<1000xf32>
    %broadcast_in_dim3A_188 = vector.shape_cast %reduce_sum3A_187 : vector<1000xf32> to vector<1000x1xf32>
    %div3A_189 = arith.constant 1.280000e+02 : f32
    %div3A_190 = vector.broadcast %div3A_189 : f32 to vector<1000x1xf32>
    %div3A_191 = arith.divf %broadcast_in_dim3A_188, %div3A_190 : vector<1000x1xf32>
    %sub3A_192 = vector.broadcast %div3A_180 : vector<1000x1xf32> to vector<1000x128xf32>
    %sub3A_193 = arith.subf %add3A_174, %sub3A_192 : vector<1000x128xf32>
    %add3A_194 = arith.constant 9.99999974E-6 : f32
    %add3A_195 = vector.broadcast %add3A_194 : f32 to vector<1000x1xf32>
    %add3A_196 = arith.addf %div3A_191, %add3A_195 : vector<1000x1xf32>
    %rsqrt3A_197 = math.rsqrt %add3A_196 : vector<1000x1xf32>
    %mul3A_198 = vector.broadcast %rsqrt3A_197 : vector<1000x1xf32> to vector<1000x128xf32>
    %mul3A_199 = arith.mulf %sub3A_193, %mul3A_198 : vector<1000x128xf32>
    %get3A_200 = arith.constant 0 : index
    %get3A_201 = arith.constant 0 : index
    %get3A_202 = vector.load %arg7[%get3A_200, %get3A_201] : memref<1x128xf32, #tpu.memory_space<vmem>>, vector<1x128xf32>
    %mul3A_203 = vector.broadcast %get3A_202 : vector<1x128xf32> to vector<1000x128xf32>
    %mul3A_204 = arith.mulf %mul3A_199, %mul3A_203 : vector<1000x128xf32>
    %get3A_205 = arith.constant 0 : index
    %get3A_206 = arith.constant 0 : index
    %get3A_207 = vector.load %arg8[%get3A_205, %get3A_206] : memref<1x128xf32, #tpu.memory_space<vmem>>, vector<1x128xf32>
    %add3A_208 = vector.broadcast %get3A_207 : vector<1x128xf32> to vector<1000x128xf32>
    %add3A_209 = arith.addf %mul3A_204, %add3A_208 : vector<1000x128xf32>
    %max3A_210 = arith.constant 0.000000e+00 : f32
    %max3A_211 = vector.broadcast %max3A_210 : f32 to vector<1000x128xf32>
    %max3A_212 = arith.maximumf %add3A_209, %max3A_211 : vector<1000x128xf32>
    %swap3A_213 = arith.constant 2 : index
    %swap3A_214 = arith.constant 0 : index
    %swap3A_215 = arith.constant 0 : index
    %swap3A_216 = vector.load %arg9[%swap3A_213, %swap3A_214, %swap3A_215] : memref<4x1000x128xf32, #tpu.memory_space<vmem>>, vector<1x1000x128xf32>
    %swap3A_217 = vector.shape_cast %swap3A_216 : vector<1x1000x128xf32> to vector<1000x128xf32>
    %swap3A_218 = vector.shape_cast %max3A_212 : vector<1000x128xf32> to vector<1x1000x128xf32>
    tpu.vector_store %arg9[%swap3A_213, %swap3A_214, %swap3A_215], %swap3A_218 {strides = array<i32>} : memref<4x1000x128xf32, #tpu.memory_space<vmem>>, vector<1x1000x128xf32>,
    %get3A_219 = arith.constant 3 : index
    %get3A_220 = arith.constant 0 : index
    %get3A_221 = arith.constant 0 : index
    %get3A_222 = vector.load %arg1[%get3A_219, %get3A_220, %get3A_221] : memref<4x1000x128xf32, #tpu.memory_space<vmem>>, vector<1x1000x128xf32>
    %get3A_223 = vector.shape_cast %get3A_222 : vector<1x1000x128xf32> to vector<1000x128xf32>
    %div3A_224 = vector.broadcast %max3A_10 : vector<1000x1xf32> to vector<1000x128xf32>
    %div3A_225 = arith.divf %get3A_223, %div3A_224 : vector<1000x128xf32>
    %get3A_226 = arith.constant 0 : index
    %get3A_227 = arith.constant 0 : index
    %get3A_228 = vector.load %arg4[%get3A_226, %get3A_227] : memref<128x128xf32, #tpu.memory_space<vmem>>, vector<128x128xf32>
    %dot_general3A_229 = arith.constant dense<0.000000e+00> : vector<1000x128xf32>
    %dot_general3A_230 = tpu.matmul %div3A_225, %get3A_228, %dot_general3A_229 {dimension_numbers = #tpu.dot_dimension_numbers<[1], [0], [0], [1], [0, 0, 1, 1], [], []>, precision = #tpu.contract_precision<fp32>, transpose_lhs_hint = false} : vector<1000x128xf32>, vector<128x128xf32>, vector<1000x128xf32> -> vector<1000x128xf32>
    %get3A_231 = arith.constant 3 : index
    %get3A_232 = arith.constant 0 : index
    %get3A_233 = arith.constant 0 : index
    %get3A_234 = vector.load %arg2[%get3A_231, %get3A_232, %get3A_233] : memref<4x1000x128xf32, #tpu.memory_space<vmem>>, vector<1x1000x128xf32>
    %get3A_235 = vector.shape_cast %get3A_234 : vector<1x1000x128xf32> to vector<1000x128xf32>
    %get3A_236 = arith.constant 0 : index
    %get3A_237 = arith.constant 0 : index
    %get3A_238 = vector.load %arg5[%get3A_236, %get3A_237] : memref<128x128xf32, #tpu.memory_space<vmem>>, vector<128x128xf32>
    %dot_general3A_239 = arith.constant dense<0.000000e+00> : vector<1000x128xf32>
    %dot_general3A_240 = tpu.matmul %get3A_235, %get3A_238, %dot_general3A_239 {dimension_numbers = #tpu.dot_dimension_numbers<[1], [0], [0], [1], [0, 0, 1, 1], [], []>, precision = #tpu.contract_precision<fp32>, transpose_lhs_hint = false} : vector<1000x128xf32>, vector<128x128xf32>, vector<1000x128xf32> -> vector<1000x128xf32>
    %add3A_241 = arith.addf %dot_general3A_230, %dot_general3A_240 : vector<1000x128xf32>
    %get3A_242 = arith.constant 0 : index
    %get3A_243 = arith.constant 0 : index
    %get3A_244 = vector.load %arg6[%get3A_242, %get3A_243] : memref<1x128xf32, #tpu.memory_space<vmem>>, vector<1x128xf32>
    %add3A_245 = vector.broadcast %get3A_244 : vector<1x128xf32> to vector<1000x128xf32>
    %add3A_246 = arith.addf %add3A_241, %add3A_245 : vector<1000x128xf32>
    %reduce_sum3A_247 = arith.constant dense<0.000000e+00> : vector<1000xf32>
    %reduce_sum3A_248 = vector.multi_reduction <add>, %add3A_246, %reduce_sum3A_247 [1] : vector<1000x128xf32> to vector<1000xf32>
    %broadcast_in_dim3A_249 = vector.shape_cast %reduce_sum3A_248 : vector<1000xf32> to vector<1000x1xf32>
    %div3A_250 = arith.constant 1.280000e+02 : f32
    %div3A_251 = vector.broadcast %div3A_250 : f32 to vector<1000x1xf32>
    %div3A_252 = arith.divf %broadcast_in_dim3A_249, %div3A_251 : vector<1000x1xf32>
    %sub3A_253 = vector.broadcast %div3A_252 : vector<1000x1xf32> to vector<1000x128xf32>
    %sub3A_254 = arith.subf %add3A_246, %sub3A_253 : vector<1000x128xf32>
    %sub3A_255 = vector.broadcast %div3A_252 : vector<1000x1xf32> to vector<1000x128xf32>
    %sub3A_256 = arith.subf %add3A_246, %sub3A_255 : vector<1000x128xf32>
    %mul3A_257 = arith.mulf %sub3A_254, %sub3A_256 : vector<1000x128xf32>
    %reduce_sum3A_258 = arith.constant dense<0.000000e+00> : vector<1000xf32>
    %reduce_sum3A_259 = vector.multi_reduction <add>, %mul3A_257, %reduce_sum3A_258 [1] : vector<1000x128xf32> to vector<1000xf32>
    %broadcast_in_dim3A_260 = vector.shape_cast %reduce_sum3A_259 : vector<1000xf32> to vector<1000x1xf32>
    %div3A_261 = arith.constant 1.280000e+02 : f32
    %div3A_262 = vector.broadcast %div3A_261 : f32 to vector<1000x1xf32>
    %div3A_263 = arith.divf %broadcast_in_dim3A_260, %div3A_262 : vector<1000x1xf32>
    %sub3A_264 = vector.broadcast %div3A_252 : vector<1000x1xf32> to vector<1000x128xf32>
    %sub3A_265 = arith.subf %add3A_246, %sub3A_264 : vector<1000x128xf32>
    %add3A_266 = arith.constant 9.99999974E-6 : f32
    %add3A_267 = vector.broadcast %add3A_266 : f32 to vector<1000x1xf32>
    %add3A_268 = arith.addf %div3A_263, %add3A_267 : vector<1000x1xf32>
    %rsqrt3A_269 = math.rsqrt %add3A_268 : vector<1000x1xf32>
    %mul3A_270 = vector.broadcast %rsqrt3A_269 : vector<1000x1xf32> to vector<1000x128xf32>
    %mul3A_271 = arith.mulf %sub3A_265, %mul3A_270 : vector<1000x128xf32>
    %get3A_272 = arith.constant 0 : index
    %get3A_273 = arith.constant 0 : index
    %get3A_274 = vector.load %arg7[%get3A_272, %get3A_273] : memref<1x128xf32, #tpu.memory_space<vmem>>, vector<1x128xf32>
    %mul3A_275 = vector.broadcast %get3A_274 : vector<1x128xf32> to vector<1000x128xf32>
    %mul3A_276 = arith.mulf %mul3A_271, %mul3A_275 : vector<1000x128xf32>
    %get3A_277 = arith.constant 0 : index
    %get3A_278 = arith.constant 0 : index
    %get3A_279 = vector.load %arg8[%get3A_277, %get3A_278] : memref<1x128xf32, #tpu.memory_space<vmem>>, vector<1x128xf32>
    %add3A_280 = vector.broadcast %get3A_279 : vector<1x128xf32> to vector<1000x128xf32>
    %add3A_281 = arith.addf %mul3A_276, %add3A_280 : vector<1000x128xf32>
    %max3A_282 = arith.constant 0.000000e+00 : f32
    %max3A_283 = vector.broadcast %max3A_282 : f32 to vector<1000x128xf32>
    %max3A_284 = arith.maximumf %add3A_281, %max3A_283 : vector<1000x128xf32>
    %swap3A_285 = arith.constant 3 : index
    %swap3A_286 = arith.constant 0 : index
    %swap3A_287 = arith.constant 0 : index
    %swap3A_288 = vector.load %arg9[%swap3A_285, %swap3A_286, %swap3A_287] : memref<4x1000x128xf32, #tpu.memory_space<vmem>>, vector<1x1000x128xf32>
    %swap3A_289 = vector.shape_cast %swap3A_288 : vector<1x1000x128xf32> to vector<1000x128xf32>
    %swap3A_290 = vector.shape_cast %max3A_284 : vector<1000x128xf32> to vector<1x1000x128xf32>
    tpu.vector_store %arg9[%swap3A_285, %swap3A_286, %swap3A_287], %swap3A_290 {strides = array<i32>} : memref<4x1000x128xf32, #tpu.memory_space<vmem>>, vector<1x1000x128xf32>,
    return
  }
  func.func @transform_0(%arg0: i32) -> (i32, i32, i32) {
    %c0_i32 = arith.constant 0 : i32
    %c0_i32_0 = arith.constant 0 : i32
    %c0_i32_1 = arith.constant 0 : i32
    return %c0_i32, %arg0, %c0_i32_0 : i32, i32, i32
  }
  func.func @transform_1(%arg0: i32) -> (i32, i32, i32) {
    %c0_i32 = arith.constant 0 : i32
    %c0_i32_0 = arith.constant 0 : i32
    %c0_i32_1 = arith.constant 0 : i32
    return %c0_i32, %arg0, %c0_i32_0 : i32, i32, i32
  }
  func.func @transform_2(%arg0: i32) -> (i32, i32, i32) {
    %c0_i32 = arith.constant 0 : i32
    %c0_i32_0 = arith.constant 0 : i32
    %c0_i32_1 = arith.constant 0 : i32
    return %c0_i32, %arg0, %c0_i32_0 : i32, i32, i32
  }
  func.func @transform_3(%arg0: i32) -> (i32, i32) {
    %c0_i32 = arith.constant 0 : i32
    %c0_i32_0 = arith.constant 0 : i32
    %c0_i32_1 = arith.constant 0 : i32
    return %c0_i32, %c0_i32_0 : i32, i32
  }
  func.func @transform_4(%arg0: i32) -> (i32, i32) {
    %c0_i32 = arith.constant 0 : i32
    %c0_i32_0 = arith.constant 0 : i32
    %c0_i32_1 = arith.constant 0 : i32
    return %c0_i32, %c0_i32_0 : i32, i32
  }
  func.func @transform_5(%arg0: i32) -> (i32, i32) {
    %c0_i32 = arith.constant 0 : i32
    %c0_i32_0 = arith.constant 0 : i32
    %c0_i32_1 = arith.constant 0 : i32
    return %c0_i32, %c0_i32_0 : i32, i32
  }
  func.func @transform_6(%arg0: i32) -> (i32, i32) {
    %c0_i32 = arith.constant 0 : i32
    %c0_i32_0 = arith.constant 0 : i32
    %c0_i32_1 = arith.constant 0 : i32
    return %c0_i32, %c0_i32_0 : i32, i32
  }
  func.func @transform_7(%arg0: i32) -> (i32, i32) {
    %c0_i32 = arith.constant 0 : i32
    %c0_i32_0 = arith.constant 0 : i32
    %c0_i32_1 = arith.constant 0 : i32
    return %c0_i32, %c0_i32_0 : i32, i32
  }
  func.func @transform_8(%arg0: i32) -> (i32, i32, i32) {
    %c0_i32 = arith.constant 0 : i32
    %c0_i32_0 = arith.constant 0 : i32
    %c0_i32_1 = arith.constant 0 : i32
    return %c0_i32, %arg0, %c0_i32_0 : i32, i32, i32
  }
}

module attributes {stable_mosaic.version = 14 : i64} {
  func.func @_tc2_body(%arg0: i32, %arg1: memref<4x1000x128xf32, #tpu.memory_space<vmem>>, %arg2: memref<4x1000x128xf32, #tpu.memory_space<vmem>>, %arg3: memref<2x1000x128xf32, #tpu.memory_space<vmem>>, %arg4: memref<128x128xf32, #tpu.memory_space<vmem>>, %arg5: memref<128x128xf32, #tpu.memory_space<vmem>>, %arg6: memref<1x128xf32, #tpu.memory_space<vmem>>, %arg7: memref<1x128xf32, #tpu.memory_space<vmem>>, %arg8: memref<1x128xf32, #tpu.memory_space<vmem>>, %arg9: memref<128x384xf32, #tpu.memory_space<vmem>>, %arg10: memref<128x384xf32, #tpu.memory_space<vmem>>, %arg11: memref<1x384xf32, #tpu.memory_space<vmem>>, %arg12: memref<1x384xf32, #tpu.memory_space<vmem>>, %arg13: memref<1x128xf32, #tpu.memory_space<vmem>>, %arg14: memref<1x1xf32, #tpu.memory_space<vmem>>, %arg15: memref<128x128xf32, #tpu.memory_space<vmem>>, %arg16: memref<1x128xf32, #tpu.memory_space<vmem>>, %arg17: memref<128x128xf32, #tpu.memory_space<vmem>>, %arg18: memref<1x128xf32, #tpu.memory_space<vmem>>, %arg19: memref<1000x128xf32, #tpu.memory_space<vmem>>) attributes {dimension_semantics = [#tpu.dimension_semantics<arbitrary>], iteration_bounds = array<i64: 10>, scalar_prefetch = 0 : i64, scratch_operands = 0 : i64, tpu.core_type = #tpu.core_type<tc>, window_params = [{transform_indices = @transform_0, window_bounds = array<i64: 4, 1000, 128>}, {transform_indices = @transform_1, window_bounds = array<i64: 4, 1000, 128>}, {transform_indices = @transform_2, window_bounds = array<i64: 2, 1000, 128>}, {pipeline_mode = #tpu.pipeline_mode<synchronous>, transform_indices = @transform_3, window_bounds = array<i64: 128, 128>}, {pipeline_mode = #tpu.pipeline_mode<synchronous>, transform_indices = @transform_4, window_bounds = array<i64: 128, 128>}, {pipeline_mode = #tpu.pipeline_mode<synchronous>, transform_indices = @transform_5, window_bounds = array<i64: 1, 128>}, {pipeline_mode = #tpu.pipeline_mode<synchronous>, transform_indices = @transform_6, window_bounds = array<i64: 1, 128>}, {pipeline_mode = #tpu.pipeline_mode<synchronous>, transform_indices = @transform_7, window_bounds = array<i64: 1, 128>}, {pipeline_mode = #tpu.pipeline_mode<synchronous>, transform_indices = @transform_8, window_bounds = array<i64: 128, 384>}, {pipeline_mode = #tpu.pipeline_mode<synchronous>, transform_indices = @transform_9, window_bounds = array<i64: 128, 384>}, {pipeline_mode = #tpu.pipeline_mode<synchronous>, transform_indices = @transform_10, window_bounds = array<i64: 1, 384>}, {pipeline_mode = #tpu.pipeline_mode<synchronous>, transform_indices = @transform_11, window_bounds = array<i64: 1, 384>}, {pipeline_mode = #tpu.pipeline_mode<synchronous>, transform_indices = @transform_12, window_bounds = array<i64: 1, 128>}, {pipeline_mode = #tpu.pipeline_mode<synchronous>, transform_indices = @transform_13, window_bounds = array<i64: 1, 1>}, {pipeline_mode = #tpu.pipeline_mode<synchronous>, transform_indices = @transform_14, window_bounds = array<i64: 128, 128>}, {pipeline_mode = #tpu.pipeline_mode<synchronous>, transform_indices = @transform_15, window_bounds = array<i64: 1, 128>}, {pipeline_mode = #tpu.pipeline_mode<synchronous>, transform_indices = @transform_16, window_bounds = array<i64: 128, 128>}, {pipeline_mode = #tpu.pipeline_mode<synchronous>, transform_indices = @transform_17, window_bounds = array<i64: 1, 128>}, {transform_indices = @transform_18, window_bounds = array<i64: 1000, 128>}]} {
    %get3A = arith.constant 0 : index
    %get3A_0 = arith.constant 0 : index
    %get3A_1 = arith.constant 0 : index
    %get3A_2 = vector.load %arg3[%get3A, %get3A_0, %get3A_1] : memref<2x1000x128xf32, #tpu.memory_space<vmem>>, vector<1x1000x1xf32>
    %get3A_3 = vector.shape_cast %get3A_2 : vector<1x1000x1xf32> to vector<1000x1xf32>
    %get3A_4 = arith.constant 1 : index
    %get3A_5 = arith.constant 0 : index
    %get3A_6 = arith.constant 0 : index
    %get3A_7 = vector.load %arg3[%get3A_4, %get3A_5, %get3A_6] : memref<2x1000x128xf32, #tpu.memory_space<vmem>>, vector<1x1000x1xf32>
    %get3A_8 = vector.shape_cast %get3A_7 : vector<1x1000x1xf32> to vector<1000x1xf32>
    %add3A = arith.addf %get3A_3, %get3A_8 : vector<1000x1xf32>
    %max3A = arith.constant 1.000000e+00 : f32
    %max3A_9 = vector.broadcast %max3A : f32 to vector<1000x1xf32>
    %max3A_10 = arith.maximumf %add3A, %max3A_9 : vector<1000x1xf32>
    %get3A_11 = arith.constant 0 : index
    %get3A_12 = arith.constant 0 : index
    %get3A_13 = arith.constant 0 : index
    %get3A_14 = vector.load %arg1[%get3A_11, %get3A_12, %get3A_13] : memref<4x1000x128xf32, #tpu.memory_space<vmem>>, vector<1x1000x128xf32>
    %get3A_15 = vector.shape_cast %get3A_14 : vector<1x1000x128xf32> to vector<1000x128xf32>
    %div3A = vector.broadcast %max3A_10 : vector<1000x1xf32> to vector<1000x128xf32>
    %div3A_16 = arith.divf %get3A_15, %div3A : vector<1000x128xf32>
    %get3A_17 = arith.constant 0 : index
    %get3A_18 = arith.constant 0 : index
    %get3A_19 = arith.constant 0 : index
    %get3A_20 = vector.load %arg2[%get3A_17, %get3A_18, %get3A_19] : memref<4x1000x128xf32, #tpu.memory_space<vmem>>, vector<1x1000x128xf32>
    %get3A_21 = vector.shape_cast %get3A_20 : vector<1x1000x128xf32> to vector<1000x128xf32>
    %get3A_22 = arith.constant 0 : index
    %get3A_23 = arith.constant 0 : index
    %get3A_24 = vector.load %arg4[%get3A_22, %get3A_23] : memref<128x128xf32, #tpu.memory_space<vmem>>, vector<128x128xf32>
    %dot_general3A = arith.constant dense<0.000000e+00> : vector<1000x128xf32>
    %dot_general3A_25 = tpu.matmul %div3A_16, %get3A_24, %dot_general3A {dimension_numbers = #tpu.dot_dimension_numbers<[1], [0], [0], [1], [0, 0, 1, 1], [], []>, precision = #tpu.contract_precision<fp32>, transpose_lhs_hint = false} : vector<1000x128xf32>, vector<128x128xf32>, vector<1000x128xf32> -> vector<1000x128xf32>
    %get3A_26 = arith.constant 0 : index
    %get3A_27 = arith.constant 0 : index
    %get3A_28 = vector.load %arg5[%get3A_26, %get3A_27] : memref<128x128xf32, #tpu.memory_space<vmem>>, vector<128x128xf32>
    %dot_general3A_29 = arith.constant dense<0.000000e+00> : vector<1000x128xf32>
    %dot_general3A_30 = tpu.matmul %get3A_21, %get3A_28, %dot_general3A_29 {dimension_numbers = #tpu.dot_dimension_numbers<[1], [0], [0], [1], [0, 0, 1, 1], [], []>, precision = #tpu.contract_precision<fp32>, transpose_lhs_hint = false} : vector<1000x128xf32>, vector<128x128xf32>, vector<1000x128xf32> -> vector<1000x128xf32>
    %add3A_31 = arith.addf %dot_general3A_25, %dot_general3A_30 : vector<1000x128xf32>
    %get3A_32 = arith.constant 0 : index
    %get3A_33 = arith.constant 0 : index
    %get3A_34 = vector.load %arg6[%get3A_32, %get3A_33] : memref<1x128xf32, #tpu.memory_space<vmem>>, vector<1x128xf32>
    %add3A_35 = vector.broadcast %get3A_34 : vector<1x128xf32> to vector<1000x128xf32>
    %add3A_36 = arith.addf %add3A_31, %add3A_35 : vector<1000x128xf32>
    %reduce_sum3A = arith.constant dense<0.000000e+00> : vector<1000xf32>
    %reduce_sum3A_37 = vector.multi_reduction <add>, %add3A_36, %reduce_sum3A [1] : vector<1000x128xf32> to vector<1000xf32>
    %broadcast_in_dim3A = vector.shape_cast %reduce_sum3A_37 : vector<1000xf32> to vector<1000x1xf32>
    %div3A_38 = arith.constant 1.280000e+02 : f32
    %div3A_39 = vector.broadcast %div3A_38 : f32 to vector<1000x1xf32>
    %div3A_40 = arith.divf %broadcast_in_dim3A, %div3A_39 : vector<1000x1xf32>
    %sub3A = vector.broadcast %div3A_40 : vector<1000x1xf32> to vector<1000x128xf32>
    %sub3A_41 = arith.subf %add3A_36, %sub3A : vector<1000x128xf32>
    %sub3A_42 = vector.broadcast %div3A_40 : vector<1000x1xf32> to vector<1000x128xf32>
    %sub3A_43 = arith.subf %add3A_36, %sub3A_42 : vector<1000x128xf32>
    %mul3A = arith.mulf %sub3A_41, %sub3A_43 : vector<1000x128xf32>
    %reduce_sum3A_44 = arith.constant dense<0.000000e+00> : vector<1000xf32>
    %reduce_sum3A_45 = vector.multi_reduction <add>, %mul3A, %reduce_sum3A_44 [1] : vector<1000x128xf32> to vector<1000xf32>
    %broadcast_in_dim3A_46 = vector.shape_cast %reduce_sum3A_45 : vector<1000xf32> to vector<1000x1xf32>
    %div3A_47 = arith.constant 1.280000e+02 : f32
    %div3A_48 = vector.broadcast %div3A_47 : f32 to vector<1000x1xf32>
    %div3A_49 = arith.divf %broadcast_in_dim3A_46, %div3A_48 : vector<1000x1xf32>
    %sub3A_50 = vector.broadcast %div3A_40 : vector<1000x1xf32> to vector<1000x128xf32>
    %sub3A_51 = arith.subf %add3A_36, %sub3A_50 : vector<1000x128xf32>
    %add3A_52 = arith.constant 9.99999974E-6 : f32
    %add3A_53 = vector.broadcast %add3A_52 : f32 to vector<1000x1xf32>
    %add3A_54 = arith.addf %div3A_49, %add3A_53 : vector<1000x1xf32>
    %rsqrt3A = math.rsqrt %add3A_54 : vector<1000x1xf32>
    %mul3A_55 = vector.broadcast %rsqrt3A : vector<1000x1xf32> to vector<1000x128xf32>
    %mul3A_56 = arith.mulf %sub3A_51, %mul3A_55 : vector<1000x128xf32>
    %get3A_57 = arith.constant 0 : index
    %get3A_58 = arith.constant 0 : index
    %get3A_59 = vector.load %arg7[%get3A_57, %get3A_58] : memref<1x128xf32, #tpu.memory_space<vmem>>, vector<1x128xf32>
    %mul3A_60 = vector.broadcast %get3A_59 : vector<1x128xf32> to vector<1000x128xf32>
    %mul3A_61 = arith.mulf %mul3A_56, %mul3A_60 : vector<1000x128xf32>
    %get3A_62 = arith.constant 0 : index
    %get3A_63 = arith.constant 0 : index
    %get3A_64 = vector.load %arg8[%get3A_62, %get3A_63] : memref<1x128xf32, #tpu.memory_space<vmem>>, vector<1x128xf32>
    %add3A_65 = vector.broadcast %get3A_64 : vector<1x128xf32> to vector<1000x128xf32>
    %add3A_66 = arith.addf %mul3A_61, %add3A_65 : vector<1000x128xf32>
    %max3A_67 = arith.constant 0.000000e+00 : f32
    %max3A_68 = vector.broadcast %max3A_67 : f32 to vector<1000x128xf32>
    %max3A_69 = arith.maximumf %add3A_66, %max3A_68 : vector<1000x128xf32>
    %add3A_70 = arith.addf %max3A_69, %get3A_21 : vector<1000x128xf32>
    %get3A_71 = arith.constant 1 : index
    %get3A_72 = arith.constant 0 : index
    %get3A_73 = arith.constant 0 : index
    %get3A_74 = vector.load %arg1[%get3A_71, %get3A_72, %get3A_73] : memref<4x1000x128xf32, #tpu.memory_space<vmem>>, vector<1x1000x128xf32>
    %get3A_75 = vector.shape_cast %get3A_74 : vector<1x1000x128xf32> to vector<1000x128xf32>
    %div3A_76 = vector.broadcast %max3A_10 : vector<1000x1xf32> to vector<1000x128xf32>
    %div3A_77 = arith.divf %get3A_75, %div3A_76 : vector<1000x128xf32>
    %get3A_78 = arith.constant 1 : index
    %get3A_79 = arith.constant 0 : index
    %get3A_80 = arith.constant 0 : index
    %get3A_81 = vector.load %arg2[%get3A_78, %get3A_79, %get3A_80] : memref<4x1000x128xf32, #tpu.memory_space<vmem>>, vector<1x1000x128xf32>
    %get3A_82 = vector.shape_cast %get3A_81 : vector<1x1000x128xf32> to vector<1000x128xf32>
    %get3A_83 = arith.constant 0 : index
    %get3A_84 = arith.constant 0 : index
    %get3A_85 = vector.load %arg4[%get3A_83, %get3A_84] : memref<128x128xf32, #tpu.memory_space<vmem>>, vector<128x128xf32>
    %dot_general3A_86 = arith.constant dense<0.000000e+00> : vector<1000x128xf32>
    %dot_general3A_87 = tpu.matmul %div3A_77, %get3A_85, %dot_general3A_86 {dimension_numbers = #tpu.dot_dimension_numbers<[1], [0], [0], [1], [0, 0, 1, 1], [], []>, precision = #tpu.contract_precision<fp32>, transpose_lhs_hint = false} : vector<1000x128xf32>, vector<128x128xf32>, vector<1000x128xf32> -> vector<1000x128xf32>
    %get3A_88 = arith.constant 0 : index
    %get3A_89 = arith.constant 0 : index
    %get3A_90 = vector.load %arg5[%get3A_88, %get3A_89] : memref<128x128xf32, #tpu.memory_space<vmem>>, vector<128x128xf32>
    %dot_general3A_91 = arith.constant dense<0.000000e+00> : vector<1000x128xf32>
    %dot_general3A_92 = tpu.matmul %get3A_82, %get3A_90, %dot_general3A_91 {dimension_numbers = #tpu.dot_dimension_numbers<[1], [0], [0], [1], [0, 0, 1, 1], [], []>, precision = #tpu.contract_precision<fp32>, transpose_lhs_hint = false} : vector<1000x128xf32>, vector<128x128xf32>, vector<1000x128xf32> -> vector<1000x128xf32>
    %add3A_93 = arith.addf %dot_general3A_87, %dot_general3A_92 : vector<1000x128xf32>
    %get3A_94 = arith.constant 0 : index
    %get3A_95 = arith.constant 0 : index
    %get3A_96 = vector.load %arg6[%get3A_94, %get3A_95] : memref<1x128xf32, #tpu.memory_space<vmem>>, vector<1x128xf32>
    %add3A_97 = vector.broadcast %get3A_96 : vector<1x128xf32> to vector<1000x128xf32>
    %add3A_98 = arith.addf %add3A_93, %add3A_97 : vector<1000x128xf32>
    %reduce_sum3A_99 = arith.constant dense<0.000000e+00> : vector<1000xf32>
    %reduce_sum3A_100 = vector.multi_reduction <add>, %add3A_98, %reduce_sum3A_99 [1] : vector<1000x128xf32> to vector<1000xf32>
    %broadcast_in_dim3A_101 = vector.shape_cast %reduce_sum3A_100 : vector<1000xf32> to vector<1000x1xf32>
    %div3A_102 = arith.constant 1.280000e+02 : f32
    %div3A_103 = vector.broadcast %div3A_102 : f32 to vector<1000x1xf32>
    %div3A_104 = arith.divf %broadcast_in_dim3A_101, %div3A_103 : vector<1000x1xf32>
    %sub3A_105 = vector.broadcast %div3A_104 : vector<1000x1xf32> to vector<1000x128xf32>
    %sub3A_106 = arith.subf %add3A_98, %sub3A_105 : vector<1000x128xf32>
    %sub3A_107 = vector.broadcast %div3A_104 : vector<1000x1xf32> to vector<1000x128xf32>
    %sub3A_108 = arith.subf %add3A_98, %sub3A_107 : vector<1000x128xf32>
    %mul3A_109 = arith.mulf %sub3A_106, %sub3A_108 : vector<1000x128xf32>
    %reduce_sum3A_110 = arith.constant dense<0.000000e+00> : vector<1000xf32>
    %reduce_sum3A_111 = vector.multi_reduction <add>, %mul3A_109, %reduce_sum3A_110 [1] : vector<1000x128xf32> to vector<1000xf32>
    %broadcast_in_dim3A_112 = vector.shape_cast %reduce_sum3A_111 : vector<1000xf32> to vector<1000x1xf32>
    %div3A_113 = arith.constant 1.280000e+02 : f32
    %div3A_114 = vector.broadcast %div3A_113 : f32 to vector<1000x1xf32>
    %div3A_115 = arith.divf %broadcast_in_dim3A_112, %div3A_114 : vector<1000x1xf32>
    %sub3A_116 = vector.broadcast %div3A_104 : vector<1000x1xf32> to vector<1000x128xf32>
    %sub3A_117 = arith.subf %add3A_98, %sub3A_116 : vector<1000x128xf32>
    %add3A_118 = arith.constant 9.99999974E-6 : f32
    %add3A_119 = vector.broadcast %add3A_118 : f32 to vector<1000x1xf32>
    %add3A_120 = arith.addf %div3A_115, %add3A_119 : vector<1000x1xf32>
    %rsqrt3A_121 = math.rsqrt %add3A_120 : vector<1000x1xf32>
    %mul3A_122 = vector.broadcast %rsqrt3A_121 : vector<1000x1xf32> to vector<1000x128xf32>
    %mul3A_123 = arith.mulf %sub3A_117, %mul3A_122 : vector<1000x128xf32>
    %get3A_124 = arith.constant 0 : index
    %get3A_125 = arith.constant 0 : index
    %get3A_126 = vector.load %arg7[%get3A_124, %get3A_125] : memref<1x128xf32, #tpu.memory_space<vmem>>, vector<1x128xf32>
    %mul3A_127 = vector.broadcast %get3A_126 : vector<1x128xf32> to vector<1000x128xf32>
    %mul3A_128 = arith.mulf %mul3A_123, %mul3A_127 : vector<1000x128xf32>
    %get3A_129 = arith.constant 0 : index
    %get3A_130 = arith.constant 0 : index
    %get3A_131 = vector.load %arg8[%get3A_129, %get3A_130] : memref<1x128xf32, #tpu.memory_space<vmem>>, vector<1x128xf32>
    %add3A_132 = vector.broadcast %get3A_131 : vector<1x128xf32> to vector<1000x128xf32>
    %add3A_133 = arith.addf %mul3A_128, %add3A_132 : vector<1000x128xf32>
    %max3A_134 = arith.constant 0.000000e+00 : f32
    %max3A_135 = vector.broadcast %max3A_134 : f32 to vector<1000x128xf32>
    %max3A_136 = arith.maximumf %add3A_133, %max3A_135 : vector<1000x128xf32>
    %add3A_137 = arith.addf %max3A_136, %get3A_82 : vector<1000x128xf32>
    %get3A_138 = arith.constant 2 : index
    %get3A_139 = arith.constant 0 : index
    %get3A_140 = arith.constant 0 : index
    %get3A_141 = vector.load %arg1[%get3A_138, %get3A_139, %get3A_140] : memref<4x1000x128xf32, #tpu.memory_space<vmem>>, vector<1x1000x128xf32>
    %get3A_142 = vector.shape_cast %get3A_141 : vector<1x1000x128xf32> to vector<1000x128xf32>
    %div3A_143 = vector.broadcast %max3A_10 : vector<1000x1xf32> to vector<1000x128xf32>
    %div3A_144 = arith.divf %get3A_142, %div3A_143 : vector<1000x128xf32>
    %get3A_145 = arith.constant 2 : index
    %get3A_146 = arith.constant 0 : index
    %get3A_147 = arith.constant 0 : index
    %get3A_148 = vector.load %arg2[%get3A_145, %get3A_146, %get3A_147] : memref<4x1000x128xf32, #tpu.memory_space<vmem>>, vector<1x1000x128xf32>
    %get3A_149 = vector.shape_cast %get3A_148 : vector<1x1000x128xf32> to vector<1000x128xf32>
    %get3A_150 = arith.constant 0 : index
    %get3A_151 = arith.constant 0 : index
    %get3A_152 = vector.load %arg4[%get3A_150, %get3A_151] : memref<128x128xf32, #tpu.memory_space<vmem>>, vector<128x128xf32>
    %dot_general3A_153 = arith.constant dense<0.000000e+00> : vector<1000x128xf32>
    %dot_general3A_154 = tpu.matmul %div3A_144, %get3A_152, %dot_general3A_153 {dimension_numbers = #tpu.dot_dimension_numbers<[1], [0], [0], [1], [0, 0, 1, 1], [], []>, precision = #tpu.contract_precision<fp32>, transpose_lhs_hint = false} : vector<1000x128xf32>, vector<128x128xf32>, vector<1000x128xf32> -> vector<1000x128xf32>
    %get3A_155 = arith.constant 0 : index
    %get3A_156 = arith.constant 0 : index
    %get3A_157 = vector.load %arg5[%get3A_155, %get3A_156] : memref<128x128xf32, #tpu.memory_space<vmem>>, vector<128x128xf32>
    %dot_general3A_158 = arith.constant dense<0.000000e+00> : vector<1000x128xf32>
    %dot_general3A_159 = tpu.matmul %get3A_149, %get3A_157, %dot_general3A_158 {dimension_numbers = #tpu.dot_dimension_numbers<[1], [0], [0], [1], [0, 0, 1, 1], [], []>, precision = #tpu.contract_precision<fp32>, transpose_lhs_hint = false} : vector<1000x128xf32>, vector<128x128xf32>, vector<1000x128xf32> -> vector<1000x128xf32>
    %add3A_160 = arith.addf %dot_general3A_154, %dot_general3A_159 : vector<1000x128xf32>
    %get3A_161 = arith.constant 0 : index
    %get3A_162 = arith.constant 0 : index
    %get3A_163 = vector.load %arg6[%get3A_161, %get3A_162] : memref<1x128xf32, #tpu.memory_space<vmem>>, vector<1x128xf32>
    %add3A_164 = vector.broadcast %get3A_163 : vector<1x128xf32> to vector<1000x128xf32>
    %add3A_165 = arith.addf %add3A_160, %add3A_164 : vector<1000x128xf32>
    %reduce_sum3A_166 = arith.constant dense<0.000000e+00> : vector<1000xf32>
    %reduce_sum3A_167 = vector.multi_reduction <add>, %add3A_165, %reduce_sum3A_166 [1] : vector<1000x128xf32> to vector<1000xf32>
    %broadcast_in_dim3A_168 = vector.shape_cast %reduce_sum3A_167 : vector<1000xf32> to vector<1000x1xf32>
    %div3A_169 = arith.constant 1.280000e+02 : f32
    %div3A_170 = vector.broadcast %div3A_169 : f32 to vector<1000x1xf32>
    %div3A_171 = arith.divf %broadcast_in_dim3A_168, %div3A_170 : vector<1000x1xf32>
    %sub3A_172 = vector.broadcast %div3A_171 : vector<1000x1xf32> to vector<1000x128xf32>
    %sub3A_173 = arith.subf %add3A_165, %sub3A_172 : vector<1000x128xf32>
    %sub3A_174 = vector.broadcast %div3A_171 : vector<1000x1xf32> to vector<1000x128xf32>
    %sub3A_175 = arith.subf %add3A_165, %sub3A_174 : vector<1000x128xf32>
    %mul3A_176 = arith.mulf %sub3A_173, %sub3A_175 : vector<1000x128xf32>
    %reduce_sum3A_177 = arith.constant dense<0.000000e+00> : vector<1000xf32>
    %reduce_sum3A_178 = vector.multi_reduction <add>, %mul3A_176, %reduce_sum3A_177 [1] : vector<1000x128xf32> to vector<1000xf32>
    %broadcast_in_dim3A_179 = vector.shape_cast %reduce_sum3A_178 : vector<1000xf32> to vector<1000x1xf32>
    %div3A_180 = arith.constant 1.280000e+02 : f32
    %div3A_181 = vector.broadcast %div3A_180 : f32 to vector<1000x1xf32>
    %div3A_182 = arith.divf %broadcast_in_dim3A_179, %div3A_181 : vector<1000x1xf32>
    %sub3A_183 = vector.broadcast %div3A_171 : vector<1000x1xf32> to vector<1000x128xf32>
    %sub3A_184 = arith.subf %add3A_165, %sub3A_183 : vector<1000x128xf32>
    %add3A_185 = arith.constant 9.99999974E-6 : f32
    %add3A_186 = vector.broadcast %add3A_185 : f32 to vector<1000x1xf32>
    %add3A_187 = arith.addf %div3A_182, %add3A_186 : vector<1000x1xf32>
    %rsqrt3A_188 = math.rsqrt %add3A_187 : vector<1000x1xf32>
    %mul3A_189 = vector.broadcast %rsqrt3A_188 : vector<1000x1xf32> to vector<1000x128xf32>
    %mul3A_190 = arith.mulf %sub3A_184, %mul3A_189 : vector<1000x128xf32>
    %get3A_191 = arith.constant 0 : index
    %get3A_192 = arith.constant 0 : index
    %get3A_193 = vector.load %arg7[%get3A_191, %get3A_192] : memref<1x128xf32, #tpu.memory_space<vmem>>, vector<1x128xf32>
    %mul3A_194 = vector.broadcast %get3A_193 : vector<1x128xf32> to vector<1000x128xf32>
    %mul3A_195 = arith.mulf %mul3A_190, %mul3A_194 : vector<1000x128xf32>
    %get3A_196 = arith.constant 0 : index
    %get3A_197 = arith.constant 0 : index
    %get3A_198 = vector.load %arg8[%get3A_196, %get3A_197] : memref<1x128xf32, #tpu.memory_space<vmem>>, vector<1x128xf32>
    %add3A_199 = vector.broadcast %get3A_198 : vector<1x128xf32> to vector<1000x128xf32>
    %add3A_200 = arith.addf %mul3A_195, %add3A_199 : vector<1000x128xf32>
    %max3A_201 = arith.constant 0.000000e+00 : f32
    %max3A_202 = vector.broadcast %max3A_201 : f32 to vector<1000x128xf32>
    %max3A_203 = arith.maximumf %add3A_200, %max3A_202 : vector<1000x128xf32>
    %add3A_204 = arith.addf %max3A_203, %get3A_149 : vector<1000x128xf32>
    %get3A_205 = arith.constant 3 : index
    %get3A_206 = arith.constant 0 : index
    %get3A_207 = arith.constant 0 : index
    %get3A_208 = vector.load %arg1[%get3A_205, %get3A_206, %get3A_207] : memref<4x1000x128xf32, #tpu.memory_space<vmem>>, vector<1x1000x128xf32>
    %get3A_209 = vector.shape_cast %get3A_208 : vector<1x1000x128xf32> to vector<1000x128xf32>
    %div3A_210 = vector.broadcast %max3A_10 : vector<1000x1xf32> to vector<1000x128xf32>
    %div3A_211 = arith.divf %get3A_209, %div3A_210 : vector<1000x128xf32>
    %get3A_212 = arith.constant 3 : index
    %get3A_213 = arith.constant 0 : index
    %get3A_214 = arith.constant 0 : index
    %get3A_215 = vector.load %arg2[%get3A_212, %get3A_213, %get3A_214] : memref<4x1000x128xf32, #tpu.memory_space<vmem>>, vector<1x1000x128xf32>
    %get3A_216 = vector.shape_cast %get3A_215 : vector<1x1000x128xf32> to vector<1000x128xf32>
    %get3A_217 = arith.constant 0 : index
    %get3A_218 = arith.constant 0 : index
    %get3A_219 = vector.load %arg4[%get3A_217, %get3A_218] : memref<128x128xf32, #tpu.memory_space<vmem>>, vector<128x128xf32>
    %dot_general3A_220 = arith.constant dense<0.000000e+00> : vector<1000x128xf32>
    %dot_general3A_221 = tpu.matmul %div3A_211, %get3A_219, %dot_general3A_220 {dimension_numbers = #tpu.dot_dimension_numbers<[1], [0], [0], [1], [0, 0, 1, 1], [], []>, precision = #tpu.contract_precision<fp32>, transpose_lhs_hint = false} : vector<1000x128xf32>, vector<128x128xf32>, vector<1000x128xf32> -> vector<1000x128xf32>
    %get3A_222 = arith.constant 0 : index
    %get3A_223 = arith.constant 0 : index
    %get3A_224 = vector.load %arg5[%get3A_222, %get3A_223] : memref<128x128xf32, #tpu.memory_space<vmem>>, vector<128x128xf32>
    %dot_general3A_225 = arith.constant dense<0.000000e+00> : vector<1000x128xf32>
    %dot_general3A_226 = tpu.matmul %get3A_216, %get3A_224, %dot_general3A_225 {dimension_numbers = #tpu.dot_dimension_numbers<[1], [0], [0], [1], [0, 0, 1, 1], [], []>, precision = #tpu.contract_precision<fp32>, transpose_lhs_hint = false} : vector<1000x128xf32>, vector<128x128xf32>, vector<1000x128xf32> -> vector<1000x128xf32>
    %add3A_227 = arith.addf %dot_general3A_221, %dot_general3A_226 : vector<1000x128xf32>
    %get3A_228 = arith.constant 0 : index
    %get3A_229 = arith.constant 0 : index
    %get3A_230 = vector.load %arg6[%get3A_228, %get3A_229] : memref<1x128xf32, #tpu.memory_space<vmem>>, vector<1x128xf32>
    %add3A_231 = vector.broadcast %get3A_230 : vector<1x128xf32> to vector<1000x128xf32>
    %add3A_232 = arith.addf %add3A_227, %add3A_231 : vector<1000x128xf32>
    %reduce_sum3A_233 = arith.constant dense<0.000000e+00> : vector<1000xf32>
    %reduce_sum3A_234 = vector.multi_reduction <add>, %add3A_232, %reduce_sum3A_233 [1] : vector<1000x128xf32> to vector<1000xf32>
    %broadcast_in_dim3A_235 = vector.shape_cast %reduce_sum3A_234 : vector<1000xf32> to vector<1000x1xf32>
    %div3A_236 = arith.constant 1.280000e+02 : f32
    %div3A_237 = vector.broadcast %div3A_236 : f32 to vector<1000x1xf32>
    %div3A_238 = arith.divf %broadcast_in_dim3A_235, %div3A_237 : vector<1000x1xf32>
    %sub3A_239 = vector.broadcast %div3A_238 : vector<1000x1xf32> to vector<1000x128xf32>
    %sub3A_240 = arith.subf %add3A_232, %sub3A_239 : vector<1000x128xf32>
    %sub3A_241 = vector.broadcast %div3A_238 : vector<1000x1xf32> to vector<1000x128xf32>
    %sub3A_242 = arith.subf %add3A_232, %sub3A_241 : vector<1000x128xf32>
    %mul3A_243 = arith.mulf %sub3A_240, %sub3A_242 : vector<1000x128xf32>
    %reduce_sum3A_244 = arith.constant dense<0.000000e+00> : vector<1000xf32>
    %reduce_sum3A_245 = vector.multi_reduction <add>, %mul3A_243, %reduce_sum3A_244 [1] : vector<1000x128xf32> to vector<1000xf32>
    %broadcast_in_dim3A_246 = vector.shape_cast %reduce_sum3A_245 : vector<1000xf32> to vector<1000x1xf32>
    %div3A_247 = arith.constant 1.280000e+02 : f32
    %div3A_248 = vector.broadcast %div3A_247 : f32 to vector<1000x1xf32>
    %div3A_249 = arith.divf %broadcast_in_dim3A_246, %div3A_248 : vector<1000x1xf32>
    %sub3A_250 = vector.broadcast %div3A_238 : vector<1000x1xf32> to vector<1000x128xf32>
    %sub3A_251 = arith.subf %add3A_232, %sub3A_250 : vector<1000x128xf32>
    %add3A_252 = arith.constant 9.99999974E-6 : f32
    %add3A_253 = vector.broadcast %add3A_252 : f32 to vector<1000x1xf32>
    %add3A_254 = arith.addf %div3A_249, %add3A_253 : vector<1000x1xf32>
    %rsqrt3A_255 = math.rsqrt %add3A_254 : vector<1000x1xf32>
    %mul3A_256 = vector.broadcast %rsqrt3A_255 : vector<1000x1xf32> to vector<1000x128xf32>
    %mul3A_257 = arith.mulf %sub3A_251, %mul3A_256 : vector<1000x128xf32>
    %get3A_258 = arith.constant 0 : index
    %get3A_259 = arith.constant 0 : index
    %get3A_260 = vector.load %arg7[%get3A_258, %get3A_259] : memref<1x128xf32, #tpu.memory_space<vmem>>, vector<1x128xf32>
    %mul3A_261 = vector.broadcast %get3A_260 : vector<1x128xf32> to vector<1000x128xf32>
    %mul3A_262 = arith.mulf %mul3A_257, %mul3A_261 : vector<1000x128xf32>
    %get3A_263 = arith.constant 0 : index
    %get3A_264 = arith.constant 0 : index
    %get3A_265 = vector.load %arg8[%get3A_263, %get3A_264] : memref<1x128xf32, #tpu.memory_space<vmem>>, vector<1x128xf32>
    %add3A_266 = vector.broadcast %get3A_265 : vector<1x128xf32> to vector<1000x128xf32>
    %add3A_267 = arith.addf %mul3A_262, %add3A_266 : vector<1000x128xf32>
    %max3A_268 = arith.constant 0.000000e+00 : f32
    %max3A_269 = vector.broadcast %max3A_268 : f32 to vector<1000x128xf32>
    %max3A_270 = arith.maximumf %add3A_267, %max3A_269 : vector<1000x128xf32>
    %add3A_271 = arith.addf %max3A_270, %get3A_216 : vector<1000x128xf32>
    %broadcast_in_dim3A_272 = arith.constant 0.000000e+00 : f32
    %broadcast_in_dim3A_273 = vector.broadcast %broadcast_in_dim3A_272 : f32 to vector<1000x128xf32>
    %get3A_274 = arith.constant 0 : index
    %get3A_275 = arith.constant 0 : index
    %get3A_276 = vector.load %arg9[%get3A_274, %get3A_275] : memref<128x384xf32, #tpu.memory_space<vmem>>, vector<128x384xf32>
    %dot_general3A_277 = arith.constant dense<0.000000e+00> : vector<1000x384xf32>
    %dot_general3A_278 = tpu.matmul %add3A_70, %get3A_276, %dot_general3A_277 {dimension_numbers = #tpu.dot_dimension_numbers<[1], [0], [0], [1], [0, 0, 1, 1], [], []>, precision = #tpu.contract_precision<fp32>, transpose_lhs_hint = false} : vector<1000x128xf32>, vector<128x384xf32>, vector<1000x384xf32> -> vector<1000x384xf32>
    %get3A_279 = arith.constant 0 : index
    %get3A_280 = arith.constant 0 : index
    %get3A_281 = vector.load %arg11[%get3A_279, %get3A_280] : memref<1x384xf32, #tpu.memory_space<vmem>>, vector<1x384xf32>
    %add3A_282 = vector.broadcast %get3A_281 : vector<1x384xf32> to vector<1000x384xf32>
    %add3A_283 = arith.addf %dot_general3A_278, %add3A_282 : vector<1000x384xf32>
    %get3A_284 = arith.constant 0 : index
    %get3A_285 = arith.constant 0 : index
    %get3A_286 = vector.load %arg10[%get3A_284, %get3A_285] : memref<128x384xf32, #tpu.memory_space<vmem>>, vector<128x384xf32>
    %dot_general3A_287 = arith.constant dense<0.000000e+00> : vector<1000x384xf32>
    %dot_general3A_288 = tpu.matmul %broadcast_in_dim3A_273, %get3A_286, %dot_general3A_287 {dimension_numbers = #tpu.dot_dimension_numbers<[1], [0], [0], [1], [0, 0, 1, 1], [], []>, precision = #tpu.contract_precision<fp32>, transpose_lhs_hint = false} : vector<1000x128xf32>, vector<128x384xf32>, vector<1000x384xf32> -> vector<1000x384xf32>
    %get3A_289 = arith.constant 0 : index
    %get3A_290 = arith.constant 0 : index
    %get3A_291 = vector.load %arg12[%get3A_289, %get3A_290] : memref<1x384xf32, #tpu.memory_space<vmem>>, vector<1x384xf32>
    %add3A_292 = vector.broadcast %get3A_291 : vector<1x384xf32> to vector<1000x384xf32>
    %add3A_293 = arith.addf %dot_general3A_288, %add3A_292 : vector<1000x384xf32>
    %slice3A = vector.extract_strided_slice %add3A_283 {offsets = [0, 0], sizes = [1000, 128], strides = [1, 1]} : vector<1000x384xf32> to vector<1000x128xf32>
    %slice3A_294 = vector.extract_strided_slice %add3A_293 {offsets = [0, 0], sizes = [1000, 128], strides = [1, 1]} : vector<1000x384xf32> to vector<1000x128xf32>
    %add3A_295 = arith.addf %slice3A, %slice3A_294 : vector<1000x128xf32>
    %logistic3A = arith.negf %add3A_295 : vector<1000x128xf32>
    %logistic3A_296 = math.exp %logistic3A : vector<1000x128xf32>
    %logistic3A_297 = arith.constant 1.000000e+00 : f32
    %logistic3A_298 = vector.broadcast %logistic3A_297 : f32 to vector<1000x128xf32>
    %logistic3A_299 = arith.addf %logistic3A_298, %logistic3A_296 : vector<1000x128xf32>
    %logistic3A_300 = arith.divf %logistic3A_298, %logistic3A_299 : vector<1000x128xf32>
    %slice3A_301 = vector.extract_strided_slice %add3A_283 {offsets = [0, 128], sizes = [1000, 128], strides = [1, 1]} : vector<1000x384xf32> to vector<1000x128xf32>
    %slice3A_302 = vector.extract_strided_slice %add3A_293 {offsets = [0, 128], sizes = [1000, 128], strides = [1, 1]} : vector<1000x384xf32> to vector<1000x128xf32>
    %add3A_303 = arith.addf %slice3A_301, %slice3A_302 : vector<1000x128xf32>
    %logistic3A_304 = arith.negf %add3A_303 : vector<1000x128xf32>
    %logistic3A_305 = math.exp %logistic3A_304 : vector<1000x128xf32>
    %logistic3A_306 = arith.constant 1.000000e+00 : f32
    %logistic3A_307 = vector.broadcast %logistic3A_306 : f32 to vector<1000x128xf32>
    %logistic3A_308 = arith.addf %logistic3A_307, %logistic3A_305 : vector<1000x128xf32>
    %logistic3A_309 = arith.divf %logistic3A_307, %logistic3A_308 : vector<1000x128xf32>
    %slice3A_310 = vector.extract_strided_slice %add3A_283 {offsets = [0, 256], sizes = [1000, 128], strides = [1, 1]} : vector<1000x384xf32> to vector<1000x128xf32>
    %slice3A_311 = vector.extract_strided_slice %add3A_293 {offsets = [0, 256], sizes = [1000, 128], strides = [1, 1]} : vector<1000x384xf32> to vector<1000x128xf32>
    %mul3A_312 = arith.mulf %logistic3A_300, %slice3A_311 : vector<1000x128xf32>
    %add3A_313 = arith.addf %slice3A_310, %mul3A_312 : vector<1000x128xf32>
    %tanh3A = math.tanh %add3A_313 : vector<1000x128xf32>
    %sub3A_314 = arith.constant 1.000000e+00 : f32
    %sub3A_315 = vector.broadcast %sub3A_314 : f32 to vector<1000x128xf32>
    %sub3A_316 = arith.subf %sub3A_315, %logistic3A_309 : vector<1000x128xf32>
    %mul3A_317 = arith.mulf %sub3A_316, %tanh3A : vector<1000x128xf32>
    %mul3A_318 = arith.mulf %logistic3A_309, %broadcast_in_dim3A_273 : vector<1000x128xf32>
    %add3A_319 = arith.addf %mul3A_317, %mul3A_318 : vector<1000x128xf32>
    %get3A_320 = arith.constant 0 : index
    %get3A_321 = arith.constant 0 : index
    %get3A_322 = vector.load %arg9[%get3A_320, %get3A_321] : memref<128x384xf32, #tpu.memory_space<vmem>>, vector<128x384xf32>
    %dot_general3A_323 = arith.constant dense<0.000000e+00> : vector<1000x384xf32>
    %dot_general3A_324 = tpu.matmul %add3A_137, %get3A_322, %dot_general3A_323 {dimension_numbers = #tpu.dot_dimension_numbers<[1], [0], [0], [1], [0, 0, 1, 1], [], []>, precision = #tpu.contract_precision<fp32>, transpose_lhs_hint = false} : vector<1000x128xf32>, vector<128x384xf32>, vector<1000x384xf32> -> vector<1000x384xf32>
    %get3A_325 = arith.constant 0 : index
    %get3A_326 = arith.constant 0 : index
    %get3A_327 = vector.load %arg11[%get3A_325, %get3A_326] : memref<1x384xf32, #tpu.memory_space<vmem>>, vector<1x384xf32>
    %add3A_328 = vector.broadcast %get3A_327 : vector<1x384xf32> to vector<1000x384xf32>
    %add3A_329 = arith.addf %dot_general3A_324, %add3A_328 : vector<1000x384xf32>
    %get3A_330 = arith.constant 0 : index
    %get3A_331 = arith.constant 0 : index
    %get3A_332 = vector.load %arg10[%get3A_330, %get3A_331] : memref<128x384xf32, #tpu.memory_space<vmem>>, vector<128x384xf32>
    %dot_general3A_333 = arith.constant dense<0.000000e+00> : vector<1000x384xf32>
    %dot_general3A_334 = tpu.matmul %add3A_319, %get3A_332, %dot_general3A_333 {dimension_numbers = #tpu.dot_dimension_numbers<[1], [0], [0], [1], [0, 0, 1, 1], [], []>, precision = #tpu.contract_precision<fp32>, transpose_lhs_hint = false} : vector<1000x128xf32>, vector<128x384xf32>, vector<1000x384xf32> -> vector<1000x384xf32>
    %get3A_335 = arith.constant 0 : index
    %get3A_336 = arith.constant 0 : index
    %get3A_337 = vector.load %arg12[%get3A_335, %get3A_336] : memref<1x384xf32, #tpu.memory_space<vmem>>, vector<1x384xf32>
    %add3A_338 = vector.broadcast %get3A_337 : vector<1x384xf32> to vector<1000x384xf32>
    %add3A_339 = arith.addf %dot_general3A_334, %add3A_338 : vector<1000x384xf32>
    %slice3A_340 = vector.extract_strided_slice %add3A_329 {offsets = [0, 0], sizes = [1000, 128], strides = [1, 1]} : vector<1000x384xf32> to vector<1000x128xf32>
    %slice3A_341 = vector.extract_strided_slice %add3A_339 {offsets = [0, 0], sizes = [1000, 128], strides = [1, 1]} : vector<1000x384xf32> to vector<1000x128xf32>
    %add3A_342 = arith.addf %slice3A_340, %slice3A_341 : vector<1000x128xf32>
    %logistic3A_343 = arith.negf %add3A_342 : vector<1000x128xf32>
    %logistic3A_344 = math.exp %logistic3A_343 : vector<1000x128xf32>
    %logistic3A_345 = arith.constant 1.000000e+00 : f32
    %logistic3A_346 = vector.broadcast %logistic3A_345 : f32 to vector<1000x128xf32>
    %logistic3A_347 = arith.addf %logistic3A_346, %logistic3A_344 : vector<1000x128xf32>
    %logistic3A_348 = arith.divf %logistic3A_346, %logistic3A_347 : vector<1000x128xf32>
    %slice3A_349 = vector.extract_strided_slice %add3A_329 {offsets = [0, 128], sizes = [1000, 128], strides = [1, 1]} : vector<1000x384xf32> to vector<1000x128xf32>
    %slice3A_350 = vector.extract_strided_slice %add3A_339 {offsets = [0, 128], sizes = [1000, 128], strides = [1, 1]} : vector<1000x384xf32> to vector<1000x128xf32>
    %add3A_351 = arith.addf %slice3A_349, %slice3A_350 : vector<1000x128xf32>
    %logistic3A_352 = arith.negf %add3A_351 : vector<1000x128xf32>
    %logistic3A_353 = math.exp %logistic3A_352 : vector<1000x128xf32>
    %logistic3A_354 = arith.constant 1.000000e+00 : f32
    %logistic3A_355 = vector.broadcast %logistic3A_354 : f32 to vector<1000x128xf32>
    %logistic3A_356 = arith.addf %logistic3A_355, %logistic3A_353 : vector<1000x128xf32>
    %logistic3A_357 = arith.divf %logistic3A_355, %logistic3A_356 : vector<1000x128xf32>
    %slice3A_358 = vector.extract_strided_slice %add3A_329 {offsets = [0, 256], sizes = [1000, 128], strides = [1, 1]} : vector<1000x384xf32> to vector<1000x128xf32>
    %slice3A_359 = vector.extract_strided_slice %add3A_339 {offsets = [0, 256], sizes = [1000, 128], strides = [1, 1]} : vector<1000x384xf32> to vector<1000x128xf32>
    %mul3A_360 = arith.mulf %logistic3A_348, %slice3A_359 : vector<1000x128xf32>
    %add3A_361 = arith.addf %slice3A_358, %mul3A_360 : vector<1000x128xf32>
    %tanh3A_362 = math.tanh %add3A_361 : vector<1000x128xf32>
    %sub3A_363 = arith.constant 1.000000e+00 : f32
    %sub3A_364 = vector.broadcast %sub3A_363 : f32 to vector<1000x128xf32>
    %sub3A_365 = arith.subf %sub3A_364, %logistic3A_357 : vector<1000x128xf32>
    %mul3A_366 = arith.mulf %sub3A_365, %tanh3A_362 : vector<1000x128xf32>
    %mul3A_367 = arith.mulf %logistic3A_357, %add3A_319 : vector<1000x128xf32>
    %add3A_368 = arith.addf %mul3A_366, %mul3A_367 : vector<1000x128xf32>
    %get3A_369 = arith.constant 0 : index
    %get3A_370 = arith.constant 0 : index
    %get3A_371 = vector.load %arg9[%get3A_369, %get3A_370] : memref<128x384xf32, #tpu.memory_space<vmem>>, vector<128x384xf32>
    %dot_general3A_372 = arith.constant dense<0.000000e+00> : vector<1000x384xf32>
    %dot_general3A_373 = tpu.matmul %add3A_204, %get3A_371, %dot_general3A_372 {dimension_numbers = #tpu.dot_dimension_numbers<[1], [0], [0], [1], [0, 0, 1, 1], [], []>, precision = #tpu.contract_precision<fp32>, transpose_lhs_hint = false} : vector<1000x128xf32>, vector<128x384xf32>, vector<1000x384xf32> -> vector<1000x384xf32>
    %get3A_374 = arith.constant 0 : index
    %get3A_375 = arith.constant 0 : index
    %get3A_376 = vector.load %arg11[%get3A_374, %get3A_375] : memref<1x384xf32, #tpu.memory_space<vmem>>, vector<1x384xf32>
    %add3A_377 = vector.broadcast %get3A_376 : vector<1x384xf32> to vector<1000x384xf32>
    %add3A_378 = arith.addf %dot_general3A_373, %add3A_377 : vector<1000x384xf32>
    %get3A_379 = arith.constant 0 : index
    %get3A_380 = arith.constant 0 : index
    %get3A_381 = vector.load %arg10[%get3A_379, %get3A_380] : memref<128x384xf32, #tpu.memory_space<vmem>>, vector<128x384xf32>
    %dot_general3A_382 = arith.constant dense<0.000000e+00> : vector<1000x384xf32>
    %dot_general3A_383 = tpu.matmul %add3A_368, %get3A_381, %dot_general3A_382 {dimension_numbers = #tpu.dot_dimension_numbers<[1], [0], [0], [1], [0, 0, 1, 1], [], []>, precision = #tpu.contract_precision<fp32>, transpose_lhs_hint = false} : vector<1000x128xf32>, vector<128x384xf32>, vector<1000x384xf32> -> vector<1000x384xf32>
    %get3A_384 = arith.constant 0 : index
    %get3A_385 = arith.constant 0 : index
    %get3A_386 = vector.load %arg12[%get3A_384, %get3A_385] : memref<1x384xf32, #tpu.memory_space<vmem>>, vector<1x384xf32>
    %add3A_387 = vector.broadcast %get3A_386 : vector<1x384xf32> to vector<1000x384xf32>
    %add3A_388 = arith.addf %dot_general3A_383, %add3A_387 : vector<1000x384xf32>
    %slice3A_389 = vector.extract_strided_slice %add3A_378 {offsets = [0, 0], sizes = [1000, 128], strides = [1, 1]} : vector<1000x384xf32> to vector<1000x128xf32>
    %slice3A_390 = vector.extract_strided_slice %add3A_388 {offsets = [0, 0], sizes = [1000, 128], strides = [1, 1]} : vector<1000x384xf32> to vector<1000x128xf32>
    %add3A_391 = arith.addf %slice3A_389, %slice3A_390 : vector<1000x128xf32>
    %logistic3A_392 = arith.negf %add3A_391 : vector<1000x128xf32>
    %logistic3A_393 = math.exp %logistic3A_392 : vector<1000x128xf32>
    %logistic3A_394 = arith.constant 1.000000e+00 : f32
    %logistic3A_395 = vector.broadcast %logistic3A_394 : f32 to vector<1000x128xf32>
    %logistic3A_396 = arith.addf %logistic3A_395, %logistic3A_393 : vector<1000x128xf32>
    %logistic3A_397 = arith.divf %logistic3A_395, %logistic3A_396 : vector<1000x128xf32>
    %slice3A_398 = vector.extract_strided_slice %add3A_378 {offsets = [0, 128], sizes = [1000, 128], strides = [1, 1]} : vector<1000x384xf32> to vector<1000x128xf32>
    %slice3A_399 = vector.extract_strided_slice %add3A_388 {offsets = [0, 128], sizes = [1000, 128], strides = [1, 1]} : vector<1000x384xf32> to vector<1000x128xf32>
    %add3A_400 = arith.addf %slice3A_398, %slice3A_399 : vector<1000x128xf32>
    %logistic3A_401 = arith.negf %add3A_400 : vector<1000x128xf32>
    %logistic3A_402 = math.exp %logistic3A_401 : vector<1000x128xf32>
    %logistic3A_403 = arith.constant 1.000000e+00 : f32
    %logistic3A_404 = vector.broadcast %logistic3A_403 : f32 to vector<1000x128xf32>
    %logistic3A_405 = arith.addf %logistic3A_404, %logistic3A_402 : vector<1000x128xf32>
    %logistic3A_406 = arith.divf %logistic3A_404, %logistic3A_405 : vector<1000x128xf32>
    %slice3A_407 = vector.extract_strided_slice %add3A_378 {offsets = [0, 256], sizes = [1000, 128], strides = [1, 1]} : vector<1000x384xf32> to vector<1000x128xf32>
    %slice3A_408 = vector.extract_strided_slice %add3A_388 {offsets = [0, 256], sizes = [1000, 128], strides = [1, 1]} : vector<1000x384xf32> to vector<1000x128xf32>
    %mul3A_409 = arith.mulf %logistic3A_397, %slice3A_408 : vector<1000x128xf32>
    %add3A_410 = arith.addf %slice3A_407, %mul3A_409 : vector<1000x128xf32>
    %tanh3A_411 = math.tanh %add3A_410 : vector<1000x128xf32>
    %sub3A_412 = arith.constant 1.000000e+00 : f32
    %sub3A_413 = vector.broadcast %sub3A_412 : f32 to vector<1000x128xf32>
    %sub3A_414 = arith.subf %sub3A_413, %logistic3A_406 : vector<1000x128xf32>
    %mul3A_415 = arith.mulf %sub3A_414, %tanh3A_411 : vector<1000x128xf32>
    %mul3A_416 = arith.mulf %logistic3A_406, %add3A_368 : vector<1000x128xf32>
    %add3A_417 = arith.addf %mul3A_415, %mul3A_416 : vector<1000x128xf32>
    %get3A_418 = arith.constant 0 : index
    %get3A_419 = arith.constant 0 : index
    %get3A_420 = vector.load %arg9[%get3A_418, %get3A_419] : memref<128x384xf32, #tpu.memory_space<vmem>>, vector<128x384xf32>
    %dot_general3A_421 = arith.constant dense<0.000000e+00> : vector<1000x384xf32>
    %dot_general3A_422 = tpu.matmul %add3A_271, %get3A_420, %dot_general3A_421 {dimension_numbers = #tpu.dot_dimension_numbers<[1], [0], [0], [1], [0, 0, 1, 1], [], []>, precision = #tpu.contract_precision<fp32>, transpose_lhs_hint = false} : vector<1000x128xf32>, vector<128x384xf32>, vector<1000x384xf32> -> vector<1000x384xf32>
    %get3A_423 = arith.constant 0 : index
    %get3A_424 = arith.constant 0 : index
    %get3A_425 = vector.load %arg11[%get3A_423, %get3A_424] : memref<1x384xf32, #tpu.memory_space<vmem>>, vector<1x384xf32>
    %add3A_426 = vector.broadcast %get3A_425 : vector<1x384xf32> to vector<1000x384xf32>
    %add3A_427 = arith.addf %dot_general3A_422, %add3A_426 : vector<1000x384xf32>
    %get3A_428 = arith.constant 0 : index
    %get3A_429 = arith.constant 0 : index
    %get3A_430 = vector.load %arg10[%get3A_428, %get3A_429] : memref<128x384xf32, #tpu.memory_space<vmem>>, vector<128x384xf32>
    %dot_general3A_431 = arith.constant dense<0.000000e+00> : vector<1000x384xf32>
    %dot_general3A_432 = tpu.matmul %add3A_417, %get3A_430, %dot_general3A_431 {dimension_numbers = #tpu.dot_dimension_numbers<[1], [0], [0], [1], [0, 0, 1, 1], [], []>, precision = #tpu.contract_precision<fp32>, transpose_lhs_hint = false} : vector<1000x128xf32>, vector<128x384xf32>, vector<1000x384xf32> -> vector<1000x384xf32>
    %get3A_433 = arith.constant 0 : index
    %get3A_434 = arith.constant 0 : index
    %get3A_435 = vector.load %arg12[%get3A_433, %get3A_434] : memref<1x384xf32, #tpu.memory_space<vmem>>, vector<1x384xf32>
    %add3A_436 = vector.broadcast %get3A_435 : vector<1x384xf32> to vector<1000x384xf32>
    %add3A_437 = arith.addf %dot_general3A_432, %add3A_436 : vector<1000x384xf32>
    %slice3A_438 = vector.extract_strided_slice %add3A_427 {offsets = [0, 0], sizes = [1000, 128], strides = [1, 1]} : vector<1000x384xf32> to vector<1000x128xf32>
    %slice3A_439 = vector.extract_strided_slice %add3A_437 {offsets = [0, 0], sizes = [1000, 128], strides = [1, 1]} : vector<1000x384xf32> to vector<1000x128xf32>
    %add3A_440 = arith.addf %slice3A_438, %slice3A_439 : vector<1000x128xf32>
    %logistic3A_441 = arith.negf %add3A_440 : vector<1000x128xf32>
    %logistic3A_442 = math.exp %logistic3A_441 : vector<1000x128xf32>
    %logistic3A_443 = arith.constant 1.000000e+00 : f32
    %logistic3A_444 = vector.broadcast %logistic3A_443 : f32 to vector<1000x128xf32>
    %logistic3A_445 = arith.addf %logistic3A_444, %logistic3A_442 : vector<1000x128xf32>
    %logistic3A_446 = arith.divf %logistic3A_444, %logistic3A_445 : vector<1000x128xf32>
    %slice3A_447 = vector.extract_strided_slice %add3A_427 {offsets = [0, 128], sizes = [1000, 128], strides = [1, 1]} : vector<1000x384xf32> to vector<1000x128xf32>
    %slice3A_448 = vector.extract_strided_slice %add3A_437 {offsets = [0, 128], sizes = [1000, 128], strides = [1, 1]} : vector<1000x384xf32> to vector<1000x128xf32>
    %add3A_449 = arith.addf %slice3A_447, %slice3A_448 : vector<1000x128xf32>
    %logistic3A_450 = arith.negf %add3A_449 : vector<1000x128xf32>
    %logistic3A_451 = math.exp %logistic3A_450 : vector<1000x128xf32>
    %logistic3A_452 = arith.constant 1.000000e+00 : f32
    %logistic3A_453 = vector.broadcast %logistic3A_452 : f32 to vector<1000x128xf32>
    %logistic3A_454 = arith.addf %logistic3A_453, %logistic3A_451 : vector<1000x128xf32>
    %logistic3A_455 = arith.divf %logistic3A_453, %logistic3A_454 : vector<1000x128xf32>
    %slice3A_456 = vector.extract_strided_slice %add3A_427 {offsets = [0, 256], sizes = [1000, 128], strides = [1, 1]} : vector<1000x384xf32> to vector<1000x128xf32>
    %slice3A_457 = vector.extract_strided_slice %add3A_437 {offsets = [0, 256], sizes = [1000, 128], strides = [1, 1]} : vector<1000x384xf32> to vector<1000x128xf32>
    %mul3A_458 = arith.mulf %logistic3A_446, %slice3A_457 : vector<1000x128xf32>
    %add3A_459 = arith.addf %slice3A_456, %mul3A_458 : vector<1000x128xf32>
    %tanh3A_460 = math.tanh %add3A_459 : vector<1000x128xf32>
    %sub3A_461 = arith.constant 1.000000e+00 : f32
    %sub3A_462 = vector.broadcast %sub3A_461 : f32 to vector<1000x128xf32>
    %sub3A_463 = arith.subf %sub3A_462, %logistic3A_455 : vector<1000x128xf32>
    %mul3A_464 = arith.mulf %sub3A_463, %tanh3A_460 : vector<1000x128xf32>
    %mul3A_465 = arith.mulf %logistic3A_455, %add3A_417 : vector<1000x128xf32>
    %add3A_466 = arith.addf %mul3A_464, %mul3A_465 : vector<1000x128xf32>
    %get3A_467 = arith.constant 0 : index
    %get3A_468 = arith.constant 0 : index
    %get3A_469 = vector.load %arg13[%get3A_467, %get3A_468] : memref<1x128xf32, #tpu.memory_space<vmem>>, vector<1x128xf32>
    %get3A_470 = arith.constant 0 : index
    %get3A_471 = arith.constant 0 : index
    %get3A_472 = vector.load %arg14[%get3A_470, %get3A_471] : memref<1x1xf32, #tpu.memory_space<vmem>>, vector<1x1xf32>
    %get3A_473 = vector.extract %get3A_472[0, 0] : f32 from vector<1x1xf32>
    %mul3A_474 = vector.broadcast %get3A_469 : vector<1x128xf32> to vector<1000x128xf32>
    %mul3A_475 = arith.mulf %add3A_319, %mul3A_474 : vector<1000x128xf32>
    %reduce_sum3A_476 = arith.constant dense<0.000000e+00> : vector<1000xf32>
    %reduce_sum3A_477 = vector.multi_reduction <add>, %mul3A_475, %reduce_sum3A_476 [1] : vector<1000x128xf32> to vector<1000xf32>
    %broadcast_in_dim3A_478 = vector.shape_cast %reduce_sum3A_477 : vector<1000xf32> to vector<1000x1xf32>
    %add3A_479 = vector.broadcast %get3A_473 : f32 to vector<1000x1xf32>
    %add3A_480 = arith.addf %broadcast_in_dim3A_478, %add3A_479 : vector<1000x1xf32>
    %mul3A_481 = vector.broadcast %get3A_469 : vector<1x128xf32> to vector<1000x128xf32>
    %mul3A_482 = arith.mulf %add3A_368, %mul3A_481 : vector<1000x128xf32>
    %reduce_sum3A_483 = arith.constant dense<0.000000e+00> : vector<1000xf32>
    %reduce_sum3A_484 = vector.multi_reduction <add>, %mul3A_482, %reduce_sum3A_483 [1] : vector<1000x128xf32> to vector<1000xf32>
    %broadcast_in_dim3A_485 = vector.shape_cast %reduce_sum3A_484 : vector<1000xf32> to vector<1000x1xf32>
    %add3A_486 = vector.broadcast %get3A_473 : f32 to vector<1000x1xf32>
    %add3A_487 = arith.addf %broadcast_in_dim3A_485, %add3A_486 : vector<1000x1xf32>
    %mul3A_488 = vector.broadcast %get3A_469 : vector<1x128xf32> to vector<1000x128xf32>
    %mul3A_489 = arith.mulf %add3A_417, %mul3A_488 : vector<1000x128xf32>
    %reduce_sum3A_490 = arith.constant dense<0.000000e+00> : vector<1000xf32>
    %reduce_sum3A_491 = vector.multi_reduction <add>, %mul3A_489, %reduce_sum3A_490 [1] : vector<1000x128xf32> to vector<1000xf32>
    %broadcast_in_dim3A_492 = vector.shape_cast %reduce_sum3A_491 : vector<1000xf32> to vector<1000x1xf32>
    %add3A_493 = vector.broadcast %get3A_473 : f32 to vector<1000x1xf32>
    %add3A_494 = arith.addf %broadcast_in_dim3A_492, %add3A_493 : vector<1000x1xf32>
    %mul3A_495 = vector.broadcast %get3A_469 : vector<1x128xf32> to vector<1000x128xf32>
    %mul3A_496 = arith.mulf %add3A_466, %mul3A_495 : vector<1000x128xf32>
    %reduce_sum3A_497 = arith.constant dense<0.000000e+00> : vector<1000xf32>
    %reduce_sum3A_498 = vector.multi_reduction <add>, %mul3A_496, %reduce_sum3A_497 [1] : vector<1000x128xf32> to vector<1000xf32>
    %broadcast_in_dim3A_499 = vector.shape_cast %reduce_sum3A_498 : vector<1000xf32> to vector<1000x1xf32>
    %add3A_500 = vector.broadcast %get3A_473 : f32 to vector<1000x1xf32>
    %add3A_501 = arith.addf %broadcast_in_dim3A_499, %add3A_500 : vector<1000x1xf32>
    %max3A_502 = arith.maximumf %add3A_480, %add3A_487 : vector<1000x1xf32>
    %max3A_503 = arith.maximumf %max3A_502, %add3A_494 : vector<1000x1xf32>
    %max3A_504 = arith.maximumf %max3A_503, %add3A_501 : vector<1000x1xf32>
    %sub3A_505 = arith.subf %add3A_480, %max3A_504 : vector<1000x1xf32>
    %exp3A = math.exp %sub3A_505 : vector<1000x1xf32>
    %sub3A_506 = arith.subf %add3A_487, %max3A_504 : vector<1000x1xf32>
    %exp3A_507 = math.exp %sub3A_506 : vector<1000x1xf32>
    %sub3A_508 = arith.subf %add3A_494, %max3A_504 : vector<1000x1xf32>
    %exp3A_509 = math.exp %sub3A_508 : vector<1000x1xf32>
    %sub3A_510 = arith.subf %add3A_501, %max3A_504 : vector<1000x1xf32>
    %exp3A_511 = math.exp %sub3A_510 : vector<1000x1xf32>
    %add3A_512 = arith.addf %exp3A, %exp3A_507 : vector<1000x1xf32>
    %add3A_513 = arith.addf %add3A_512, %exp3A_509 : vector<1000x1xf32>
    %add3A_514 = arith.addf %add3A_513, %exp3A_511 : vector<1000x1xf32>
    %div3A_515 = arith.divf %exp3A, %add3A_514 : vector<1000x1xf32>
    %mul3A_516 = vector.broadcast %div3A_515 : vector<1000x1xf32> to vector<1000x128xf32>
    %mul3A_517 = arith.mulf %add3A_319, %mul3A_516 : vector<1000x128xf32>
    %div3A_518 = arith.divf %exp3A_507, %add3A_514 : vector<1000x1xf32>
    %mul3A_519 = vector.broadcast %div3A_518 : vector<1000x1xf32> to vector<1000x128xf32>
    %mul3A_520 = arith.mulf %add3A_368, %mul3A_519 : vector<1000x128xf32>
    %add3A_521 = arith.addf %mul3A_517, %mul3A_520 : vector<1000x128xf32>
    %div3A_522 = arith.divf %exp3A_509, %add3A_514 : vector<1000x1xf32>
    %mul3A_523 = vector.broadcast %div3A_522 : vector<1000x1xf32> to vector<1000x128xf32>
    %mul3A_524 = arith.mulf %add3A_417, %mul3A_523 : vector<1000x128xf32>
    %add3A_525 = arith.addf %add3A_521, %mul3A_524 : vector<1000x128xf32>
    %div3A_526 = arith.divf %exp3A_511, %add3A_514 : vector<1000x1xf32>
    %mul3A_527 = vector.broadcast %div3A_526 : vector<1000x1xf32> to vector<1000x128xf32>
    %mul3A_528 = arith.mulf %add3A_466, %mul3A_527 : vector<1000x128xf32>
    %add3A_529 = arith.addf %add3A_525, %mul3A_528 : vector<1000x128xf32>
    %get3A_530 = arith.constant 0 : index
    %get3A_531 = arith.constant 0 : index
    %get3A_532 = vector.load %arg15[%get3A_530, %get3A_531] : memref<128x128xf32, #tpu.memory_space<vmem>>, vector<128x128xf32>
    %dot_general3A_533 = arith.constant dense<0.000000e+00> : vector<1000x128xf32>
    %dot_general3A_534 = tpu.matmul %add3A_529, %get3A_532, %dot_general3A_533 {dimension_numbers = #tpu.dot_dimension_numbers<[1], [0], [0], [1], [0, 0, 1, 1], [], []>, precision = #tpu.contract_precision<fp32>, transpose_lhs_hint = false} : vector<1000x128xf32>, vector<128x128xf32>, vector<1000x128xf32> -> vector<1000x128xf32>
    %get3A_535 = arith.constant 0 : index
    %get3A_536 = arith.constant 0 : index
    %get3A_537 = vector.load %arg16[%get3A_535, %get3A_536] : memref<1x128xf32, #tpu.memory_space<vmem>>, vector<1x128xf32>
    %add3A_538 = vector.broadcast %get3A_537 : vector<1x128xf32> to vector<1000x128xf32>
    %add3A_539 = arith.addf %dot_general3A_534, %add3A_538 : vector<1000x128xf32>
    %max3A_540 = arith.constant 0.000000e+00 : f32
    %max3A_541 = vector.broadcast %max3A_540 : f32 to vector<1000x128xf32>
    %max3A_542 = arith.maximumf %add3A_539, %max3A_541 : vector<1000x128xf32>
    %get3A_543 = arith.constant 0 : index
    %get3A_544 = arith.constant 0 : index
    %get3A_545 = vector.load %arg17[%get3A_543, %get3A_544] : memref<128x128xf32, #tpu.memory_space<vmem>>, vector<128x128xf32>
    %dot_general3A_546 = arith.constant dense<0.000000e+00> : vector<1000x128xf32>
    %dot_general3A_547 = tpu.matmul %max3A_542, %get3A_545, %dot_general3A_546 {dimension_numbers = #tpu.dot_dimension_numbers<[1], [0], [0], [1], [0, 0, 1, 1], [], []>, precision = #tpu.contract_precision<fp32>, transpose_lhs_hint = false} : vector<1000x128xf32>, vector<128x128xf32>, vector<1000x128xf32> -> vector<1000x128xf32>
    %get3A_548 = arith.constant 0 : index
    %get3A_549 = arith.constant 0 : index
    %get3A_550 = vector.load %arg18[%get3A_548, %get3A_549] : memref<1x128xf32, #tpu.memory_space<vmem>>, vector<1x128xf32>
    %add3A_551 = vector.broadcast %get3A_550 : vector<1x128xf32> to vector<1000x128xf32>
    %add3A_552 = arith.addf %dot_general3A_547, %add3A_551 : vector<1000x128xf32>
    %swap3A = arith.constant 0 : index
    %swap3A_553 = arith.constant 0 : index
    %swap3A_554 = vector.load %arg19[%swap3A, %swap3A_553] : memref<1000x128xf32, #tpu.memory_space<vmem>>, vector<1000x128xf32>
    tpu.vector_store %arg19[%swap3A, %swap3A_553], %add3A_552 {strides = array<i32>} : memref<1000x128xf32, #tpu.memory_space<vmem>>, vector<1000x128xf32>,
    return
  }
  func.func @transform_0(%arg0: i32) -> (i32, i32, i32) {
    %c0_i32 = arith.constant 0 : i32
    %c0_i32_0 = arith.constant 0 : i32
    %c0_i32_1 = arith.constant 0 : i32
    return %c0_i32, %arg0, %c0_i32_0 : i32, i32, i32
  }
  func.func @transform_1(%arg0: i32) -> (i32, i32, i32) {
    %c0_i32 = arith.constant 0 : i32
    %c0_i32_0 = arith.constant 0 : i32
    %c0_i32_1 = arith.constant 0 : i32
    return %c0_i32, %arg0, %c0_i32_0 : i32, i32, i32
  }
  func.func @transform_2(%arg0: i32) -> (i32, i32, i32) {
    %c0_i32 = arith.constant 0 : i32
    %c0_i32_0 = arith.constant 0 : i32
    %c0_i32_1 = arith.constant 0 : i32
    return %c0_i32, %arg0, %c0_i32_0 : i32, i32, i32
  }
  func.func @transform_3(%arg0: i32) -> (i32, i32) {
    %c0_i32 = arith.constant 0 : i32
    %c0_i32_0 = arith.constant 0 : i32
    %c0_i32_1 = arith.constant 0 : i32
    return %c0_i32, %c0_i32_0 : i32, i32
  }
  func.func @transform_4(%arg0: i32) -> (i32, i32) {
    %c0_i32 = arith.constant 0 : i32
    %c0_i32_0 = arith.constant 0 : i32
    %c0_i32_1 = arith.constant 0 : i32
    return %c0_i32, %c0_i32_0 : i32, i32
  }
  func.func @transform_5(%arg0: i32) -> (i32, i32) {
    %c0_i32 = arith.constant 0 : i32
    %c0_i32_0 = arith.constant 0 : i32
    %c0_i32_1 = arith.constant 0 : i32
    return %c0_i32, %c0_i32_0 : i32, i32
  }
  func.func @transform_6(%arg0: i32) -> (i32, i32) {
    %c0_i32 = arith.constant 0 : i32
    %c0_i32_0 = arith.constant 0 : i32
    %c0_i32_1 = arith.constant 0 : i32
    return %c0_i32, %c0_i32_0 : i32, i32
  }
  func.func @transform_7(%arg0: i32) -> (i32, i32) {
    %c0_i32 = arith.constant 0 : i32
    %c0_i32_0 = arith.constant 0 : i32
    %c0_i32_1 = arith.constant 0 : i32
    return %c0_i32, %c0_i32_0 : i32, i32
  }
  func.func @transform_8(%arg0: i32) -> (i32, i32) {
    %c0_i32 = arith.constant 0 : i32
    %c0_i32_0 = arith.constant 0 : i32
    %c0_i32_1 = arith.constant 0 : i32
    return %c0_i32, %c0_i32_0 : i32, i32
  }
  func.func @transform_9(%arg0: i32) -> (i32, i32) {
    %c0_i32 = arith.constant 0 : i32
    %c0_i32_0 = arith.constant 0 : i32
    %c0_i32_1 = arith.constant 0 : i32
    return %c0_i32, %c0_i32_0 : i32, i32
  }
  func.func @transform_10(%arg0: i32) -> (i32, i32) {
    %c0_i32 = arith.constant 0 : i32
    %c0_i32_0 = arith.constant 0 : i32
    %c0_i32_1 = arith.constant 0 : i32
    return %c0_i32, %c0_i32_0 : i32, i32
  }
  func.func @transform_11(%arg0: i32) -> (i32, i32) {
    %c0_i32 = arith.constant 0 : i32
    %c0_i32_0 = arith.constant 0 : i32
    %c0_i32_1 = arith.constant 0 : i32
    return %c0_i32, %c0_i32_0 : i32, i32
  }
  func.func @transform_12(%arg0: i32) -> (i32, i32) {
    %c0_i32 = arith.constant 0 : i32
    %c0_i32_0 = arith.constant 0 : i32
    %c0_i32_1 = arith.constant 0 : i32
    return %c0_i32, %c0_i32_0 : i32, i32
  }
  func.func @transform_13(%arg0: i32) -> (i32, i32) {
    %c0_i32 = arith.constant 0 : i32
    %c0_i32_0 = arith.constant 0 : i32
    %c0_i32_1 = arith.constant 0 : i32
    return %c0_i32, %c0_i32_0 : i32, i32
  }
  func.func @transform_14(%arg0: i32) -> (i32, i32) {
    %c0_i32 = arith.constant 0 : i32
    %c0_i32_0 = arith.constant 0 : i32
    %c0_i32_1 = arith.constant 0 : i32
    return %c0_i32, %c0_i32_0 : i32, i32
  }
  func.func @transform_15(%arg0: i32) -> (i32, i32) {
    %c0_i32 = arith.constant 0 : i32
    %c0_i32_0 = arith.constant 0 : i32
    %c0_i32_1 = arith.constant 0 : i32
    return %c0_i32, %c0_i32_0 : i32, i32
  }
  func.func @transform_16(%arg0: i32) -> (i32, i32) {
    %c0_i32 = arith.constant 0 : i32
    %c0_i32_0 = arith.constant 0 : i32
    %c0_i32_1 = arith.constant 0 : i32
    return %c0_i32, %c0_i32_0 : i32, i32
  }
  func.func @transform_17(%arg0: i32) -> (i32, i32) {
    %c0_i32 = arith.constant 0 : i32
    %c0_i32_0 = arith.constant 0 : i32
    %c0_i32_1 = arith.constant 0 : i32
    return %c0_i32, %c0_i32_0 : i32, i32
  }
  func.func @transform_18(%arg0: i32) -> (i32, i32) {
    %c0_i32 = arith.constant 0 : i32
    %c0_i32_0 = arith.constant 0 : i32
    return %arg0, %c0_i32 : i32, i32
  }
}

</mosaic_0001>

<sc_bundles>
// kernel: kernel.6.cloned.1.call-start
scs
__scs_entry_jumppad:
0x0: {  	(pc) =	sbr.rel $0x88, $3  }
0x1: {  	(tag) =	ssettag $0x0;
	lr =	simm.s32 $0x1  }
0x2: {  	[smem:$0x3F8B] =	sst lr;
	_ =	strace $0xD0000000  }
0x3: {  	_ = 	snop  }
0x4: {  	_ = 	snop  }
0x5: {  	_ = 	snop  }
0x6: {  	_ = 	snop  }
0x7: {  	_ = 	snop  }
__scs_overlays_trampoline_lowered:
0x8: {  	[smem:$0x3F9A] =	sst s0  }
0x9: {  	[smem:$0x3F9B] =	sst s1  }
0xa: {  	[smem:$0x3F9C] =	sst s2  }
0xb: {  	[smem:$0x3F9D] =	sst s3  }
0xc: {  	[smem:$0x3F9E] =	sst s4  }
0xd: {  	[smem:$0x3F9F] =	sst s5  }
0xe: {  	[smem:$0x3FA0] =	sst s6  }
0xf: {  	[smem:$0x3FA1] =	sst s7  }
0x10: {  	[smem:$0x3FA2] =	sst s8  }
0x11: {  	[smem:$0x3FA3] =	sst s9;
	s0 =	simm.s32 @!p0 $0x0  }
0x12: {  	s1 =	sld [smem:$0x3F89];
	s0 =	simm.s32 @p0 $0x1  }
0x13: {  	[smem:$0x3FA4] =	sst s0;
	s0 =	simm.s32 @!p1 $0x0  }
0x14: {  	s2 =	sld [smem:$0x3F88];
	s0 =	simm.s32 @p1 $0x1  }
0x15: {  	[smem:$0x3FA5] =	sst s0;
	s0 =	simm.s32 @!p2 $0x0  }
0x16: {  	s3 =	sld [smem:$0x3FDB];
	s0 =	simm.s32 @p2 $0x1  }
0x17: {  	s4 =	simm.s32 $0x1BF5;
	[smem:$0x3FA7] =	sst s0  }
0x18: {  	s0 =	sld [smem:$0x3F8A];
	_ =	swait.ge [sflag:s4], $0x0  }
0x19: {  	s7 =	sld [smem:$0x3F8B]  }
0x1a: {  	s8 =	sadd.s32 $0xFFFFE003, lr  }
0x1b: {  	s9 =	sadd.s32 $0xFFFFFEF7, lr;
	s5 =	simm.s32 $0xFFFFFFFF;
	p2 =	slt.u32 s8, $0xFFFFF086  }
0x1c: {  	p1 =	slt.u32 s9, $0xF7A;
	s5 =	simm.s32 @!p2 $0x0  }
0x1d: {  	s5 =	simm.s32 @p1 $0x1;
	p0 =	seq.s32 s7, s2  }
0x1e: {  	s7 =	smul.u32 @!p0 $0xF7A, s2;
	p2 =	seq.s32 @!p0 s5, $0x0  }
0x1f: {  	s9 =	smul.u32 $0xF7A, s1;
	s8 =	simm.s32 @!p0 $0x1BF5;
	p2 =	por !p2, p0  }
0x20: {  	[sflag:s8] =	ssyncset.s32 @!p0 $0xFFFFF086;
	s6 =	sadd.s32 @!p0 s3, s7;
	s7 =	simm.s32 @!p0 $0x108  }
0x21: {  	s3 =	sadd.s32 s3, s9;
	s6 =	sadd.s32 @!p0 $0x88, s6;
	s7 =	simm.s32 @p2 $0x1082  }
0x22: {  	[simem:s7], [sflag:s8] =	dma.local @!p0 [hbm:s6], $0xF7A  }
0x23: {  	s9 =	sor.u32 $0xD0000000, s2;
	s6 =	simm.s32 $0x108;
	_ =	swait.ge @!p0 [sflag:s8], $0x0  }
0x24: {  	s3 =	sadd.s32 $0x88, s3;
	s6 =	simm.s32 @!p1 $0x1082;
	[sflag:s4] =	ssyncset.s32 $0xFFFFF086  }
0x25: {  	[simem:s6], [sflag:s4] =	dma.local [hbm:s3], $0xF7A  }
0x26: {  	[smem:$0x3F8B] =	sst s1;
	(tag) =	ssettag s2;
	_ =	strace s9  }
0x27: {  	s1 =	sld [smem:$0x3F9B]  }
0x28: {  	s2 =	sld [smem:$0x3F9C]  }
0x29: {  	s4 =	sld [smem:$0x3F9E]  }
0x2a: {  	p0 =	seq.s32 s5, $0x0;
	s5 =	sld [smem:$0x3F9F]  }
0x2b: {  	s6 =	sld [smem:$0x3FA0]  }
0x2c: {  	s7 =	sld [smem:$0x3FA1]  }
0x2d: {  	s3 =	simm.s32 $0x108;
	s8 =	sld [smem:$0x3FA2]  }
0x2e: {  	s3 =	simm.s32 @!p0 $0x1082;
	s9 =	sld [smem:$0x3FA3]  }
0x2f: {  	lr =	sadd.s32 s0, s3;
	s0 =	sld [smem:$0x3F9A]  }
0x30: {  	s3 =	sld [smem:$0x3F9D]  }
0x31: {  	[smem:$0x3FA6] =	sst s10  }
0x32: {  	s10 =	sld [smem:$0x3FA4];
	_ =	sdelay $0x3  }
0x33: {  	p0 =	seq.s32 s10, $0x1;
	s10 =	sld [smem:$0x3FA6];
	_ =	sdelay $0x3  }
0x34: {  	[smem:$0x3FA6] =	sst s10  }
0x35: {  	s10 =	sld [smem:$0x3FA5];
	_ =	sdelay $0x3  }
0x36: {  	p1 =	seq.s32 s10, $0x1;
	s10 =	sld [smem:$0x3FA6];
	_ =	sdelay $0x3  }
0x37: {  	[smem:$0x3FA6] =	sst s10  }
0x38: {  	s10 =	sld [smem:$0x3FA7]  }
0x39: {  	_ = 	snop;
	(pc) =	sbr.ind lr, $3  }
0x3a: {  	_ = 	snop  }
0x3b: {  	_ = 	snop  }
0x3c: {  	p2 =	seq.s32 s10, $0x1;
	s10 =	sld [smem:$0x3FA6]  }
0x3d: {  	_ =	shalt  }
0x3e: {  	_ =	shalt  }
0x3f: {  	_ =	shalt  }
0x40: {  	_ =	shalt  }
0x41: {  	_ =	shalt  }
0x42: {  	_ =	shalt  }
0x43: {  	_ =	shalt  }
0x44: {  	_ =	shalt  }
0x45: {  	_ =	shalt  }
0x46: {  	_ =	shalt  }
0x47: {  	_ =	shalt  }
0x48: {  	_ =	shalt  }
0x49: {  	_ =	shalt  }
0x4a: {  	_ =	shalt  }
0x4b: {  	_ =	shalt  }
0x4c: {  	_ =	shalt  }
0x4d: {  	_ =	shalt  }
0x4e: {  	_ =	shalt  }
0x4f: {  	_ =	shalt  }
0x50: {  	_ =	shalt  }
0x51: {  	_ =	shalt  }
0x52: {  	_ =	shalt  }
0x53: {  	_ =	shalt  }
0x54: {  	_ =	shalt  }
0x55: {  	_ =	shalt  }
0x56: {  	_ =	shalt  }
0x57: {  	_ =	shalt  }
0x58: {  	_ =	shalt  }
0x59: {  	_ =	shalt  }
0x5a: {  	_ =	shalt  }
0x5b: {  	_ =	shalt  }
0x5c: {  	_ =	shalt  }
0x5d: {  	_ =	shalt  }
0x5e: {  	_ =	shalt  }
0x5f: {  	_ =	shalt  }
0x60: {  	_ =	shalt  }
0x61: {  	_ =	shalt  }
0x62: {  	_ =	shalt  }
0x63: {  	_ =	shalt  }
0x64: {  	_ =	shalt  }
0x65: {  	_ =	shalt  }
0x66: {  	_ =	shalt  }
0x67: {  	_ =	shalt  }
0x68: {  	_ =	shalt  }
0x69: {  	_ =	shalt  }
0x6a: {  	_ =	shalt  }
0x6b: {  	_ =	shalt  }
0x6c: {  	_ =	shalt  }
0x6d: {  	_ =	shalt  }
0x6e: {  	_ =	shalt  }
0x6f: {  	_ =	shalt  }
0x70: {  	_ =	shalt  }
0x71: {  	_ =	shalt  }
0x72: {  	_ =	shalt  }
0x73: {  	_ =	shalt  }
0x74: {  	_ =	shalt  }
0x75: {  	_ =	shalt  }
0x76: {  	_ =	shalt  }
0x77: {  	_ =	shalt  }
0x78: {  	_ =	shalt  }
0x79: {  	_ =	shalt  }
0x7a: {  	_ =	shalt  }
0x7b: {  	_ =	shalt  }
0x7c: {  	_ =	shalt  }
0x7d: {  	_ =	shalt  }
0x7e: {  	_ =	shalt  }
0x7f: {  	_ =	shalt  }
0x80: {  	_ =	shalt  }
0x81: {  	_ =	shalt  }
0x82: {  	_ =	shalt  }
0x83: {  	_ =	shalt  }
0x84: {  	_ =	shalt  }
0x85: {  	_ =	shalt  }
0x86: {  	_ =	shalt  }
0x87: {  	_ =	shalt  }
.Lfunc_end0:
.L_simem_size_0:
called_computation_lowered:
.L_overlay_start_0:
0x88: {  	s2 =	sld [smem:$0x3FD9]  }
0x89: {  	s3 =	sld [smem:$0x3FFE];
	_ =	sdelay $0x1  }
0x8a: {  	s1 =	srdreg.scid  }
0x8b: {  	s0 =	sand.u32 $0x1, s1  }
0x8c: {  	s17 =	sshll.u32 s0, $0xA;
	s2 =	sadd.s32 s3, s2  }
0x8d: {  	s2 =	sadd.s32 s2, s17  }
0x8e: {  	[smem:$0x3FB2] =	sst s2  }
0x8f: {  	_ = 	snop  }
0x90: {  	s2 =	sld [smem:$0x3FC9];
	(tm) =	ssettm $0x1  }
0x91: {  	s18 =	sld [smem:$0x3FFB];
	_ =	sdelay $0x3  }
0x92: {  	_ =	strace s18  }
0x93: {  	s3 =	sld [smem:$0x3FFC];
	_ =	sdelay $0x3  }
0x94: {  	_ =	strace s3  }
0x95: {  	s3 =	sld [smem:$0x3FFD];
	_ =	sdelay $0x3  }
0x96: {  	_ =	strace s3  }
0x97: {  	_ =	strace $0x8FFFFFFF  }
0x98: {  	s19 =	sld [smem:$0x3FDB];
	_ =	sdelay $0x1  }
0x99: {  	s4 =	simm.s32 $_scs_section_size  }
0x9a: {  	s5 =	simm.s32 $_size__tile_overlayer_lowered;
	s6 =	simm.s32 $_tile_overlayer_lowered  }
0x9b: {  	s22 =	simm.s32 $0x1BFF;
	s21 =	sshll.u32 s6, $0x1;
	s3 =	sadd.s32 s4, s19  }
0x9c: {  	s7 =	simm.s32 $0x0;
	s20 =	sshll.u32 s5, $0x1;
	s5 =	sadd.s32 s21, s3  }
0x9d: {  	[timem:s7], [sflag:s22] =	dma.local [hbm:s5], s20  }
0x9e: {  	_ =	swait.ge [sflag:s22], s20  }
0x9f: {  	s4 =	ssub.s32 $0x0, s20;
	[sflag:s22] =	ssyncset.done $0x0  }
0xa0: {  	[sflag:s22] =	ssyncadd.s32 s4;
	_ =	sdelay $0x1  }
0xa1: {  	s23 =	simm.s32 $0x1B8B  }
0xa2: {  	_ =	swait.ge [sflag:s23], $0x1  }
0xa3: {  	[sflag:s23] =	ssyncset.done $0x0  }
0xa4: {  	s25 =	simm.s32 $0x1B8E;
	s24 =	sld [smem:$0x3FFE];
	[sflag:s23] =	ssyncadd.s32 $0xFFFFFFFF  }
0xa5: {  	s26 =	simm.s32 $execute0_lowered;
	[smem:$0x3FD2] =	sst s25  }
0xa6: {  	s5 =	sshll.u32 s26, $0x1;
	_ =	strace $0x80000046;
	[dreg:$0x1] =	wrdreg $0xFFFFFFFF  }
0xa7: {  	s28 =	simm.s32 $_size_execute0_lowered;
	s3 =	sadd.s32 s3, s5;
	[dreg:$0x0] =	wrdreg $0x0  }
0xa8: {  	s5 =	sshll.u32 s28, $0x1;
	[dreg:$0x2] =	wrdreg s3  }
0xa9: {  	[dreg:$0x3] =	wrdreg s5  }
0xaa: {  	[dreg:$0x4] =	wrdreg $0xC0  }
0xab: {  	_ =	task [dreg:s7], $0x5FFFF  }
0xac: {  	[dreg:$0x1] =	wrdreg $0xFFFFFFFF  }
0xad: {  	[dreg:$0x0] =	wrdreg $0x60  }
0xae: {  	[dreg:$0x2] =	wrdreg s2  }
0xaf: {  	[dreg:$0x3] =	wrdreg s24  }
0xb0: {  	[dreg:$0x4] =	wrdreg $0x5F000  }
0xb1: {  	[dreg:$0x5] =	wrdreg $0x9  }
0xb2: {  	_ =	task.clear_ibuf [dreg:s7], $0x6FFFF;
	_ =	strace $0x90000046  }
0xb3: {  	s29 =	simm.s32 $0x9;
	_ =	strace $0x80000048  }
0xb4: {  	_ =	swait.ge [sflag:s29], $0x1  }
0xb5: {  	[sflag:s29] =	ssyncadd.s32 $0xFFFFFFFF  }
0xb6: {  	_ =	strace $0x90000048  }
0xb7: {  	_ =	sfence  }
0xb8: {  	s30 =	sld [smem:$0x0];
	_ =	sdelay $0x2  }
0xb9: {  	s31 =	sshll.u32 s1, $0xD;
	s1 =	sshrl.u32 s1, $0x2  }
0xba: {  	s3 =	sand.u32 $0x4000, s31;
	s1 =	sadd.s32 s1, s30  }
0xbb: {  	s0 =	sor.u32 s3, s0;
	s1 =	sshll.u32 s1, $0x11  }
0xbc: {  	s0 =	sor.u32 s1, s0  }
0xbd: {  	s0 =	sadd.s32 $0x8F2B, s0  }
0xbe: {  	[sflag:s0] =	ssyncadd.remote.s32 $0x1  }
0xbf: {  	_ =	sfence.sel $0xFFFF  }
0xc0: {  	[dreg:$0x0] =	wrdreg $0xFFFFFFFF;
	(pc) =	sbr.abs _section_cstart, $3  }
0xc1: {  	[dreg:$0x1] =	wrdreg $0xFFFFFFFF  }
0xc2: {  	_ =	task.clear_ibuf [dreg:s7], $0x2FFFF;
	_ =	strace $0x9FFFFFFF  }
0xc3: {  	(tm) =	ssettm $0x7FFFFFFF  }
tec
execute0_lowered:
.L_overlay_start_1:
0x0: {  	(tag) =	ssettag $0x1  }
0x1: {  	s2 =	rddreg [dreg:$0x0]  }
0x2: {  	s0 =	rddreg [dreg:$0x1];
	s17 =	stileid.u32  }
0x3: {  	s3 =	rddreg [dreg:$0x2];
	s4 =	simm.s32 $0x0;
	s5 =	smul.u32 $0x4E20, s17  }
0x4: {  	s1 =	srdreg.scid;
	s31 =	simm.s32 $0x5300;
	s8 =	smul.u32 $0x270, s17  }
0x5: {  	s28 =	simm.s32 $0x2;
	s29 =	simm.s32 $0x5;
	s11 =	smul.u32 $0x2710, s17  }
0x6: {  	[smem:$0x7FF] =	sst s4;
	s1 =	sand.u32 $0x1, s1;
	s16 =	smul.u32 $0x4E000, s17  }
0x7: {  	s6 =	sadd.s32 $0xBE00, s0;
	s7 =	sadd.s32 $0x2000, s0;
	s26 =	smul.u32 $0x9C4, s17  }
0x8: {  	s10 =	sadd.s32 $0x63E00, s0;
	s0 =	sadd.s32 $0x15C00, s0;
	s9 =	smul.u32 $0x27100, s1  }
0x9: {  	p0 =	sne.s32 s17, $0xF;
	s12 =	ssub.s32 $0x2, s1;
	s13 =	smul.u32 $0x2710, s1  }
0xa: {  	s17 =	simm.s32 $0x300;
	s1 =	smul.u32 $0x138800, s1;
	s14 =	sshrl.u32 s12, $0x1  }
0xb: {  	_ =	strace $0x80000047;
	s11 =	sadd.s32 s11, s9;
	s12 =	ssub.s32 s12, s14  }
0xc: {  	s9 =	sshrl.u32 s16, $0x2;
	s19 =	sadd.s32 s8, s13;
	s1 =	sshrl.u32 s1, $0x3  }
0xd: {  	s16 =	sshrl.u32 s5, $0x3;
	s18 =	sshrl.u32 s11, $0x3;
	s9 =	sadd.s32 s9, s3  }
0xe: {  	s14 =	sshll.u32 s19, $0x4;
	s20 =	sadd.s32 $0x27000, s1;
	s21 =	sadd.s32 s6, s16  }
0xf: {  	s22 =	sadd.s32 $0xA, s16;
	s19 =	sadd.s32 s7, s16;
	[dreg:$0x7] =	wrdreg s21  }
0x10: {  	s24 =	sadd.s32 $0x14, s16;
	s15 =	sadd.s32 s0, s14;
	[dreg:$0x8] =	wrdreg s19  }
0x11: {  	s1 =	sadd.s32 s10, s1;
	s0 =	sadd.s32 s0, s20;
	[dreg:$0x5] =	wrdreg s15  }
0x12: {  	s16 =	sadd.s32 s26, s7;
	s23 =	sadd.s32 s6, s22;
	[dreg:$0x6] =	wrdreg s0  }
0x13: {  	s18 =	sadd.s32 s7, s18;
	s14 =	sadd.s32 s10, s14;
	[dreg:$0x9] =	wrdreg s23  }
0x14: {  	s19 =	sadd.s32 $0x4E20, s13;
	s25 =	sadd.s32 s10, s20;
	[dreg:$0xb] =	wrdreg s14  }
0x15: {  	s30 =	sadd.s32 s6, s24;
	s20 =	sadd.s32 s26, s6;
	[dreg:$0xc] =	wrdreg s25  }
0x16: {  	s21 =	sadd.s32 $0xA0, s11;
	s11 =	simm.s32 $0x3;
	[dreg:$0xe] =	wrdreg s30  }
0x17: {  	s0 =	sadd.s32 s7, s22;
	s8 =	sadd.s32 s8, s19;
	[dreg:$0x12] =	wrdreg s21  }
0x18: {  	s14 =	sadd.s32 $0x75200, s1;
	s15 =	smax.u32 s12, $0x1;
	[dreg:$0x4] =	wrdreg s18  }
0x19: {  	s25 =	sadd.s32 $0x1E, s20;
	s22 =	sadd.s32 $0x138000, s3;
	[dreg:$0xa] =	wrdreg s0  }
0x1a: {  	s23 =	sadd.s32 $0xA, s18;
	s26 =	sadd.s32 $0x4D8, s18;
	[dreg:$0x10] =	wrdreg s14  }
0x1b: {  	s30 =	sadd.s32 $0x1E, s18;
	s1 =	simm.s32 $0x100;
	[dreg:$0x11] =	wrdreg s15  }
0x1c: {  	s18 =	simm.s32 $0x4;
	s21 =	simm.s32 $0x80;
	[dreg:$0x13] =	wrdreg s22  }
0x1d: {  	s12 =	simm.s32 $0x2B00;
	s20 =	simm.s32 $0x8;
	[dreg:$0x14] =	wrdreg s23  }
0x1e: {  	v1 =	vmov s19;
	s19 =	simm.s32 $0x0;
	s8 =	sshll.u32 s8, $0x4;
	[dreg:$0x15] =	wrdreg s26  }
0x1f: {  	s0 =	sadd.s32 s7, s24;
	s24 =	sadd.s32 $0x1E, s16;
	[dreg:$0x16] =	wrdreg s30  }
0x20: {  	s16 =	simm.s32 $0x50;
	s22 =	simm.s32 $0x1;
	s14 =	simm.s32 $0x6  }
0x21: {  	s15 =	simm.s32 $0x7;
	s8 =	sadd.s32 s10, s8;
	[dreg:$0xf] =	wrdreg s0  }
0x22: {  	v2 =	vimm.f32 $0.0e+00;
	v3 =	vimm.f32 $1.000000000e+00;
	v0 =	vmov s13;
	s0 =	simm.s32 $0x9;
	s10 =	simm.s32 $0x180;
	[dreg:$0xd] =	wrdreg s8  }
.LBB2_1:
0x23: {  	[dreg:$0x17] =	wrdreg s19;
	s8 =	simm.s32 $0x0;
	s23 =	simm.s32 $0x200  }
.LBB2_2:
0x24: {  	p1 =	sne.s32 s23, $0x2E00;
	[tilespmem:s8+$0x5370] =	vst v2  }
0x25: {  	[tilespmem:s8+$0x5300] =	vst v2  }
0x26: {  	[tilespmem:s8+$0x5310] =	vst v2  }
.Ltmp0:
0x27: {  	[tilespmem:s8+$0x5320] =	vst v2;
	(pc) =	sbr.rel @p1 .LBB2_2-.Ltmp0, $4  }
0x28: {  	[tilespmem:s8+$0x5330] =	vst v2  }
0x29: {  	[tilespmem:s8+$0x5340] =	vst v2  }
0x2a: {  	[tilespmem:s8+$0x5350] =	vst v2  }
0x2b: {  	[tilespmem:s8+$0x5360] =	vst v2;
	s8 =	sshra.s32 s23, $0x2;
	s23 =	sadd.s32 $0x200, s23  }
0x2c: {  	[tilespmem:s8+$0x5370] =	vst v2  }
0x2d: {  	[tilespmem:s8+$0x5300] =	vst v2  }
0x2e: {  	[tilespmem:s8+$0x5310] =	vst v2  }
0x2f: {  	[tilespmem:s8+$0x5320] =	vst v2  }
0x30: {  	[tilespmem:s8+$0x5330] =	vst v2  }
0x31: {  	[tilespmem:s8+$0x5340] =	vst v2  }
0x32: {  	[tilespmem:s8+$0x5350] =	vst v2  }
0x33: {  	[tilespmem:s8+$0x5360] =	vst v2;
	s8 =	simm.s32 $0x0;
	s23 =	simm.s32 $0x200;
	s19 =	rddreg [dreg:$0x16]  }
.LBB2_4:
0x34: {  	p1 =	sne.s32 s23, $0x9E00;
	[tilespmem:s8+$0x370] =	vst v3  }
0x35: {  	[tilespmem:s8+$0x300] =	vst v3  }
0x36: {  	[tilespmem:s8+$0x310] =	vst v3  }
.Ltmp1:
0x37: {  	[tilespmem:s8+$0x320] =	vst v3;
	(pc) =	sbr.rel @p1 .LBB2_4-.Ltmp1, $4  }
0x38: {  	[tilespmem:s8+$0x330] =	vst v3  }
0x39: {  	[tilespmem:s8+$0x340] =	vst v3  }
0x3a: {  	[tilespmem:s8+$0x350] =	vst v3  }
0x3b: {  	[tilespmem:s8+$0x360] =	vst v3;
	s8 =	sshra.s32 s23, $0x2;
	s23 =	sadd.s32 $0x200, s23  }
0x3c: {  	[tilespmem:s8+$0x370] =	vst v3  }
0x3d: {  	[tilespmem:s8+$0x300] =	vst v3  }
0x3e: {  	[tilespmem:s8+$0x310] =	vst v3  }
0x3f: {  	[tilespmem:s8+$0x320] =	vst v3  }
0x40: {  	[tilespmem:s8+$0x330] =	vst v3  }
0x41: {  	[tilespmem:s8+$0x340] =	vst v3  }
0x42: {  	[tilespmem:s8+$0x350] =	vst v3  }
0x43: {  	[tilespmem:s8+$0x360] =	vst v3;
	s30 =	sadd.s32 $0x0, s9  }
0x44: {  	[spmem:s30] =	stream.linear.scatter [tilespmem:s31], [sflag:$0x9], $0xC00, $0x38;
	[tilespmem:$0x19780] =	vst v63  }
0x45: {  	s8 =	simm.s32 $0x3000;
	_ =	swait.ge [sflag:s0], $0xC00  }
.LBB2_6:
0x46: {  	s23 =	sshra.s32 s8, $0x2;
	[sflag:s0] =	ssyncset.done $0x0;
	p1 =	sne.s32 s8, $0x4B000  }
.Ltmp2:
0x47: {  	s23 =	sadd.s32 s23, s9;
	[sflag:s0] =	ssyncadd.s32 $0xFFFFF400;
	(pc) =	sbr.rel @p1 .LBB2_6-.Ltmp2, $3  }
0x48: {  	[spmem:s23] =	stream.linear.scatter [tilespmem:s31], [sflag:$0x9], $0xC00, $0x38;
	[tilespmem:$0x19780] =	vst v63  }
0x49: {  	s8 =	sadd.s32 $0x3000, s8;
	_ =	sdelay $0x1  }
0x4a: {  	_ =	swait.ge [sflag:s0], $0xC00  }
0x4b: {  	[sflag:s0] =	ssyncset.done $0x0  }
0x4c: {  	s8 =	simm.s32 @!p0 $0x5300;
	s13 =	rddreg [dreg:$0x13];
	[sflag:s0] =	ssyncadd.s32 $0xFFFFF400  }
0x4d: {  	[spmem:s13] =	stream.linear.scatter @!p0 [tilespmem:s8], [sflag:$0x9], $0x800, $0x38;
	[tilespmem:$0x19780] =	vst v63  }
0x4e: {  	s8 =	simm.s32 @!p0 $0x9  }
0x4f: {  	_ =	swait.ge @!p0 [sflag:s8], $0x800  }
0x50: {  	[sflag:s8] =	ssyncset.done @!p0 $0x0  }
0x51: {  	[sflag:s8] =	ssyncadd.s32 @!p0 $0xFFFFF800  }
0x52: {  	[bflag:$0x0] =	sbarrier.arrive $0xFFFF  }
0x53: {  	s23 =	simm.s32 $0x0;
	s26 =	rddreg [dreg:$0x4]  }
0x54: {  	[tilespmem:s1], [sflag:$0x3] =	stream.linear.gather [hbm4b:s26+s23], $0x50, $0x38;
	[tilespmem:$0x19780] =	vst v63  }
0x55: {  	s30 =	rddreg [dreg:$0x14]  }
0x56: {  	[tilespmem:s10], [sflag:$0x4] =	stream.linear.gather [hbm4b:s30+s23], $0x50, $0x38;
	[tilespmem:$0x19780] =	vst v63  }
0x57: {  	_ =	swait.ge [sflag:s11], $0x50  }
0x58: {  	[sflag:s11] =	ssyncset.done $0x0  }
0x59: {  	[sflag:s11] =	ssyncadd.s32 $0xFFFFFFB0  }
0x5a: {  	[spmem:s3] =	stream.indirect.scatter.add.f32 [tilespmem:s17], [sflag:$0x9], $0x80, s1, s16, $0xb8;
	[tilespmem:$0x19780] =	vst v63  }
0x5b: {  	_ =	swait.ge [sflag:s0], $0x2800  }
0x5c: {  	s23 =	rddreg [dreg:$0x12]  }
0x5d: {  	[sflag:s0] =	ssyncset.done $0x0;
	s30 =	sshrl.u32 s23, $0x3  }
0x5e: {  	[sflag:s0] =	ssyncadd.s32 $0xFFFFD800;
	s8 =	sadd.s32 s7, s30  }
0x5f: {  	[tilespmem:s1], [sflag:$0x3] =	stream.linear.gather [hbm4b:s8+s4], $0x50, $0x38;
	[tilespmem:$0x19780] =	vst v63  }
0x60: {  	_ =	swait.ge [sflag:s18], $0x50  }
0x61: {  	[sflag:s18] =	ssyncset.done $0x0  }
0x62: {  	[sflag:s18] =	ssyncadd.s32 $0xFFFFFFB0  }
0x63: {  	[spmem:s3] =	stream.indirect.scatter.add.f32 [tilespmem:s17], [sflag:$0x9], $0x80, s10, s16, $0xb8;
	[tilespmem:$0x19780] =	vst v63  }
0x64: {  	_ =	swait.ge [sflag:s0], $0x2800  }
0x65: {  	s26 =	sadd.s32 $0x0, s19;
	[sflag:s0] =	ssyncset.done $0x0  }
0x66: {  	s23 =	sadd.s32 $0xA0, s23;
	s8 =	simm.s32 $0x14;
	[sflag:s0] =	ssyncadd.s32 $0xFFFFD800  }
.LBB2_8:
0x67: {  	[tilespmem:s10], [sflag:$0x4] =	stream.linear.gather [hbm4b:s26+s4], $0x50, $0x38;
	[tilespmem:$0x19780] =	vst v63  }
0x68: {  	s26 =	smov.u32 s8  }
0x69: {  	p1 =	sne.s32 s8, $0x4B0;
	s8 =	sadd.s32 $0x14, s8;
	_ =	swait.ge [sflag:s11], $0x50  }
0x6a: {  	[sflag:s11] =	ssyncset.done $0x0  }
0x6b: {  	[sflag:s11] =	ssyncadd.s32 $0xFFFFFFB0  }
0x6c: {  	[spmem:s3] =	stream.indirect.scatter.add.f32 [tilespmem:s17], [sflag:$0x9], $0x80, s1, s16, $0xb8;
	[tilespmem:$0x19780] =	vst v63  }
0x6d: {  	_ =	swait.ge [sflag:s0], $0x2800  }
0x6e: {  	s30 =	sshrl.u32 s23, $0x3;
	[sflag:s0] =	ssyncset.done $0x0  }
0x6f: {  	s30 =	sadd.s32 s7, s30;
	[sflag:s0] =	ssyncadd.s32 $0xFFFFD800  }
0x70: {  	[tilespmem:s1], [sflag:$0x3] =	stream.linear.gather [hbm4b:s30+s4], $0x50, $0x38;
	[tilespmem:$0x19780] =	vst v63  }
0x71: {  	_ =	swait.ge [sflag:s18], $0x50  }
0x72: {  	[sflag:s18] =	ssyncset.done $0x0  }
.Ltmp3:
0x73: {  	[sflag:s18] =	ssyncadd.s32 $0xFFFFFFB0;
	(pc) =	sbr.rel @p1 .LBB2_8-.Ltmp3, $4  }
0x74: {  	[spmem:s3] =	stream.indirect.scatter.add.f32 [tilespmem:s17], [sflag:$0x9], $0x80, s10, s16, $0xb8;
	[tilespmem:$0x19780] =	vst v63  }
0x75: {  	_ =	swait.ge [sflag:s0], $0x2800  }
0x76: {  	[sflag:s0] =	ssyncset.done $0x0  }
0x77: {  	s23 =	sadd.s32 $0xA0, s23;
	s26 =	sadd.s32 s26, s19;
	[sflag:s0] =	ssyncadd.s32 $0xFFFFD800  }
0x78: {  	[tilespmem:s10], [sflag:$0x4] =	stream.linear.gather [hbm4b:s26+s4], $0x50, $0x38;
	[tilespmem:$0x19780] =	vst v63  }
0x79: {  	_ =	swait.ge [sflag:s11], $0x50  }
0x7a: {  	[sflag:s11] =	ssyncset.done $0x0  }
0x7b: {  	[sflag:s11] =	ssyncadd.s32 $0xFFFFFFB0  }
0x7c: {  	[spmem:s3] =	stream.indirect.scatter.add.f32 [tilespmem:s17], [sflag:$0x9], $0x80, s1, s16, $0xb8;
	[tilespmem:$0x19780] =	vst v63  }
0x7d: {  	_ =	swait.ge [sflag:s0], $0x2800  }
0x7e: {  	[sflag:s0] =	ssyncset.done $0x0  }
0x7f: {  	s8 =	rddreg [dreg:$0x15];
	[sflag:s0] =	ssyncadd.s32 $0xFFFFD800  }
0x80: {  	[tilespmem:s1], [sflag:$0x3] =	stream.linear.gather [hbm4b:s8+s4], $0x50, $0x38;
	[tilespmem:$0x19780] =	vst v63  }
0x81: {  	_ =	swait.ge [sflag:s18], $0x50  }
0x82: {  	[sflag:s18] =	ssyncset.done $0x0  }
0x83: {  	[sflag:s18] =	ssyncadd.s32 $0xFFFFFFB0  }
0x84: {  	[spmem:s3] =	stream.indirect.scatter.add.f32 [tilespmem:s17], [sflag:$0x9], $0x80, s10, s16, $0xb8;
	[tilespmem:$0x19780] =	vst v63  }
0x85: {  	_ =	swait.ge [sflag:s0], $0x2800  }
0x86: {  	[sflag:s0] =	ssyncset.done $0x0  }
0x87: {  	s19 =	rddreg [dreg:$0x4];
	[sflag:s0] =	ssyncadd.s32 $0xFFFFD800  }
0x88: {  	[tilespmem:s10], [sflag:$0x4] =	stream.linear.gather [hbm4b:s19+s4], $0x50, $0x38;
	[tilespmem:$0x19780] =	vst v63  }
0x89: {  	_ =	swait.ge [sflag:s11], $0x50  }
0x8a: {  	[sflag:s11] =	ssyncset.done $0x0  }
0x8b: {  	[sflag:s11] =	ssyncadd.s32 $0xFFFFFFB0  }
0x8c: {  	[spmem:s3] =	stream.indirect.scatter.add.f32 [tilespmem:s17], [sflag:$0x9], $0x80, s1, s16, $0xb8;
	[tilespmem:$0x19780] =	vst v63  }
0x8d: {  	_ =	swait.ge [sflag:s0], $0x2800  }
0x8e: {  	[sflag:s0] =	ssyncset.done $0x0  }
0x8f: {  	[sflag:s0] =	ssyncadd.s32 $0xFFFFD800  }
0x90: {  	_ =	swait.ge [sflag:s18], $0x50  }
0x91: {  	[sflag:s18] =	ssyncset.done $0x0  }
0x92: {  	[sflag:s18] =	ssyncadd.s32 $0xFFFFFFB0  }
0x93: {  	s23 =	stileid.u32;
	[bflag:$0x0] =	sbarrier.arrive $0xFFFF  }
0x94: {  	s8 =	sshll.u32 s23, $0x6;
	s19 =	sshrl.u32 s9, $0x3;
	s26 =	rddreg [dreg:$0x5]  }
0x95: {  	s13 =	sor.u32 $0x1C09, s8;
	[dreg:$0x19] =	wrdreg s19  }
0x96: {  	[hbm:s26], [sflag:s13] =	dma.local [spmem:s19], $0x2700  }
0x97: {  	_ =	swait.ge [sflag:s0], $0x2700;
	[dreg:$0x18] =	wrdreg s13  }
0x98: {  	s8 =	rddreg [dreg:$0x13]  }
0x99: {  	[sflag:s0] =	ssyncset.done $0x0;
	s19 =	sshrl.u32 @!p0 s8, $0x3;
	s8 =	rddreg [dreg:$0x6]  }
0x9a: {  	[sflag:s0] =	ssyncadd.s32 $0xFFFFD900;
	[dreg:$0x1a] =	wrdreg s19  }
0x9b: {  	[hbm:s8], [sflag:s13] =	dma.local @!p0 [spmem:s19], $0x100  }
0x9c: {  	s8 =	simm.s32 @!p0 $0x9  }
0x9d: {  	_ =	swait.ge @!p0 [sflag:s8], $0x100  }
0x9e: {  	[sflag:s8] =	ssyncset.done @!p0 $0x0  }
0x9f: {  	[sflag:s8] =	ssyncadd.s32 @!p0 $0xFFFFFF00  }
0xa0: {  	s30 =	sadd.s32 $0x0, s9;
	[bflag:$0x0] =	sbarrier.arrive $0xFFFF  }
0xa1: {  	[spmem:s30] =	stream.linear.scatter [tilespmem:s31], [sflag:$0x9], $0xC00, $0x38;
	[tilespmem:$0x19780] =	vst v63  }
0xa2: {  	s8 =	simm.s32 $0x3000;
	_ =	swait.ge [sflag:s0], $0xC00  }
.LBB2_10:
0xa3: {  	s23 =	sshra.s32 s8, $0x2;
	[sflag:s0] =	ssyncset.done $0x0;
	p1 =	sne.s32 s8, $0x4B000  }
.Ltmp4:
0xa4: {  	s23 =	sadd.s32 s23, s9;
	[sflag:s0] =	ssyncadd.s32 $0xFFFFF400;
	(pc) =	sbr.rel @p1 .LBB2_10-.Ltmp4, $3  }
0xa5: {  	[spmem:s23] =	stream.linear.scatter [tilespmem:s31], [sflag:$0x9], $0xC00, $0x38;
	[tilespmem:$0x19780] =	vst v63  }
0xa6: {  	s8 =	sadd.s32 $0x3000, s8;
	_ =	sdelay $0x1  }
0xa7: {  	_ =	swait.ge [sflag:s0], $0xC00  }
0xa8: {  	[sflag:s0] =	ssyncset.done $0x0  }
0xa9: {  	s8 =	simm.s32 @!p0 $0x5300;
	s13 =	rddreg [dreg:$0x13];
	[sflag:s0] =	ssyncadd.s32 $0xFFFFF400  }
0xaa: {  	[spmem:s13] =	stream.linear.scatter @!p0 [tilespmem:s8], [sflag:$0x9], $0x800, $0x38;
	[tilespmem:$0x19780] =	vst v63  }
0xab: {  	s8 =	simm.s32 @!p0 $0x9  }
0xac: {  	_ =	swait.ge @!p0 [sflag:s8], $0x800  }
0xad: {  	[sflag:s8] =	ssyncset.done @!p0 $0x0  }
0xae: {  	[sflag:s8] =	ssyncadd.s32 @!p0 $0xFFFFF800  }
0xaf: {  	[bflag:$0x0] =	sbarrier.arrive $0xFFFF  }
0xb0: {  	s26 =	simm.s32 $0x0;
	s13 =	rddreg [dreg:$0x7]  }
0xb1: {  	[tilespmem:s26], [sflag:$0x1] =	stream.linear.gather [hbm4b:s13+s26], $0x50, $0x38;
	[tilespmem:$0x19780] =	vst v63  }
0xb2: {  	s19 =	rddreg [dreg:$0x8]  }
0xb3: {  	[tilespmem:s1], [sflag:$0x3] =	stream.linear.gather [hbm4b:s19+s26], $0x50, $0x38;
	[tilespmem:$0x19780] =	vst v63  }
0xb4: {  	s23 =	rddreg [dreg:$0x9]  }
0xb5: {  	[tilespmem:s21], [sflag:$0x2] =	stream.linear.gather [hbm4b:s23+s26], $0x50, $0x38;
	[tilespmem:$0x19780] =	vst v63  }
0xb6: {  	s13 =	rddreg [dreg:$0xa]  }
0xb7: {  	[tilespmem:s10], [sflag:$0x4] =	stream.linear.gather [hbm4b:s13+s26], $0x50, $0x38;
	[tilespmem:$0x19780] =	vst v63  }
0xb8: {  	_ =	swait.ge [sflag:s22], $0x50  }
0xb9: {  	[sflag:s22] =	ssyncset.done $0x0  }
0xba: {  	[sflag:s22] =	ssyncadd.s32 $0xFFFFFFB0  }
0xbb: {  	_ =	swait.ge [sflag:s11], $0x50  }
0xbc: {  	[sflag:s11] =	ssyncset.done $0x0  }
0xbd: {  	[sflag:s11] =	ssyncadd.s32 $0xFFFFFFB0  }
0xbe: {  	v4 =	vld [tilespmem:$0x0]  }
0xbf: {  	v5 =	vld [tilespmem:$0x10]  }
0xc0: {  	v6 =	vld [tilespmem:$0x20]  }
0xc1: {  	v7 =	vld [tilespmem:$0x30]  }
0xc2: {  	v8 =	vld [tilespmem:$0x40]  }
0xc3: {  	v4 =	vadd.s32 v0, v4  }
0xc4: {  	[tilespmem:$0x0] =	vst v4;
	v4 =	vadd.s32 v0, v5  }
0xc5: {  	[tilespmem:$0x10] =	vst v4;
	v4 =	vadd.s32 v0, v6  }
0xc6: {  	[tilespmem:$0x20] =	vst v4;
	v4 =	vadd.s32 v0, v7  }
0xc7: {  	[tilespmem:$0x30] =	vst v4;
	v4 =	vadd.s32 v0, v8  }
0xc8: {  	[tilespmem:$0x40] =	vst v4  }
0xc9: {  	[tilespmem:s17], [sflag:$0x5] =	stream.indirect.gather [hbm4b:s2+s16], $0x80, s26, s16, $0xb8;
	[tilespmem:$0x19780] =	vst v63  }
0xca: {  	_ =	swait.ge [sflag:s28], $0x50  }
0xcb: {  	[sflag:s28] =	ssyncset.done $0x0  }
0xcc: {  	[sflag:s28] =	ssyncadd.s32 $0xFFFFFFB0  }
0xcd: {  	_ =	swait.ge [sflag:s18], $0x50  }
0xce: {  	[sflag:s18] =	ssyncset.done $0x0  }
0xcf: {  	[sflag:s18] =	ssyncadd.s32 $0xFFFFFFB0  }
0xd0: {  	v4 =	vld [tilespmem:$0x80]  }
0xd1: {  	v5 =	vld [tilespmem:$0x90]  }
0xd2: {  	v52 =	vld [tilespmem:$0xA0]  }
0xd3: {  	v53 =	vld [tilespmem:$0xB0]  }
0xd4: {  	v54 =	vld [tilespmem:$0xC0]  }
0xd5: {  	v4 =	vadd.s32 v0, v4  }
0xd6: {  	[tilespmem:$0x80] =	vst v4;
	v4 =	vadd.s32 v0, v5  }
0xd7: {  	[tilespmem:$0x90] =	vst v4;
	v4 =	vadd.s32 v0, v52  }
0xd8: {  	[tilespmem:$0xA0] =	vst v4;
	v4 =	vadd.s32 v0, v53  }
0xd9: {  	[tilespmem:$0xB0] =	vst v4;
	v4 =	vadd.s32 v0, v54  }
0xda: {  	[tilespmem:$0xC0] =	vst v4  }
0xdb: {  	_ =	swait.ge [sflag:s29], $0x2800  }
0xdc: {  	[sflag:s29] =	ssyncset.done $0x0  }
0xdd: {  	[sflag:s29] =	ssyncadd.s32 $0xFFFFD800  }
0xde: {  	[tilespmem:s12], [sflag:$0x6] =	stream.indirect.gather [hbm4b:s2+s16], $0x80, s21, s16, $0xb8;
	[tilespmem:$0x19780] =	vst v63  }
0xdf: {  	v4 =	vld [tilespmem:$0x100]  }
0xe0: {  	v5 =	vld [tilespmem:$0x110]  }
0xe1: {  	v55 =	vld [tilespmem:$0x120]  }
0xe2: {  	v56 =	vld [tilespmem:$0x130]  }
0xe3: {  	v57 =	vld [tilespmem:$0x140]  }
0xe4: {  	[tilespmem:$0x200] =	vst v4  }
0xe5: {  	[tilespmem:$0x210] =	vst v5  }
0xe6: {  	[tilespmem:$0x220] =	vst v55  }
0xe7: {  	[tilespmem:$0x230] =	vst v56  }
0xe8: {  	s31 =	simm.s32 $0x200;
	[tilespmem:$0x240] =	vst v57  }
0xe9: {  	[spmem:s3] =	stream.indirect.scatter.add.f32 [tilespmem:s17], [sflag:$0x7], $0x80, s31, s16, $0xb8;
	[tilespmem:$0x19780] =	vst v63  }
0xea: {  	s19 =	rddreg [dreg:$0xe]  }
0xeb: {  	[tilespmem:s26], [sflag:$0x1] =	stream.linear.gather [hbm4b:s19+s26], $0x50, $0x38;
	[tilespmem:$0x19780] =	vst v63  }
0xec: {  	s23 =	rddreg [dreg:$0xf]  }
0xed: {  	[tilespmem:s1], [sflag:$0x3] =	stream.linear.gather [hbm4b:s23+s26], $0x50, $0x38;
	[tilespmem:$0x19780] =	vst v63  }
0xee: {  	_ =	swait.ge [sflag:s22], $0x50  }
0xef: {  	[sflag:s22] =	ssyncset.done $0x0  }
0xf0: {  	[sflag:s22] =	ssyncadd.s32 $0xFFFFFFB0  }
0xf1: {  	_ =	swait.ge [sflag:s11], $0x50  }
0xf2: {  	[sflag:s11] =	ssyncset.done $0x0  }
0xf3: {  	[sflag:s11] =	ssyncadd.s32 $0xFFFFFFB0  }
0xf4: {  	v4 =	vld [tilespmem:$0x40]  }
0xf5: {  	v5 =	vld [tilespmem:$0x30]  }
0xf6: {  	v58 =	vld [tilespmem:$0x20]  }
0xf7: {  	v59 =	vld [tilespmem:$0x10]  }
0xf8: {  	v60 =	vld [tilespmem:$0x0]  }
0xf9: {  	v4 =	vadd.s32 v0, v4  }
0xfa: {  	v5 =	vadd.s32 v0, v5;
	[tilespmem:$0x40] =	vst v4  }
0xfb: {  	v4 =	vadd.s32 v0, v58;
	[tilespmem:$0x30] =	vst v5  }
0xfc: {  	v5 =	vadd.s32 v0, v59;
	[tilespmem:$0x20] =	vst v4  }
0xfd: {  	v4 =	vadd.s32 v0, v60;
	[tilespmem:$0x10] =	vst v5  }
0xfe: {  	[tilespmem:$0x0] =	vst v4  }
0xff: {  	_ =	swait.ge [sflag:s14], $0x2800  }
0x100: {  	[sflag:s14] =	ssyncset.done $0x0  }
0x101: {  	[sflag:s14] =	ssyncadd.s32 $0xFFFFD800  }
0x102: {  	_ =	swait.ge [sflag:s15], $0x2800  }
0x103: {  	[sflag:s15] =	ssyncset.done $0x0  }
0x104: {  	[sflag:s15] =	ssyncadd.s32 $0xFFFFD800  }
0x105: {  	[tilespmem:s17], [sflag:$0x5] =	stream.indirect.gather [hbm4b:s2+s16], $0x80, s4, s16, $0xb8;
	[tilespmem:$0x19780] =	vst v63  }
0x106: {  	v4 =	vld [tilespmem:$0x180]  }
0x107: {  	v5 =	vld [tilespmem:$0x190]  }
0x108: {  	v61 =	vld [tilespmem:$0x1A0]  }
0x109: {  	v62 =	vld [tilespmem:$0x1B0]  }
0x10a: {  	v63 =	vld [tilespmem:$0x1C0]  }
0x10b: {  	[tilespmem:$0x280] =	vst v4  }
0x10c: {  	[tilespmem:$0x290] =	vst v5  }
0x10d: {  	[tilespmem:$0x2A0] =	vst v61  }
0x10e: {  	[tilespmem:$0x2B0] =	vst v62  }
0x10f: {  	s13 =	simm.s32 $0x280;
	[tilespmem:$0x2C0] =	vst v63  }
0x110: {  	[spmem:s3] =	stream.indirect.scatter.add.f32 [tilespmem:s12], [sflag:$0x8], $0x80, s13, s16, $0xb8;
	[tilespmem:$0x19780] =	vst v63  }
0x111: {  	s19 =	sadd.s32 $0x0, s25  }
0x112: {  	[tilespmem:s21], [sflag:$0x2] =	stream.linear.gather [hbm4b:s19+s4], $0x50, $0x38;
	[tilespmem:$0x19780] =	vst v63  }
0x113: {  	s23 =	sadd.s32 $0x0, s24  }
0x114: {  	[tilespmem:s10], [sflag:$0x4] =	stream.linear.gather [hbm4b:s23+s4], $0x50, $0x38;
	[tilespmem:$0x19780] =	vst v63  }
0x115: {  	_ =	swait.ge [sflag:s28], $0x50  }
0x116: {  	[sflag:s28] =	ssyncset.done $0x0  }
0x117: {  	[sflag:s28] =	ssyncadd.s32 $0xFFFFFFB0  }
0x118: {  	_ =	swait.ge [sflag:s18], $0x50  }
0x119: {  	s30 =	simm.s32 $0x140;
	[sflag:s18] =	ssyncset.done $0x0  }
0x11a: {  	s8 =	simm.s32 $0x14;
	s23 =	simm.s32 $0x140;
	[sflag:s18] =	ssyncadd.s32 $0xFFFFFFB0  }
.LBB2_12:
0x11b: {  	p1 =	sne.s32 s8, $0x99C  }
0x11c: {  	v4 =	vld [tilespmem:$0xB0];
	s30 =	sadd.s32 $0xA0, s30;
	s13 =	smov.u32 s8;
	s8 =	sadd.s32 $0x14, s8  }
0x11d: {  	v5 =	vld [tilespmem:$0xA0]  }
0x11e: {  	v6 =	vld [tilespmem:$0x90]  }
0x11f: {  	v7 =	vld [tilespmem:$0xC0]  }
0x120: {  	v8 =	vld [tilespmem:$0x80]  }
0x121: {  	v4 =	vadd.s32 v0, v4  }
0x122: {  	v5 =	vadd.s32 v0, v5;
	[tilespmem:$0xB0] =	vst v4  }
0x123: {  	v4 =	vadd.s32 v0, v6;
	[tilespmem:$0xA0] =	vst v5  }
0x124: {  	[tilespmem:$0x90] =	vst v4;
	v4 =	vadd.s32 v0, v7  }
0x125: {  	v5 =	vadd.s32 v0, v8;
	[tilespmem:$0xC0] =	vst v4  }
0x126: {  	[tilespmem:$0x80] =	vst v5  }
0x127: {  	_ =	swait.ge [sflag:s29], $0x2800  }
0x128: {  	[sflag:s29] =	ssyncset.done $0x0  }
0x129: {  	[sflag:s29] =	ssyncadd.s32 $0xFFFFD800  }
0x12a: {  	_ =	swait.ge [sflag:s20], $0x2800  }
0x12b: {  	[sflag:s20] =	ssyncset.done $0x0  }
0x12c: {  	[sflag:s20] =	ssyncadd.s32 $0xFFFFD800  }
0x12d: {  	[tilespmem:s12], [sflag:$0x6] =	stream.indirect.gather [hbm4b:s2+s16], $0x80, s21, s16, $0xb8;
	[tilespmem:$0x19780] =	vst v63  }
0x12e: {  	v4 =	vld [tilespmem:$0x110]  }
0x12f: {  	v5 =	vld [tilespmem:$0x120]  }
0x130: {  	p2 =	seq.s32 s26, $0x99C;
	s26 =	smov.u32 s13;
	s13 =	smov.u32 s23;
	v6 =	vld [tilespmem:$0x140]  }
0x131: {  	s23 =	smov.u32 s30;
	s13 =	simm.s32 @p2 $0x0;
	v7 =	vld [tilespmem:$0x100]  }
0x132: {  	s13 =	sadd.s32 s5, s13;
	v8 =	vld [tilespmem:$0x130]  }
0x133: {  	[tilespmem:$0x210] =	vst v4  }
0x134: {  	s13 =	sshrl.u32 s13, $0x3;
	[tilespmem:$0x220] =	vst v5  }
0x135: {  	s19 =	sadd.s32 s6, s13;
	[tilespmem:$0x240] =	vst v6  }
0x136: {  	[tilespmem:$0x200] =	vst v7  }
0x137: {  	s13 =	sadd.s32 s7, s13;
	[tilespmem:$0x230] =	vst v8  }
0x138: {  	[spmem:s3] =	stream.indirect.scatter.add.f32 [tilespmem:s17], [sflag:$0x7], $0x80, s31, s16, $0xb8;
	[tilespmem:$0x19780] =	vst v63  }
0x139: {  	_ = 	snop  }
0x13a: {  	[tilespmem:s4], [sflag:$0x1] =	stream.linear.gather [hbm4b:s19+s4], $0x50, $0x38;
	[tilespmem:$0x19780] =	vst v63  }
0x13b: {  	s19 =	simm.s32 $0x280;
	_ =	sdelay $0x1  }
0x13c: {  	[tilespmem:s1], [sflag:$0x3] =	stream.linear.gather [hbm4b:s13+s4], $0x50, $0x38;
	[tilespmem:$0x19780] =	vst v63  }
0x13d: {  	_ = 	snop  }
0x13e: {  	_ =	swait.ge [sflag:s22], $0x50  }
0x13f: {  	[sflag:s22] =	ssyncset.done $0x0  }
0x140: {  	[sflag:s22] =	ssyncadd.s32 $0xFFFFFFB0  }
0x141: {  	_ =	swait.ge [sflag:s11], $0x50  }
0x142: {  	[sflag:s11] =	ssyncset.done $0x0  }
0x143: {  	[sflag:s11] =	ssyncadd.s32 $0xFFFFFFB0  }
0x144: {  	v4 =	vld [tilespmem:$0x40]  }
0x145: {  	v5 =	vld [tilespmem:$0x30]  }
0x146: {  	v6 =	vld [tilespmem:$0x20]  }
0x147: {  	v7 =	vld [tilespmem:$0x10]  }
0x148: {  	v8 =	vld [tilespmem:$0x0]  }
0x149: {  	v4 =	vadd.s32 v0, v4  }
0x14a: {  	v5 =	vadd.s32 v0, v5;
	[tilespmem:$0x40] =	vst v4  }
0x14b: {  	v4 =	vadd.s32 v0, v6;
	[tilespmem:$0x30] =	vst v5  }
0x14c: {  	v5 =	vadd.s32 v0, v7;
	[tilespmem:$0x20] =	vst v4  }
0x14d: {  	v4 =	vadd.s32 v0, v8;
	[tilespmem:$0x10] =	vst v5  }
0x14e: {  	[tilespmem:$0x0] =	vst v4  }
0x14f: {  	_ =	swait.ge [sflag:s14], $0x2800  }
0x150: {  	[sflag:s14] =	ssyncset.done $0x0  }
0x151: {  	[sflag:s14] =	ssyncadd.s32 $0xFFFFD800  }
0x152: {  	_ =	swait.ge [sflag:s15], $0x2800  }
0x153: {  	[sflag:s15] =	ssyncset.done $0x0  }
0x154: {  	[sflag:s15] =	ssyncadd.s32 $0xFFFFD800  }
0x155: {  	[tilespmem:s17], [sflag:$0x5] =	stream.indirect.gather [hbm4b:s2+s16], $0x80, s4, s16, $0xb8;
	[tilespmem:$0x19780] =	vst v63  }
0x156: {  	v4 =	vld [tilespmem:$0x180]  }
0x157: {  	v5 =	vld [tilespmem:$0x190]  }
0x158: {  	v6 =	vld [tilespmem:$0x1A0]  }
0x159: {  	v7 =	vld [tilespmem:$0x1B0]  }
0x15a: {  	v8 =	vld [tilespmem:$0x1C0]  }
0x15b: {  	s13 =	sadd.s32 s26, s25;
	[tilespmem:$0x280] =	vst v4  }
0x15c: {  	[tilespmem:$0x290] =	vst v5  }
0x15d: {  	[tilespmem:$0x2A0] =	vst v6  }
0x15e: {  	[tilespmem:$0x2B0] =	vst v7  }
0x15f: {  	[tilespmem:$0x2C0] =	vst v8  }
0x160: {  	[spmem:s3] =	stream.indirect.scatter.add.f32 [tilespmem:s12], [sflag:$0x8], $0x80, s19, s16, $0xb8;
	[tilespmem:$0x19780] =	vst v63  }
0x161: {  	_ = 	snop  }
0x162: {  	[tilespmem:s21], [sflag:$0x2] =	stream.linear.gather [hbm4b:s13+s4], $0x50, $0x38;
	[tilespmem:$0x19780] =	vst v63  }
0x163: {  	s13 =	sadd.s32 s26, s24  }
0x164: {  	[tilespmem:s10], [sflag:$0x4] =	stream.linear.gather [hbm4b:s13+s4], $0x50, $0x38;
	[tilespmem:$0x19780] =	vst v63  }
0x165: {  	_ =	swait.ge [sflag:s28], $0x50  }
.Ltmp5:
0x166: {  	[sflag:s28] =	ssyncset.done $0x0;
	(pc) =	sbr.rel @p1 .LBB2_12-.Ltmp5, $4  }
0x167: {  	[sflag:s28] =	ssyncadd.s32 $0xFFFFFFB0  }
0x168: {  	_ =	swait.ge [sflag:s18], $0x50  }
0x169: {  	[sflag:s18] =	ssyncset.done $0x0  }
0x16a: {  	[sflag:s18] =	ssyncadd.s32 $0xFFFFFFB0  }
0x16b: {  	v4 =	vld [tilespmem:$0xB0]  }
0x16c: {  	v5 =	vld [tilespmem:$0xA0]  }
0x16d: {  	v6 =	vld [tilespmem:$0x90]  }
0x16e: {  	v8 =	vld [tilespmem:$0x80]  }
0x16f: {  	v7 =	vld [tilespmem:$0xC0]  }
0x170: {  	v4 =	vadd.s32 v0, v4  }
0x171: {  	v5 =	vadd.s32 v0, v5;
	[tilespmem:$0xB0] =	vst v4  }
0x172: {  	v4 =	vadd.s32 v0, v6;
	[tilespmem:$0xA0] =	vst v5  }
0x173: {  	v5 =	vadd.s32 v0, v8;
	[tilespmem:$0x90] =	vst v4  }
0x174: {  	v4 =	vadd.s32 v0, v7;
	[tilespmem:$0x80] =	vst v5  }
0x175: {  	[tilespmem:$0xC0] =	vst v4  }
0x176: {  	_ =	swait.ge [sflag:s29], $0x2800  }
0x177: {  	[sflag:s29] =	ssyncset.done $0x0  }
0x178: {  	[sflag:s29] =	ssyncadd.s32 $0xFFFFD800  }
0x179: {  	_ =	swait.ge [sflag:s20], $0x2800  }
0x17a: {  	[sflag:s20] =	ssyncset.done $0x0  }
0x17b: {  	[sflag:s20] =	ssyncadd.s32 $0xFFFFD800  }
0x17c: {  	[tilespmem:s12], [sflag:$0x6] =	stream.indirect.gather [hbm4b:s2+s16], $0x80, s21, s16, $0xb8;
	[tilespmem:$0x19780] =	vst v63  }
0x17d: {  	v4 =	vld [tilespmem:$0x110]  }
0x17e: {  	v5 =	vld [tilespmem:$0x120]  }
0x17f: {  	v58 =	vld [tilespmem:$0x140]  }
0x180: {  	v59 =	vld [tilespmem:$0x100]  }
0x181: {  	v60 =	vld [tilespmem:$0x130]  }
0x182: {  	[tilespmem:$0x210] =	vst v4  }
0x183: {  	p1 =	seq.s32 s26, $0x99C;
	[tilespmem:$0x220] =	vst v5  }
0x184: {  	s23 =	simm.s32 @p1 $0x0;
	[tilespmem:$0x240] =	vst v58  }
0x185: {  	s8 =	sadd.s32 s5, s23;
	[tilespmem:$0x200] =	vst v59  }
0x186: {  	s8 =	sshrl.u32 s8, $0x3;
	[tilespmem:$0x230] =	vst v60  }
0x187: {  	[spmem:s3] =	stream.indirect.scatter.add.f32 [tilespmem:s17], [sflag:$0x7], $0x80, s31, s16, $0xb8;
	[tilespmem:$0x19780] =	vst v63  }
0x188: {  	s13 =	sadd.s32 s6, s8  }
0x189: {  	[tilespmem:s4], [sflag:$0x1] =	stream.linear.gather [hbm4b:s13+s4], $0x50, $0x38;
	[tilespmem:$0x19780] =	vst v63  }
0x18a: {  	s8 =	sadd.s32 s7, s8  }
0x18b: {  	[tilespmem:s1], [sflag:$0x3] =	stream.linear.gather [hbm4b:s8+s4], $0x50, $0x38;
	[tilespmem:$0x19780] =	vst v63  }
0x18c: {  	_ =	swait.ge [sflag:s22], $0x50  }
0x18d: {  	[sflag:s22] =	ssyncset.done $0x0  }
0x18e: {  	[sflag:s22] =	ssyncadd.s32 $0xFFFFFFB0  }
0x18f: {  	_ =	swait.ge [sflag:s11], $0x50  }
0x190: {  	[sflag:s11] =	ssyncset.done $0x0  }
0x191: {  	[sflag:s11] =	ssyncadd.s32 $0xFFFFFFB0  }
0x192: {  	_ =	swait.ge [sflag:s14], $0x2800  }
0x193: {  	[sflag:s14] =	ssyncset.done $0x0  }
0x194: {  	[sflag:s14] =	ssyncadd.s32 $0xFFFFD800  }
0x195: {  	_ =	swait.ge [sflag:s15], $0x2800  }
0x196: {  	[sflag:s15] =	ssyncset.done $0x0  }
0x197: {  	[sflag:s15] =	ssyncadd.s32 $0xFFFFD800  }
0x198: {  	v4 =	vld [tilespmem:$0x180]  }
0x199: {  	v5 =	vld [tilespmem:$0x190]  }
0x19a: {  	v61 =	vld [tilespmem:$0x1A0]  }
0x19b: {  	v62 =	vld [tilespmem:$0x1B0]  }
0x19c: {  	v63 =	vld [tilespmem:$0x1C0]  }
0x19d: {  	[tilespmem:$0x280] =	vst v4  }
0x19e: {  	[tilespmem:$0x290] =	vst v5  }
0x19f: {  	[tilespmem:$0x2A0] =	vst v61  }
0x1a0: {  	[tilespmem:$0x2B0] =	vst v62  }
0x1a1: {  	[tilespmem:$0x2C0] =	vst v63  }
0x1a2: {  	[spmem:s3] =	stream.indirect.scatter.add.f32 [tilespmem:s12], [sflag:$0x8], $0x80, s19, s16, $0xb8;
	[tilespmem:$0x19780] =	vst v63  }
0x1a3: {  	_ =	swait.ge [sflag:s20], $0x2800  }
0x1a4: {  	[sflag:s20] =	ssyncset.done $0x0  }
0x1a5: {  	[sflag:s20] =	ssyncadd.s32 $0xFFFFD800  }
0x1a6: {  	[bflag:$0x0] =	sbarrier.arrive $0xFFFF  }
0x1a7: {  	s26 =	rddreg [dreg:$0xb]  }
0x1a8: {  	s13 =	rddreg [dreg:$0x18]  }
0x1a9: {  	s30 =	rddreg [dreg:$0x19]  }
0x1aa: {  	[hbm:s26], [sflag:s13] =	dma.local [spmem:s30], $0x2700  }
0x1ab: {  	_ =	swait.ge [sflag:s0], $0x2700  }
0x1ac: {  	[sflag:s0] =	ssyncset.done $0x0;
	s8 =	rddreg [dreg:$0xc]  }
0x1ad: {  	s19 =	rddreg [dreg:$0x1a];
	[sflag:s0] =	ssyncadd.s32 $0xFFFFD900  }
0x1ae: {  	[hbm:s8], [sflag:s13] =	dma.local @!p0 [spmem:s19], $0x100  }
0x1af: {  	s8 =	simm.s32 @!p0 $0x9  }
0x1b0: {  	_ =	swait.ge @!p0 [sflag:s8], $0x100  }
0x1b1: {  	[sflag:s8] =	ssyncset.done @!p0 $0x0  }
0x1b2: {  	[sflag:s8] =	ssyncadd.s32 @!p0 $0xFFFFFF00  }
0x1b3: {  	s23 =	simm.s32 $0x5300;
	s31 =	sadd.s32 $0x0, s9;
	[bflag:$0x0] =	sbarrier.arrive $0xFFFF  }
0x1b4: {  	[spmem:s31] =	stream.linear.scatter [tilespmem:s23], [sflag:$0x9], $0xC00, $0x38;
	[tilespmem:$0x19780] =	vst v63  }
0x1b5: {  	s19 =	simm.s32 $0x200;
	s8 =	simm.s32 $0x3000;
	_ =	swait.ge [sflag:s0], $0xC00  }
.LBB2_14:
0x1b6: {  	s13 =	sshra.s32 s8, $0x2;
	[sflag:s0] =	ssyncset.done $0x0;
	p1 =	sne.s32 s8, $0x4B000  }
.Ltmp6:
0x1b7: {  	s13 =	sadd.s32 s13, s9;
	[sflag:s0] =	ssyncadd.s32 $0xFFFFF400;
	(pc) =	sbr.rel @p1 .LBB2_14-.Ltmp6, $3  }
0x1b8: {  	[spmem:s13] =	stream.linear.scatter [tilespmem:s23], [sflag:$0x9], $0xC00, $0x38;
	[tilespmem:$0x19780] =	vst v63  }
0x1b9: {  	s8 =	sadd.s32 $0x3000, s8;
	_ =	sdelay $0x1  }
0x1ba: {  	_ =	swait.ge [sflag:s0], $0xC00  }
0x1bb: {  	[sflag:s0] =	ssyncset.done $0x0  }
0x1bc: {  	s8 =	simm.s32 @!p0 $0x5300;
	s13 =	rddreg [dreg:$0x13];
	[sflag:s0] =	ssyncadd.s32 $0xFFFFF400  }
0x1bd: {  	[spmem:s13] =	stream.linear.scatter @!p0 [tilespmem:s8], [sflag:$0x9], $0x800, $0x38;
	[tilespmem:$0x19780] =	vst v63  }
0x1be: {  	s8 =	simm.s32 @!p0 $0x9  }
0x1bf: {  	_ =	swait.ge @!p0 [sflag:s8], $0x800  }
0x1c0: {  	[sflag:s8] =	ssyncset.done @!p0 $0x0  }
0x1c1: {  	[sflag:s8] =	ssyncadd.s32 @!p0 $0xFFFFF800  }
0x1c2: {  	[bflag:$0x0] =	sbarrier.arrive $0xFFFF  }
0x1c3: {  	s26 =	simm.s32 $0x0;
	s23 =	rddreg [dreg:$0x7]  }
0x1c4: {  	[tilespmem:s26], [sflag:$0x1] =	stream.linear.gather [hbm4b:s23+s26], $0x50, $0x38;
	[tilespmem:$0x19780] =	vst v63  }
0x1c5: {  	s13 =	rddreg [dreg:$0x8]  }
0x1c6: {  	[tilespmem:s1], [sflag:$0x3] =	stream.linear.gather [hbm4b:s13+s26], $0x50, $0x38;
	[tilespmem:$0x19780] =	vst v63  }
0x1c7: {  	s23 =	rddreg [dreg:$0x9]  }
0x1c8: {  	[tilespmem:s21], [sflag:$0x2] =	stream.linear.gather [hbm4b:s23+s26], $0x50, $0x38;
	[tilespmem:$0x19780] =	vst v63  }
0x1c9: {  	s13 =	rddreg [dreg:$0xa]  }
0x1ca: {  	[tilespmem:s10], [sflag:$0x4] =	stream.linear.gather [hbm4b:s13+s26], $0x50, $0x38;
	[tilespmem:$0x19780] =	vst v63  }
0x1cb: {  	_ =	swait.ge [sflag:s22], $0x50  }
0x1cc: {  	[sflag:s22] =	ssyncset.done $0x0  }
0x1cd: {  	[sflag:s22] =	ssyncadd.s32 $0xFFFFFFB0  }
0x1ce: {  	_ =	swait.ge [sflag:s11], $0x50  }
0x1cf: {  	[sflag:s11] =	ssyncset.done $0x0  }
0x1d0: {  	[sflag:s11] =	ssyncadd.s32 $0xFFFFFFB0  }
0x1d1: {  	v4 =	vld [tilespmem:$0x0]  }
0x1d2: {  	v5 =	vld [tilespmem:$0x10]  }
0x1d3: {  	v6 =	vld [tilespmem:$0x20]  }
0x1d4: {  	v7 =	vld [tilespmem:$0x30]  }
0x1d5: {  	v8 =	vld [tilespmem:$0x40]  }
0x1d6: {  	v4 =	vadd.s32 v1, v4  }
0x1d7: {  	[tilespmem:$0x0] =	vst v4;
	v4 =	vadd.s32 v1, v5  }
0x1d8: {  	[tilespmem:$0x10] =	vst v4;
	v4 =	vadd.s32 v1, v6  }
0x1d9: {  	[tilespmem:$0x20] =	vst v4;
	v4 =	vadd.s32 v1, v7  }
0x1da: {  	[tilespmem:$0x30] =	vst v4;
	v4 =	vadd.s32 v1, v8  }
0x1db: {  	[tilespmem:$0x40] =	vst v4  }
0x1dc: {  	[tilespmem:s17], [sflag:$0x5] =	stream.indirect.gather [hbm4b:s2+s16], $0x80, s26, s16, $0xb8;
	[tilespmem:$0x19780] =	vst v63  }
0x1dd: {  	_ =	swait.ge [sflag:s28], $0x50  }
0x1de: {  	[sflag:s28] =	ssyncset.done $0x0  }
0x1df: {  	[sflag:s28] =	ssyncadd.s32 $0xFFFFFFB0  }
0x1e0: {  	_ =	swait.ge [sflag:s18], $0x50  }
0x1e1: {  	[sflag:s18] =	ssyncset.done $0x0  }
0x1e2: {  	[sflag:s18] =	ssyncadd.s32 $0xFFFFFFB0  }
0x1e3: {  	v4 =	vld [tilespmem:$0x80]  }
0x1e4: {  	v5 =	vld [tilespmem:$0x90]  }
0x1e5: {  	v52 =	vld [tilespmem:$0xA0]  }
0x1e6: {  	v53 =	vld [tilespmem:$0xB0]  }
0x1e7: {  	v54 =	vld [tilespmem:$0xC0]  }
0x1e8: {  	v4 =	vadd.s32 v1, v4  }
0x1e9: {  	[tilespmem:$0x80] =	vst v4;
	v4 =	vadd.s32 v1, v5  }
0x1ea: {  	[tilespmem:$0x90] =	vst v4;
	v4 =	vadd.s32 v1, v52  }
0x1eb: {  	[tilespmem:$0xA0] =	vst v4;
	v4 =	vadd.s32 v1, v53  }
0x1ec: {  	[tilespmem:$0xB0] =	vst v4;
	v4 =	vadd.s32 v1, v54  }
0x1ed: {  	[tilespmem:$0xC0] =	vst v4  }
0x1ee: {  	_ =	swait.ge [sflag:s29], $0x2800  }
0x1ef: {  	[sflag:s29] =	ssyncset.done $0x0  }
0x1f0: {  	[sflag:s29] =	ssyncadd.s32 $0xFFFFD800  }
0x1f1: {  	[tilespmem:s12], [sflag:$0x6] =	stream.indirect.gather [hbm4b:s2+s16], $0x80, s21, s16, $0xb8;
	[tilespmem:$0x19780] =	vst v63  }
0x1f2: {  	v4 =	vld [tilespmem:$0x100]  }
0x1f3: {  	v5 =	vld [tilespmem:$0x110]  }
0x1f4: {  	v55 =	vld [tilespmem:$0x120]  }
0x1f5: {  	v56 =	vld [tilespmem:$0x130]  }
0x1f6: {  	v57 =	vld [tilespmem:$0x140]  }
0x1f7: {  	[tilespmem:$0x200] =	vst v4  }
0x1f8: {  	[tilespmem:$0x210] =	vst v5  }
0x1f9: {  	[tilespmem:$0x220] =	vst v55  }
0x1fa: {  	[tilespmem:$0x230] =	vst v56  }
0x1fb: {  	[tilespmem:$0x240] =	vst v57  }
0x1fc: {  	[spmem:s3] =	stream.indirect.scatter.add.f32 [tilespmem:s17], [sflag:$0x7], $0x80, s19, s16, $0xb8;
	[tilespmem:$0x19780] =	vst v63  }
0x1fd: {  	s19 =	rddreg [dreg:$0xe]  }
0x1fe: {  	[tilespmem:s26], [sflag:$0x1] =	stream.linear.gather [hbm4b:s19+s26], $0x50, $0x38;
	[tilespmem:$0x19780] =	vst v63  }
0x1ff: {  	s23 =	rddreg [dreg:$0xf]  }
0x200: {  	[tilespmem:s1], [sflag:$0x3] =	stream.linear.gather [hbm4b:s23+s26], $0x50, $0x38;
	[tilespmem:$0x19780] =	vst v63  }
0x201: {  	_ =	swait.ge [sflag:s22], $0x50  }
0x202: {  	[sflag:s22] =	ssyncset.done $0x0  }
0x203: {  	[sflag:s22] =	ssyncadd.s32 $0xFFFFFFB0  }
0x204: {  	_ =	swait.ge [sflag:s11], $0x50  }
0x205: {  	[sflag:s11] =	ssyncset.done $0x0  }
0x206: {  	[sflag:s11] =	ssyncadd.s32 $0xFFFFFFB0  }
0x207: {  	v4 =	vld [tilespmem:$0x40]  }
0x208: {  	v5 =	vld [tilespmem:$0x30]  }
0x209: {  	v58 =	vld [tilespmem:$0x20]  }
0x20a: {  	v59 =	vld [tilespmem:$0x10]  }
0x20b: {  	v60 =	vld [tilespmem:$0x0]  }
0x20c: {  	v4 =	vadd.s32 v1, v4  }
0x20d: {  	v5 =	vadd.s32 v1, v5;
	[tilespmem:$0x40] =	vst v4  }
0x20e: {  	v4 =	vadd.s32 v1, v58;
	[tilespmem:$0x30] =	vst v5  }
0x20f: {  	v5 =	vadd.s32 v1, v59;
	[tilespmem:$0x20] =	vst v4  }
0x210: {  	v4 =	vadd.s32 v1, v60;
	[tilespmem:$0x10] =	vst v5  }
0x211: {  	[tilespmem:$0x0] =	vst v4  }
0x212: {  	_ =	swait.ge [sflag:s14], $0x2800  }
0x213: {  	[sflag:s14] =	ssyncset.done $0x0  }
0x214: {  	[sflag:s14] =	ssyncadd.s32 $0xFFFFD800  }
0x215: {  	_ =	swait.ge [sflag:s15], $0x2800  }
0x216: {  	[sflag:s15] =	ssyncset.done $0x0  }
0x217: {  	[sflag:s15] =	ssyncadd.s32 $0xFFFFD800  }
0x218: {  	[tilespmem:s17], [sflag:$0x5] =	stream.indirect.gather [hbm4b:s2+s16], $0x80, s4, s16, $0xb8;
	[tilespmem:$0x19780] =	vst v63  }
0x219: {  	v4 =	vld [tilespmem:$0x180]  }
0x21a: {  	v5 =	vld [tilespmem:$0x190]  }
0x21b: {  	v61 =	vld [tilespmem:$0x1A0]  }
0x21c: {  	v62 =	vld [tilespmem:$0x1B0]  }
0x21d: {  	v63 =	vld [tilespmem:$0x1C0]  }
0x21e: {  	[tilespmem:$0x280] =	vst v4  }
0x21f: {  	[tilespmem:$0x290] =	vst v5  }
0x220: {  	[tilespmem:$0x2A0] =	vst v61  }
0x221: {  	[tilespmem:$0x2B0] =	vst v62  }
0x222: {  	s13 =	simm.s32 $0x280;
	[tilespmem:$0x2C0] =	vst v63  }
0x223: {  	[spmem:s3] =	stream.indirect.scatter.add.f32 [tilespmem:s12], [sflag:$0x8], $0x80, s13, s16, $0xb8;
	[tilespmem:$0x19780] =	vst v63  }
0x224: {  	s19 =	sadd.s32 $0x0, s25  }
0x225: {  	[tilespmem:s21], [sflag:$0x2] =	stream.linear.gather [hbm4b:s19+s4], $0x50, $0x38;
	[tilespmem:$0x19780] =	vst v63  }
0x226: {  	s23 =	sadd.s32 $0x0, s24  }
0x227: {  	[tilespmem:s10], [sflag:$0x4] =	stream.linear.gather [hbm4b:s23+s4], $0x50, $0x38;
	[tilespmem:$0x19780] =	vst v63  }
0x228: {  	_ =	swait.ge [sflag:s28], $0x50  }
0x229: {  	[sflag:s28] =	ssyncset.done $0x0  }
0x22a: {  	[sflag:s28] =	ssyncadd.s32 $0xFFFFFFB0  }
0x22b: {  	_ =	swait.ge [sflag:s18], $0x50  }
0x22c: {  	s31 =	simm.s32 $0x200;
	s30 =	simm.s32 $0x140;
	[sflag:s18] =	ssyncset.done $0x0  }
0x22d: {  	s8 =	simm.s32 $0x14;
	s23 =	simm.s32 $0x140;
	[sflag:s18] =	ssyncadd.s32 $0xFFFFFFB0  }
.LBB2_16:
0x22e: {  	p1 =	sne.s32 s8, $0x99C  }
0x22f: {  	v4 =	vld [tilespmem:$0xB0];
	s30 =	sadd.s32 $0xA0, s30;
	s13 =	smov.u32 s8;
	s8 =	sadd.s32 $0x14, s8  }
0x230: {  	v5 =	vld [tilespmem:$0xA0]  }
0x231: {  	v6 =	vld [tilespmem:$0x90]  }
0x232: {  	v7 =	vld [tilespmem:$0xC0]  }
0x233: {  	v8 =	vld [tilespmem:$0x80]  }
0x234: {  	v4 =	vadd.s32 v1, v4  }
0x235: {  	v5 =	vadd.s32 v1, v5;
	[tilespmem:$0xB0] =	vst v4  }
0x236: {  	v4 =	vadd.s32 v1, v6;
	[tilespmem:$0xA0] =	vst v5  }
0x237: {  	[tilespmem:$0x90] =	vst v4;
	v4 =	vadd.s32 v1, v7  }
0x238: {  	v5 =	vadd.s32 v1, v8;
	[tilespmem:$0xC0] =	vst v4  }
0x239: {  	[tilespmem:$0x80] =	vst v5  }
0x23a: {  	_ =	swait.ge [sflag:s29], $0x2800  }
0x23b: {  	[sflag:s29] =	ssyncset.done $0x0  }
0x23c: {  	[sflag:s29] =	ssyncadd.s32 $0xFFFFD800  }
0x23d: {  	_ =	swait.ge [sflag:s20], $0x2800  }
0x23e: {  	[sflag:s20] =	ssyncset.done $0x0  }
0x23f: {  	[sflag:s20] =	ssyncadd.s32 $0xFFFFD800  }
0x240: {  	[tilespmem:s12], [sflag:$0x6] =	stream.indirect.gather [hbm4b:s2+s16], $0x80, s21, s16, $0xb8;
	[tilespmem:$0x19780] =	vst v63  }
0x241: {  	v4 =	vld [tilespmem:$0x110]  }
0x242: {  	v5 =	vld [tilespmem:$0x120]  }
0x243: {  	p2 =	seq.s32 s26, $0x99C;
	s26 =	smov.u32 s13;
	s13 =	smov.u32 s23;
	v6 =	vld [tilespmem:$0x140]  }
0x244: {  	s23 =	smov.u32 s30;
	s13 =	simm.s32 @p2 $0x0;
	v7 =	vld [tilespmem:$0x100]  }
0x245: {  	s13 =	sadd.s32 s5, s13;
	v8 =	vld [tilespmem:$0x130]  }
0x246: {  	[tilespmem:$0x210] =	vst v4  }
0x247: {  	s13 =	sshrl.u32 s13, $0x3;
	[tilespmem:$0x220] =	vst v5  }
0x248: {  	s19 =	sadd.s32 s6, s13;
	[tilespmem:$0x240] =	vst v6  }
0x249: {  	[tilespmem:$0x200] =	vst v7  }
0x24a: {  	s13 =	sadd.s32 s7, s13;
	[tilespmem:$0x230] =	vst v8  }
0x24b: {  	[spmem:s3] =	stream.indirect.scatter.add.f32 [tilespmem:s17], [sflag:$0x7], $0x80, s31, s16, $0xb8;
	[tilespmem:$0x19780] =	vst v63  }
0x24c: {  	_ = 	snop  }
0x24d: {  	[tilespmem:s4], [sflag:$0x1] =	stream.linear.gather [hbm4b:s19+s4], $0x50, $0x38;
	[tilespmem:$0x19780] =	vst v63  }
0x24e: {  	s19 =	simm.s32 $0x280;
	_ =	sdelay $0x1  }
0x24f: {  	[tilespmem:s1], [sflag:$0x3] =	stream.linear.gather [hbm4b:s13+s4], $0x50, $0x38;
	[tilespmem:$0x19780] =	vst v63  }
0x250: {  	_ = 	snop  }
0x251: {  	_ =	swait.ge [sflag:s22], $0x50  }
0x252: {  	[sflag:s22] =	ssyncset.done $0x0  }
0x253: {  	[sflag:s22] =	ssyncadd.s32 $0xFFFFFFB0  }
0x254: {  	_ =	swait.ge [sflag:s11], $0x50  }
0x255: {  	[sflag:s11] =	ssyncset.done $0x0  }
0x256: {  	[sflag:s11] =	ssyncadd.s32 $0xFFFFFFB0  }
0x257: {  	v4 =	vld [tilespmem:$0x40]  }
0x258: {  	v5 =	vld [tilespmem:$0x30]  }
0x259: {  	v6 =	vld [tilespmem:$0x20]  }
0x25a: {  	v7 =	vld [tilespmem:$0x10]  }
0x25b: {  	v8 =	vld [tilespmem:$0x0]  }
0x25c: {  	v4 =	vadd.s32 v1, v4  }
0x25d: {  	v5 =	vadd.s32 v1, v5;
	[tilespmem:$0x40] =	vst v4  }
0x25e: {  	v4 =	vadd.s32 v1, v6;
	[tilespmem:$0x30] =	vst v5  }
0x25f: {  	v5 =	vadd.s32 v1, v7;
	[tilespmem:$0x20] =	vst v4  }
0x260: {  	v4 =	vadd.s32 v1, v8;
	[tilespmem:$0x10] =	vst v5  }
0x261: {  	[tilespmem:$0x0] =	vst v4  }
0x262: {  	_ =	swait.ge [sflag:s14], $0x2800  }
0x263: {  	[sflag:s14] =	ssyncset.done $0x0  }
0x264: {  	[sflag:s14] =	ssyncadd.s32 $0xFFFFD800  }
0x265: {  	_ =	swait.ge [sflag:s15], $0x2800  }
0x266: {  	[sflag:s15] =	ssyncset.done $0x0  }
0x267: {  	[sflag:s15] =	ssyncadd.s32 $0xFFFFD800  }
0x268: {  	[tilespmem:s17], [sflag:$0x5] =	stream.indirect.gather [hbm4b:s2+s16], $0x80, s4, s16, $0xb8;
	[tilespmem:$0x19780] =	vst v63  }
0x269: {  	v4 =	vld [tilespmem:$0x180]  }
0x26a: {  	v5 =	vld [tilespmem:$0x190]  }
0x26b: {  	v6 =	vld [tilespmem:$0x1A0]  }
0x26c: {  	v7 =	vld [tilespmem:$0x1B0]  }
0x26d: {  	v8 =	vld [tilespmem:$0x1C0]  }
0x26e: {  	s13 =	sadd.s32 s26, s25;
	[tilespmem:$0x280] =	vst v4  }
0x26f: {  	[tilespmem:$0x290] =	vst v5  }
0x270: {  	[tilespmem:$0x2A0] =	vst v6  }
0x271: {  	[tilespmem:$0x2B0] =	vst v7  }
0x272: {  	[tilespmem:$0x2C0] =	vst v8  }
0x273: {  	[spmem:s3] =	stream.indirect.scatter.add.f32 [tilespmem:s12], [sflag:$0x8], $0x80, s19, s16, $0xb8;
	[tilespmem:$0x19780] =	vst v63  }
0x274: {  	_ = 	snop  }
0x275: {  	[tilespmem:s21], [sflag:$0x2] =	stream.linear.gather [hbm4b:s13+s4], $0x50, $0x38;
	[tilespmem:$0x19780] =	vst v63  }
0x276: {  	s13 =	sadd.s32 s26, s24  }
0x277: {  	[tilespmem:s10], [sflag:$0x4] =	stream.linear.gather [hbm4b:s13+s4], $0x50, $0x38;
	[tilespmem:$0x19780] =	vst v63  }
0x278: {  	_ =	swait.ge [sflag:s28], $0x50  }
.Ltmp7:
0x279: {  	[sflag:s28] =	ssyncset.done $0x0;
	(pc) =	sbr.rel @p1 .LBB2_16-.Ltmp7, $4  }
0x27a: {  	[sflag:s28] =	ssyncadd.s32 $0xFFFFFFB0  }
0x27b: {  	_ =	swait.ge [sflag:s18], $0x50  }
0x27c: {  	[sflag:s18] =	ssyncset.done $0x0  }
0x27d: {  	[sflag:s18] =	ssyncadd.s32 $0xFFFFFFB0  }
0x27e: {  	v4 =	vld [tilespmem:$0xB0]  }
0x27f: {  	v5 =	vld [tilespmem:$0xA0]  }
0x280: {  	v6 =	vld [tilespmem:$0x90]  }
0x281: {  	v8 =	vld [tilespmem:$0x80]  }
0x282: {  	v7 =	vld [tilespmem:$0xC0]  }
0x283: {  	v4 =	vadd.s32 v1, v4  }
0x284: {  	v5 =	vadd.s32 v1, v5;
	[tilespmem:$0xB0] =	vst v4  }
0x285: {  	v4 =	vadd.s32 v1, v6;
	[tilespmem:$0xA0] =	vst v5  }
0x286: {  	v5 =	vadd.s32 v1, v8;
	[tilespmem:$0x90] =	vst v4  }
0x287: {  	v4 =	vadd.s32 v1, v7;
	[tilespmem:$0x80] =	vst v5  }
0x288: {  	[tilespmem:$0xC0] =	vst v4  }
0x289: {  	_ =	swait.ge [sflag:s29], $0x2800  }
0x28a: {  	[sflag:s29] =	ssyncset.done $0x0  }
0x28b: {  	[sflag:s29] =	ssyncadd.s32 $0xFFFFD800  }
0x28c: {  	_ =	swait.ge [sflag:s20], $0x2800  }
0x28d: {  	[sflag:s20] =	ssyncset.done $0x0  }
0x28e: {  	[sflag:s20] =	ssyncadd.s32 $0xFFFFD800  }
0x28f: {  	[tilespmem:s12], [sflag:$0x6] =	stream.indirect.gather [hbm4b:s2+s16], $0x80, s21, s16, $0xb8;
	[tilespmem:$0x19780] =	vst v63  }
0x290: {  	v4 =	vld [tilespmem:$0x110]  }
0x291: {  	v5 =	vld [tilespmem:$0x120]  }
0x292: {  	v58 =	vld [tilespmem:$0x140]  }
0x293: {  	v59 =	vld [tilespmem:$0x100]  }
0x294: {  	v60 =	vld [tilespmem:$0x130]  }
0x295: {  	[tilespmem:$0x210] =	vst v4  }
0x296: {  	p1 =	seq.s32 s26, $0x99C;
	[tilespmem:$0x220] =	vst v5  }
0x297: {  	s23 =	simm.s32 @p1 $0x0;
	[tilespmem:$0x240] =	vst v58  }
0x298: {  	s8 =	sadd.s32 s5, s23;
	[tilespmem:$0x200] =	vst v59  }
0x299: {  	s8 =	sshrl.u32 s8, $0x3;
	[tilespmem:$0x230] =	vst v60  }
0x29a: {  	[spmem:s3] =	stream.indirect.scatter.add.f32 [tilespmem:s17], [sflag:$0x7], $0x80, s31, s16, $0xb8;
	[tilespmem:$0x19780] =	vst v63  }
0x29b: {  	s13 =	sadd.s32 s6, s8  }
0x29c: {  	[tilespmem:s4], [sflag:$0x1] =	stream.linear.gather [hbm4b:s13+s4], $0x50, $0x38;
	[tilespmem:$0x19780] =	vst v63  }
0x29d: {  	s8 =	sadd.s32 s7, s8  }
0x29e: {  	[tilespmem:s1], [sflag:$0x3] =	stream.linear.gather [hbm4b:s8+s4], $0x50, $0x38;
	[tilespmem:$0x19780] =	vst v63  }
0x29f: {  	_ =	swait.ge [sflag:s22], $0x50  }
0x2a0: {  	[sflag:s22] =	ssyncset.done $0x0  }
0x2a1: {  	[sflag:s22] =	ssyncadd.s32 $0xFFFFFFB0  }
0x2a2: {  	_ =	swait.ge [sflag:s11], $0x50  }
0x2a3: {  	[sflag:s11] =	ssyncset.done $0x0  }
0x2a4: {  	[sflag:s11] =	ssyncadd.s32 $0xFFFFFFB0  }
0x2a5: {  	_ =	swait.ge [sflag:s14], $0x2800  }
0x2a6: {  	[sflag:s14] =	ssyncset.done $0x0  }
0x2a7: {  	[sflag:s14] =	ssyncadd.s32 $0xFFFFD800  }
0x2a8: {  	_ =	swait.ge [sflag:s15], $0x2800  }
0x2a9: {  	[sflag:s15] =	ssyncset.done $0x0  }
0x2aa: {  	[sflag:s15] =	ssyncadd.s32 $0xFFFFD800  }
0x2ab: {  	v4 =	vld [tilespmem:$0x180]  }
0x2ac: {  	v5 =	vld [tilespmem:$0x190]  }
0x2ad: {  	v61 =	vld [tilespmem:$0x1A0]  }
0x2ae: {  	v62 =	vld [tilespmem:$0x1B0]  }
0x2af: {  	v63 =	vld [tilespmem:$0x1C0]  }
0x2b0: {  	[tilespmem:$0x280] =	vst v4  }
0x2b1: {  	[tilespmem:$0x290] =	vst v5  }
0x2b2: {  	[tilespmem:$0x2A0] =	vst v61  }
0x2b3: {  	[tilespmem:$0x2B0] =	vst v62  }
0x2b4: {  	[tilespmem:$0x2C0] =	vst v63  }
0x2b5: {  	[spmem:s3] =	stream.indirect.scatter.add.f32 [tilespmem:s12], [sflag:$0x8], $0x80, s19, s16, $0xb8;
	[tilespmem:$0x19780] =	vst v63  }
0x2b6: {  	_ =	swait.ge [sflag:s20], $0x2800  }
0x2b7: {  	[sflag:s20] =	ssyncset.done $0x0  }
0x2b8: {  	[sflag:s20] =	ssyncadd.s32 $0xFFFFD800  }
0x2b9: {  	[bflag:$0x0] =	sbarrier.arrive $0xFFFF  }
0x2ba: {  	s19 =	rddreg [dreg:$0xd]  }
0x2bb: {  	s13 =	rddreg [dreg:$0x18]  }
0x2bc: {  	s23 =	rddreg [dreg:$0x19]  }
0x2bd: {  	[hbm:s19], [sflag:s13] =	dma.local [spmem:s23], $0x2700  }
0x2be: {  	_ =	swait.ge [sflag:s0], $0x2700  }
0x2bf: {  	[sflag:s0] =	ssyncset.done $0x0;
	s8 =	rddreg [dreg:$0x10]  }
0x2c0: {  	s19 =	rddreg [dreg:$0x1a];
	[sflag:s0] =	ssyncadd.s32 $0xFFFFD900  }
0x2c1: {  	[hbm:s8], [sflag:s13] =	dma.local @!p0 [spmem:s19], $0x100  }
0x2c2: {  	s8 =	simm.s32 @!p0 $0x9  }
0x2c3: {  	_ =	swait.ge @!p0 [sflag:s8], $0x100  }
0x2c4: {  	s26 =	rddreg [dreg:$0x17]  }
0x2c5: {  	s30 =	rddreg [dreg:$0x11];
	s19 =	sadd.s32 $0x1, s26  }
0x2c6: {  	p1 =	sne.s32 s19, s30  }
.Ltmp8:
0x2c7: {  	_ = 	snop;
	(pc) =	sbr.rel @p1 .LBB2_1-.Ltmp8, $3  }
0x2c8: {  	_ =	sdelay $0x1  }
0x2c9: {  	[sflag:s8] =	ssyncset.done @!p0 $0x0  }
0x2ca: {  	s31 =	simm.s32 $0x5300;
	[sflag:s8] =	ssyncadd.s32 @!p0 $0xFFFFFF00  }
0x2cb: {  	_ =	sfence.sel $0x180000  }
0x2cc: {  	[bflag:$0x0] =	sbarrier.arrive $0xFFFF  }
0x2cd: {  	_ =	strace $0x90000047  }
0x2ce: {  	s0 =	stileid.u32;
	[bflag:$0x2] =	sbarrier.arrive $0xFFFF  }
0x2cf: {  	p0 =	sne.s32 s0, $0x0;
	s0 =	rddreg [dreg:$0x3]  }
0x2d0: {  	s0 =	sadd.s32 @!p0 $0x100000, s0  }
0x2d1: {  	[sflag:s0] =	ssyncadd.tile.s32 @!p0 $0x1;
	_ =	shalt  }
.Lfunc_end2:
_tile_overlayer_lowered:
.L_overlay_start_2:
0x2d2: {  	(tag) =	ssettag $0x2  }
0x2d3: {  	s0 =	rddreg [dreg:$0x0];
	s2 =	stileid.u32  }
0x2d4: {  	s1 =	rddreg [dreg:$0x1];
	p0 =	sne.s32 s2, $0x0  }
0x2d5: {  	s3 =	rddreg [dreg:$0x2];
	[bflag:$0x3] =	sbarrier.arrive $0xFFFF;
	s2 =	simm.s32 @!p0 $0x1C09  }
0x2d6: {  	[timem:s3], [sflag:s2] =	dma.local @!p0 [hbm:s0], s1  }
0x2d7: {  	s0 =	simm.s32 @!p0 $0x9  }
0x2d8: {  	_ =	swait.ge @!p0 [sflag:s0], s1  }
0x2d9: {  	s1 =	ssub.s32 @!p0 $0x0, s1;
	[sflag:s0] =	ssyncset.done @!p0 $0x0  }
0x2da: {  	[sflag:s0] =	ssyncadd.s32 @!p0 s1  }
0x2db: {  	[bflag:$0x3] =	sbarrier.arrive $0xFFFF  }
0x2dc: {  	_ =	shalt  }

// kernel: kernel.9.cloned.1.call-start
scs
__scs_entry_jumppad:
0x0: {  	(pc) =	sbr.rel $0x88, $3  }
0x1: {  	(tag) =	ssettag $0x0;
	lr =	simm.s32 $0x1  }
0x2: {  	[smem:$0x3F8B] =	sst lr;
	_ =	strace $0xD0000000  }
0x3: {  	_ = 	snop  }
0x4: {  	_ = 	snop  }
0x5: {  	_ = 	snop  }
0x6: {  	_ = 	snop  }
0x7: {  	_ = 	snop  }
__scs_overlays_trampoline_lowered:
0x8: {  	[smem:$0x3F9A] =	sst s0  }
0x9: {  	[smem:$0x3F9B] =	sst s1  }
0xa: {  	[smem:$0x3F9C] =	sst s2  }
0xb: {  	[smem:$0x3F9D] =	sst s3  }
0xc: {  	[smem:$0x3F9E] =	sst s4  }
0xd: {  	[smem:$0x3F9F] =	sst s5  }
0xe: {  	[smem:$0x3FA0] =	sst s6  }
0xf: {  	[smem:$0x3FA1] =	sst s7  }
0x10: {  	[smem:$0x3FA2] =	sst s8  }
0x11: {  	[smem:$0x3FA3] =	sst s9;
	s0 =	simm.s32 @!p0 $0x0  }
0x12: {  	s1 =	sld [smem:$0x3F89];
	s0 =	simm.s32 @p0 $0x1  }
0x13: {  	[smem:$0x3FA4] =	sst s0;
	s0 =	simm.s32 @!p1 $0x0  }
0x14: {  	s2 =	sld [smem:$0x3F88];
	s0 =	simm.s32 @p1 $0x1  }
0x15: {  	[smem:$0x3FA5] =	sst s0;
	s0 =	simm.s32 @!p2 $0x0  }
0x16: {  	s3 =	sld [smem:$0x3FDB];
	s0 =	simm.s32 @p2 $0x1  }
0x17: {  	s4 =	simm.s32 $0x1BF5;
	[smem:$0x3FA7] =	sst s0  }
0x18: {  	s0 =	sld [smem:$0x3F8A];
	_ =	swait.ge [sflag:s4], $0x0  }
0x19: {  	s7 =	sld [smem:$0x3F8B]  }
0x1a: {  	s8 =	sadd.s32 $0xFFFFE003, lr  }
0x1b: {  	s9 =	sadd.s32 $0xFFFFFEF7, lr;
	s5 =	simm.s32 $0xFFFFFFFF;
	p2 =	slt.u32 s8, $0xFFFFF086  }
0x1c: {  	p1 =	slt.u32 s9, $0xF7A;
	s5 =	simm.s32 @!p2 $0x0  }
0x1d: {  	s5 =	simm.s32 @p1 $0x1;
	p0 =	seq.s32 s7, s2  }
0x1e: {  	s7 =	smul.u32 @!p0 $0xF7A, s2;
	p2 =	seq.s32 @!p0 s5, $0x0  }
0x1f: {  	s9 =	smul.u32 $0xF7A, s1;
	s8 =	simm.s32 @!p0 $0x1BF5;
	p2 =	por !p2, p0  }
0x20: {  	[sflag:s8] =	ssyncset.s32 @!p0 $0xFFFFF086;
	s6 =	sadd.s32 @!p0 s3, s7;
	s7 =	simm.s32 @!p0 $0x108  }
0x21: {  	s3 =	sadd.s32 s3, s9;
	s6 =	sadd.s32 @!p0 $0x88, s6;
	s7 =	simm.s32 @p2 $0x1082  }
0x22: {  	[simem:s7], [sflag:s8] =	dma.local @!p0 [hbm:s6], $0xF7A  }
0x23: {  	s9 =	sor.u32 $0xD0000000, s2;
	s6 =	simm.s32 $0x108;
	_ =	swait.ge @!p0 [sflag:s8], $0x0  }
0x24: {  	s3 =	sadd.s32 $0x88, s3;
	s6 =	simm.s32 @!p1 $0x1082;
	[sflag:s4] =	ssyncset.s32 $0xFFFFF086  }
0x25: {  	[simem:s6], [sflag:s4] =	dma.local [hbm:s3], $0xF7A  }
0x26: {  	[smem:$0x3F8B] =	sst s1;
	(tag) =	ssettag s2;
	_ =	strace s9  }
0x27: {  	s1 =	sld [smem:$0x3F9B]  }
0x28: {  	s2 =	sld [smem:$0x3F9C]  }
0x29: {  	s4 =	sld [smem:$0x3F9E]  }
0x2a: {  	p0 =	seq.s32 s5, $0x0;
	s5 =	sld [smem:$0x3F9F]  }
0x2b: {  	s6 =	sld [smem:$0x3FA0]  }
0x2c: {  	s7 =	sld [smem:$0x3FA1]  }
0x2d: {  	s3 =	simm.s32 $0x108;
	s8 =	sld [smem:$0x3FA2]  }
0x2e: {  	s3 =	simm.s32 @!p0 $0x1082;
	s9 =	sld [smem:$0x3FA3]  }
0x2f: {  	lr =	sadd.s32 s0, s3;
	s0 =	sld [smem:$0x3F9A]  }
0x30: {  	s3 =	sld [smem:$0x3F9D]  }
0x31: {  	[smem:$0x3FA6] =	sst s10  }
0x32: {  	s10 =	sld [smem:$0x3FA4];
	_ =	sdelay $0x3  }
0x33: {  	p0 =	seq.s32 s10, $0x1;
	s10 =	sld [smem:$0x3FA6];
	_ =	sdelay $0x3  }
0x34: {  	[smem:$0x3FA6] =	sst s10  }
0x35: {  	s10 =	sld [smem:$0x3FA5];
	_ =	sdelay $0x3  }
0x36: {  	p1 =	seq.s32 s10, $0x1;
	s10 =	sld [smem:$0x3FA6];
	_ =	sdelay $0x3  }
0x37: {  	[smem:$0x3FA6] =	sst s10  }
0x38: {  	s10 =	sld [smem:$0x3FA7]  }
0x39: {  	_ = 	snop;
	(pc) =	sbr.ind lr, $3  }
0x3a: {  	_ = 	snop  }
0x3b: {  	_ = 	snop  }
0x3c: {  	p2 =	seq.s32 s10, $0x1;
	s10 =	sld [smem:$0x3FA6]  }
0x3d: {  	_ =	shalt  }
0x3e: {  	_ =	shalt  }
0x3f: {  	_ =	shalt  }
0x40: {  	_ =	shalt  }
0x41: {  	_ =	shalt  }
0x42: {  	_ =	shalt  }
0x43: {  	_ =	shalt  }
0x44: {  	_ =	shalt  }
0x45: {  	_ =	shalt  }
0x46: {  	_ =	shalt  }
0x47: {  	_ =	shalt  }
0x48: {  	_ =	shalt  }
0x49: {  	_ =	shalt  }
0x4a: {  	_ =	shalt  }
0x4b: {  	_ =	shalt  }
0x4c: {  	_ =	shalt  }
0x4d: {  	_ =	shalt  }
0x4e: {  	_ =	shalt  }
0x4f: {  	_ =	shalt  }
0x50: {  	_ =	shalt  }
0x51: {  	_ =	shalt  }
0x52: {  	_ =	shalt  }
0x53: {  	_ =	shalt  }
0x54: {  	_ =	shalt  }
0x55: {  	_ =	shalt  }
0x56: {  	_ =	shalt  }
0x57: {  	_ =	shalt  }
0x58: {  	_ =	shalt  }
0x59: {  	_ =	shalt  }
0x5a: {  	_ =	shalt  }
0x5b: {  	_ =	shalt  }
0x5c: {  	_ =	shalt  }
0x5d: {  	_ =	shalt  }
0x5e: {  	_ =	shalt  }
0x5f: {  	_ =	shalt  }
0x60: {  	_ =	shalt  }
0x61: {  	_ =	shalt  }
0x62: {  	_ =	shalt  }
0x63: {  	_ =	shalt  }
0x64: {  	_ =	shalt  }
0x65: {  	_ =	shalt  }
0x66: {  	_ =	shalt  }
0x67: {  	_ =	shalt  }
0x68: {  	_ =	shalt  }
0x69: {  	_ =	shalt  }
0x6a: {  	_ =	shalt  }
0x6b: {  	_ =	shalt  }
0x6c: {  	_ =	shalt  }
0x6d: {  	_ =	shalt  }
0x6e: {  	_ =	shalt  }
0x6f: {  	_ =	shalt  }
0x70: {  	_ =	shalt  }
0x71: {  	_ =	shalt  }
0x72: {  	_ =	shalt  }
0x73: {  	_ =	shalt  }
0x74: {  	_ =	shalt  }
0x75: {  	_ =	shalt  }
0x76: {  	_ =	shalt  }
0x77: {  	_ =	shalt  }
0x78: {  	_ =	shalt  }
0x79: {  	_ =	shalt  }
0x7a: {  	_ =	shalt  }
0x7b: {  	_ =	shalt  }
0x7c: {  	_ =	shalt  }
0x7d: {  	_ =	shalt  }
0x7e: {  	_ =	shalt  }
0x7f: {  	_ =	shalt  }
0x80: {  	_ =	shalt  }
0x81: {  	_ =	shalt  }
0x82: {  	_ =	shalt  }
0x83: {  	_ =	shalt  }
0x84: {  	_ =	shalt  }
0x85: {  	_ =	shalt  }
0x86: {  	_ =	shalt  }
0x87: {  	_ =	shalt  }
.Lfunc_end0:
.L_simem_size_0:
called_computation.1_lowered:
.L_overlay_start_0:
0x88: {  	s2 =	sld [smem:$0x3FD9]  }
0x89: {  	s3 =	sld [smem:$0x3FFE];
	_ =	sdelay $0x1  }
0x8a: {  	s1 =	srdreg.scid  }
0x8b: {  	s0 =	sand.u32 $0x1, s1  }
0x8c: {  	s16 =	sshll.u32 s0, $0xA;
	s2 =	sadd.s32 s3, s2  }
0x8d: {  	s2 =	sadd.s32 s2, s16  }
0x8e: {  	[smem:$0x3FB2] =	sst s2  }
0x8f: {  	_ = 	snop  }
0x90: {  	(tm) =	ssettm $0x1  }
0x91: {  	s17 =	sld [smem:$0x3FFB];
	_ =	sdelay $0x3  }
0x92: {  	_ =	strace s17  }
0x93: {  	s2 =	sld [smem:$0x3FFC];
	_ =	sdelay $0x3  }
0x94: {  	_ =	strace s2  }
0x95: {  	s2 =	sld [smem:$0x3FFD];
	_ =	sdelay $0x3  }
0x96: {  	_ =	strace s2  }
0x97: {  	_ =	strace $0x8FFFFFFF  }
0x98: {  	s18 =	sld [smem:$0x3FDB];
	_ =	sdelay $0x1  }
0x99: {  	s19 =	simm.s32 $_scs_section_size  }
0x9a: {  	s4 =	simm.s32 $_size__tile_overlayer_lowered;
	s5 =	simm.s32 $_tile_overlayer_lowered  }
0x9b: {  	s22 =	simm.s32 $0x1BFF;
	s21 =	sshll.u32 s5, $0x1;
	s2 =	sadd.s32 s19, s18  }
0x9c: {  	s6 =	simm.s32 $0x0;
	s20 =	sshll.u32 s4, $0x1;
	s4 =	sadd.s32 s21, s2  }
0x9d: {  	[timem:s6], [sflag:s22] =	dma.local [hbm:s4], s20  }
0x9e: {  	_ =	swait.ge [sflag:s22], s20  }
0x9f: {  	s3 =	ssub.s32 $0x0, s20;
	[sflag:s22] =	ssyncset.done $0x0  }
0xa0: {  	[sflag:s22] =	ssyncadd.s32 s3;
	_ =	sdelay $0x1  }
0xa1: {  	s23 =	simm.s32 $0x1B8B  }
0xa2: {  	_ =	swait.ge [sflag:s23], $0x1  }
0xa3: {  	[sflag:s23] =	ssyncset.done $0x0  }
0xa4: {  	s25 =	simm.s32 $0x1B8E;
	s24 =	sld [smem:$0x3FFE];
	[sflag:s23] =	ssyncadd.s32 $0xFFFFFFFF  }
0xa5: {  	s26 =	simm.s32 $execute0_lowered;
	[smem:$0x3FD2] =	sst s25  }
0xa6: {  	s4 =	sshll.u32 s26, $0x1;
	_ =	strace $0x80000049;
	[dreg:$0x1] =	wrdreg $0xFFFFFFFF  }
0xa7: {  	s28 =	simm.s32 $_size_execute0_lowered;
	s2 =	sadd.s32 s2, s4;
	[dreg:$0x0] =	wrdreg $0x0  }
0xa8: {  	s4 =	sshll.u32 s28, $0x1;
	[dreg:$0x2] =	wrdreg s2  }
0xa9: {  	[dreg:$0x3] =	wrdreg s4  }
0xaa: {  	[dreg:$0x4] =	wrdreg $0xC0  }
0xab: {  	_ =	task [dreg:s6], $0x5FFFF  }
0xac: {  	[dreg:$0x1] =	wrdreg $0xFFFFFFFF  }
0xad: {  	[dreg:$0x0] =	wrdreg $0x60  }
0xae: {  	[dreg:$0x2] =	wrdreg s24  }
0xaf: {  	[dreg:$0x3] =	wrdreg $0x5F000  }
0xb0: {  	[dreg:$0x4] =	wrdreg $0x9  }
0xb1: {  	_ =	task.clear_ibuf [dreg:s6], $0x5FFFF;
	_ =	strace $0x90000049  }
0xb2: {  	s29 =	simm.s32 $0x9;
	_ =	strace $0x8000004B  }
0xb3: {  	_ =	swait.ge [sflag:s29], $0x1  }
0xb4: {  	[sflag:s29] =	ssyncadd.s32 $0xFFFFFFFF  }
0xb5: {  	_ =	strace $0x9000004B  }
0xb6: {  	_ =	sfence  }
0xb7: {  	s30 =	sld [smem:$0x0];
	_ =	sdelay $0x2  }
0xb8: {  	s31 =	sshll.u32 s1, $0xD;
	s1 =	sshrl.u32 s1, $0x2  }
0xb9: {  	s3 =	sand.u32 $0x4000, s31;
	s1 =	sadd.s32 s1, s30  }
0xba: {  	s0 =	sor.u32 s3, s0;
	s1 =	sshll.u32 s1, $0x11  }
0xbb: {  	s0 =	sor.u32 s1, s0  }
0xbc: {  	s0 =	sadd.s32 $0x8F2B, s0  }
0xbd: {  	[sflag:s0] =	ssyncadd.remote.s32 $0x1  }
0xbe: {  	_ =	sfence.sel $0xFFFF  }
0xbf: {  	[dreg:$0x0] =	wrdreg $0xFFFFFFFF;
	(pc) =	sbr.abs _section_cstart, $3  }
0xc0: {  	[dreg:$0x1] =	wrdreg $0xFFFFFFFF  }
0xc1: {  	_ =	task.clear_ibuf [dreg:s6], $0x2FFFF;
	_ =	strace $0x9FFFFFFF  }
0xc2: {  	(tm) =	ssettm $0x7FFFFFFF  }
0xc3: {  	_ =	shalt  }
tec
execute0_lowered:
.L_overlay_start_1:
0x0: {  	(tag) =	ssettag $0x1  }
0x1: {  	s0 =	rddreg [dreg:$0x0]  }
0x2: {  	s1 =	rddreg [dreg:$0x1];
	s2 =	simm.s32 $0x0  }
0x3: {  	s3 =	srdreg.scid;
	s14 =	stileid.u32;
	s28 =	simm.s32 $0x180  }
0x4: {  	s29 =	simm.s32 $0x1;
	s30 =	simm.s32 $0x3;
	s31 =	simm.s32 $0x50  }
0x5: {  	[smem:$0x7FF] =	sst s2;
	s4 =	sadd.s32 $0x100200, s0;
	s3 =	sand.u32 $0x1, s3  }
0x6: {  	s5 =	sadd.s32 $0xBE00, s0;
	s6 =	smul.u32 $0x4E20, s14;
	s7 =	sadd.s32 $0x2000, s0  }
0x7: {  	s0 =	sadd.s32 $0x15C00, s0;
	s26 =	smul.u32 $0x270, s14;
	s12 =	sadd.s32 $0x138000, s1  }
0x8: {  	s20 =	smul.u32 $0x9C4, s14;
	p0 =	sne.s32 s14, $0xF;
	_ =	strace $0x8000004A  }
0x9: {  	s8 =	ssub.s32 $0x2, s3;
	s11 =	smul.u32 $0x2710, s3;
	[dreg:$0x3] =	wrdreg s12  }
0xa: {  	s3 =	smul.u32 $0x138800, s3;
	s9 =	sshrl.u32 s8, $0x1;
	s10 =	sshrl.u32 s6, $0x3  }
0xb: {  	s24 =	sadd.s32 s20, s7;
	s8 =	ssub.s32 s8, s9;
	s13 =	sadd.s32 s5, s10  }
0xc: {  	s15 =	sadd.s32 s7, s10;
	s16 =	sadd.s32 $0xA, s10;
	s10 =	sadd.s32 $0x14, s10  }
0xd: {  	s19 =	sadd.s32 s26, s11;
	s3 =	sshrl.u32 s3, $0x3;
	[dreg:$0x4] =	wrdreg s13  }
0xe: {  	s21 =	sadd.s32 $0x1E, s24;
	s24 =	simm.s32 $0x9;
	[dreg:$0x5] =	wrdreg s15  }
0xf: {  	s13 =	smul.u32 $0x4E000, s14;
	s15 =	sadd.s32 s5, s16;
	s12 =	sadd.s32 s7, s16  }
0x10: {  	s17 =	sadd.s32 s5, s10;
	s10 =	sadd.s32 s7, s10;
	[dreg:$0x6] =	wrdreg s15  }
0x11: {  	s3 =	sadd.s32 s0, s3;
	s25 =	smax.u32 s8, $0x1;
	[dreg:$0x7] =	wrdreg s12  }
0x12: {  	s16 =	simm.s32 $0x4;
	s14 =	simm.s32 $0x0;
	[dreg:$0x8] =	wrdreg s17  }
0x13: {  	[dreg:$0x9] =	wrdreg s10;
	s10 =	sshll.u32 s19, $0x4;
	s12 =	sadd.s32 $0x4E20, s11  }
0x14: {  	s22 =	sadd.s32 $0x27000, s3;
	s23 =	sadd.s32 $0x75200, s3;
	[dreg:$0xe] =	wrdreg s25  }
0x15: {  	s25 =	simm.s32 $0x100;
	s3 =	simm.s32 $0x2;
	s17 =	simm.s32 $0x5  }
0x16: {  	v0 =	vmov s11;
	s19 =	simm.s32 $0x200;
	s11 =	simm.s32 $0x8;
	s18 =	sshrl.u32 s13, $0x2  }
0x17: {  	s9 =	sadd.s32 s26, s12;
	s10 =	sadd.s32 s0, s10;
	[dreg:$0xb] =	wrdreg s22  }
0x18: {  	[dreg:$0xd] =	wrdreg s23;
	s26 =	sadd.s32 s20, s5;
	s13 =	simm.s32 $0x5300  }
0x19: {  	s20 =	simm.s32 $0x6;
	s15 =	sadd.s32 s18, s1;
	[dreg:$0xa] =	wrdreg s10  }
0x1a: {  	s9 =	sshll.u32 s9, $0x4;
	s22 =	sadd.s32 $0x1E, s26;
	s26 =	simm.s32 $0x80  }
0x1b: {  	s18 =	simm.s32 $0x2B00;
	s10 =	simm.s32 $0x280;
	s0 =	sadd.s32 s0, s9  }
0x1c: {  	v2 =	vimm.f32 $0.0e+00;
	v1 =	vmov s12;
	s9 =	simm.s32 $0x7;
	[dreg:$0xc] =	wrdreg s0;
	s0 =	simm.s32 $0x300  }
.LBB2_1:
0x1d: {  	s8 =	simm.s32 $0x0;
	s12 =	simm.s32 $0x200  }
.LBB2_2:
0x1e: {  	p1 =	sne.s32 s12, $0x2E00;
	[tilespmem:s8+$0x5370] =	vst v2  }
0x1f: {  	[tilespmem:s8+$0x5300] =	vst v2  }
0x20: {  	[tilespmem:s8+$0x5310] =	vst v2  }
.Ltmp0:
0x21: {  	[tilespmem:s8+$0x5320] =	vst v2;
	(pc) =	sbr.rel @p1 .LBB2_2-.Ltmp0, $4  }
0x22: {  	[tilespmem:s8+$0x5330] =	vst v2  }
0x23: {  	[tilespmem:s8+$0x5340] =	vst v2  }
0x24: {  	[tilespmem:s8+$0x5350] =	vst v2  }
0x25: {  	[tilespmem:s8+$0x5360] =	vst v2;
	s8 =	sshra.s32 s12, $0x2;
	s12 =	sadd.s32 $0x200, s12  }
0x26: {  	[tilespmem:s8+$0x5370] =	vst v2  }
0x27: {  	[tilespmem:s8+$0x5300] =	vst v2  }
0x28: {  	[tilespmem:s8+$0x5310] =	vst v2  }
0x29: {  	[tilespmem:s8+$0x5320] =	vst v2  }
0x2a: {  	[tilespmem:s8+$0x5330] =	vst v2  }
0x2b: {  	[tilespmem:s8+$0x5340] =	vst v2  }
0x2c: {  	[tilespmem:s8+$0x5350] =	vst v2  }
0x2d: {  	[dreg:$0xf] =	wrdreg s14;
	[tilespmem:s8+$0x5360] =	vst v2;
	s23 =	sadd.s32 $0x0, s15  }
0x2e: {  	[spmem:s23] =	stream.linear.scatter [tilespmem:s13], [sflag:$0x9], $0xC00, $0x38;
	[tilespmem:$0x19780] =	vst v63  }
0x2f: {  	s8 =	simm.s32 $0x3000;
	_ =	swait.ge [sflag:s24], $0xC00  }
.LBB2_4:
0x30: {  	s12 =	sshra.s32 s8, $0x2;
	[sflag:s24] =	ssyncset.done $0x0;
	p1 =	sne.s32 s8, $0x4B000  }
.Ltmp1:
0x31: {  	s12 =	sadd.s32 s12, s15;
	[sflag:s24] =	ssyncadd.s32 $0xFFFFF400;
	(pc) =	sbr.rel @p1 .LBB2_4-.Ltmp1, $3  }
0x32: {  	[spmem:s12] =	stream.linear.scatter [tilespmem:s13], [sflag:$0x9], $0xC00, $0x38;
	[tilespmem:$0x19780] =	vst v63  }
0x33: {  	s8 =	sadd.s32 $0x3000, s8;
	_ =	sdelay $0x1  }
0x34: {  	_ =	swait.ge [sflag:s24], $0xC00  }
0x35: {  	[sflag:s24] =	ssyncset.done $0x0  }
0x36: {  	s8 =	simm.s32 @!p0 $0x5300;
	s12 =	rddreg [dreg:$0x3];
	[sflag:s24] =	ssyncadd.s32 $0xFFFFF400  }
0x37: {  	[spmem:s12] =	stream.linear.scatter @!p0 [tilespmem:s8], [sflag:$0x9], $0x800, $0x38;
	[tilespmem:$0x19780] =	vst v63  }
0x38: {  	s8 =	simm.s32 @!p0 $0x9  }
0x39: {  	_ =	swait.ge @!p0 [sflag:s8], $0x800  }
0x3a: {  	[sflag:s8] =	ssyncset.done @!p0 $0x0  }
0x3b: {  	[sflag:s8] =	ssyncadd.s32 @!p0 $0xFFFFF800  }
0x3c: {  	[bflag:$0x0] =	sbarrier.arrive $0xFFFF  }
0x3d: {  	s8 =	simm.s32 $0x0;
	s23 =	rddreg [dreg:$0x4]  }
0x3e: {  	[tilespmem:s8], [sflag:$0x1] =	stream.linear.gather [hbm4b:s23+s8], $0x50, $0x38;
	[tilespmem:$0x19780] =	vst v63  }
0x3f: {  	s13 =	rddreg [dreg:$0x5]  }
0x40: {  	[tilespmem:s25], [sflag:$0x3] =	stream.linear.gather [hbm4b:s13+s8], $0x50, $0x38;
	[tilespmem:$0x19780] =	vst v63  }
0x41: {  	s14 =	rddreg [dreg:$0x6]  }
0x42: {  	[tilespmem:s26], [sflag:$0x2] =	stream.linear.gather [hbm4b:s14+s8], $0x50, $0x38;
	[tilespmem:$0x19780] =	vst v63  }
0x43: {  	s23 =	rddreg [dreg:$0x7]  }
0x44: {  	[tilespmem:s28], [sflag:$0x4] =	stream.linear.gather [hbm4b:s23+s8], $0x50, $0x38;
	[tilespmem:$0x19780] =	vst v63  }
0x45: {  	_ =	swait.ge [sflag:s29], $0x50  }
0x46: {  	[sflag:s29] =	ssyncset.done $0x0  }
0x47: {  	[sflag:s29] =	ssyncadd.s32 $0xFFFFFFB0  }
0x48: {  	_ =	swait.ge [sflag:s30], $0x50  }
0x49: {  	[sflag:s30] =	ssyncset.done $0x0  }
0x4a: {  	[sflag:s30] =	ssyncadd.s32 $0xFFFFFFB0  }
0x4b: {  	v3 =	vld [tilespmem:$0x0]  }
0x4c: {  	v4 =	vld [tilespmem:$0x10]  }
0x4d: {  	v5 =	vld [tilespmem:$0x20]  }
0x4e: {  	v6 =	vld [tilespmem:$0x30]  }
0x4f: {  	v7 =	vld [tilespmem:$0x40]  }
0x50: {  	v3 =	vadd.s32 v0, v3  }
0x51: {  	[tilespmem:$0x0] =	vst v3;
	v3 =	vadd.s32 v0, v4  }
0x52: {  	[tilespmem:$0x10] =	vst v3;
	v3 =	vadd.s32 v0, v5  }
0x53: {  	[tilespmem:$0x20] =	vst v3;
	v3 =	vadd.s32 v0, v6  }
0x54: {  	[tilespmem:$0x30] =	vst v3;
	v3 =	vadd.s32 v0, v7  }
0x55: {  	[tilespmem:$0x40] =	vst v3  }
0x56: {  	[tilespmem:s0], [sflag:$0x5] =	stream.indirect.gather [hbm4b:s4+s31], $0x80, s8, s31, $0xb8;
	[tilespmem:$0x19780] =	vst v63  }
0x57: {  	_ =	swait.ge [sflag:s3], $0x50  }
0x58: {  	[sflag:s3] =	ssyncset.done $0x0  }
0x59: {  	[sflag:s3] =	ssyncadd.s32 $0xFFFFFFB0  }
0x5a: {  	_ =	swait.ge [sflag:s16], $0x50  }
0x5b: {  	[sflag:s16] =	ssyncset.done $0x0  }
0x5c: {  	[sflag:s16] =	ssyncadd.s32 $0xFFFFFFB0  }
0x5d: {  	v3 =	vld [tilespmem:$0x80]  }
0x5e: {  	v47 =	vld [tilespmem:$0x90]  }
0x5f: {  	v48 =	vld [tilespmem:$0xA0]  }
0x60: {  	v49 =	vld [tilespmem:$0xB0]  }
0x61: {  	v50 =	vld [tilespmem:$0xC0]  }
0x62: {  	v3 =	vadd.s32 v0, v3  }
0x63: {  	[tilespmem:$0x80] =	vst v3;
	v3 =	vadd.s32 v0, v47  }
0x64: {  	[tilespmem:$0x90] =	vst v3;
	v3 =	vadd.s32 v0, v48  }
0x65: {  	[tilespmem:$0xA0] =	vst v3;
	v3 =	vadd.s32 v0, v49  }
0x66: {  	[tilespmem:$0xB0] =	vst v3;
	v3 =	vadd.s32 v0, v50  }
0x67: {  	[tilespmem:$0xC0] =	vst v3  }
0x68: {  	_ =	swait.ge [sflag:s17], $0x2800  }
0x69: {  	[sflag:s17] =	ssyncset.done $0x0  }
0x6a: {  	[sflag:s17] =	ssyncadd.s32 $0xFFFFD800  }
0x6b: {  	[tilespmem:s18], [sflag:$0x6] =	stream.indirect.gather [hbm4b:s4+s31], $0x80, s26, s31, $0xb8;
	[tilespmem:$0x19780] =	vst v63  }
0x6c: {  	v3 =	vld [tilespmem:$0x100]  }
0x6d: {  	v51 =	vld [tilespmem:$0x110]  }
0x6e: {  	v52 =	vld [tilespmem:$0x120]  }
0x6f: {  	v53 =	vld [tilespmem:$0x130]  }
0x70: {  	v54 =	vld [tilespmem:$0x140]  }
0x71: {  	[tilespmem:$0x200] =	vst v3  }
0x72: {  	[tilespmem:$0x210] =	vst v51  }
0x73: {  	[tilespmem:$0x220] =	vst v52  }
0x74: {  	[tilespmem:$0x230] =	vst v53  }
0x75: {  	[tilespmem:$0x240] =	vst v54  }
0x76: {  	[spmem:s1] =	stream.indirect.scatter.add.f32 [tilespmem:s0], [sflag:$0x7], $0x80, s19, s31, $0xb8;
	[tilespmem:$0x19780] =	vst v63  }
0x77: {  	s13 =	rddreg [dreg:$0x8]  }
0x78: {  	[tilespmem:s8], [sflag:$0x1] =	stream.linear.gather [hbm4b:s13+s8], $0x50, $0x38;
	[tilespmem:$0x19780] =	vst v63  }
0x79: {  	s14 =	rddreg [dreg:$0x9]  }
0x7a: {  	[tilespmem:s25], [sflag:$0x3] =	stream.linear.gather [hbm4b:s14+s8], $0x50, $0x38;
	[tilespmem:$0x19780] =	vst v63  }
0x7b: {  	_ =	swait.ge [sflag:s29], $0x50  }
0x7c: {  	[sflag:s29] =	ssyncset.done $0x0  }
0x7d: {  	[sflag:s29] =	ssyncadd.s32 $0xFFFFFFB0  }
0x7e: {  	_ =	swait.ge [sflag:s30], $0x50  }
0x7f: {  	[sflag:s30] =	ssyncset.done $0x0  }
0x80: {  	[sflag:s30] =	ssyncadd.s32 $0xFFFFFFB0  }
0x81: {  	v3 =	vld [tilespmem:$0x40]  }
0x82: {  	v55 =	vld [tilespmem:$0x30]  }
0x83: {  	v57 =	vld [tilespmem:$0x10]  }
0x84: {  	v56 =	vld [tilespmem:$0x20]  }
0x85: {  	v58 =	vld [tilespmem:$0x0]  }
0x86: {  	v3 =	vadd.s32 v0, v3  }
0x87: {  	v4 =	vadd.s32 v0, v55;
	[tilespmem:$0x40] =	vst v3  }
0x88: {  	v59 =	vadd.s32 v0, v57;
	[tilespmem:$0x30] =	vst v4  }
0x89: {  	v3 =	vadd.s32 v0, v56;
	[tilespmem:$0x10] =	vst v59  }
0x8a: {  	[tilespmem:$0x20] =	vst v3;
	v3 =	vadd.s32 v0, v58  }
0x8b: {  	[tilespmem:$0x0] =	vst v3  }
0x8c: {  	_ =	swait.ge [sflag:s20], $0x2800  }
0x8d: {  	[sflag:s20] =	ssyncset.done $0x0  }
0x8e: {  	[sflag:s20] =	ssyncadd.s32 $0xFFFFD800  }
0x8f: {  	_ =	swait.ge [sflag:s9], $0x2800  }
0x90: {  	[sflag:s9] =	ssyncset.done $0x0  }
0x91: {  	[sflag:s9] =	ssyncadd.s32 $0xFFFFD800  }
0x92: {  	[tilespmem:s0], [sflag:$0x5] =	stream.indirect.gather [hbm4b:s4+s31], $0x80, s2, s31, $0xb8;
	[tilespmem:$0x19780] =	vst v63  }
0x93: {  	v3 =	vld [tilespmem:$0x180]  }
0x94: {  	v60 =	vld [tilespmem:$0x190]  }
0x95: {  	v61 =	vld [tilespmem:$0x1A0]  }
0x96: {  	v62 =	vld [tilespmem:$0x1B0]  }
0x97: {  	v63 =	vld [tilespmem:$0x1C0]  }
0x98: {  	[tilespmem:$0x280] =	vst v3  }
0x99: {  	[tilespmem:$0x290] =	vst v60  }
0x9a: {  	[tilespmem:$0x2A0] =	vst v61  }
0x9b: {  	[tilespmem:$0x2B0] =	vst v62  }
0x9c: {  	[tilespmem:$0x2C0] =	vst v63  }
0x9d: {  	[spmem:s1] =	stream.indirect.scatter.add.f32 [tilespmem:s18], [sflag:$0x8], $0x80, s10, s31, $0xb8;
	[tilespmem:$0x19780] =	vst v63  }
0x9e: {  	s23 =	sadd.s32 $0x0, s22  }
0x9f: {  	[tilespmem:s26], [sflag:$0x2] =	stream.linear.gather [hbm4b:s23+s2], $0x50, $0x38;
	[tilespmem:$0x19780] =	vst v63  }
0xa0: {  	s25 =	sadd.s32 $0x0, s21  }
0xa1: {  	[tilespmem:s28], [sflag:$0x4] =	stream.linear.gather [hbm4b:s25+s2], $0x50, $0x38;
	[tilespmem:$0x19780] =	vst v63  }
0xa2: {  	_ =	swait.ge [sflag:s3], $0x50  }
0xa3: {  	[sflag:s3] =	ssyncset.done $0x0  }
0xa4: {  	[sflag:s3] =	ssyncadd.s32 $0xFFFFFFB0  }
0xa5: {  	_ =	swait.ge [sflag:s16], $0x50  }
0xa6: {  	s12 =	simm.s32 $0x140;
	[sflag:s16] =	ssyncset.done $0x0  }
0xa7: {  	s13 =	simm.s32 $0x140;
	s14 =	simm.s32 $0x14;
	[sflag:s16] =	ssyncadd.s32 $0xFFFFFFB0  }
.LBB2_6:
0xa8: {  	p1 =	sne.s32 s14, $0x99C  }
0xa9: {  	v3 =	vld [tilespmem:$0xB0];
	s12 =	sadd.s32 $0xA0, s12;
	s23 =	smov.u32 s14;
	s14 =	sadd.s32 $0x14, s14  }
0xaa: {  	v4 =	vld [tilespmem:$0xA0]  }
0xab: {  	v5 =	vld [tilespmem:$0x90]  }
0xac: {  	v6 =	vld [tilespmem:$0xC0]  }
0xad: {  	v7 =	vld [tilespmem:$0x80]  }
0xae: {  	v3 =	vadd.s32 v0, v3  }
0xaf: {  	v4 =	vadd.s32 v0, v4;
	[tilespmem:$0xB0] =	vst v3  }
0xb0: {  	v3 =	vadd.s32 v0, v5;
	[tilespmem:$0xA0] =	vst v4  }
0xb1: {  	[tilespmem:$0x90] =	vst v3;
	v3 =	vadd.s32 v0, v6  }
0xb2: {  	v4 =	vadd.s32 v0, v7;
	[tilespmem:$0xC0] =	vst v3  }
0xb3: {  	[tilespmem:$0x80] =	vst v4  }
0xb4: {  	_ =	swait.ge [sflag:s17], $0x2800  }
0xb5: {  	[sflag:s17] =	ssyncset.done $0x0  }
0xb6: {  	[sflag:s17] =	ssyncadd.s32 $0xFFFFD800  }
0xb7: {  	_ =	swait.ge [sflag:s11], $0x2800  }
0xb8: {  	[sflag:s11] =	ssyncset.done $0x0  }
0xb9: {  	[sflag:s11] =	ssyncadd.s32 $0xFFFFD800  }
0xba: {  	[tilespmem:s18], [sflag:$0x6] =	stream.indirect.gather [hbm4b:s4+s31], $0x80, s26, s31, $0xb8;
	[tilespmem:$0x19780] =	vst v63  }
0xbb: {  	v3 =	vld [tilespmem:$0x110]  }
0xbc: {  	v4 =	vld [tilespmem:$0x120]  }
0xbd: {  	p2 =	seq.s32 s8, $0x99C;
	s8 =	smov.u32 s23;
	s23 =	smov.u32 s13;
	v5 =	vld [tilespmem:$0x140]  }
0xbe: {  	s13 =	smov.u32 s12;
	s23 =	simm.s32 @p2 $0x0;
	v6 =	vld [tilespmem:$0x100]  }
0xbf: {  	s23 =	sadd.s32 s6, s23;
	v7 =	vld [tilespmem:$0x130]  }
0xc0: {  	[tilespmem:$0x210] =	vst v3  }
0xc1: {  	s23 =	sshrl.u32 s23, $0x3;
	[tilespmem:$0x220] =	vst v4  }
0xc2: {  	s25 =	sadd.s32 s5, s23;
	[tilespmem:$0x240] =	vst v5  }
0xc3: {  	[tilespmem:$0x200] =	vst v6  }
0xc4: {  	s23 =	sadd.s32 s7, s23;
	[tilespmem:$0x230] =	vst v7  }
0xc5: {  	[spmem:s1] =	stream.indirect.scatter.add.f32 [tilespmem:s0], [sflag:$0x7], $0x80, s19, s31, $0xb8;
	[tilespmem:$0x19780] =	vst v63  }
0xc6: {  	_ = 	snop  }
0xc7: {  	[tilespmem:s2], [sflag:$0x1] =	stream.linear.gather [hbm4b:s25+s2], $0x50, $0x38;
	[tilespmem:$0x19780] =	vst v63  }
0xc8: {  	s25 =	simm.s32 $0x100;
	_ =	sdelay $0x1  }
0xc9: {  	[tilespmem:s25], [sflag:$0x3] =	stream.linear.gather [hbm4b:s23+s2], $0x50, $0x38;
	[tilespmem:$0x19780] =	vst v63  }
0xca: {  	_ = 	snop  }
0xcb: {  	_ =	swait.ge [sflag:s29], $0x50  }
0xcc: {  	[sflag:s29] =	ssyncset.done $0x0  }
0xcd: {  	[sflag:s29] =	ssyncadd.s32 $0xFFFFFFB0  }
0xce: {  	_ =	swait.ge [sflag:s30], $0x50  }
0xcf: {  	[sflag:s30] =	ssyncset.done $0x0  }
0xd0: {  	[sflag:s30] =	ssyncadd.s32 $0xFFFFFFB0  }
0xd1: {  	v3 =	vld [tilespmem:$0x40]  }
0xd2: {  	v4 =	vld [tilespmem:$0x30]  }
0xd3: {  	v5 =	vld [tilespmem:$0x20]  }
0xd4: {  	v6 =	vld [tilespmem:$0x10]  }
0xd5: {  	v7 =	vld [tilespmem:$0x0]  }
0xd6: {  	v3 =	vadd.s32 v0, v3  }
0xd7: {  	v4 =	vadd.s32 v0, v4;
	[tilespmem:$0x40] =	vst v3  }
0xd8: {  	v3 =	vadd.s32 v0, v5;
	[tilespmem:$0x30] =	vst v4  }
0xd9: {  	v4 =	vadd.s32 v0, v6;
	[tilespmem:$0x20] =	vst v3  }
0xda: {  	v3 =	vadd.s32 v0, v7;
	[tilespmem:$0x10] =	vst v4  }
0xdb: {  	[tilespmem:$0x0] =	vst v3  }
0xdc: {  	_ =	swait.ge [sflag:s20], $0x2800  }
0xdd: {  	[sflag:s20] =	ssyncset.done $0x0  }
0xde: {  	[sflag:s20] =	ssyncadd.s32 $0xFFFFD800  }
0xdf: {  	_ =	swait.ge [sflag:s9], $0x2800  }
0xe0: {  	[sflag:s9] =	ssyncset.done $0x0  }
0xe1: {  	[sflag:s9] =	ssyncadd.s32 $0xFFFFD800  }
0xe2: {  	[tilespmem:s0], [sflag:$0x5] =	stream.indirect.gather [hbm4b:s4+s31], $0x80, s2, s31, $0xb8;
	[tilespmem:$0x19780] =	vst v63  }
0xe3: {  	v3 =	vld [tilespmem:$0x180]  }
0xe4: {  	v4 =	vld [tilespmem:$0x190]  }
0xe5: {  	v5 =	vld [tilespmem:$0x1A0]  }
0xe6: {  	v6 =	vld [tilespmem:$0x1B0]  }
0xe7: {  	v7 =	vld [tilespmem:$0x1C0]  }
0xe8: {  	s23 =	sadd.s32 s8, s22;
	[tilespmem:$0x280] =	vst v3  }
0xe9: {  	[tilespmem:$0x290] =	vst v4  }
0xea: {  	[tilespmem:$0x2A0] =	vst v5  }
0xeb: {  	[tilespmem:$0x2B0] =	vst v6  }
0xec: {  	[tilespmem:$0x2C0] =	vst v7  }
0xed: {  	[spmem:s1] =	stream.indirect.scatter.add.f32 [tilespmem:s18], [sflag:$0x8], $0x80, s10, s31, $0xb8;
	[tilespmem:$0x19780] =	vst v63  }
0xee: {  	_ = 	snop  }
0xef: {  	[tilespmem:s26], [sflag:$0x2] =	stream.linear.gather [hbm4b:s23+s2], $0x50, $0x38;
	[tilespmem:$0x19780] =	vst v63  }
0xf0: {  	s23 =	sadd.s32 s8, s21  }
0xf1: {  	[tilespmem:s28], [sflag:$0x4] =	stream.linear.gather [hbm4b:s23+s2], $0x50, $0x38;
	[tilespmem:$0x19780] =	vst v63  }
0xf2: {  	_ =	swait.ge [sflag:s3], $0x50  }
.Ltmp2:
0xf3: {  	[sflag:s3] =	ssyncset.done $0x0;
	(pc) =	sbr.rel @p1 .LBB2_6-.Ltmp2, $4  }
0xf4: {  	[sflag:s3] =	ssyncadd.s32 $0xFFFFFFB0  }
0xf5: {  	_ =	swait.ge [sflag:s16], $0x50  }
0xf6: {  	[sflag:s16] =	ssyncset.done $0x0  }
0xf7: {  	[sflag:s16] =	ssyncadd.s32 $0xFFFFFFB0  }
0xf8: {  	v3 =	vld [tilespmem:$0xB0]  }
0xf9: {  	v4 =	vld [tilespmem:$0xA0]  }
0xfa: {  	v7 =	vld [tilespmem:$0x80]  }
0xfb: {  	v5 =	vld [tilespmem:$0x90]  }
0xfc: {  	v6 =	vld [tilespmem:$0xC0]  }
0xfd: {  	v3 =	vadd.s32 v0, v3  }
0xfe: {  	v4 =	vadd.s32 v0, v4;
	[tilespmem:$0xB0] =	vst v3  }
0xff: {  	v55 =	vadd.s32 v0, v7;
	[tilespmem:$0xA0] =	vst v4  }
0x100: {  	v3 =	vadd.s32 v0, v5;
	[tilespmem:$0x80] =	vst v55  }
0x101: {  	[tilespmem:$0x90] =	vst v3;
	v3 =	vadd.s32 v0, v6  }
0x102: {  	[tilespmem:$0xC0] =	vst v3  }
0x103: {  	_ =	swait.ge [sflag:s17], $0x2800  }
0x104: {  	[sflag:s17] =	ssyncset.done $0x0  }
0x105: {  	[sflag:s17] =	ssyncadd.s32 $0xFFFFD800  }
0x106: {  	_ =	swait.ge [sflag:s11], $0x2800  }
0x107: {  	[sflag:s11] =	ssyncset.done $0x0  }
0x108: {  	[sflag:s11] =	ssyncadd.s32 $0xFFFFD800  }
0x109: {  	[tilespmem:s18], [sflag:$0x6] =	stream.indirect.gather [hbm4b:s4+s31], $0x80, s26, s31, $0xb8;
	[tilespmem:$0x19780] =	vst v63  }
0x10a: {  	v3 =	vld [tilespmem:$0x110]  }
0x10b: {  	v56 =	vld [tilespmem:$0x120]  }
0x10c: {  	v57 =	vld [tilespmem:$0x140]  }
0x10d: {  	v58 =	vld [tilespmem:$0x100]  }
0x10e: {  	v59 =	vld [tilespmem:$0x130]  }
0x10f: {  	[tilespmem:$0x210] =	vst v3  }
0x110: {  	p1 =	seq.s32 s8, $0x99C;
	[tilespmem:$0x220] =	vst v56  }
0x111: {  	s13 =	simm.s32 @p1 $0x0;
	[tilespmem:$0x240] =	vst v57  }
0x112: {  	s14 =	sadd.s32 s6, s13;
	[tilespmem:$0x200] =	vst v58  }
0x113: {  	s8 =	sshrl.u32 s14, $0x3;
	[tilespmem:$0x230] =	vst v59  }
0x114: {  	[spmem:s1] =	stream.indirect.scatter.add.f32 [tilespmem:s0], [sflag:$0x7], $0x80, s19, s31, $0xb8;
	[tilespmem:$0x19780] =	vst v63  }
0x115: {  	s12 =	sadd.s32 s5, s8  }
0x116: {  	[tilespmem:s2], [sflag:$0x1] =	stream.linear.gather [hbm4b:s12+s2], $0x50, $0x38;
	[tilespmem:$0x19780] =	vst v63  }
0x117: {  	s8 =	sadd.s32 s7, s8  }
0x118: {  	[tilespmem:s25], [sflag:$0x3] =	stream.linear.gather [hbm4b:s8+s2], $0x50, $0x38;
	[tilespmem:$0x19780] =	vst v63  }
0x119: {  	_ =	swait.ge [sflag:s29], $0x50  }
0x11a: {  	[sflag:s29] =	ssyncset.done $0x0  }
0x11b: {  	[sflag:s29] =	ssyncadd.s32 $0xFFFFFFB0  }
0x11c: {  	_ =	swait.ge [sflag:s30], $0x50  }
0x11d: {  	[sflag:s30] =	ssyncset.done $0x0  }
0x11e: {  	[sflag:s30] =	ssyncadd.s32 $0xFFFFFFB0  }
0x11f: {  	_ =	swait.ge [sflag:s20], $0x2800  }
0x120: {  	[sflag:s20] =	ssyncset.done $0x0  }
0x121: {  	[sflag:s20] =	ssyncadd.s32 $0xFFFFD800  }
0x122: {  	_ =	swait.ge [sflag:s9], $0x2800  }
0x123: {  	[sflag:s9] =	ssyncset.done $0x0  }
0x124: {  	[sflag:s9] =	ssyncadd.s32 $0xFFFFD800  }
0x125: {  	v3 =	vld [tilespmem:$0x180]  }
0x126: {  	v60 =	vld [tilespmem:$0x190]  }
0x127: {  	v61 =	vld [tilespmem:$0x1A0]  }
0x128: {  	v62 =	vld [tilespmem:$0x1B0]  }
0x129: {  	v63 =	vld [tilespmem:$0x1C0]  }
0x12a: {  	[tilespmem:$0x280] =	vst v3  }
0x12b: {  	[tilespmem:$0x290] =	vst v60  }
0x12c: {  	[tilespmem:$0x2A0] =	vst v61  }
0x12d: {  	[tilespmem:$0x2B0] =	vst v62  }
0x12e: {  	[tilespmem:$0x2C0] =	vst v63  }
0x12f: {  	[spmem:s1] =	stream.indirect.scatter.add.f32 [tilespmem:s18], [sflag:$0x8], $0x80, s10, s31, $0xb8;
	[tilespmem:$0x19780] =	vst v63  }
0x130: {  	_ =	swait.ge [sflag:s11], $0x2800  }
0x131: {  	[sflag:s11] =	ssyncset.done $0x0  }
0x132: {  	s23 =	stileid.u32;
	[sflag:s11] =	ssyncadd.s32 $0xFFFFD800  }
0x133: {  	s8 =	sshll.u32 s23, $0x6;
	[bflag:$0x0] =	sbarrier.arrive $0xFFFF  }
0x134: {  	s12 =	sor.u32 $0x1C09, s8;
	s8 =	sshrl.u32 s15, $0x3;
	s14 =	rddreg [dreg:$0xa]  }
0x135: {  	[dreg:$0x11] =	wrdreg s8  }
0x136: {  	[hbm:s14], [sflag:s12] =	dma.local [spmem:s8], $0x2700  }
0x137: {  	_ =	swait.ge [sflag:s24], $0x2700;
	[dreg:$0x10] =	wrdreg s12  }
0x138: {  	s8 =	rddreg [dreg:$0x3]  }
0x139: {  	[sflag:s24] =	ssyncset.done $0x0;
	s13 =	sshrl.u32 @!p0 s8, $0x3;
	s8 =	rddreg [dreg:$0xb]  }
0x13a: {  	[sflag:s24] =	ssyncadd.s32 $0xFFFFD900;
	[dreg:$0x12] =	wrdreg s13  }
0x13b: {  	[hbm:s8], [sflag:s12] =	dma.local @!p0 [spmem:s13], $0x100  }
0x13c: {  	s8 =	simm.s32 @!p0 $0x9  }
0x13d: {  	_ =	swait.ge @!p0 [sflag:s8], $0x100  }
0x13e: {  	[sflag:s8] =	ssyncset.done @!p0 $0x0  }
0x13f: {  	[sflag:s8] =	ssyncadd.s32 @!p0 $0xFFFFFF00  }
0x140: {  	s23 =	sadd.s32 $0x0, s15;
	s13 =	simm.s32 $0x5300;
	[bflag:$0x0] =	sbarrier.arrive $0xFFFF  }
0x141: {  	[spmem:s23] =	stream.linear.scatter [tilespmem:s13], [sflag:$0x9], $0xC00, $0x38;
	[tilespmem:$0x19780] =	vst v63  }
0x142: {  	s8 =	simm.s32 $0x3000;
	_ =	swait.ge [sflag:s24], $0xC00  }
.LBB2_8:
0x143: {  	s12 =	sshra.s32 s8, $0x2;
	[sflag:s24] =	ssyncset.done $0x0;
	p1 =	sne.s32 s8, $0x4B000  }
.Ltmp3:
0x144: {  	s12 =	sadd.s32 s12, s15;
	[sflag:s24] =	ssyncadd.s32 $0xFFFFF400;
	(pc) =	sbr.rel @p1 .LBB2_8-.Ltmp3, $3  }
0x145: {  	[spmem:s12] =	stream.linear.scatter [tilespmem:s13], [sflag:$0x9], $0xC00, $0x38;
	[tilespmem:$0x19780] =	vst v63  }
0x146: {  	s8 =	sadd.s32 $0x3000, s8;
	_ =	sdelay $0x1  }
0x147: {  	_ =	swait.ge [sflag:s24], $0xC00  }
0x148: {  	[sflag:s24] =	ssyncset.done $0x0  }
0x149: {  	s8 =	simm.s32 @!p0 $0x5300;
	s12 =	rddreg [dreg:$0x3];
	[sflag:s24] =	ssyncadd.s32 $0xFFFFF400  }
0x14a: {  	[spmem:s12] =	stream.linear.scatter @!p0 [tilespmem:s8], [sflag:$0x9], $0x800, $0x38;
	[tilespmem:$0x19780] =	vst v63  }
0x14b: {  	s8 =	simm.s32 @!p0 $0x9  }
0x14c: {  	_ =	swait.ge @!p0 [sflag:s8], $0x800  }
0x14d: {  	[sflag:s8] =	ssyncset.done @!p0 $0x0  }
0x14e: {  	[sflag:s8] =	ssyncadd.s32 @!p0 $0xFFFFF800  }
0x14f: {  	[bflag:$0x0] =	sbarrier.arrive $0xFFFF  }
0x150: {  	s14 =	simm.s32 $0x0;
	s23 =	rddreg [dreg:$0x4]  }
0x151: {  	[tilespmem:s14], [sflag:$0x1] =	stream.linear.gather [hbm4b:s23+s14], $0x50, $0x38;
	[tilespmem:$0x19780] =	vst v63  }
0x152: {  	s12 =	rddreg [dreg:$0x5]  }
0x153: {  	[tilespmem:s25], [sflag:$0x3] =	stream.linear.gather [hbm4b:s12+s14], $0x50, $0x38;
	[tilespmem:$0x19780] =	vst v63  }
0x154: {  	s13 =	rddreg [dreg:$0x6]  }
0x155: {  	[tilespmem:s26], [sflag:$0x2] =	stream.linear.gather [hbm4b:s13+s14], $0x50, $0x38;
	[tilespmem:$0x19780] =	vst v63  }
0x156: {  	s23 =	rddreg [dreg:$0x7]  }
0x157: {  	[tilespmem:s28], [sflag:$0x4] =	stream.linear.gather [hbm4b:s23+s14], $0x50, $0x38;
	[tilespmem:$0x19780] =	vst v63  }
0x158: {  	_ =	swait.ge [sflag:s29], $0x50  }
0x159: {  	[sflag:s29] =	ssyncset.done $0x0  }
0x15a: {  	[sflag:s29] =	ssyncadd.s32 $0xFFFFFFB0  }
0x15b: {  	_ =	swait.ge [sflag:s30], $0x50  }
0x15c: {  	[sflag:s30] =	ssyncset.done $0x0  }
0x15d: {  	[sflag:s30] =	ssyncadd.s32 $0xFFFFFFB0  }
0x15e: {  	v3 =	vld [tilespmem:$0x0]  }
0x15f: {  	v4 =	vld [tilespmem:$0x10]  }
0x160: {  	v5 =	vld [tilespmem:$0x20]  }
0x161: {  	v6 =	vld [tilespmem:$0x30]  }
0x162: {  	v7 =	vld [tilespmem:$0x40]  }
0x163: {  	v3 =	vadd.s32 v1, v3  }
0x164: {  	[tilespmem:$0x0] =	vst v3;
	v3 =	vadd.s32 v1, v4  }
0x165: {  	[tilespmem:$0x10] =	vst v3;
	v3 =	vadd.s32 v1, v5  }
0x166: {  	[tilespmem:$0x20] =	vst v3;
	v3 =	vadd.s32 v1, v6  }
0x167: {  	[tilespmem:$0x30] =	vst v3;
	v3 =	vadd.s32 v1, v7  }
0x168: {  	[tilespmem:$0x40] =	vst v3  }
0x169: {  	[tilespmem:s0], [sflag:$0x5] =	stream.indirect.gather [hbm4b:s4+s31], $0x80, s14, s31, $0xb8;
	[tilespmem:$0x19780] =	vst v63  }
0x16a: {  	_ =	swait.ge [sflag:s3], $0x50  }
0x16b: {  	[sflag:s3] =	ssyncset.done $0x0  }
0x16c: {  	[sflag:s3] =	ssyncadd.s32 $0xFFFFFFB0  }
0x16d: {  	_ =	swait.ge [sflag:s16], $0x50  }
0x16e: {  	[sflag:s16] =	ssyncset.done $0x0  }
0x16f: {  	[sflag:s16] =	ssyncadd.s32 $0xFFFFFFB0  }
0x170: {  	v3 =	vld [tilespmem:$0x80]  }
0x171: {  	v47 =	vld [tilespmem:$0x90]  }
0x172: {  	v48 =	vld [tilespmem:$0xA0]  }
0x173: {  	v49 =	vld [tilespmem:$0xB0]  }
0x174: {  	v50 =	vld [tilespmem:$0xC0]  }
0x175: {  	v3 =	vadd.s32 v1, v3  }
0x176: {  	[tilespmem:$0x80] =	vst v3;
	v3 =	vadd.s32 v1, v47  }
0x177: {  	[tilespmem:$0x90] =	vst v3;
	v3 =	vadd.s32 v1, v48  }
0x178: {  	[tilespmem:$0xA0] =	vst v3;
	v3 =	vadd.s32 v1, v49  }
0x179: {  	[tilespmem:$0xB0] =	vst v3;
	v3 =	vadd.s32 v1, v50  }
0x17a: {  	[tilespmem:$0xC0] =	vst v3  }
0x17b: {  	_ =	swait.ge [sflag:s17], $0x2800  }
0x17c: {  	[sflag:s17] =	ssyncset.done $0x0  }
0x17d: {  	[sflag:s17] =	ssyncadd.s32 $0xFFFFD800  }
0x17e: {  	[tilespmem:s18], [sflag:$0x6] =	stream.indirect.gather [hbm4b:s4+s31], $0x80, s26, s31, $0xb8;
	[tilespmem:$0x19780] =	vst v63  }
0x17f: {  	v3 =	vld [tilespmem:$0x100]  }
0x180: {  	v51 =	vld [tilespmem:$0x110]  }
0x181: {  	v52 =	vld [tilespmem:$0x120]  }
0x182: {  	v53 =	vld [tilespmem:$0x130]  }
0x183: {  	v54 =	vld [tilespmem:$0x140]  }
0x184: {  	[tilespmem:$0x200] =	vst v3  }
0x185: {  	[tilespmem:$0x210] =	vst v51  }
0x186: {  	[tilespmem:$0x220] =	vst v52  }
0x187: {  	[tilespmem:$0x230] =	vst v53  }
0x188: {  	[tilespmem:$0x240] =	vst v54  }
0x189: {  	[spmem:s1] =	stream.indirect.scatter.add.f32 [tilespmem:s0], [sflag:$0x7], $0x80, s19, s31, $0xb8;
	[tilespmem:$0x19780] =	vst v63  }
0x18a: {  	s12 =	rddreg [dreg:$0x8]  }
0x18b: {  	[tilespmem:s14], [sflag:$0x1] =	stream.linear.gather [hbm4b:s12+s14], $0x50, $0x38;
	[tilespmem:$0x19780] =	vst v63  }
0x18c: {  	s13 =	rddreg [dreg:$0x9]  }
0x18d: {  	[tilespmem:s25], [sflag:$0x3] =	stream.linear.gather [hbm4b:s13+s14], $0x50, $0x38;
	[tilespmem:$0x19780] =	vst v63  }
0x18e: {  	_ =	swait.ge [sflag:s29], $0x50  }
0x18f: {  	[sflag:s29] =	ssyncset.done $0x0  }
0x190: {  	[sflag:s29] =	ssyncadd.s32 $0xFFFFFFB0  }
0x191: {  	_ =	swait.ge [sflag:s30], $0x50  }
0x192: {  	[sflag:s30] =	ssyncset.done $0x0  }
0x193: {  	[sflag:s30] =	ssyncadd.s32 $0xFFFFFFB0  }
0x194: {  	v3 =	vld [tilespmem:$0x40]  }
0x195: {  	v55 =	vld [tilespmem:$0x30]  }
0x196: {  	v57 =	vld [tilespmem:$0x10]  }
0x197: {  	v56 =	vld [tilespmem:$0x20]  }
0x198: {  	v58 =	vld [tilespmem:$0x0]  }
0x199: {  	v3 =	vadd.s32 v1, v3  }
0x19a: {  	v4 =	vadd.s32 v1, v55;
	[tilespmem:$0x40] =	vst v3  }
0x19b: {  	v59 =	vadd.s32 v1, v57;
	[tilespmem:$0x30] =	vst v4  }
0x19c: {  	v3 =	vadd.s32 v1, v56;
	[tilespmem:$0x10] =	vst v59  }
0x19d: {  	[tilespmem:$0x20] =	vst v3;
	v3 =	vadd.s32 v1, v58  }
0x19e: {  	[tilespmem:$0x0] =	vst v3  }
0x19f: {  	_ =	swait.ge [sflag:s20], $0x2800  }
0x1a0: {  	[sflag:s20] =	ssyncset.done $0x0  }
0x1a1: {  	[sflag:s20] =	ssyncadd.s32 $0xFFFFD800  }
0x1a2: {  	_ =	swait.ge [sflag:s9], $0x2800  }
0x1a3: {  	[sflag:s9] =	ssyncset.done $0x0  }
0x1a4: {  	[sflag:s9] =	ssyncadd.s32 $0xFFFFD800  }
0x1a5: {  	[tilespmem:s0], [sflag:$0x5] =	stream.indirect.gather [hbm4b:s4+s31], $0x80, s2, s31, $0xb8;
	[tilespmem:$0x19780] =	vst v63  }
0x1a6: {  	v3 =	vld [tilespmem:$0x180]  }
0x1a7: {  	v60 =	vld [tilespmem:$0x190]  }
0x1a8: {  	v61 =	vld [tilespmem:$0x1A0]  }
0x1a9: {  	v62 =	vld [tilespmem:$0x1B0]  }
0x1aa: {  	v63 =	vld [tilespmem:$0x1C0]  }
0x1ab: {  	[tilespmem:$0x280] =	vst v3  }
0x1ac: {  	[tilespmem:$0x290] =	vst v60  }
0x1ad: {  	[tilespmem:$0x2A0] =	vst v61  }
0x1ae: {  	[tilespmem:$0x2B0] =	vst v62  }
0x1af: {  	[tilespmem:$0x2C0] =	vst v63  }
0x1b0: {  	[spmem:s1] =	stream.indirect.scatter.add.f32 [tilespmem:s18], [sflag:$0x8], $0x80, s10, s31, $0xb8;
	[tilespmem:$0x19780] =	vst v63  }
0x1b1: {  	s23 =	sadd.s32 $0x0, s22  }
0x1b2: {  	[tilespmem:s26], [sflag:$0x2] =	stream.linear.gather [hbm4b:s23+s2], $0x50, $0x38;
	[tilespmem:$0x19780] =	vst v63  }
0x1b3: {  	s25 =	sadd.s32 $0x0, s21  }
0x1b4: {  	[tilespmem:s28], [sflag:$0x4] =	stream.linear.gather [hbm4b:s25+s2], $0x50, $0x38;
	[tilespmem:$0x19780] =	vst v63  }
0x1b5: {  	_ =	swait.ge [sflag:s3], $0x50  }
0x1b6: {  	[sflag:s3] =	ssyncset.done $0x0  }
0x1b7: {  	[sflag:s3] =	ssyncadd.s32 $0xFFFFFFB0  }
0x1b8: {  	_ =	swait.ge [sflag:s16], $0x50  }
0x1b9: {  	s8 =	simm.s32 $0x140;
	[sflag:s16] =	ssyncset.done $0x0  }
0x1ba: {  	s12 =	simm.s32 $0x14;
	s13 =	simm.s32 $0x140;
	[sflag:s16] =	ssyncadd.s32 $0xFFFFFFB0  }
.LBB2_10:
0x1bb: {  	p1 =	sne.s32 s12, $0x99C  }
0x1bc: {  	v3 =	vld [tilespmem:$0xB0];
	s13 =	sadd.s32 $0xA0, s13;
	s23 =	smov.u32 s12;
	s12 =	sadd.s32 $0x14, s12  }
0x1bd: {  	v4 =	vld [tilespmem:$0xA0]  }
0x1be: {  	v5 =	vld [tilespmem:$0x90]  }
0x1bf: {  	v6 =	vld [tilespmem:$0xC0]  }
0x1c0: {  	v7 =	vld [tilespmem:$0x80]  }
0x1c1: {  	v3 =	vadd.s32 v1, v3  }
0x1c2: {  	v4 =	vadd.s32 v1, v4;
	[tilespmem:$0xB0] =	vst v3  }
0x1c3: {  	v3 =	vadd.s32 v1, v5;
	[tilespmem:$0xA0] =	vst v4  }
0x1c4: {  	[tilespmem:$0x90] =	vst v3;
	v3 =	vadd.s32 v1, v6  }
0x1c5: {  	v4 =	vadd.s32 v1, v7;
	[tilespmem:$0xC0] =	vst v3  }
0x1c6: {  	[tilespmem:$0x80] =	vst v4  }
0x1c7: {  	_ =	swait.ge [sflag:s17], $0x2800  }
0x1c8: {  	[sflag:s17] =	ssyncset.done $0x0  }
0x1c9: {  	[sflag:s17] =	ssyncadd.s32 $0xFFFFD800  }
0x1ca: {  	_ =	swait.ge [sflag:s11], $0x2800  }
0x1cb: {  	[sflag:s11] =	ssyncset.done $0x0  }
0x1cc: {  	[sflag:s11] =	ssyncadd.s32 $0xFFFFD800  }
0x1cd: {  	[tilespmem:s18], [sflag:$0x6] =	stream.indirect.gather [hbm4b:s4+s31], $0x80, s26, s31, $0xb8;
	[tilespmem:$0x19780] =	vst v63  }
0x1ce: {  	v3 =	vld [tilespmem:$0x110]  }
0x1cf: {  	v4 =	vld [tilespmem:$0x120]  }
0x1d0: {  	p2 =	seq.s32 s14, $0x99C;
	s14 =	smov.u32 s23;
	s23 =	smov.u32 s8;
	v5 =	vld [tilespmem:$0x140]  }
0x1d1: {  	s8 =	smov.u32 s13;
	s23 =	simm.s32 @p2 $0x0;
	v6 =	vld [tilespmem:$0x100]  }
0x1d2: {  	s23 =	sadd.s32 s6, s23;
	v7 =	vld [tilespmem:$0x130]  }
0x1d3: {  	[tilespmem:$0x210] =	vst v3  }
0x1d4: {  	s23 =	sshrl.u32 s23, $0x3;
	[tilespmem:$0x220] =	vst v4  }
0x1d5: {  	s25 =	sadd.s32 s5, s23;
	[tilespmem:$0x240] =	vst v5  }
0x1d6: {  	[tilespmem:$0x200] =	vst v6  }
0x1d7: {  	s23 =	sadd.s32 s7, s23;
	[tilespmem:$0x230] =	vst v7  }
0x1d8: {  	[spmem:s1] =	stream.indirect.scatter.add.f32 [tilespmem:s0], [sflag:$0x7], $0x80, s19, s31, $0xb8;
	[tilespmem:$0x19780] =	vst v63  }
0x1d9: {  	_ = 	snop  }
0x1da: {  	[tilespmem:s2], [sflag:$0x1] =	stream.linear.gather [hbm4b:s25+s2], $0x50, $0x38;
	[tilespmem:$0x19780] =	vst v63  }
0x1db: {  	s25 =	simm.s32 $0x100;
	_ =	sdelay $0x1  }
0x1dc: {  	[tilespmem:s25], [sflag:$0x3] =	stream.linear.gather [hbm4b:s23+s2], $0x50, $0x38;
	[tilespmem:$0x19780] =	vst v63  }
0x1dd: {  	_ = 	snop  }
0x1de: {  	_ =	swait.ge [sflag:s29], $0x50  }
0x1df: {  	[sflag:s29] =	ssyncset.done $0x0  }
0x1e0: {  	[sflag:s29] =	ssyncadd.s32 $0xFFFFFFB0  }
0x1e1: {  	_ =	swait.ge [sflag:s30], $0x50  }
0x1e2: {  	[sflag:s30] =	ssyncset.done $0x0  }
0x1e3: {  	[sflag:s30] =	ssyncadd.s32 $0xFFFFFFB0  }
0x1e4: {  	v3 =	vld [tilespmem:$0x40]  }
0x1e5: {  	v4 =	vld [tilespmem:$0x30]  }
0x1e6: {  	v5 =	vld [tilespmem:$0x20]  }
0x1e7: {  	v6 =	vld [tilespmem:$0x10]  }
0x1e8: {  	v7 =	vld [tilespmem:$0x0]  }
0x1e9: {  	v3 =	vadd.s32 v1, v3  }
0x1ea: {  	v4 =	vadd.s32 v1, v4;
	[tilespmem:$0x40] =	vst v3  }
0x1eb: {  	v3 =	vadd.s32 v1, v5;
	[tilespmem:$0x30] =	vst v4  }
0x1ec: {  	v4 =	vadd.s32 v1, v6;
	[tilespmem:$0x20] =	vst v3  }
0x1ed: {  	v3 =	vadd.s32 v1, v7;
	[tilespmem:$0x10] =	vst v4  }
0x1ee: {  	[tilespmem:$0x0] =	vst v3  }
0x1ef: {  	_ =	swait.ge [sflag:s20], $0x2800  }
0x1f0: {  	[sflag:s20] =	ssyncset.done $0x0  }
0x1f1: {  	[sflag:s20] =	ssyncadd.s32 $0xFFFFD800  }
0x1f2: {  	_ =	swait.ge [sflag:s9], $0x2800  }
0x1f3: {  	[sflag:s9] =	ssyncset.done $0x0  }
0x1f4: {  	[sflag:s9] =	ssyncadd.s32 $0xFFFFD800  }
0x1f5: {  	[tilespmem:s0], [sflag:$0x5] =	stream.indirect.gather [hbm4b:s4+s31], $0x80, s2, s31, $0xb8;
	[tilespmem:$0x19780] =	vst v63  }
0x1f6: {  	v3 =	vld [tilespmem:$0x180]  }
0x1f7: {  	v4 =	vld [tilespmem:$0x190]  }
0x1f8: {  	v5 =	vld [tilespmem:$0x1A0]  }
0x1f9: {  	v6 =	vld [tilespmem:$0x1B0]  }
0x1fa: {  	v7 =	vld [tilespmem:$0x1C0]  }
0x1fb: {  	s23 =	sadd.s32 s14, s22;
	[tilespmem:$0x280] =	vst v3  }
0x1fc: {  	[tilespmem:$0x290] =	vst v4  }
0x1fd: {  	[tilespmem:$0x2A0] =	vst v5  }
0x1fe: {  	[tilespmem:$0x2B0] =	vst v6  }
0x1ff: {  	[tilespmem:$0x2C0] =	vst v7  }
0x200: {  	[spmem:s1] =	stream.indirect.scatter.add.f32 [tilespmem:s18], [sflag:$0x8], $0x80, s10, s31, $0xb8;
	[tilespmem:$0x19780] =	vst v63  }
0x201: {  	_ = 	snop  }
0x202: {  	[tilespmem:s26], [sflag:$0x2] =	stream.linear.gather [hbm4b:s23+s2], $0x50, $0x38;
	[tilespmem:$0x19780] =	vst v63  }
0x203: {  	s23 =	sadd.s32 s14, s21  }
0x204: {  	[tilespmem:s28], [sflag:$0x4] =	stream.linear.gather [hbm4b:s23+s2], $0x50, $0x38;
	[tilespmem:$0x19780] =	vst v63  }
0x205: {  	_ =	swait.ge [sflag:s3], $0x50  }
.Ltmp4:
0x206: {  	[sflag:s3] =	ssyncset.done $0x0;
	(pc) =	sbr.rel @p1 .LBB2_10-.Ltmp4, $4  }
0x207: {  	[sflag:s3] =	ssyncadd.s32 $0xFFFFFFB0  }
0x208: {  	_ =	swait.ge [sflag:s16], $0x50  }
0x209: {  	[sflag:s16] =	ssyncset.done $0x0  }
0x20a: {  	[sflag:s16] =	ssyncadd.s32 $0xFFFFFFB0  }
0x20b: {  	v3 =	vld [tilespmem:$0xB0]  }
0x20c: {  	v4 =	vld [tilespmem:$0xA0]  }
0x20d: {  	v7 =	vld [tilespmem:$0x80]  }
0x20e: {  	v5 =	vld [tilespmem:$0x90]  }
0x20f: {  	v6 =	vld [tilespmem:$0xC0]  }
0x210: {  	v3 =	vadd.s32 v1, v3  }
0x211: {  	v4 =	vadd.s32 v1, v4;
	[tilespmem:$0xB0] =	vst v3  }
0x212: {  	v55 =	vadd.s32 v1, v7;
	[tilespmem:$0xA0] =	vst v4  }
0x213: {  	v3 =	vadd.s32 v1, v5;
	[tilespmem:$0x80] =	vst v55  }
0x214: {  	[tilespmem:$0x90] =	vst v3;
	v3 =	vadd.s32 v1, v6  }
0x215: {  	[tilespmem:$0xC0] =	vst v3  }
0x216: {  	_ =	swait.ge [sflag:s17], $0x2800  }
0x217: {  	[sflag:s17] =	ssyncset.done $0x0  }
0x218: {  	[sflag:s17] =	ssyncadd.s32 $0xFFFFD800  }
0x219: {  	_ =	swait.ge [sflag:s11], $0x2800  }
0x21a: {  	[sflag:s11] =	ssyncset.done $0x0  }
0x21b: {  	[sflag:s11] =	ssyncadd.s32 $0xFFFFD800  }
0x21c: {  	[tilespmem:s18], [sflag:$0x6] =	stream.indirect.gather [hbm4b:s4+s31], $0x80, s26, s31, $0xb8;
	[tilespmem:$0x19780] =	vst v63  }
0x21d: {  	v3 =	vld [tilespmem:$0x110]  }
0x21e: {  	v56 =	vld [tilespmem:$0x120]  }
0x21f: {  	v57 =	vld [tilespmem:$0x140]  }
0x220: {  	v58 =	vld [tilespmem:$0x100]  }
0x221: {  	v59 =	vld [tilespmem:$0x130]  }
0x222: {  	[tilespmem:$0x210] =	vst v3  }
0x223: {  	p1 =	seq.s32 s14, $0x99C;
	[tilespmem:$0x220] =	vst v56  }
0x224: {  	s8 =	simm.s32 @p1 $0x0;
	[tilespmem:$0x240] =	vst v57  }
0x225: {  	s8 =	sadd.s32 s6, s8;
	[tilespmem:$0x200] =	vst v58  }
0x226: {  	s8 =	sshrl.u32 s8, $0x3;
	[tilespmem:$0x230] =	vst v59  }
0x227: {  	[spmem:s1] =	stream.indirect.scatter.add.f32 [tilespmem:s0], [sflag:$0x7], $0x80, s19, s31, $0xb8;
	[tilespmem:$0x19780] =	vst v63  }
0x228: {  	s12 =	sadd.s32 s5, s8  }
0x229: {  	[tilespmem:s2], [sflag:$0x1] =	stream.linear.gather [hbm4b:s12+s2], $0x50, $0x38;
	[tilespmem:$0x19780] =	vst v63  }
0x22a: {  	s8 =	sadd.s32 s7, s8  }
0x22b: {  	[tilespmem:s25], [sflag:$0x3] =	stream.linear.gather [hbm4b:s8+s2], $0x50, $0x38;
	[tilespmem:$0x19780] =	vst v63  }
0x22c: {  	_ =	swait.ge [sflag:s29], $0x50  }
0x22d: {  	[sflag:s29] =	ssyncset.done $0x0  }
0x22e: {  	[sflag:s29] =	ssyncadd.s32 $0xFFFFFFB0  }
0x22f: {  	_ =	swait.ge [sflag:s30], $0x50  }
0x230: {  	[sflag:s30] =	ssyncset.done $0x0  }
0x231: {  	[sflag:s30] =	ssyncadd.s32 $0xFFFFFFB0  }
0x232: {  	_ =	swait.ge [sflag:s20], $0x2800  }
0x233: {  	[sflag:s20] =	ssyncset.done $0x0  }
0x234: {  	[sflag:s20] =	ssyncadd.s32 $0xFFFFD800  }
0x235: {  	_ =	swait.ge [sflag:s9], $0x2800  }
0x236: {  	[sflag:s9] =	ssyncset.done $0x0  }
0x237: {  	[sflag:s9] =	ssyncadd.s32 $0xFFFFD800  }
0x238: {  	v3 =	vld [tilespmem:$0x180]  }
0x239: {  	v60 =	vld [tilespmem:$0x190]  }
0x23a: {  	v61 =	vld [tilespmem:$0x1A0]  }
0x23b: {  	v62 =	vld [tilespmem:$0x1B0]  }
0x23c: {  	v63 =	vld [tilespmem:$0x1C0]  }
0x23d: {  	[tilespmem:$0x280] =	vst v3  }
0x23e: {  	[tilespmem:$0x290] =	vst v60  }
0x23f: {  	[tilespmem:$0x2A0] =	vst v61  }
0x240: {  	[tilespmem:$0x2B0] =	vst v62  }
0x241: {  	[tilespmem:$0x2C0] =	vst v63  }
0x242: {  	[spmem:s1] =	stream.indirect.scatter.add.f32 [tilespmem:s18], [sflag:$0x8], $0x80, s10, s31, $0xb8;
	[tilespmem:$0x19780] =	vst v63  }
0x243: {  	_ =	swait.ge [sflag:s11], $0x2800  }
0x244: {  	[sflag:s11] =	ssyncset.done $0x0  }
0x245: {  	[sflag:s11] =	ssyncadd.s32 $0xFFFFD800  }
0x246: {  	[bflag:$0x0] =	sbarrier.arrive $0xFFFF  }
0x247: {  	s23 =	rddreg [dreg:$0xc]  }
0x248: {  	s12 =	rddreg [dreg:$0x10]  }
0x249: {  	s13 =	rddreg [dreg:$0x11]  }
0x24a: {  	[hbm:s23], [sflag:s12] =	dma.local [spmem:s13], $0x2700  }
0x24b: {  	_ =	swait.ge [sflag:s24], $0x2700  }
0x24c: {  	[sflag:s24] =	ssyncset.done $0x0;
	s8 =	rddreg [dreg:$0xd]  }
0x24d: {  	s13 =	rddreg [dreg:$0x12];
	[sflag:s24] =	ssyncadd.s32 $0xFFFFD900  }
0x24e: {  	[hbm:s8], [sflag:s12] =	dma.local @!p0 [spmem:s13], $0x100  }
0x24f: {  	s8 =	simm.s32 @!p0 $0x9  }
0x250: {  	_ =	swait.ge @!p0 [sflag:s8], $0x100  }
0x251: {  	s13 =	rddreg [dreg:$0xf]  }
0x252: {  	s23 =	rddreg [dreg:$0xe];
	s14 =	sadd.s32 $0x1, s13  }
0x253: {  	p1 =	sne.s32 s14, s23  }
.Ltmp5:
0x254: {  	_ = 	snop;
	(pc) =	sbr.rel @p1 .LBB2_1-.Ltmp5, $3  }
0x255: {  	_ =	sdelay $0x1  }
0x256: {  	[sflag:s8] =	ssyncset.done @!p0 $0x0  }
0x257: {  	[sflag:s8] =	ssyncadd.s32 @!p0 $0xFFFFFF00;
	s13 =	simm.s32 $0x5300  }
0x258: {  	_ =	sfence.sel $0x180000  }
0x259: {  	[bflag:$0x0] =	sbarrier.arrive $0xFFFF  }
0x25a: {  	_ =	strace $0x9000004A  }
0x25b: {  	s0 =	stileid.u32;
	[bflag:$0x2] =	sbarrier.arrive $0xFFFF  }
0x25c: {  	p0 =	sne.s32 s0, $0x0;
	s0 =	rddreg [dreg:$0x2]  }
0x25d: {  	s0 =	sadd.s32 @!p0 $0x100000, s0  }
0x25e: {  	[sflag:s0] =	ssyncadd.tile.s32 @!p0 $0x1;
	_ =	shalt  }
.Lfunc_end2:
_tile_overlayer_lowered:
.L_overlay_start_2:
0x25f: {  	(tag) =	ssettag $0x2  }
0x260: {  	s0 =	rddreg [dreg:$0x0];
	s2 =	stileid.u32  }
0x261: {  	s1 =	rddreg [dreg:$0x1];
	p0 =	sne.s32 s2, $0x0  }
0x262: {  	s3 =	rddreg [dreg:$0x2];
	[bflag:$0x3] =	sbarrier.arrive $0xFFFF;
	s2 =	simm.s32 @!p0 $0x1C09  }
0x263: {  	[timem:s3], [sflag:s2] =	dma.local @!p0 [hbm:s0], s1  }
0x264: {  	s0 =	simm.s32 @!p0 $0x9  }
0x265: {  	_ =	swait.ge @!p0 [sflag:s0], s1  }
0x266: {  	s1 =	ssub.s32 @!p0 $0x0, s1;
	[sflag:s0] =	ssyncset.done @!p0 $0x0  }
0x267: {  	[sflag:s0] =	ssyncadd.s32 @!p0 s1  }
0x268: {  	[bflag:$0x3] =	sbarrier.arrive $0xFFFF  }
0x269: {  	_ =	shalt  }

</sc_bundles>
